<compile_context>
chip_gen: v7x
topology: tpu7x:2x2x1
jax: 0.10.2.dev20260603
libtpu: 0.0.44.dev20260713+nightly
codegen_flags: <defaults>
</compile_context>

<pallas_src>
import functools
import math

import jax
import jax.numpy as jnp
from jax import lax
from jax.experimental import pallas as pl
from jax.experimental.pallas import tpu as pltpu
from jax.experimental.pallas import tpu_sc as plsc

_EPS = 1e-5
_LANES = 16
_K = 56
_NBUF = 6
_G0 = 42
_G1 = 18


def _sc_aggregate(h, src, dst, pad_row):
    n, d_in = h.shape
    nw, ngroup, nbuf, k = src.shape
    info = plsc.get_sparse_core_info()
    nc, ns = info.num_cores, info.num_subcores
    assert nw == nc * ns and k % 8 == 0 and k <= 128 and nbuf == _NBUF
    assert ngroup == max(_G0, _G1) and _G0 % 3 == 0 and _G1 % 3 == 0
    rows_per_tile = -(-max(n, pad_row + 1) // (ns * 8)) * 8
    n_pad = rows_per_tile * ns
    assert pad_row < n_pad

    mesh = plsc.VectorSubcoreMesh(core_axis_name="c", subcore_axis_name="s")
    out_t = jax.ShapeDtypeStruct((n_pad, d_in), jnp.float32)

    @functools.partial(
        pl.kernel,
        mesh=mesh,
        out_type=[out_t, out_t],
        scratch_types=[
            [pltpu.VMEM((nbuf, k), jnp.int32) for _ in range(6)],
            [pltpu.VMEM((k, d_in), jnp.float32) for _ in range(nbuf)],
            pltpu.VMEM_SHARED((n_pad, d_in), jnp.float32),
            [pltpu.SemaphoreType.DMA for _ in range(3)],
            [pltpu.SemaphoreType.DMA for _ in range(nbuf)],
            pltpu.SemaphoreType.DMA,
        ],
    )
    def sc_kernel(h_hbm, src_hbm, dst_hbm, out0, out1,
                  idx_v, rows_v, acc_sh, sem_i, sem_g, sem_s):
        cid = lax.axis_index("c")
        sid = lax.axis_index("s")
        wid = sid * nc + cid
        src_a, dst_a, src_b, dst_b, src_c, dst_c = idx_v

        zvec = jnp.zeros((_LANES,), jnp.float32)
        segs = d_in // _LANES

        def zero_body(i, carry):
            rows_v[0][i // segs, pl.ds((i % segs) * _LANES, _LANES)] = zvec
            return carry

        lax.fori_loop(0, k * segs, zero_body, 0)
        row0 = sid * rows_per_tile
        r = 0
        while r < rows_per_tile:
            step = min(k, rows_per_tile - r)
            pltpu.sync_copy(rows_v[0].at[pl.ds(0, step)],
                            acc_sh.at[pl.ds(row0 + r, step)])
            r += step
        plsc.subcore_barrier()

        def fetch_idx(g, sbuf, dbuf, sem):
            return (pltpu.async_copy(src_hbm.at[wid, g], sbuf, sem),
                    pltpu.async_copy(dst_hbm.at[wid, g], dbuf, sem))

        def run_group(sbuf, dbuf, prev_sd):
            gd = []
            for b in range(nbuf):
                if prev_sd is not None:
                    prev_sd[b].wait()
                gd.append(pltpu.async_copy(
                    h_hbm.at[sbuf.at[b]], rows_v[b], sem_g[b]))
            sd = []
            for b in range(nbuf):
                gd[b].wait()
                sd.append(pltpu.async_copy(
                    rows_v[b], acc_sh.at[dbuf.at[b]], sem_s, add=True))
            return sd

        def tri_body(i, carry):
            g0 = i * 3
            fa = fetch_idx(g0, src_a, dst_a, sem_i[0])
            fa[0].wait()
            fa[1].wait()
            fb = fetch_idx(g0 + 1, src_b, dst_b, sem_i[1])
            sd_a = run_group(src_a, dst_a, None)
            fb[0].wait()
            fb[1].wait()
            fc = fetch_idx(g0 + 2, src_c, dst_c, sem_i[2])
            sd_b = run_group(src_b, dst_b, sd_a)
            fc[0].wait()
            fc[1].wait()
            sd_c = run_group(src_c, dst_c, sd_b)
            for b in range(nbuf):
                sd_c[b].wait()
            return carry

        @pl.when(cid == 0)
        def _():
            lax.fori_loop(0, _G0 // 3, tri_body, 0)

        @pl.when(cid == 1)
        def _():
            lax.fori_loop(0, _G1 // 3, tri_body, 0)

        plsc.subcore_barrier()

        rows = pl.ds(row0, rows_per_tile)

        @pl.when(cid == 0)
        def _():
            pltpu.sync_copy(acc_sh.at[rows], out0.at[rows])

        @pl.when(cid == 1)
        def _():
            pltpu.sync_copy(acc_sh.at[rows], out1.at[rows])

    return sc_kernel(h, src, dst)


def _tc_fuse(agg0, agg1, h, wfull, scale, shift):
    n, d_in = h.shape
    d_out = wfull.shape[1]
    br = 1000
    assert n % br == 0

    def body(a0_ref, a1_ref, h_ref, w_ref, sc_ref, sh_ref, o_ref):
        agg = a0_ref[...] + a1_ref[...]
        z = jnp.dot(agg, w_ref[...], preferred_element_type=jnp.float32,
                    precision=lax.Precision.HIGHEST)
        zb = z * sc_ref[...] + sh_ref[...]
        act = jnp.where(zb > 0.0, zb, jnp.exp(jnp.minimum(zb, 0.0)) - 1.0)
        o_ref[...] = h_ref[...] + act

    row_spec = pl.BlockSpec((br, d_in), lambda i: (i, 0))
    return pl.pallas_call(
        body,
        grid=(n // br,),
        in_specs=[
            row_spec,
            row_spec,
            row_spec,
            pl.BlockSpec((d_in, d_out), lambda i: (0, 0)),
            pl.BlockSpec((1, d_out), lambda i: (0, 0)),
            pl.BlockSpec((1, d_out), lambda i: (0, 0)),
        ],
        out_specs=pl.BlockSpec((br, d_out), lambda i: (i, 0)),
        out_shape=jax.ShapeDtypeStruct((n, d_out), jnp.float32),
    )(agg0, agg1, h, wfull, scale, shift)


def kernel(h, edge_index, e, W, gamma, beta):
    n, d_in = h.shape
    heads, d_out, _ = W.shape
    n_edges = edge_index.shape[1]

    nw, ns = 32, 16
    gsz = _K * _NBUF
    gmax = max(_G0, _G1)
    cap = ns * (_G0 + _G1) * gsz
    assert cap >= n_edges
    pad_row = n
    if cap > n_edges:
        pad = jnp.concatenate(
            [jnp.zeros((1, cap - n_edges), jnp.int32),
             jnp.full((1, cap - n_edges), pad_row, jnp.int32)])
        ei = jnp.concatenate([edge_index, pad], axis=1)
    else:
        ei = edge_index
    pad_grp = jnp.concatenate(
        [jnp.zeros((1, 1, gsz), jnp.int32),
         jnp.full((1, 1, gsz), pad_row, jnp.int32)])
    blocks, off = [], 0
    for w in range(nw):
        g_w = _G1 if (w % 2) else _G0
        cnt = g_w * gsz
        blk = ei[:, off:off + cnt].reshape(2, g_w, gsz)
        off += cnt
        if g_w < gmax:
            blk = jnp.concatenate(
                [blk, jnp.broadcast_to(pad_grp, (2, gmax - g_w, gsz))],
                axis=1)
        blocks.append(blk)
    eib = jnp.stack(blocks)
    ngroup = gmax
    src = eib[:, 0].reshape(nw, ngroup, _NBUF, _K)
    dst = eib[:, 1].reshape(nw, ngroup, _NBUF, _K)

    wfull = jnp.transpose(W, (2, 0, 1)).reshape(d_in, heads * d_out)
    inv_std = 1.0 / math.sqrt(1.0 + _EPS)
    scale = (gamma * inv_std).reshape(1, heads * d_out)
    shift = beta.reshape(1, heads * d_out)
    agg0, agg1 = _sc_aggregate(h, src, dst, pad_row)
    h_out = _tc_fuse(agg0, agg1, h, wfull, scale, shift)
    return (h_out, e)

# --- scband reference (transcript-rebuilt; emitter-appended) ---
"""Pipeline reference for scband-custom-gatlayer-isotropic-25632364822810 (READ-ONLY COPY).

The authoritative reference and input builder live on the scoring server;
editing this copy changes nothing except your own understanding.
"""

import jax, jax.numpy as jnp
import numpy as np

N = 10000
E = 320000
IN_DIM = 128
OUT_DIM = 32
HEADS = 4
EPS = 1e-5


def setup_inputs(seed: int = 0) -> dict:
    key = jax.random.key(seed)
    k1, k2, k3, k4 = jax.random.split(key, 4)
    h = jax.random.normal(k1, (N, IN_DIM), dtype=jnp.float32)
    edge_index = jax.random.randint(k2, (2, E), 0, N, dtype=jnp.int32)
    e = jax.random.normal(k3, (E, 4), dtype=jnp.float32)
    # per-head Linear weights (bias=False): fc.weight has shape [out_dim, in_dim]
    W = jax.random.normal(k4, (HEADS, OUT_DIM, IN_DIM), dtype=jnp.float32) * 0.05
    # BatchNorm1d affine params per head (eval mode: running_mean=0, running_var=1)
    gamma = jnp.ones((HEADS, OUT_DIM), dtype=jnp.float32)
    beta = jnp.zeros((HEADS, OUT_DIM), dtype=jnp.float32)
    return {"h": h, "edge_index": edge_index, "e": e, "W": W, "gamma": gamma, "beta": beta}


def reference(h, edge_index, e, W, gamma, beta):
    src = edge_index[0]
    dst = edge_index[1]
    head_outs = []
    for i in range(HEADS):
        # fc: z = h @ W_i^T
        z = h @ W[i].T
        # message passing: copy src feature, sum-reduce at dst
        msg = jnp.take(z, src, axis=0)
        agg = jax.ops.segment_sum(msg, dst, num_segments=N)
        # BatchNorm1d in eval mode: running_mean=0, running_var=1
        hb = (agg - 0.0) / jnp.sqrt(1.0 + EPS) * gamma[i] + beta[i]
        # ELU; dropout=0.0 (identity)
        ho = jax.nn.elu(hb)
        head_outs.append(ho)
    h_cat = jnp.concatenate(head_outs, axis=1)
    # residual (in_dim == out_dim * num_heads)
    h_out = h + h_cat
    return (h_out, e)

if __name__ == "__main__":
    import jax
    _d = setup_inputs()
    print(jax.jit(kernel)(*tuple(_d.values())))

</pallas_src>

<mosaic_0001>
#map = affine_map<(d0, d1) -> (0, 0)>
#map1 = affine_map<(d0, d1) -> (0, 0, 0, 0)>
module attributes {stable_mosaic.version = 14 : i64} {
  func.func @sc_kernel(%arg0: i32, %arg1: i32, %arg2: memref<10000x128xf32, #tpu.memory_space<hbm>>, %arg3: memref<32x42x6x56xi32, #tpu.memory_space<hbm>>, %arg4: memref<32x42x6x56xi32, #tpu.memory_space<hbm>>, %arg5: memref<10112x128xf32, #tpu.memory_space<hbm>>, %arg6: memref<10112x128xf32, #tpu.memory_space<hbm>>, %arg7: memref<6x56xi32, #tpu.memory_space<vmem>>, %arg8: memref<6x56xi32, #tpu.memory_space<vmem>>, %arg9: memref<6x56xi32, #tpu.memory_space<vmem>>, %arg10: memref<6x56xi32, #tpu.memory_space<vmem>>, %arg11: memref<6x56xi32, #tpu.memory_space<vmem>>, %arg12: memref<6x56xi32, #tpu.memory_space<vmem>>, %arg13: memref<56x128xf32, #tpu.memory_space<vmem>>, %arg14: memref<56x128xf32, #tpu.memory_space<vmem>>, %arg15: memref<56x128xf32, #tpu.memory_space<vmem>>, %arg16: memref<56x128xf32, #tpu.memory_space<vmem>>, %arg17: memref<56x128xf32, #tpu.memory_space<vmem>>, %arg18: memref<56x128xf32, #tpu.memory_space<vmem>>, %arg19: memref<10112x128xf32, #tpu.memory_space<vmem_shared>>, %arg20: memref<!tpu.dma_semaphore, #tpu.memory_space<semaphore_mem>>, %arg21: memref<!tpu.dma_semaphore, #tpu.memory_space<semaphore_mem>>, %arg22: memref<!tpu.dma_semaphore, #tpu.memory_space<semaphore_mem>>, %arg23: memref<!tpu.dma_semaphore, #tpu.memory_space<semaphore_mem>>, %arg24: memref<!tpu.dma_semaphore, #tpu.memory_space<semaphore_mem>>, %arg25: memref<!tpu.dma_semaphore, #tpu.memory_space<semaphore_mem>>, %arg26: memref<!tpu.dma_semaphore, #tpu.memory_space<semaphore_mem>>, %arg27: memref<!tpu.dma_semaphore, #tpu.memory_space<semaphore_mem>>, %arg28: memref<!tpu.dma_semaphore, #tpu.memory_space<semaphore_mem>>, %arg29: memref<!tpu.dma_semaphore, #tpu.memory_space<semaphore_mem>>) attributes {dimension_semantics = [#tpu.dimension_semantics<core_parallel>, #tpu.dimension_semantics<subcore_parallel>], iteration_bounds = array<i64: 2, 16>, scalar_prefetch = 0 : i64, scratch_operands = 23 : i64, tpu.core_type = #tpu.core_type<sc_vector_subcore>, window_params = [{transform_indices = #map}, {transform_indices = #map1}, {transform_indices = #map1}, {transform_indices = #map}, {transform_indices = #map}]} {
    %mul3A = arith.constant 2 : i32
    %mul3A_0 = arith.muli %arg1, %mul3A : i32
    %add3A = arith.addi %mul3A_0, %arg0 : i32
    %broadcast_in_dim3A = arith.constant 0.000000e+00 : f32
    %broadcast_in_dim3A_1 = vector.broadcast %broadcast_in_dim3A : f32 to vector<16xf32>
    %scan3A = arith.constant 0 : i32
    %scan3A_2 = arith.constant 0 : i32
    %scan3A_3 = arith.constant 448 : i32
    %scan3A_4 = arith.addi %scan3A_2, %scan3A_3 : i32
    %scan3A_5 = arith.constant 1 : i32
    scf.for %scan3A_51 = %scan3A_2 to %scan3A_4 step %scan3A_5  : i32 {
      %jit3A = arith.constant 8 : i32
      %div3A = arith.divsi %scan3A_51, %jit3A : i32
      %sign3A = arith.constant 0 : i32
      %sign3A_52 = arith.cmpi sgt, %scan3A_51, %sign3A : i32
      %sign3A_53 = arith.extui %sign3A_52 : i1 to i32
      %sign3A_54 = arith.constant 0 : i32
      %sign3A_55 = arith.cmpi slt, %scan3A_51, %sign3A_54 : i32
      %sign3A_56 = arith.extui %sign3A_55 : i1 to i32
      %sign3A_57 = arith.subi %sign3A_53, %sign3A_56 : i32
      %sign3A_58 = arith.constant 0 : i32
      %sign3A_59 = arith.cmpi sgt, %jit3A, %sign3A_58 : i32
      %sign3A_60 = arith.extui %sign3A_59 : i1 to i32
      %sign3A_61 = arith.constant 0 : i32
      %sign3A_62 = arith.cmpi slt, %jit3A, %sign3A_61 : i32
      %sign3A_63 = arith.extui %sign3A_62 : i1 to i32
      %sign3A_64 = arith.subi %sign3A_60, %sign3A_63 : i32
      %ne3A = arith.cmpi ne, %sign3A_57, %sign3A_64 : i32
      %rem3A = arith.remsi %scan3A_51, %jit3A : i32
      %ne3A_65 = arith.constant 0 : i32
      %ne3A_66 = arith.cmpi ne, %rem3A, %ne3A_65 : i32
      %and3A = arith.andi %ne3A, %ne3A_66 : i1
      %sub3A = arith.constant 1 : i32
      %sub3A_67 = arith.subi %div3A, %sub3A : i32
      %select_n3A = arith.select %and3A, %sub3A_67, %div3A : i32
      %jit3A_68 = arith.constant 8 : i32
      %eq3A_69 = arith.constant 0 : i32
      %eq3A_70 = arith.cmpi eq, %jit3A_68, %eq3A_69 : i32
      %jit3A_71 = arith.constant 1 : i32
      %select_n3A_72 = arith.select %eq3A_70, %jit3A_71, %jit3A_68 : i32
      %rem3A_73 = arith.remsi %scan3A_51, %select_n3A_72 : i32
      %ne3A_74 = arith.constant 0 : i32
      %ne3A_75 = arith.cmpi ne, %rem3A_73, %ne3A_74 : i32
      %lt3A = arith.constant 0 : i32
      %lt3A_76 = arith.cmpi slt, %rem3A_73, %lt3A : i32
      %lt3A_77 = arith.constant 0 : i32
      %lt3A_78 = arith.cmpi slt, %select_n3A_72, %lt3A_77 : i32
      %ne3A_79 = arith.xori %lt3A_76, %lt3A_78 : i1
      %and3A_80 = arith.andi %ne3A_79, %ne3A_75 : i1
      %add3A_81 = arith.addi %rem3A_73, %select_n3A_72 : i32
      %select_n3A_82 = arith.select %and3A_80, %add3A_81, %rem3A_73 : i32
      %mul3A_83 = arith.constant 16 : i32
      %mul3A_84 = arith.muli %select_n3A_82, %mul3A_83 : i32
      %swap3A = arith.index_cast %select_n3A : i32 to index
      %swap3A_85 = arith.index_cast %mul3A_84 : i32 to index
      %swap3A_86 = tpu.vector_load %arg13[%swap3A, %swap3A_85] {strides = array<i32>} : memref<56x128xf32, #tpu.memory_space<vmem>>, vector<1x16xf32>,
      %swap3A_87 = vector.shape_cast %swap3A_86 : vector<1x16xf32> to vector<16xf32>
      %swap3A_88 = vector.shape_cast %broadcast_in_dim3A_1 : vector<16xf32> to vector<1x16xf32>
      tpu.vector_store %arg13[%swap3A, %swap3A_85], %swap3A_88 {strides = array<i32>} : memref<56x128xf32, #tpu.memory_space<vmem>>, vector<1x16xf32>,
    }
    %scan3A_6 = arith.constant 448 : i32
    %mul3A_7 = arith.constant 632 : i32
    %mul3A_8 = arith.muli %arg1, %mul3A_7 : i32
    %add3A_9 = arith.constant 0 : i32
    %add3A_10 = arith.addi %mul3A_8, %add3A_9 : i32
    "tpu.region"() ({
      %run_scoped3A = tpu.sem_alloc : memref<!tpu.dma_semaphore, #tpu.memory_space<semaphore_mem>>
      %dma_start3A = arith.constant 0 : i32
      %dma_start3A_51 = arith.constant 0 : i32
      %dma_start3A_52 = tpu.memref_slice %arg13[%dma_start3A, %dma_start3A_51] : memref<56x128xf32, #tpu.memory_space<vmem>> -> memref<56x128xf32, #tpu.memory_space<vmem>>
      %dma_start3A_53 = arith.constant 0 : i32
      %dma_start3A_54 = tpu.memref_slice %arg19[%add3A_10, %dma_start3A_53] : memref<10112x128xf32, #tpu.memory_space<vmem_shared>> -> memref<56x128xf32, #tpu.memory_space<vmem_shared>>
      %dma_start3A_55 = arith.constant 0 : i32
      %dma_start3A_56 = tpu.memref_slice %arg19[%add3A_10, %dma_start3A_55] : memref<10112x128xf32, #tpu.memory_space<vmem_shared>> -> memref<56x128xf32, #tpu.memory_space<vmem_shared>>
      %dma_start3A_57 = arith.constant 0 : i32
      %dma_start3A_58 = arith.constant 0 : i32
      %dma_start3A_59 = tpu.memref_slice %arg13[%dma_start3A_57, %dma_start3A_58] : memref<56x128xf32, #tpu.memory_space<vmem>> -> memref<56x128xf32, #tpu.memory_space<vmem>>
      tpu.enqueue_dma source(%dma_start3A_59 : memref<56x128xf32, #tpu.memory_space<vmem>>) target(%dma_start3A_56 : memref<56x128xf32, #tpu.memory_space<vmem_shared>>) target_semaphore(%run_scoped3A : memref<!tpu.dma_semaphore, #tpu.memory_space<semaphore_mem>>)
      %dma_wait3A = arith.constant 0 : i32
      %dma_wait3A_60 = arith.constant 0 : i32
      %dma_wait3A_61 = tpu.memref_slice %arg13[%dma_wait3A, %dma_wait3A_60] : memref<56x128xf32, #tpu.memory_space<vmem>> -> memref<56x128xf32, #tpu.memory_space<vmem>>
      %dma_wait3A_62 = arith.constant 0 : i32
      %dma_wait3A_63 = tpu.memref_slice %arg19[%add3A_10, %dma_wait3A_62] : memref<10112x128xf32, #tpu.memory_space<vmem_shared>> -> memref<56x128xf32, #tpu.memory_space<vmem_shared>>
      %dma_wait3A_64 = arith.constant 0 : i32
      %dma_wait3A_65 = tpu.memref_slice %arg19[%add3A_10, %dma_wait3A_64] : memref<10112x128xf32, #tpu.memory_space<vmem_shared>> -> memref<56x128xf32, #tpu.memory_space<vmem_shared>>
      %dma_wait3A_66 = arith.constant 0 : i32
      %dma_wait3A_67 = arith.constant 0 : i32
      %dma_wait3A_68 = tpu.memref_slice %arg13[%dma_wait3A_66, %dma_wait3A_67] : memref<56x128xf32, #tpu.memory_space<vmem>> -> memref<56x128xf32, #tpu.memory_space<vmem>>
      tpu.wait_dma2 semaphore(%run_scoped3A : memref<!tpu.dma_semaphore, #tpu.memory_space<semaphore_mem>>) src(%dma_wait3A_68 : memref<56x128xf32, #tpu.memory_space<vmem>>) dst(%dma_wait3A_65 : memref<56x128xf32, #tpu.memory_space<vmem_shared>>)
      tpu.yield
    }) : () -> ()
    %add3A_11 = arith.constant 56 : i32
    %add3A_12 = arith.addi %mul3A_8, %add3A_11 : i32
    "tpu.region"() ({
      %run_scoped3A = tpu.sem_alloc : memref<!tpu.dma_semaphore, #tpu.memory_space<semaphore_mem>>
      %dma_start3A = arith.constant 0 : i32
      %dma_start3A_51 = arith.constant 0 : i32
      %dma_start3A_52 = tpu.memref_slice %arg13[%dma_start3A, %dma_start3A_51] : memref<56x128xf32, #tpu.memory_space<vmem>> -> memref<56x128xf32, #tpu.memory_space<vmem>>
      %dma_start3A_53 = arith.constant 0 : i32
      %dma_start3A_54 = tpu.memref_slice %arg19[%add3A_12, %dma_start3A_53] : memref<10112x128xf32, #tpu.memory_space<vmem_shared>> -> memref<56x128xf32, #tpu.memory_space<vmem_shared>>
      %dma_start3A_55 = arith.constant 0 : i32
      %dma_start3A_56 = tpu.memref_slice %arg19[%add3A_12, %dma_start3A_55] : memref<10112x128xf32, #tpu.memory_space<vmem_shared>> -> memref<56x128xf32, #tpu.memory_space<vmem_shared>>
      %dma_start3A_57 = arith.constant 0 : i32
      %dma_start3A_58 = arith.constant 0 : i32
      %dma_start3A_59 = tpu.memref_slice %arg13[%dma_start3A_57, %dma_start3A_58] : memref<56x128xf32, #tpu.memory_space<vmem>> -> memref<56x128xf32, #tpu.memory_space<vmem>>
      tpu.enqueue_dma source(%dma_start3A_59 : memref<56x128xf32, #tpu.memory_space<vmem>>) target(%dma_start3A_56 : memref<56x128xf32, #tpu.memory_space<vmem_shared>>) target_semaphore(%run_scoped3A : memref<!tpu.dma_semaphore, #tpu.memory_space<semaphore_mem>>)
      %dma_wait3A = arith.constant 0 : i32
      %dma_wait3A_60 = arith.constant 0 : i32
      %dma_wait3A_61 = tpu.memref_slice %arg13[%dma_wait3A, %dma_wait3A_60] : memref<56x128xf32, #tpu.memory_space<vmem>> -> memref<56x128xf32, #tpu.memory_space<vmem>>
      %dma_wait3A_62 = arith.constant 0 : i32
      %dma_wait3A_63 = tpu.memref_slice %arg19[%add3A_12, %dma_wait3A_62] : memref<10112x128xf32, #tpu.memory_space<vmem_shared>> -> memref<56x128xf32, #tpu.memory_space<vmem_shared>>
      %dma_wait3A_64 = arith.constant 0 : i32
      %dma_wait3A_65 = tpu.memref_slice %arg19[%add3A_12, %dma_wait3A_64] : memref<10112x128xf32, #tpu.memory_space<vmem_shared>> -> memref<56x128xf32, #tpu.memory_space<vmem_shared>>
      %dma_wait3A_66 = arith.constant 0 : i32
      %dma_wait3A_67 = arith.constant 0 : i32
      %dma_wait3A_68 = tpu.memref_slice %arg13[%dma_wait3A_66, %dma_wait3A_67] : memref<56x128xf32, #tpu.memory_space<vmem>> -> memref<56x128xf32, #tpu.memory_space<vmem>>
      tpu.wait_dma2 semaphore(%run_scoped3A : memref<!tpu.dma_semaphore, #tpu.memory_space<semaphore_mem>>) src(%dma_wait3A_68 : memref<56x128xf32, #tpu.memory_space<vmem>>) dst(%dma_wait3A_65 : memref<56x128xf32, #tpu.memory_space<vmem_shared>>)
      tpu.yield
    }) : () -> ()
    %add3A_13 = arith.constant 112 : i32
    %add3A_14 = arith.addi %mul3A_8, %add3A_13 : i32
    "tpu.region"() ({
      %run_scoped3A = tpu.sem_alloc : memref<!tpu.dma_semaphore, #tpu.memory_space<semaphore_mem>>
      %dma_start3A = arith.constant 0 : i32
      %dma_start3A_51 = arith.constant 0 : i32
      %dma_start3A_52 = tpu.memref_slice %arg13[%dma_start3A, %dma_start3A_51] : memref<56x128xf32, #tpu.memory_space<vmem>> -> memref<56x128xf32, #tpu.memory_space<vmem>>
      %dma_start3A_53 = arith.constant 0 : i32
      %dma_start3A_54 = tpu.memref_slice %arg19[%add3A_14, %dma_start3A_53] : memref<10112x128xf32, #tpu.memory_space<vmem_shared>> -> memref<56x128xf32, #tpu.memory_space<vmem_shared>>
      %dma_start3A_55 = arith.constant 0 : i32
      %dma_start3A_56 = tpu.memref_slice %arg19[%add3A_14, %dma_start3A_55] : memref<10112x128xf32, #tpu.memory_space<vmem_shared>> -> memref<56x128xf32, #tpu.memory_space<vmem_shared>>
      %dma_start3A_57 = arith.constant 0 : i32
      %dma_start3A_58 = arith.constant 0 : i32
      %dma_start3A_59 = tpu.memref_slice %arg13[%dma_start3A_57, %dma_start3A_58] : memref<56x128xf32, #tpu.memory_space<vmem>> -> memref<56x128xf32, #tpu.memory_space<vmem>>
      tpu.enqueue_dma source(%dma_start3A_59 : memref<56x128xf32, #tpu.memory_space<vmem>>) target(%dma_start3A_56 : memref<56x128xf32, #tpu.memory_space<vmem_shared>>) target_semaphore(%run_scoped3A : memref<!tpu.dma_semaphore, #tpu.memory_space<semaphore_mem>>)
      %dma_wait3A = arith.constant 0 : i32
      %dma_wait3A_60 = arith.constant 0 : i32
      %dma_wait3A_61 = tpu.memref_slice %arg13[%dma_wait3A, %dma_wait3A_60] : memref<56x128xf32, #tpu.memory_space<vmem>> -> memref<56x128xf32, #tpu.memory_space<vmem>>
      %dma_wait3A_62 = arith.constant 0 : i32
      %dma_wait3A_63 = tpu.memref_slice %arg19[%add3A_14, %dma_wait3A_62] : memref<10112x128xf32, #tpu.memory_space<vmem_shared>> -> memref<56x128xf32, #tpu.memory_space<vmem_shared>>
      %dma_wait3A_64 = arith.constant 0 : i32
      %dma_wait3A_65 = tpu.memref_slice %arg19[%add3A_14, %dma_wait3A_64] : memref<10112x128xf32, #tpu.memory_space<vmem_shared>> -> memref<56x128xf32, #tpu.memory_space<vmem_shared>>
      %dma_wait3A_66 = arith.constant 0 : i32
      %dma_wait3A_67 = arith.constant 0 : i32
      %dma_wait3A_68 = tpu.memref_slice %arg13[%dma_wait3A_66, %dma_wait3A_67] : memref<56x128xf32, #tpu.memory_space<vmem>> -> memref<56x128xf32, #tpu.memory_space<vmem>>
      tpu.wait_dma2 semaphore(%run_scoped3A : memref<!tpu.dma_semaphore, #tpu.memory_space<semaphore_mem>>) src(%dma_wait3A_68 : memref<56x128xf32, #tpu.memory_space<vmem>>) dst(%dma_wait3A_65 : memref<56x128xf32, #tpu.memory_space<vmem_shared>>)
      tpu.yield
    }) : () -> ()
    %add3A_15 = arith.constant 168 : i32
    %add3A_16 = arith.addi %mul3A_8, %add3A_15 : i32
    "tpu.region"() ({
      %run_scoped3A = tpu.sem_alloc : memref<!tpu.dma_semaphore, #tpu.memory_space<semaphore_mem>>
      %dma_start3A = arith.constant 0 : i32
      %dma_start3A_51 = arith.constant 0 : i32
      %dma_start3A_52 = tpu.memref_slice %arg13[%dma_start3A, %dma_start3A_51] : memref<56x128xf32, #tpu.memory_space<vmem>> -> memref<56x128xf32, #tpu.memory_space<vmem>>
      %dma_start3A_53 = arith.constant 0 : i32
      %dma_start3A_54 = tpu.memref_slice %arg19[%add3A_16, %dma_start3A_53] : memref<10112x128xf32, #tpu.memory_space<vmem_shared>> -> memref<56x128xf32, #tpu.memory_space<vmem_shared>>
      %dma_start3A_55 = arith.constant 0 : i32
      %dma_start3A_56 = tpu.memref_slice %arg19[%add3A_16, %dma_start3A_55] : memref<10112x128xf32, #tpu.memory_space<vmem_shared>> -> memref<56x128xf32, #tpu.memory_space<vmem_shared>>
      %dma_start3A_57 = arith.constant 0 : i32
      %dma_start3A_58 = arith.constant 0 : i32
      %dma_start3A_59 = tpu.memref_slice %arg13[%dma_start3A_57, %dma_start3A_58] : memref<56x128xf32, #tpu.memory_space<vmem>> -> memref<56x128xf32, #tpu.memory_space<vmem>>
      tpu.enqueue_dma source(%dma_start3A_59 : memref<56x128xf32, #tpu.memory_space<vmem>>) target(%dma_start3A_56 : memref<56x128xf32, #tpu.memory_space<vmem_shared>>) target_semaphore(%run_scoped3A : memref<!tpu.dma_semaphore, #tpu.memory_space<semaphore_mem>>)
      %dma_wait3A = arith.constant 0 : i32
      %dma_wait3A_60 = arith.constant 0 : i32
      %dma_wait3A_61 = tpu.memref_slice %arg13[%dma_wait3A, %dma_wait3A_60] : memref<56x128xf32, #tpu.memory_space<vmem>> -> memref<56x128xf32, #tpu.memory_space<vmem>>
      %dma_wait3A_62 = arith.constant 0 : i32
      %dma_wait3A_63 = tpu.memref_slice %arg19[%add3A_16, %dma_wait3A_62] : memref<10112x128xf32, #tpu.memory_space<vmem_shared>> -> memref<56x128xf32, #tpu.memory_space<vmem_shared>>
      %dma_wait3A_64 = arith.constant 0 : i32
      %dma_wait3A_65 = tpu.memref_slice %arg19[%add3A_16, %dma_wait3A_64] : memref<10112x128xf32, #tpu.memory_space<vmem_shared>> -> memref<56x128xf32, #tpu.memory_space<vmem_shared>>
      %dma_wait3A_66 = arith.constant 0 : i32
      %dma_wait3A_67 = arith.constant 0 : i32
      %dma_wait3A_68 = tpu.memref_slice %arg13[%dma_wait3A_66, %dma_wait3A_67] : memref<56x128xf32, #tpu.memory_space<vmem>> -> memref<56x128xf32, #tpu.memory_space<vmem>>
      tpu.wait_dma2 semaphore(%run_scoped3A : memref<!tpu.dma_semaphore, #tpu.memory_space<semaphore_mem>>) src(%dma_wait3A_68 : memref<56x128xf32, #tpu.memory_space<vmem>>) dst(%dma_wait3A_65 : memref<56x128xf32, #tpu.memory_space<vmem_shared>>)
      tpu.yield
    }) : () -> ()
    %add3A_17 = arith.constant 224 : i32
    %add3A_18 = arith.addi %mul3A_8, %add3A_17 : i32
    "tpu.region"() ({
      %run_scoped3A = tpu.sem_alloc : memref<!tpu.dma_semaphore, #tpu.memory_space<semaphore_mem>>
      %dma_start3A = arith.constant 0 : i32
      %dma_start3A_51 = arith.constant 0 : i32
      %dma_start3A_52 = tpu.memref_slice %arg13[%dma_start3A, %dma_start3A_51] : memref<56x128xf32, #tpu.memory_space<vmem>> -> memref<56x128xf32, #tpu.memory_space<vmem>>
      %dma_start3A_53 = arith.constant 0 : i32
      %dma_start3A_54 = tpu.memref_slice %arg19[%add3A_18, %dma_start3A_53] : memref<10112x128xf32, #tpu.memory_space<vmem_shared>> -> memref<56x128xf32, #tpu.memory_space<vmem_shared>>
      %dma_start3A_55 = arith.constant 0 : i32
      %dma_start3A_56 = tpu.memref_slice %arg19[%add3A_18, %dma_start3A_55] : memref<10112x128xf32, #tpu.memory_space<vmem_shared>> -> memref<56x128xf32, #tpu.memory_space<vmem_shared>>
      %dma_start3A_57 = arith.constant 0 : i32
      %dma_start3A_58 = arith.constant 0 : i32
      %dma_start3A_59 = tpu.memref_slice %arg13[%dma_start3A_57, %dma_start3A_58] : memref<56x128xf32, #tpu.memory_space<vmem>> -> memref<56x128xf32, #tpu.memory_space<vmem>>
      tpu.enqueue_dma source(%dma_start3A_59 : memref<56x128xf32, #tpu.memory_space<vmem>>) target(%dma_start3A_56 : memref<56x128xf32, #tpu.memory_space<vmem_shared>>) target_semaphore(%run_scoped3A : memref<!tpu.dma_semaphore, #tpu.memory_space<semaphore_mem>>)
      %dma_wait3A = arith.constant 0 : i32
      %dma_wait3A_60 = arith.constant 0 : i32
      %dma_wait3A_61 = tpu.memref_slice %arg13[%dma_wait3A, %dma_wait3A_60] : memref<56x128xf32, #tpu.memory_space<vmem>> -> memref<56x128xf32, #tpu.memory_space<vmem>>
      %dma_wait3A_62 = arith.constant 0 : i32
      %dma_wait3A_63 = tpu.memref_slice %arg19[%add3A_18, %dma_wait3A_62] : memref<10112x128xf32, #tpu.memory_space<vmem_shared>> -> memref<56x128xf32, #tpu.memory_space<vmem_shared>>
      %dma_wait3A_64 = arith.constant 0 : i32
      %dma_wait3A_65 = tpu.memref_slice %arg19[%add3A_18, %dma_wait3A_64] : memref<10112x128xf32, #tpu.memory_space<vmem_shared>> -> memref<56x128xf32, #tpu.memory_space<vmem_shared>>
      %dma_wait3A_66 = arith.constant 0 : i32
      %dma_wait3A_67 = arith.constant 0 : i32
      %dma_wait3A_68 = tpu.memref_slice %arg13[%dma_wait3A_66, %dma_wait3A_67] : memref<56x128xf32, #tpu.memory_space<vmem>> -> memref<56x128xf32, #tpu.memory_space<vmem>>
      tpu.wait_dma2 semaphore(%run_scoped3A : memref<!tpu.dma_semaphore, #tpu.memory_space<semaphore_mem>>) src(%dma_wait3A_68 : memref<56x128xf32, #tpu.memory_space<vmem>>) dst(%dma_wait3A_65 : memref<56x128xf32, #tpu.memory_space<vmem_shared>>)
      tpu.yield
    }) : () -> ()
    %add3A_19 = arith.constant 280 : i32
    %add3A_20 = arith.addi %mul3A_8, %add3A_19 : i32
    "tpu.region"() ({
      %run_scoped3A = tpu.sem_alloc : memref<!tpu.dma_semaphore, #tpu.memory_space<semaphore_mem>>
      %dma_start3A = arith.constant 0 : i32
      %dma_start3A_51 = arith.constant 0 : i32
      %dma_start3A_52 = tpu.memref_slice %arg13[%dma_start3A, %dma_start3A_51] : memref<56x128xf32, #tpu.memory_space<vmem>> -> memref<56x128xf32, #tpu.memory_space<vmem>>
      %dma_start3A_53 = arith.constant 0 : i32
      %dma_start3A_54 = tpu.memref_slice %arg19[%add3A_20, %dma_start3A_53] : memref<10112x128xf32, #tpu.memory_space<vmem_shared>> -> memref<56x128xf32, #tpu.memory_space<vmem_shared>>
      %dma_start3A_55 = arith.constant 0 : i32
      %dma_start3A_56 = tpu.memref_slice %arg19[%add3A_20, %dma_start3A_55] : memref<10112x128xf32, #tpu.memory_space<vmem_shared>> -> memref<56x128xf32, #tpu.memory_space<vmem_shared>>
      %dma_start3A_57 = arith.constant 0 : i32
      %dma_start3A_58 = arith.constant 0 : i32
      %dma_start3A_59 = tpu.memref_slice %arg13[%dma_start3A_57, %dma_start3A_58] : memref<56x128xf32, #tpu.memory_space<vmem>> -> memref<56x128xf32, #tpu.memory_space<vmem>>
      tpu.enqueue_dma source(%dma_start3A_59 : memref<56x128xf32, #tpu.memory_space<vmem>>) target(%dma_start3A_56 : memref<56x128xf32, #tpu.memory_space<vmem_shared>>) target_semaphore(%run_scoped3A : memref<!tpu.dma_semaphore, #tpu.memory_space<semaphore_mem>>)
      %dma_wait3A = arith.constant 0 : i32
      %dma_wait3A_60 = arith.constant 0 : i32
      %dma_wait3A_61 = tpu.memref_slice %arg13[%dma_wait3A, %dma_wait3A_60] : memref<56x128xf32, #tpu.memory_space<vmem>> -> memref<56x128xf32, #tpu.memory_space<vmem>>
      %dma_wait3A_62 = arith.constant 0 : i32
      %dma_wait3A_63 = tpu.memref_slice %arg19[%add3A_20, %dma_wait3A_62] : memref<10112x128xf32, #tpu.memory_space<vmem_shared>> -> memref<56x128xf32, #tpu.memory_space<vmem_shared>>
      %dma_wait3A_64 = arith.constant 0 : i32
      %dma_wait3A_65 = tpu.memref_slice %arg19[%add3A_20, %dma_wait3A_64] : memref<10112x128xf32, #tpu.memory_space<vmem_shared>> -> memref<56x128xf32, #tpu.memory_space<vmem_shared>>
      %dma_wait3A_66 = arith.constant 0 : i32
      %dma_wait3A_67 = arith.constant 0 : i32
      %dma_wait3A_68 = tpu.memref_slice %arg13[%dma_wait3A_66, %dma_wait3A_67] : memref<56x128xf32, #tpu.memory_space<vmem>> -> memref<56x128xf32, #tpu.memory_space<vmem>>
      tpu.wait_dma2 semaphore(%run_scoped3A : memref<!tpu.dma_semaphore, #tpu.memory_space<semaphore_mem>>) src(%dma_wait3A_68 : memref<56x128xf32, #tpu.memory_space<vmem>>) dst(%dma_wait3A_65 : memref<56x128xf32, #tpu.memory_space<vmem_shared>>)
      tpu.yield
    }) : () -> ()
    %add3A_21 = arith.constant 336 : i32
    %add3A_22 = arith.addi %mul3A_8, %add3A_21 : i32
    "tpu.region"() ({
      %run_scoped3A = tpu.sem_alloc : memref<!tpu.dma_semaphore, #tpu.memory_space<semaphore_mem>>
      %dma_start3A = arith.constant 0 : i32
      %dma_start3A_51 = arith.constant 0 : i32
      %dma_start3A_52 = tpu.memref_slice %arg13[%dma_start3A, %dma_start3A_51] : memref<56x128xf32, #tpu.memory_space<vmem>> -> memref<56x128xf32, #tpu.memory_space<vmem>>
      %dma_start3A_53 = arith.constant 0 : i32
      %dma_start3A_54 = tpu.memref_slice %arg19[%add3A_22, %dma_start3A_53] : memref<10112x128xf32, #tpu.memory_space<vmem_shared>> -> memref<56x128xf32, #tpu.memory_space<vmem_shared>>
      %dma_start3A_55 = arith.constant 0 : i32
      %dma_start3A_56 = tpu.memref_slice %arg19[%add3A_22, %dma_start3A_55] : memref<10112x128xf32, #tpu.memory_space<vmem_shared>> -> memref<56x128xf32, #tpu.memory_space<vmem_shared>>
      %dma_start3A_57 = arith.constant 0 : i32
      %dma_start3A_58 = arith.constant 0 : i32
      %dma_start3A_59 = tpu.memref_slice %arg13[%dma_start3A_57, %dma_start3A_58] : memref<56x128xf32, #tpu.memory_space<vmem>> -> memref<56x128xf32, #tpu.memory_space<vmem>>
      tpu.enqueue_dma source(%dma_start3A_59 : memref<56x128xf32, #tpu.memory_space<vmem>>) target(%dma_start3A_56 : memref<56x128xf32, #tpu.memory_space<vmem_shared>>) target_semaphore(%run_scoped3A : memref<!tpu.dma_semaphore, #tpu.memory_space<semaphore_mem>>)
      %dma_wait3A = arith.constant 0 : i32
      %dma_wait3A_60 = arith.constant 0 : i32
      %dma_wait3A_61 = tpu.memref_slice %arg13[%dma_wait3A, %dma_wait3A_60] : memref<56x128xf32, #tpu.memory_space<vmem>> -> memref<56x128xf32, #tpu.memory_space<vmem>>
      %dma_wait3A_62 = arith.constant 0 : i32
      %dma_wait3A_63 = tpu.memref_slice %arg19[%add3A_22, %dma_wait3A_62] : memref<10112x128xf32, #tpu.memory_space<vmem_shared>> -> memref<56x128xf32, #tpu.memory_space<vmem_shared>>
      %dma_wait3A_64 = arith.constant 0 : i32
      %dma_wait3A_65 = tpu.memref_slice %arg19[%add3A_22, %dma_wait3A_64] : memref<10112x128xf32, #tpu.memory_space<vmem_shared>> -> memref<56x128xf32, #tpu.memory_space<vmem_shared>>
      %dma_wait3A_66 = arith.constant 0 : i32
      %dma_wait3A_67 = arith.constant 0 : i32
      %dma_wait3A_68 = tpu.memref_slice %arg13[%dma_wait3A_66, %dma_wait3A_67] : memref<56x128xf32, #tpu.memory_space<vmem>> -> memref<56x128xf32, #tpu.memory_space<vmem>>
      tpu.wait_dma2 semaphore(%run_scoped3A : memref<!tpu.dma_semaphore, #tpu.memory_space<semaphore_mem>>) src(%dma_wait3A_68 : memref<56x128xf32, #tpu.memory_space<vmem>>) dst(%dma_wait3A_65 : memref<56x128xf32, #tpu.memory_space<vmem_shared>>)
      tpu.yield
    }) : () -> ()
    %add3A_23 = arith.constant 392 : i32
    %add3A_24 = arith.addi %mul3A_8, %add3A_23 : i32
    "tpu.region"() ({
      %run_scoped3A = tpu.sem_alloc : memref<!tpu.dma_semaphore, #tpu.memory_space<semaphore_mem>>
      %dma_start3A = arith.constant 0 : i32
      %dma_start3A_51 = arith.constant 0 : i32
      %dma_start3A_52 = tpu.memref_slice %arg13[%dma_start3A, %dma_start3A_51] : memref<56x128xf32, #tpu.memory_space<vmem>> -> memref<56x128xf32, #tpu.memory_space<vmem>>
      %dma_start3A_53 = arith.constant 0 : i32
      %dma_start3A_54 = tpu.memref_slice %arg19[%add3A_24, %dma_start3A_53] : memref<10112x128xf32, #tpu.memory_space<vmem_shared>> -> memref<56x128xf32, #tpu.memory_space<vmem_shared>>
      %dma_start3A_55 = arith.constant 0 : i32
      %dma_start3A_56 = tpu.memref_slice %arg19[%add3A_24, %dma_start3A_55] : memref<10112x128xf32, #tpu.memory_space<vmem_shared>> -> memref<56x128xf32, #tpu.memory_space<vmem_shared>>
      %dma_start3A_57 = arith.constant 0 : i32
      %dma_start3A_58 = arith.constant 0 : i32
      %dma_start3A_59 = tpu.memref_slice %arg13[%dma_start3A_57, %dma_start3A_58] : memref<56x128xf32, #tpu.memory_space<vmem>> -> memref<56x128xf32, #tpu.memory_space<vmem>>
      tpu.enqueue_dma source(%dma_start3A_59 : memref<56x128xf32, #tpu.memory_space<vmem>>) target(%dma_start3A_56 : memref<56x128xf32, #tpu.memory_space<vmem_shared>>) target_semaphore(%run_scoped3A : memref<!tpu.dma_semaphore, #tpu.memory_space<semaphore_mem>>)
      %dma_wait3A = arith.constant 0 : i32
      %dma_wait3A_60 = arith.constant 0 : i32
      %dma_wait3A_61 = tpu.memref_slice %arg13[%dma_wait3A, %dma_wait3A_60] : memref<56x128xf32, #tpu.memory_space<vmem>> -> memref<56x128xf32, #tpu.memory_space<vmem>>
      %dma_wait3A_62 = arith.constant 0 : i32
      %dma_wait3A_63 = tpu.memref_slice %arg19[%add3A_24, %dma_wait3A_62] : memref<10112x128xf32, #tpu.memory_space<vmem_shared>> -> memref<56x128xf32, #tpu.memory_space<vmem_shared>>
      %dma_wait3A_64 = arith.constant 0 : i32
      %dma_wait3A_65 = tpu.memref_slice %arg19[%add3A_24, %dma_wait3A_64] : memref<10112x128xf32, #tpu.memory_space<vmem_shared>> -> memref<56x128xf32, #tpu.memory_space<vmem_shared>>
      %dma_wait3A_66 = arith.constant 0 : i32
      %dma_wait3A_67 = arith.constant 0 : i32
      %dma_wait3A_68 = tpu.memref_slice %arg13[%dma_wait3A_66, %dma_wait3A_67] : memref<56x128xf32, #tpu.memory_space<vmem>> -> memref<56x128xf32, #tpu.memory_space<vmem>>
      tpu.wait_dma2 semaphore(%run_scoped3A : memref<!tpu.dma_semaphore, #tpu.memory_space<semaphore_mem>>) src(%dma_wait3A_68 : memref<56x128xf32, #tpu.memory_space<vmem>>) dst(%dma_wait3A_65 : memref<56x128xf32, #tpu.memory_space<vmem_shared>>)
      tpu.yield
    }) : () -> ()
    %add3A_25 = arith.constant 448 : i32
    %add3A_26 = arith.addi %mul3A_8, %add3A_25 : i32
    "tpu.region"() ({
      %run_scoped3A = tpu.sem_alloc : memref<!tpu.dma_semaphore, #tpu.memory_space<semaphore_mem>>
      %dma_start3A = arith.constant 0 : i32
      %dma_start3A_51 = arith.constant 0 : i32
      %dma_start3A_52 = tpu.memref_slice %arg13[%dma_start3A, %dma_start3A_51] : memref<56x128xf32, #tpu.memory_space<vmem>> -> memref<56x128xf32, #tpu.memory_space<vmem>>
      %dma_start3A_53 = arith.constant 0 : i32
      %dma_start3A_54 = tpu.memref_slice %arg19[%add3A_26, %dma_start3A_53] : memref<10112x128xf32, #tpu.memory_space<vmem_shared>> -> memref<56x128xf32, #tpu.memory_space<vmem_shared>>
      %dma_start3A_55 = arith.constant 0 : i32
      %dma_start3A_56 = tpu.memref_slice %arg19[%add3A_26, %dma_start3A_55] : memref<10112x128xf32, #tpu.memory_space<vmem_shared>> -> memref<56x128xf32, #tpu.memory_space<vmem_shared>>
      %dma_start3A_57 = arith.constant 0 : i32
      %dma_start3A_58 = arith.constant 0 : i32
      %dma_start3A_59 = tpu.memref_slice %arg13[%dma_start3A_57, %dma_start3A_58] : memref<56x128xf32, #tpu.memory_space<vmem>> -> memref<56x128xf32, #tpu.memory_space<vmem>>
      tpu.enqueue_dma source(%dma_start3A_59 : memref<56x128xf32, #tpu.memory_space<vmem>>) target(%dma_start3A_56 : memref<56x128xf32, #tpu.memory_space<vmem_shared>>) target_semaphore(%run_scoped3A : memref<!tpu.dma_semaphore, #tpu.memory_space<semaphore_mem>>)
      %dma_wait3A = arith.constant 0 : i32
      %dma_wait3A_60 = arith.constant 0 : i32
      %dma_wait3A_61 = tpu.memref_slice %arg13[%dma_wait3A, %dma_wait3A_60] : memref<56x128xf32, #tpu.memory_space<vmem>> -> memref<56x128xf32, #tpu.memory_space<vmem>>
      %dma_wait3A_62 = arith.constant 0 : i32
      %dma_wait3A_63 = tpu.memref_slice %arg19[%add3A_26, %dma_wait3A_62] : memref<10112x128xf32, #tpu.memory_space<vmem_shared>> -> memref<56x128xf32, #tpu.memory_space<vmem_shared>>
      %dma_wait3A_64 = arith.constant 0 : i32
      %dma_wait3A_65 = tpu.memref_slice %arg19[%add3A_26, %dma_wait3A_64] : memref<10112x128xf32, #tpu.memory_space<vmem_shared>> -> memref<56x128xf32, #tpu.memory_space<vmem_shared>>
      %dma_wait3A_66 = arith.constant 0 : i32
      %dma_wait3A_67 = arith.constant 0 : i32
      %dma_wait3A_68 = tpu.memref_slice %arg13[%dma_wait3A_66, %dma_wait3A_67] : memref<56x128xf32, #tpu.memory_space<vmem>> -> memref<56x128xf32, #tpu.memory_space<vmem>>
      tpu.wait_dma2 semaphore(%run_scoped3A : memref<!tpu.dma_semaphore, #tpu.memory_space<semaphore_mem>>) src(%dma_wait3A_68 : memref<56x128xf32, #tpu.memory_space<vmem>>) dst(%dma_wait3A_65 : memref<56x128xf32, #tpu.memory_space<vmem_shared>>)
      tpu.yield
    }) : () -> ()
    %add3A_27 = arith.constant 504 : i32
    %add3A_28 = arith.addi %mul3A_8, %add3A_27 : i32
    "tpu.region"() ({
      %run_scoped3A = tpu.sem_alloc : memref<!tpu.dma_semaphore, #tpu.memory_space<semaphore_mem>>
      %dma_start3A = arith.constant 0 : i32
      %dma_start3A_51 = arith.constant 0 : i32
      %dma_start3A_52 = tpu.memref_slice %arg13[%dma_start3A, %dma_start3A_51] : memref<56x128xf32, #tpu.memory_space<vmem>> -> memref<56x128xf32, #tpu.memory_space<vmem>>
      %dma_start3A_53 = arith.constant 0 : i32
      %dma_start3A_54 = tpu.memref_slice %arg19[%add3A_28, %dma_start3A_53] : memref<10112x128xf32, #tpu.memory_space<vmem_shared>> -> memref<56x128xf32, #tpu.memory_space<vmem_shared>>
      %dma_start3A_55 = arith.constant 0 : i32
      %dma_start3A_56 = tpu.memref_slice %arg19[%add3A_28, %dma_start3A_55] : memref<10112x128xf32, #tpu.memory_space<vmem_shared>> -> memref<56x128xf32, #tpu.memory_space<vmem_shared>>
      %dma_start3A_57 = arith.constant 0 : i32
      %dma_start3A_58 = arith.constant 0 : i32
      %dma_start3A_59 = tpu.memref_slice %arg13[%dma_start3A_57, %dma_start3A_58] : memref<56x128xf32, #tpu.memory_space<vmem>> -> memref<56x128xf32, #tpu.memory_space<vmem>>
      tpu.enqueue_dma source(%dma_start3A_59 : memref<56x128xf32, #tpu.memory_space<vmem>>) target(%dma_start3A_56 : memref<56x128xf32, #tpu.memory_space<vmem_shared>>) target_semaphore(%run_scoped3A : memref<!tpu.dma_semaphore, #tpu.memory_space<semaphore_mem>>)
      %dma_wait3A = arith.constant 0 : i32
      %dma_wait3A_60 = arith.constant 0 : i32
      %dma_wait3A_61 = tpu.memref_slice %arg13[%dma_wait3A, %dma_wait3A_60] : memref<56x128xf32, #tpu.memory_space<vmem>> -> memref<56x128xf32, #tpu.memory_space<vmem>>
      %dma_wait3A_62 = arith.constant 0 : i32
      %dma_wait3A_63 = tpu.memref_slice %arg19[%add3A_28, %dma_wait3A_62] : memref<10112x128xf32, #tpu.memory_space<vmem_shared>> -> memref<56x128xf32, #tpu.memory_space<vmem_shared>>
      %dma_wait3A_64 = arith.constant 0 : i32
      %dma_wait3A_65 = tpu.memref_slice %arg19[%add3A_28, %dma_wait3A_64] : memref<10112x128xf32, #tpu.memory_space<vmem_shared>> -> memref<56x128xf32, #tpu.memory_space<vmem_shared>>
      %dma_wait3A_66 = arith.constant 0 : i32
      %dma_wait3A_67 = arith.constant 0 : i32
      %dma_wait3A_68 = tpu.memref_slice %arg13[%dma_wait3A_66, %dma_wait3A_67] : memref<56x128xf32, #tpu.memory_space<vmem>> -> memref<56x128xf32, #tpu.memory_space<vmem>>
      tpu.wait_dma2 semaphore(%run_scoped3A : memref<!tpu.dma_semaphore, #tpu.memory_space<semaphore_mem>>) src(%dma_wait3A_68 : memref<56x128xf32, #tpu.memory_space<vmem>>) dst(%dma_wait3A_65 : memref<56x128xf32, #tpu.memory_space<vmem_shared>>)
      tpu.yield
    }) : () -> ()
    %add3A_29 = arith.constant 560 : i32
    %add3A_30 = arith.addi %mul3A_8, %add3A_29 : i32
    "tpu.region"() ({
      %run_scoped3A = tpu.sem_alloc : memref<!tpu.dma_semaphore, #tpu.memory_space<semaphore_mem>>
      %dma_start3A = arith.constant 0 : i32
      %dma_start3A_51 = arith.constant 0 : i32
      %dma_start3A_52 = tpu.memref_slice %arg13[%dma_start3A, %dma_start3A_51] : memref<56x128xf32, #tpu.memory_space<vmem>> -> memref<56x128xf32, #tpu.memory_space<vmem>>
      %dma_start3A_53 = arith.constant 0 : i32
      %dma_start3A_54 = tpu.memref_slice %arg19[%add3A_30, %dma_start3A_53] : memref<10112x128xf32, #tpu.memory_space<vmem_shared>> -> memref<56x128xf32, #tpu.memory_space<vmem_shared>>
      %dma_start3A_55 = arith.constant 0 : i32
      %dma_start3A_56 = tpu.memref_slice %arg19[%add3A_30, %dma_start3A_55] : memref<10112x128xf32, #tpu.memory_space<vmem_shared>> -> memref<56x128xf32, #tpu.memory_space<vmem_shared>>
      %dma_start3A_57 = arith.constant 0 : i32
      %dma_start3A_58 = arith.constant 0 : i32
      %dma_start3A_59 = tpu.memref_slice %arg13[%dma_start3A_57, %dma_start3A_58] : memref<56x128xf32, #tpu.memory_space<vmem>> -> memref<56x128xf32, #tpu.memory_space<vmem>>
      tpu.enqueue_dma source(%dma_start3A_59 : memref<56x128xf32, #tpu.memory_space<vmem>>) target(%dma_start3A_56 : memref<56x128xf32, #tpu.memory_space<vmem_shared>>) target_semaphore(%run_scoped3A : memref<!tpu.dma_semaphore, #tpu.memory_space<semaphore_mem>>)
      %dma_wait3A = arith.constant 0 : i32
      %dma_wait3A_60 = arith.constant 0 : i32
      %dma_wait3A_61 = tpu.memref_slice %arg13[%dma_wait3A, %dma_wait3A_60] : memref<56x128xf32, #tpu.memory_space<vmem>> -> memref<56x128xf32, #tpu.memory_space<vmem>>
      %dma_wait3A_62 = arith.constant 0 : i32
      %dma_wait3A_63 = tpu.memref_slice %arg19[%add3A_30, %dma_wait3A_62] : memref<10112x128xf32, #tpu.memory_space<vmem_shared>> -> memref<56x128xf32, #tpu.memory_space<vmem_shared>>
      %dma_wait3A_64 = arith.constant 0 : i32
      %dma_wait3A_65 = tpu.memref_slice %arg19[%add3A_30, %dma_wait3A_64] : memref<10112x128xf32, #tpu.memory_space<vmem_shared>> -> memref<56x128xf32, #tpu.memory_space<vmem_shared>>
      %dma_wait3A_66 = arith.constant 0 : i32
      %dma_wait3A_67 = arith.constant 0 : i32
      %dma_wait3A_68 = tpu.memref_slice %arg13[%dma_wait3A_66, %dma_wait3A_67] : memref<56x128xf32, #tpu.memory_space<vmem>> -> memref<56x128xf32, #tpu.memory_space<vmem>>
      tpu.wait_dma2 semaphore(%run_scoped3A : memref<!tpu.dma_semaphore, #tpu.memory_space<semaphore_mem>>) src(%dma_wait3A_68 : memref<56x128xf32, #tpu.memory_space<vmem>>) dst(%dma_wait3A_65 : memref<56x128xf32, #tpu.memory_space<vmem_shared>>)
      tpu.yield
    }) : () -> ()
    %add3A_31 = arith.constant 616 : i32
    %add3A_32 = arith.addi %mul3A_8, %add3A_31 : i32
    "tpu.region"() ({
      %run_scoped3A = tpu.sem_alloc : memref<!tpu.dma_semaphore, #tpu.memory_space<semaphore_mem>>
      %dma_start3A = arith.constant 0 : i32
      %dma_start3A_51 = arith.constant 0 : i32
      %dma_start3A_52 = tpu.memref_slice %arg13[%dma_start3A, %dma_start3A_51] : memref<56x128xf32, #tpu.memory_space<vmem>> -> memref<16x128xf32, #tpu.memory_space<vmem>>
      %dma_start3A_53 = arith.constant 0 : i32
      %dma_start3A_54 = tpu.memref_slice %arg19[%add3A_32, %dma_start3A_53] : memref<10112x128xf32, #tpu.memory_space<vmem_shared>> -> memref<16x128xf32, #tpu.memory_space<vmem_shared>>
      %dma_start3A_55 = arith.constant 0 : i32
      %dma_start3A_56 = tpu.memref_slice %arg19[%add3A_32, %dma_start3A_55] : memref<10112x128xf32, #tpu.memory_space<vmem_shared>> -> memref<16x128xf32, #tpu.memory_space<vmem_shared>>
      %dma_start3A_57 = arith.constant 0 : i32
      %dma_start3A_58 = arith.constant 0 : i32
      %dma_start3A_59 = tpu.memref_slice %arg13[%dma_start3A_57, %dma_start3A_58] : memref<56x128xf32, #tpu.memory_space<vmem>> -> memref<16x128xf32, #tpu.memory_space<vmem>>
      tpu.enqueue_dma source(%dma_start3A_59 : memref<16x128xf32, #tpu.memory_space<vmem>>) target(%dma_start3A_56 : memref<16x128xf32, #tpu.memory_space<vmem_shared>>) target_semaphore(%run_scoped3A : memref<!tpu.dma_semaphore, #tpu.memory_space<semaphore_mem>>)
      %dma_wait3A = arith.constant 0 : i32
      %dma_wait3A_60 = arith.constant 0 : i32
      %dma_wait3A_61 = tpu.memref_slice %arg13[%dma_wait3A, %dma_wait3A_60] : memref<56x128xf32, #tpu.memory_space<vmem>> -> memref<16x128xf32, #tpu.memory_space<vmem>>
      %dma_wait3A_62 = arith.constant 0 : i32
      %dma_wait3A_63 = tpu.memref_slice %arg19[%add3A_32, %dma_wait3A_62] : memref<10112x128xf32, #tpu.memory_space<vmem_shared>> -> memref<16x128xf32, #tpu.memory_space<vmem_shared>>
      %dma_wait3A_64 = arith.constant 0 : i32
      %dma_wait3A_65 = tpu.memref_slice %arg19[%add3A_32, %dma_wait3A_64] : memref<10112x128xf32, #tpu.memory_space<vmem_shared>> -> memref<16x128xf32, #tpu.memory_space<vmem_shared>>
      %dma_wait3A_66 = arith.constant 0 : i32
      %dma_wait3A_67 = arith.constant 0 : i32
      %dma_wait3A_68 = tpu.memref_slice %arg13[%dma_wait3A_66, %dma_wait3A_67] : memref<56x128xf32, #tpu.memory_space<vmem>> -> memref<16x128xf32, #tpu.memory_space<vmem>>
      tpu.wait_dma2 semaphore(%run_scoped3A : memref<!tpu.dma_semaphore, #tpu.memory_space<semaphore_mem>>) src(%dma_wait3A_68 : memref<16x128xf32, #tpu.memory_space<vmem>>) dst(%dma_wait3A_65 : memref<16x128xf32, #tpu.memory_space<vmem_shared>>)
      tpu.yield
    }) : () -> ()
    %barrier3A = arith.constant 0 : index
    tpu.barrier barrier_id(%barrier3A)
    %eq3A = arith.constant 0 : i32
    %eq3A_33 = arith.cmpi eq, %arg0, %eq3A : i32
    %convert_element_type3A = arith.extui %eq3A_33 : i1 to i32
    %cond3A = arith.constant 0 : i32
    %cond3A_34 = arith.cmpi ne, %convert_element_type3A, %cond3A : i32
    scf.if %cond3A_34 {
      %scan3A_51 = arith.constant 0 : i32
      %scan3A_52 = arith.constant 0 : i32
      %scan3A_53 = arith.constant 14 : i32
      %scan3A_54 = arith.addi %scan3A_52, %scan3A_53 : i32
      %scan3A_55 = arith.constant 1 : i32
      scf.for %scan3A_57 = %scan3A_52 to %scan3A_54 step %scan3A_55  : i32 {
        %mul3A_58 = arith.constant 3 : i32
        %mul3A_59 = arith.muli %scan3A_57, %mul3A_58 : i32
        %dma_start3A = arith.constant 0 : i32
        %dma_start3A_60 = arith.constant 0 : i32
        %dma_start3A_61 = tpu.memref_slice %arg3[%add3A, %mul3A_59, %dma_start3A, %dma_start3A_60] : memref<32x42x6x56xi32, #tpu.memory_space<hbm>> -> memref<1x1x6x56xi32, #tpu.memory_space<hbm>>
        %dma_start3A_62 = tpu.memref_squeeze %dma_start3A_61 : memref<1x1x6x56xi32, #tpu.memory_space<hbm>> -> memref<6x56xi32, #tpu.memory_space<hbm>>
        %dma_start3A_63 = arith.constant 0 : i32
        %dma_start3A_64 = arith.constant 0 : i32
        %dma_start3A_65 = tpu.memref_slice %arg3[%add3A, %mul3A_59, %dma_start3A_63, %dma_start3A_64] : memref<32x42x6x56xi32, #tpu.memory_space<hbm>> -> memref<1x1x6x56xi32, #tpu.memory_space<hbm>>
        %dma_start3A_66 = tpu.memref_squeeze %dma_start3A_65 : memref<1x1x6x56xi32, #tpu.memory_space<hbm>> -> memref<6x56xi32, #tpu.memory_space<hbm>>
        tpu.enqueue_dma source(%dma_start3A_66 : memref<6x56xi32, #tpu.memory_space<hbm>>) target(%arg7 : memref<6x56xi32, #tpu.memory_space<vmem>>) target_semaphore(%arg20 : memref<!tpu.dma_semaphore, #tpu.memory_space<semaphore_mem>>)
        %dma_start3A_67 = arith.constant 0 : i32
        %dma_start3A_68 = arith.constant 0 : i32
        %dma_start3A_69 = tpu.memref_slice %arg4[%add3A, %mul3A_59, %dma_start3A_67, %dma_start3A_68] : memref<32x42x6x56xi32, #tpu.memory_space<hbm>> -> memref<1x1x6x56xi32, #tpu.memory_space<hbm>>
        %dma_start3A_70 = tpu.memref_squeeze %dma_start3A_69 : memref<1x1x6x56xi32, #tpu.memory_space<hbm>> -> memref<6x56xi32, #tpu.memory_space<hbm>>
        %dma_start3A_71 = arith.constant 0 : i32
        %dma_start3A_72 = arith.constant 0 : i32
        %dma_start3A_73 = tpu.memref_slice %arg4[%add3A, %mul3A_59, %dma_start3A_71, %dma_start3A_72] : memref<32x42x6x56xi32, #tpu.memory_space<hbm>> -> memref<1x1x6x56xi32, #tpu.memory_space<hbm>>
        %dma_start3A_74 = tpu.memref_squeeze %dma_start3A_73 : memref<1x1x6x56xi32, #tpu.memory_space<hbm>> -> memref<6x56xi32, #tpu.memory_space<hbm>>
        tpu.enqueue_dma source(%dma_start3A_74 : memref<6x56xi32, #tpu.memory_space<hbm>>) target(%arg8 : memref<6x56xi32, #tpu.memory_space<vmem>>) target_semaphore(%arg20 : memref<!tpu.dma_semaphore, #tpu.memory_space<semaphore_mem>>)
        %dma_wait3A = arith.constant 0 : i32
        %dma_wait3A_75 = arith.constant 0 : i32
        %dma_wait3A_76 = tpu.memref_slice %arg3[%add3A, %mul3A_59, %dma_wait3A, %dma_wait3A_75] : memref<32x42x6x56xi32, #tpu.memory_space<hbm>> -> memref<1x1x6x56xi32, #tpu.memory_space<hbm>>
        %dma_wait3A_77 = tpu.memref_squeeze %dma_wait3A_76 : memref<1x1x6x56xi32, #tpu.memory_space<hbm>> -> memref<6x56xi32, #tpu.memory_space<hbm>>
        %dma_wait3A_78 = arith.constant 0 : i32
        %dma_wait3A_79 = arith.constant 0 : i32
        %dma_wait3A_80 = tpu.memref_slice %arg3[%add3A, %mul3A_59, %dma_wait3A_78, %dma_wait3A_79] : memref<32x42x6x56xi32, #tpu.memory_space<hbm>> -> memref<1x1x6x56xi32, #tpu.memory_space<hbm>>
        %dma_wait3A_81 = tpu.memref_squeeze %dma_wait3A_80 : memref<1x1x6x56xi32, #tpu.memory_space<hbm>> -> memref<6x56xi32, #tpu.memory_space<hbm>>
        tpu.wait_dma2 semaphore(%arg20 : memref<!tpu.dma_semaphore, #tpu.memory_space<semaphore_mem>>) src(%dma_wait3A_81 : memref<6x56xi32, #tpu.memory_space<hbm>>) dst(%arg7 : memref<6x56xi32, #tpu.memory_space<vmem>>)
        %dma_wait3A_82 = arith.constant 0 : i32
        %dma_wait3A_83 = arith.constant 0 : i32
        %dma_wait3A_84 = tpu.memref_slice %arg4[%add3A, %mul3A_59, %dma_wait3A_82, %dma_wait3A_83] : memref<32x42x6x56xi32, #tpu.memory_space<hbm>> -> memref<1x1x6x56xi32, #tpu.memory_space<hbm>>
        %dma_wait3A_85 = tpu.memref_squeeze %dma_wait3A_84 : memref<1x1x6x56xi32, #tpu.memory_space<hbm>> -> memref<6x56xi32, #tpu.memory_space<hbm>>
        %dma_wait3A_86 = arith.constant 0 : i32
        %dma_wait3A_87 = arith.constant 0 : i32
        %dma_wait3A_88 = tpu.memref_slice %arg4[%add3A, %mul3A_59, %dma_wait3A_86, %dma_wait3A_87] : memref<32x42x6x56xi32, #tpu.memory_space<hbm>> -> memref<1x1x6x56xi32, #tpu.memory_space<hbm>>
        %dma_wait3A_89 = tpu.memref_squeeze %dma_wait3A_88 : memref<1x1x6x56xi32, #tpu.memory_space<hbm>> -> memref<6x56xi32, #tpu.memory_space<hbm>>
        tpu.wait_dma2 semaphore(%arg20 : memref<!tpu.dma_semaphore, #tpu.memory_space<semaphore_mem>>) src(%dma_wait3A_89 : memref<6x56xi32, #tpu.memory_space<hbm>>) dst(%arg8 : memref<6x56xi32, #tpu.memory_space<vmem>>)
        %add3A_90 = arith.constant 1 : i32
        %add3A_91 = arith.addi %mul3A_59, %add3A_90 : i32
        %dma_start3A_92 = arith.constant 0 : i32
        %dma_start3A_93 = arith.constant 0 : i32
        %dma_start3A_94 = tpu.memref_slice %arg3[%add3A, %add3A_91, %dma_start3A_92, %dma_start3A_93] : memref<32x42x6x56xi32, #tpu.memory_space<hbm>> -> memref<1x1x6x56xi32, #tpu.memory_space<hbm>>
        %dma_start3A_95 = tpu.memref_squeeze %dma_start3A_94 : memref<1x1x6x56xi32, #tpu.memory_space<hbm>> -> memref<6x56xi32, #tpu.memory_space<hbm>>
        %dma_start3A_96 = arith.constant 0 : i32
        %dma_start3A_97 = arith.constant 0 : i32
        %dma_start3A_98 = tpu.memref_slice %arg3[%add3A, %add3A_91, %dma_start3A_96, %dma_start3A_97] : memref<32x42x6x56xi32, #tpu.memory_space<hbm>> -> memref<1x1x6x56xi32, #tpu.memory_space<hbm>>
        %dma_start3A_99 = tpu.memref_squeeze %dma_start3A_98 : memref<1x1x6x56xi32, #tpu.memory_space<hbm>> -> memref<6x56xi32, #tpu.memory_space<hbm>>
        tpu.enqueue_dma source(%dma_start3A_99 : memref<6x56xi32, #tpu.memory_space<hbm>>) target(%arg9 : memref<6x56xi32, #tpu.memory_space<vmem>>) target_semaphore(%arg21 : memref<!tpu.dma_semaphore, #tpu.memory_space<semaphore_mem>>)
        %dma_start3A_100 = arith.constant 0 : i32
        %dma_start3A_101 = arith.constant 0 : i32
        %dma_start3A_102 = tpu.memref_slice %arg4[%add3A, %add3A_91, %dma_start3A_100, %dma_start3A_101] : memref<32x42x6x56xi32, #tpu.memory_space<hbm>> -> memref<1x1x6x56xi32, #tpu.memory_space<hbm>>
        %dma_start3A_103 = tpu.memref_squeeze %dma_start3A_102 : memref<1x1x6x56xi32, #tpu.memory_space<hbm>> -> memref<6x56xi32, #tpu.memory_space<hbm>>
        %dma_start3A_104 = arith.constant 0 : i32
        %dma_start3A_105 = arith.constant 0 : i32
        %dma_start3A_106 = tpu.memref_slice %arg4[%add3A, %add3A_91, %dma_start3A_104, %dma_start3A_105] : memref<32x42x6x56xi32, #tpu.memory_space<hbm>> -> memref<1x1x6x56xi32, #tpu.memory_space<hbm>>
        %dma_start3A_107 = tpu.memref_squeeze %dma_start3A_106 : memref<1x1x6x56xi32, #tpu.memory_space<hbm>> -> memref<6x56xi32, #tpu.memory_space<hbm>>
        tpu.enqueue_dma source(%dma_start3A_107 : memref<6x56xi32, #tpu.memory_space<hbm>>) target(%arg10 : memref<6x56xi32, #tpu.memory_space<vmem>>) target_semaphore(%arg21 : memref<!tpu.dma_semaphore, #tpu.memory_space<semaphore_mem>>)
        %dma_start3A_108 = arith.constant 0 : i32
        %dma_start3A_109 = arith.constant 0 : i32
        %dma_start3A_110 = tpu.memref_slice %arg7[%dma_start3A_108, %dma_start3A_109] : memref<6x56xi32, #tpu.memory_space<vmem>> -> memref<1x56xi32, #tpu.memory_space<vmem>>
        %dma_start3A_111 = tpu.memref_squeeze %dma_start3A_110 : memref<1x56xi32, #tpu.memory_space<vmem>> -> memref<56xi32, #tpu.memory_space<vmem>>
        %dma_start3A_112 = arith.constant 0 : i32
        %dma_start3A_113 = arith.constant 0 : i32
        %dma_start3A_114 = tpu.memref_slice %arg2[%dma_start3A_112, %dma_start3A_113] : memref<10000x128xf32, #tpu.memory_space<hbm>> -> memref<10000x128xf32, #tpu.memory_space<hbm>>
        tpu.enqueue_indirect_dma source(%dma_start3A_114 : memref<10000x128xf32, #tpu.memory_space<hbm>>) target(%arg13 : memref<56x128xf32, #tpu.memory_space<vmem>>) offsets(%dma_start3A_111 : memref<56xi32, #tpu.memory_space<vmem>>) semaphore(%arg23 : memref<!tpu.dma_semaphore, #tpu.memory_space<semaphore_mem>>)
        %dma_start3A_115 = arith.constant 1 : i32
        %dma_start3A_116 = arith.constant 0 : i32
        %dma_start3A_117 = tpu.memref_slice %arg7[%dma_start3A_115, %dma_start3A_116] : memref<6x56xi32, #tpu.memory_space<vmem>> -> memref<1x56xi32, #tpu.memory_space<vmem>>
        %dma_start3A_118 = tpu.memref_squeeze %dma_start3A_117 : memref<1x56xi32, #tpu.memory_space<vmem>> -> memref<56xi32, #tpu.memory_space<vmem>>
        %dma_start3A_119 = arith.constant 0 : i32
        %dma_start3A_120 = arith.constant 0 : i32
        %dma_start3A_121 = tpu.memref_slice %arg2[%dma_start3A_119, %dma_start3A_120] : memref<10000x128xf32, #tpu.memory_space<hbm>> -> memref<10000x128xf32, #tpu.memory_space<hbm>>
        tpu.enqueue_indirect_dma source(%dma_start3A_121 : memref<10000x128xf32, #tpu.memory_space<hbm>>) target(%arg14 : memref<56x128xf32, #tpu.memory_space<vmem>>) offsets(%dma_start3A_118 : memref<56xi32, #tpu.memory_space<vmem>>) semaphore(%arg24 : memref<!tpu.dma_semaphore, #tpu.memory_space<semaphore_mem>>)
        %dma_start3A_122 = arith.constant 2 : i32
        %dma_start3A_123 = arith.constant 0 : i32
        %dma_start3A_124 = tpu.memref_slice %arg7[%dma_start3A_122, %dma_start3A_123] : memref<6x56xi32, #tpu.memory_space<vmem>> -> memref<1x56xi32, #tpu.memory_space<vmem>>
        %dma_start3A_125 = tpu.memref_squeeze %dma_start3A_124 : memref<1x56xi32, #tpu.memory_space<vmem>> -> memref<56xi32, #tpu.memory_space<vmem>>
        %dma_start3A_126 = arith.constant 0 : i32
        %dma_start3A_127 = arith.constant 0 : i32
        %dma_start3A_128 = tpu.memref_slice %arg2[%dma_start3A_126, %dma_start3A_127] : memref<10000x128xf32, #tpu.memory_space<hbm>> -> memref<10000x128xf32, #tpu.memory_space<hbm>>
        tpu.enqueue_indirect_dma source(%dma_start3A_128 : memref<10000x128xf32, #tpu.memory_space<hbm>>) target(%arg15 : memref<56x128xf32, #tpu.memory_space<vmem>>) offsets(%dma_start3A_125 : memref<56xi32, #tpu.memory_space<vmem>>) semaphore(%arg25 : memref<!tpu.dma_semaphore, #tpu.memory_space<semaphore_mem>>)
        %dma_start3A_129 = arith.constant 3 : i32
        %dma_start3A_130 = arith.constant 0 : i32
        %dma_start3A_131 = tpu.memref_slice %arg7[%dma_start3A_129, %dma_start3A_130] : memref<6x56xi32, #tpu.memory_space<vmem>> -> memref<1x56xi32, #tpu.memory_space<vmem>>
        %dma_start3A_132 = tpu.memref_squeeze %dma_start3A_131 : memref<1x56xi32, #tpu.memory_space<vmem>> -> memref<56xi32, #tpu.memory_space<vmem>>
        %dma_start3A_133 = arith.constant 0 : i32
        %dma_start3A_134 = arith.constant 0 : i32
        %dma_start3A_135 = tpu.memref_slice %arg2[%dma_start3A_133, %dma_start3A_134] : memref<10000x128xf32, #tpu.memory_space<hbm>> -> memref<10000x128xf32, #tpu.memory_space<hbm>>
        tpu.enqueue_indirect_dma source(%dma_start3A_135 : memref<10000x128xf32, #tpu.memory_space<hbm>>) target(%arg16 : memref<56x128xf32, #tpu.memory_space<vmem>>) offsets(%dma_start3A_132 : memref<56xi32, #tpu.memory_space<vmem>>) semaphore(%arg26 : memref<!tpu.dma_semaphore, #tpu.memory_space<semaphore_mem>>)
        %dma_start3A_136 = arith.constant 4 : i32
        %dma_start3A_137 = arith.constant 0 : i32
        %dma_start3A_138 = tpu.memref_slice %arg7[%dma_start3A_136, %dma_start3A_137] : memref<6x56xi32, #tpu.memory_space<vmem>> -> memref<1x56xi32, #tpu.memory_space<vmem>>
        %dma_start3A_139 = tpu.memref_squeeze %dma_start3A_138 : memref<1x56xi32, #tpu.memory_space<vmem>> -> memref<56xi32, #tpu.memory_space<vmem>>
        %dma_start3A_140 = arith.constant 0 : i32
        %dma_start3A_141 = arith.constant 0 : i32
        %dma_start3A_142 = tpu.memref_slice %arg2[%dma_start3A_140, %dma_start3A_141] : memref<10000x128xf32, #tpu.memory_space<hbm>> -> memref<10000x128xf32, #tpu.memory_space<hbm>>
        tpu.enqueue_indirect_dma source(%dma_start3A_142 : memref<10000x128xf32, #tpu.memory_space<hbm>>) target(%arg17 : memref<56x128xf32, #tpu.memory_space<vmem>>) offsets(%dma_start3A_139 : memref<56xi32, #tpu.memory_space<vmem>>) semaphore(%arg27 : memref<!tpu.dma_semaphore, #tpu.memory_space<semaphore_mem>>)
        %dma_start3A_143 = arith.constant 5 : i32
        %dma_start3A_144 = arith.constant 0 : i32
        %dma_start3A_145 = tpu.memref_slice %arg7[%dma_start3A_143, %dma_start3A_144] : memref<6x56xi32, #tpu.memory_space<vmem>> -> memref<1x56xi32, #tpu.memory_space<vmem>>
        %dma_start3A_146 = tpu.memref_squeeze %dma_start3A_145 : memref<1x56xi32, #tpu.memory_space<vmem>> -> memref<56xi32, #tpu.memory_space<vmem>>
        %dma_start3A_147 = arith.constant 0 : i32
        %dma_start3A_148 = arith.constant 0 : i32
        %dma_start3A_149 = tpu.memref_slice %arg2[%dma_start3A_147, %dma_start3A_148] : memref<10000x128xf32, #tpu.memory_space<hbm>> -> memref<10000x128xf32, #tpu.memory_space<hbm>>
        tpu.enqueue_indirect_dma source(%dma_start3A_149 : memref<10000x128xf32, #tpu.memory_space<hbm>>) target(%arg18 : memref<56x128xf32, #tpu.memory_space<vmem>>) offsets(%dma_start3A_146 : memref<56xi32, #tpu.memory_space<vmem>>) semaphore(%arg28 : memref<!tpu.dma_semaphore, #tpu.memory_space<semaphore_mem>>)
        %dma_wait3A_150 = arith.constant 0 : i32
        %dma_wait3A_151 = arith.constant 0 : i32
        %dma_wait3A_152 = tpu.memref_slice %arg7[%dma_wait3A_150, %dma_wait3A_151] : memref<6x56xi32, #tpu.memory_space<vmem>> -> memref<1x56xi32, #tpu.memory_space<vmem>>
        %dma_wait3A_153 = tpu.memref_squeeze %dma_wait3A_152 : memref<1x56xi32, #tpu.memory_space<vmem>> -> memref<56xi32, #tpu.memory_space<vmem>>
        %dma_wait3A_154 = arith.constant 0 : i32
        %dma_wait3A_155 = arith.constant 0 : i32
        %dma_wait3A_156 = tpu.memref_slice %arg2[%dma_wait3A_154, %dma_wait3A_155] : memref<10000x128xf32, #tpu.memory_space<hbm>> -> memref<10000x128xf32, #tpu.memory_space<hbm>>
        tpu.wait_indirect_dma semaphore(%arg23 : memref<!tpu.dma_semaphore, #tpu.memory_space<semaphore_mem>>) src(%dma_wait3A_156 : memref<10000x128xf32, #tpu.memory_space<hbm>>) dst(%arg13 : memref<56x128xf32, #tpu.memory_space<vmem>>)
        %dma_start3A_157 = arith.constant 0 : i32
        %dma_start3A_158 = arith.constant 0 : i32
        %dma_start3A_159 = tpu.memref_slice %arg8[%dma_start3A_157, %dma_start3A_158] : memref<6x56xi32, #tpu.memory_space<vmem>> -> memref<1x56xi32, #tpu.memory_space<vmem>>
        %dma_start3A_160 = tpu.memref_squeeze %dma_start3A_159 : memref<1x56xi32, #tpu.memory_space<vmem>> -> memref<56xi32, #tpu.memory_space<vmem>>
        %dma_start3A_161 = arith.constant 0 : i32
        %dma_start3A_162 = arith.constant 0 : i32
        %dma_start3A_163 = tpu.memref_slice %arg19[%dma_start3A_161, %dma_start3A_162] : memref<10112x128xf32, #tpu.memory_space<vmem_shared>> -> memref<10112x128xf32, #tpu.memory_space<vmem_shared>>
        tpu.enqueue_indirect_dma source(%arg13 : memref<56x128xf32, #tpu.memory_space<vmem>>) target(%dma_start3A_163 : memref<10112x128xf32, #tpu.memory_space<vmem_shared>>) offsets(%dma_start3A_160 : memref<56xi32, #tpu.memory_space<vmem>>) semaphore(%arg29 : memref<!tpu.dma_semaphore, #tpu.memory_space<semaphore_mem>>) {add = true}
        %dma_wait3A_164 = arith.constant 1 : i32
        %dma_wait3A_165 = arith.constant 0 : i32
        %dma_wait3A_166 = tpu.memref_slice %arg7[%dma_wait3A_164, %dma_wait3A_165] : memref<6x56xi32, #tpu.memory_space<vmem>> -> memref<1x56xi32, #tpu.memory_space<vmem>>
        %dma_wait3A_167 = tpu.memref_squeeze %dma_wait3A_166 : memref<1x56xi32, #tpu.memory_space<vmem>> -> memref<56xi32, #tpu.memory_space<vmem>>
        %dma_wait3A_168 = arith.constant 0 : i32
        %dma_wait3A_169 = arith.constant 0 : i32
        %dma_wait3A_170 = tpu.memref_slice %arg2[%dma_wait3A_168, %dma_wait3A_169] : memref<10000x128xf32, #tpu.memory_space<hbm>> -> memref<10000x128xf32, #tpu.memory_space<hbm>>
        tpu.wait_indirect_dma semaphore(%arg24 : memref<!tpu.dma_semaphore, #tpu.memory_space<semaphore_mem>>) src(%dma_wait3A_170 : memref<10000x128xf32, #tpu.memory_space<hbm>>) dst(%arg14 : memref<56x128xf32, #tpu.memory_space<vmem>>)
        %dma_start3A_171 = arith.constant 1 : i32
        %dma_start3A_172 = arith.constant 0 : i32
        %dma_start3A_173 = tpu.memref_slice %arg8[%dma_start3A_171, %dma_start3A_172] : memref<6x56xi32, #tpu.memory_space<vmem>> -> memref<1x56xi32, #tpu.memory_space<vmem>>
        %dma_start3A_174 = tpu.memref_squeeze %dma_start3A_173 : memref<1x56xi32, #tpu.memory_space<vmem>> -> memref<56xi32, #tpu.memory_space<vmem>>
        %dma_start3A_175 = arith.constant 0 : i32
        %dma_start3A_176 = arith.constant 0 : i32
        %dma_start3A_177 = tpu.memref_slice %arg19[%dma_start3A_175, %dma_start3A_176] : memref<10112x128xf32, #tpu.memory_space<vmem_shared>> -> memref<10112x128xf32, #tpu.memory_space<vmem_shared>>
        tpu.enqueue_indirect_dma source(%arg14 : memref<56x128xf32, #tpu.memory_space<vmem>>) target(%dma_start3A_177 : memref<10112x128xf32, #tpu.memory_space<vmem_shared>>) offsets(%dma_start3A_174 : memref<56xi32, #tpu.memory_space<vmem>>) semaphore(%arg29 : memref<!tpu.dma_semaphore, #tpu.memory_space<semaphore_mem>>) {add = true}
        %dma_wait3A_178 = arith.constant 2 : i32
        %dma_wait3A_179 = arith.constant 0 : i32
        %dma_wait3A_180 = tpu.memref_slice %arg7[%dma_wait3A_178, %dma_wait3A_179] : memref<6x56xi32, #tpu.memory_space<vmem>> -> memref<1x56xi32, #tpu.memory_space<vmem>>
        %dma_wait3A_181 = tpu.memref_squeeze %dma_wait3A_180 : memref<1x56xi32, #tpu.memory_space<vmem>> -> memref<56xi32, #tpu.memory_space<vmem>>
        %dma_wait3A_182 = arith.constant 0 : i32
        %dma_wait3A_183 = arith.constant 0 : i32
        %dma_wait3A_184 = tpu.memref_slice %arg2[%dma_wait3A_182, %dma_wait3A_183] : memref<10000x128xf32, #tpu.memory_space<hbm>> -> memref<10000x128xf32, #tpu.memory_space<hbm>>
        tpu.wait_indirect_dma semaphore(%arg25 : memref<!tpu.dma_semaphore, #tpu.memory_space<semaphore_mem>>) src(%dma_wait3A_184 : memref<10000x128xf32, #tpu.memory_space<hbm>>) dst(%arg15 : memref<56x128xf32, #tpu.memory_space<vmem>>)
        %dma_start3A_185 = arith.constant 2 : i32
        %dma_start3A_186 = arith.constant 0 : i32
        %dma_start3A_187 = tpu.memref_slice %arg8[%dma_start3A_185, %dma_start3A_186] : memref<6x56xi32, #tpu.memory_space<vmem>> -> memref<1x56xi32, #tpu.memory_space<vmem>>
        %dma_start3A_188 = tpu.memref_squeeze %dma_start3A_187 : memref<1x56xi32, #tpu.memory_space<vmem>> -> memref<56xi32, #tpu.memory_space<vmem>>
        %dma_start3A_189 = arith.constant 0 : i32
        %dma_start3A_190 = arith.constant 0 : i32
        %dma_start3A_191 = tpu.memref_slice %arg19[%dma_start3A_189, %dma_start3A_190] : memref<10112x128xf32, #tpu.memory_space<vmem_shared>> -> memref<10112x128xf32, #tpu.memory_space<vmem_shared>>
        tpu.enqueue_indirect_dma source(%arg15 : memref<56x128xf32, #tpu.memory_space<vmem>>) target(%dma_start3A_191 : memref<10112x128xf32, #tpu.memory_space<vmem_shared>>) offsets(%dma_start3A_188 : memref<56xi32, #tpu.memory_space<vmem>>) semaphore(%arg29 : memref<!tpu.dma_semaphore, #tpu.memory_space<semaphore_mem>>) {add = true}
        %dma_wait3A_192 = arith.constant 3 : i32
        %dma_wait3A_193 = arith.constant 0 : i32
        %dma_wait3A_194 = tpu.memref_slice %arg7[%dma_wait3A_192, %dma_wait3A_193] : memref<6x56xi32, #tpu.memory_space<vmem>> -> memref<1x56xi32, #tpu.memory_space<vmem>>
        %dma_wait3A_195 = tpu.memref_squeeze %dma_wait3A_194 : memref<1x56xi32, #tpu.memory_space<vmem>> -> memref<56xi32, #tpu.memory_space<vmem>>
        %dma_wait3A_196 = arith.constant 0 : i32
        %dma_wait3A_197 = arith.constant 0 : i32
        %dma_wait3A_198 = tpu.memref_slice %arg2[%dma_wait3A_196, %dma_wait3A_197] : memref<10000x128xf32, #tpu.memory_space<hbm>> -> memref<10000x128xf32, #tpu.memory_space<hbm>>
        tpu.wait_indirect_dma semaphore(%arg26 : memref<!tpu.dma_semaphore, #tpu.memory_space<semaphore_mem>>) src(%dma_wait3A_198 : memref<10000x128xf32, #tpu.memory_space<hbm>>) dst(%arg16 : memref<56x128xf32, #tpu.memory_space<vmem>>)
        %dma_start3A_199 = arith.constant 3 : i32
        %dma_start3A_200 = arith.constant 0 : i32
        %dma_start3A_201 = tpu.memref_slice %arg8[%dma_start3A_199, %dma_start3A_200] : memref<6x56xi32, #tpu.memory_space<vmem>> -> memref<1x56xi32, #tpu.memory_space<vmem>>
        %dma_start3A_202 = tpu.memref_squeeze %dma_start3A_201 : memref<1x56xi32, #tpu.memory_space<vmem>> -> memref<56xi32, #tpu.memory_space<vmem>>
        %dma_start3A_203 = arith.constant 0 : i32
        %dma_start3A_204 = arith.constant 0 : i32
        %dma_start3A_205 = tpu.memref_slice %arg19[%dma_start3A_203, %dma_start3A_204] : memref<10112x128xf32, #tpu.memory_space<vmem_shared>> -> memref<10112x128xf32, #tpu.memory_space<vmem_shared>>
        tpu.enqueue_indirect_dma source(%arg16 : memref<56x128xf32, #tpu.memory_space<vmem>>) target(%dma_start3A_205 : memref<10112x128xf32, #tpu.memory_space<vmem_shared>>) offsets(%dma_start3A_202 : memref<56xi32, #tpu.memory_space<vmem>>) semaphore(%arg29 : memref<!tpu.dma_semaphore, #tpu.memory_space<semaphore_mem>>) {add = true}
        %dma_wait3A_206 = arith.constant 4 : i32
        %dma_wait3A_207 = arith.constant 0 : i32
        %dma_wait3A_208 = tpu.memref_slice %arg7[%dma_wait3A_206, %dma_wait3A_207] : memref<6x56xi32, #tpu.memory_space<vmem>> -> memref<1x56xi32, #tpu.memory_space<vmem>>
        %dma_wait3A_209 = tpu.memref_squeeze %dma_wait3A_208 : memref<1x56xi32, #tpu.memory_space<vmem>> -> memref<56xi32, #tpu.memory_space<vmem>>
        %dma_wait3A_210 = arith.constant 0 : i32
        %dma_wait3A_211 = arith.constant 0 : i32
        %dma_wait3A_212 = tpu.memref_slice %arg2[%dma_wait3A_210, %dma_wait3A_211] : memref<10000x128xf32, #tpu.memory_space<hbm>> -> memref<10000x128xf32, #tpu.memory_space<hbm>>
        tpu.wait_indirect_dma semaphore(%arg27 : memref<!tpu.dma_semaphore, #tpu.memory_space<semaphore_mem>>) src(%dma_wait3A_212 : memref<10000x128xf32, #tpu.memory_space<hbm>>) dst(%arg17 : memref<56x128xf32, #tpu.memory_space<vmem>>)
        %dma_start3A_213 = arith.constant 4 : i32
        %dma_start3A_214 = arith.constant 0 : i32
        %dma_start3A_215 = tpu.memref_slice %arg8[%dma_start3A_213, %dma_start3A_214] : memref<6x56xi32, #tpu.memory_space<vmem>> -> memref<1x56xi32, #tpu.memory_space<vmem>>
        %dma_start3A_216 = tpu.memref_squeeze %dma_start3A_215 : memref<1x56xi32, #tpu.memory_space<vmem>> -> memref<56xi32, #tpu.memory_space<vmem>>
        %dma_start3A_217 = arith.constant 0 : i32
        %dma_start3A_218 = arith.constant 0 : i32
        %dma_start3A_219 = tpu.memref_slice %arg19[%dma_start3A_217, %dma_start3A_218] : memref<10112x128xf32, #tpu.memory_space<vmem_shared>> -> memref<10112x128xf32, #tpu.memory_space<vmem_shared>>
        tpu.enqueue_indirect_dma source(%arg17 : memref<56x128xf32, #tpu.memory_space<vmem>>) target(%dma_start3A_219 : memref<10112x128xf32, #tpu.memory_space<vmem_shared>>) offsets(%dma_start3A_216 : memref<56xi32, #tpu.memory_space<vmem>>) semaphore(%arg29 : memref<!tpu.dma_semaphore, #tpu.memory_space<semaphore_mem>>) {add = true}
        %dma_wait3A_220 = arith.constant 5 : i32
        %dma_wait3A_221 = arith.constant 0 : i32
        %dma_wait3A_222 = tpu.memref_slice %arg7[%dma_wait3A_220, %dma_wait3A_221] : memref<6x56xi32, #tpu.memory_space<vmem>> -> memref<1x56xi32, #tpu.memory_space<vmem>>
        %dma_wait3A_223 = tpu.memref_squeeze %dma_wait3A_222 : memref<1x56xi32, #tpu.memory_space<vmem>> -> memref<56xi32, #tpu.memory_space<vmem>>
        %dma_wait3A_224 = arith.constant 0 : i32
        %dma_wait3A_225 = arith.constant 0 : i32
        %dma_wait3A_226 = tpu.memref_slice %arg2[%dma_wait3A_224, %dma_wait3A_225] : memref<10000x128xf32, #tpu.memory_space<hbm>> -> memref<10000x128xf32, #tpu.memory_space<hbm>>
        tpu.wait_indirect_dma semaphore(%arg28 : memref<!tpu.dma_semaphore, #tpu.memory_space<semaphore_mem>>) src(%dma_wait3A_226 : memref<10000x128xf32, #tpu.memory_space<hbm>>) dst(%arg18 : memref<56x128xf32, #tpu.memory_space<vmem>>)
        %dma_start3A_227 = arith.constant 5 : i32
        %dma_start3A_228 = arith.constant 0 : i32
        %dma_start3A_229 = tpu.memref_slice %arg8[%dma_start3A_227, %dma_start3A_228] : memref<6x56xi32, #tpu.memory_space<vmem>> -> memref<1x56xi32, #tpu.memory_space<vmem>>
        %dma_start3A_230 = tpu.memref_squeeze %dma_start3A_229 : memref<1x56xi32, #tpu.memory_space<vmem>> -> memref<56xi32, #tpu.memory_space<vmem>>
        %dma_start3A_231 = arith.constant 0 : i32
        %dma_start3A_232 = arith.constant 0 : i32
        %dma_start3A_233 = tpu.memref_slice %arg19[%dma_start3A_231, %dma_start3A_232] : memref<10112x128xf32, #tpu.memory_space<vmem_shared>> -> memref<10112x128xf32, #tpu.memory_space<vmem_shared>>
        tpu.enqueue_indirect_dma source(%arg18 : memref<56x128xf32, #tpu.memory_space<vmem>>) target(%dma_start3A_233 : memref<10112x128xf32, #tpu.memory_space<vmem_shared>>) offsets(%dma_start3A_230 : memref<56xi32, #tpu.memory_space<vmem>>) semaphore(%arg29 : memref<!tpu.dma_semaphore, #tpu.memory_space<semaphore_mem>>) {add = true}
        %dma_wait3A_234 = arith.constant 0 : i32
        %dma_wait3A_235 = arith.constant 0 : i32
        %dma_wait3A_236 = tpu.memref_slice %arg3[%add3A, %add3A_91, %dma_wait3A_234, %dma_wait3A_235] : memref<32x42x6x56xi32, #tpu.memory_space<hbm>> -> memref<1x1x6x56xi32, #tpu.memory_space<hbm>>
        %dma_wait3A_237 = tpu.memref_squeeze %dma_wait3A_236 : memref<1x1x6x56xi32, #tpu.memory_space<hbm>> -> memref<6x56xi32, #tpu.memory_space<hbm>>
        %dma_wait3A_238 = arith.constant 0 : i32
        %dma_wait3A_239 = arith.constant 0 : i32
        %dma_wait3A_240 = tpu.memref_slice %arg3[%add3A, %add3A_91, %dma_wait3A_238, %dma_wait3A_239] : memref<32x42x6x56xi32, #tpu.memory_space<hbm>> -> memref<1x1x6x56xi32, #tpu.memory_space<hbm>>
        %dma_wait3A_241 = tpu.memref_squeeze %dma_wait3A_240 : memref<1x1x6x56xi32, #tpu.memory_space<hbm>> -> memref<6x56xi32, #tpu.memory_space<hbm>>
        tpu.wait_dma2 semaphore(%arg21 : memref<!tpu.dma_semaphore, #tpu.memory_space<semaphore_mem>>) src(%dma_wait3A_241 : memref<6x56xi32, #tpu.memory_space<hbm>>) dst(%arg9 : memref<6x56xi32, #tpu.memory_space<vmem>>)
        %dma_wait3A_242 = arith.constant 0 : i32
        %dma_wait3A_243 = arith.constant 0 : i32
        %dma_wait3A_244 = tpu.memref_slice %arg4[%add3A, %add3A_91, %dma_wait3A_242, %dma_wait3A_243] : memref<32x42x6x56xi32, #tpu.memory_space<hbm>> -> memref<1x1x6x56xi32, #tpu.memory_space<hbm>>
        %dma_wait3A_245 = tpu.memref_squeeze %dma_wait3A_244 : memref<1x1x6x56xi32, #tpu.memory_space<hbm>> -> memref<6x56xi32, #tpu.memory_space<hbm>>
        %dma_wait3A_246 = arith.constant 0 : i32
        %dma_wait3A_247 = arith.constant 0 : i32
        %dma_wait3A_248 = tpu.memref_slice %arg4[%add3A, %add3A_91, %dma_wait3A_246, %dma_wait3A_247] : memref<32x42x6x56xi32, #tpu.memory_space<hbm>> -> memref<1x1x6x56xi32, #tpu.memory_space<hbm>>
        %dma_wait3A_249 = tpu.memref_squeeze %dma_wait3A_248 : memref<1x1x6x56xi32, #tpu.memory_space<hbm>> -> memref<6x56xi32, #tpu.memory_space<hbm>>
        tpu.wait_dma2 semaphore(%arg21 : memref<!tpu.dma_semaphore, #tpu.memory_space<semaphore_mem>>) src(%dma_wait3A_249 : memref<6x56xi32, #tpu.memory_space<hbm>>) dst(%arg10 : memref<6x56xi32, #tpu.memory_space<vmem>>)
        %add3A_250 = arith.constant 2 : i32
        %add3A_251 = arith.addi %mul3A_59, %add3A_250 : i32
        %dma_start3A_252 = arith.constant 0 : i32
        %dma_start3A_253 = arith.constant 0 : i32
        %dma_start3A_254 = tpu.memref_slice %arg3[%add3A, %add3A_251, %dma_start3A_252, %dma_start3A_253] : memref<32x42x6x56xi32, #tpu.memory_space<hbm>> -> memref<1x1x6x56xi32, #tpu.memory_space<hbm>>
        %dma_start3A_255 = tpu.memref_squeeze %dma_start3A_254 : memref<1x1x6x56xi32, #tpu.memory_space<hbm>> -> memref<6x56xi32, #tpu.memory_space<hbm>>
        %dma_start3A_256 = arith.constant 0 : i32
        %dma_start3A_257 = arith.constant 0 : i32
        %dma_start3A_258 = tpu.memref_slice %arg3[%add3A, %add3A_251, %dma_start3A_256, %dma_start3A_257] : memref<32x42x6x56xi32, #tpu.memory_space<hbm>> -> memref<1x1x6x56xi32, #tpu.memory_space<hbm>>
        %dma_start3A_259 = tpu.memref_squeeze %dma_start3A_258 : memref<1x1x6x56xi32, #tpu.memory_space<hbm>> -> memref<6x56xi32, #tpu.memory_space<hbm>>
        tpu.enqueue_dma source(%dma_start3A_259 : memref<6x56xi32, #tpu.memory_space<hbm>>) target(%arg11 : memref<6x56xi32, #tpu.memory_space<vmem>>) target_semaphore(%arg22 : memref<!tpu.dma_semaphore, #tpu.memory_space<semaphore_mem>>)
        %dma_start3A_260 = arith.constant 0 : i32
        %dma_start3A_261 = arith.constant 0 : i32
        %dma_start3A_262 = tpu.memref_slice %arg4[%add3A, %add3A_251, %dma_start3A_260, %dma_start3A_261] : memref<32x42x6x56xi32, #tpu.memory_space<hbm>> -> memref<1x1x6x56xi32, #tpu.memory_space<hbm>>
        %dma_start3A_263 = tpu.memref_squeeze %dma_start3A_262 : memref<1x1x6x56xi32, #tpu.memory_space<hbm>> -> memref<6x56xi32, #tpu.memory_space<hbm>>
        %dma_start3A_264 = arith.constant 0 : i32
        %dma_start3A_265 = arith.constant 0 : i32
        %dma_start3A_266 = tpu.memref_slice %arg4[%add3A, %add3A_251, %dma_start3A_264, %dma_start3A_265] : memref<32x42x6x56xi32, #tpu.memory_space<hbm>> -> memref<1x1x6x56xi32, #tpu.memory_space<hbm>>
        %dma_start3A_267 = tpu.memref_squeeze %dma_start3A_266 : memref<1x1x6x56xi32, #tpu.memory_space<hbm>> -> memref<6x56xi32, #tpu.memory_space<hbm>>
        tpu.enqueue_dma source(%dma_start3A_267 : memref<6x56xi32, #tpu.memory_space<hbm>>) target(%arg12 : memref<6x56xi32, #tpu.memory_space<vmem>>) target_semaphore(%arg22 : memref<!tpu.dma_semaphore, #tpu.memory_space<semaphore_mem>>)
        %dma_wait3A_268 = arith.constant 0 : i32
        %dma_wait3A_269 = arith.constant 0 : i32
        %dma_wait3A_270 = tpu.memref_slice %arg8[%dma_wait3A_268, %dma_wait3A_269] : memref<6x56xi32, #tpu.memory_space<vmem>> -> memref<1x56xi32, #tpu.memory_space<vmem>>
        %dma_wait3A_271 = tpu.memref_squeeze %dma_wait3A_270 : memref<1x56xi32, #tpu.memory_space<vmem>> -> memref<56xi32, #tpu.memory_space<vmem>>
        %dma_wait3A_272 = arith.constant 0 : i32
        %dma_wait3A_273 = arith.constant 0 : i32
        %dma_wait3A_274 = tpu.memref_slice %arg19[%dma_wait3A_272, %dma_wait3A_273] : memref<10112x128xf32, #tpu.memory_space<vmem_shared>> -> memref<10112x128xf32, #tpu.memory_space<vmem_shared>>
        tpu.wait_indirect_dma semaphore(%arg29 : memref<!tpu.dma_semaphore, #tpu.memory_space<semaphore_mem>>) src(%arg13 : memref<56x128xf32, #tpu.memory_space<vmem>>) dst(%dma_wait3A_274 : memref<10112x128xf32, #tpu.memory_space<vmem_shared>>)
        %dma_start3A_275 = arith.constant 0 : i32
        %dma_start3A_276 = arith.constant 0 : i32
        %dma_start3A_277 = tpu.memref_slice %arg9[%dma_start3A_275, %dma_start3A_276] : memref<6x56xi32, #tpu.memory_space<vmem>> -> memref<1x56xi32, #tpu.memory_space<vmem>>
        %dma_start3A_278 = tpu.memref_squeeze %dma_start3A_277 : memref<1x56xi32, #tpu.memory_space<vmem>> -> memref<56xi32, #tpu.memory_space<vmem>>
        %dma_start3A_279 = arith.constant 0 : i32
        %dma_start3A_280 = arith.constant 0 : i32
        %dma_start3A_281 = tpu.memref_slice %arg2[%dma_start3A_279, %dma_start3A_280] : memref<10000x128xf32, #tpu.memory_space<hbm>> -> memref<10000x128xf32, #tpu.memory_space<hbm>>
        tpu.enqueue_indirect_dma source(%dma_start3A_281 : memref<10000x128xf32, #tpu.memory_space<hbm>>) target(%arg13 : memref<56x128xf32, #tpu.memory_space<vmem>>) offsets(%dma_start3A_278 : memref<56xi32, #tpu.memory_space<vmem>>) semaphore(%arg23 : memref<!tpu.dma_semaphore, #tpu.memory_space<semaphore_mem>>)
        %dma_wait3A_282 = arith.constant 1 : i32
        %dma_wait3A_283 = arith.constant 0 : i32
        %dma_wait3A_284 = tpu.memref_slice %arg8[%dma_wait3A_282, %dma_wait3A_283] : memref<6x56xi32, #tpu.memory_space<vmem>> -> memref<1x56xi32, #tpu.memory_space<vmem>>
        %dma_wait3A_285 = tpu.memref_squeeze %dma_wait3A_284 : memref<1x56xi32, #tpu.memory_space<vmem>> -> memref<56xi32, #tpu.memory_space<vmem>>
        %dma_wait3A_286 = arith.constant 0 : i32
        %dma_wait3A_287 = arith.constant 0 : i32
        %dma_wait3A_288 = tpu.memref_slice %arg19[%dma_wait3A_286, %dma_wait3A_287] : memref<10112x128xf32, #tpu.memory_space<vmem_shared>> -> memref<10112x128xf32, #tpu.memory_space<vmem_shared>>
        tpu.wait_indirect_dma semaphore(%arg29 : memref<!tpu.dma_semaphore, #tpu.memory_space<semaphore_mem>>) src(%arg14 : memref<56x128xf32, #tpu.memory_space<vmem>>) dst(%dma_wait3A_288 : memref<10112x128xf32, #tpu.memory_space<vmem_shared>>)
        %dma_start3A_289 = arith.constant 1 : i32
        %dma_start3A_290 = arith.constant 0 : i32
        %dma_start3A_291 = tpu.memref_slice %arg9[%dma_start3A_289, %dma_start3A_290] : memref<6x56xi32, #tpu.memory_space<vmem>> -> memref<1x56xi32, #tpu.memory_space<vmem>>
        %dma_start3A_292 = tpu.memref_squeeze %dma_start3A_291 : memref<1x56xi32, #tpu.memory_space<vmem>> -> memref<56xi32, #tpu.memory_space<vmem>>
        %dma_start3A_293 = arith.constant 0 : i32
        %dma_start3A_294 = arith.constant 0 : i32
        %dma_start3A_295 = tpu.memref_slice %arg2[%dma_start3A_293, %dma_start3A_294] : memref<10000x128xf32, #tpu.memory_space<hbm>> -> memref<10000x128xf32, #tpu.memory_space<hbm>>
        tpu.enqueue_indirect_dma source(%dma_start3A_295 : memref<10000x128xf32, #tpu.memory_space<hbm>>) target(%arg14 : memref<56x128xf32, #tpu.memory_space<vmem>>) offsets(%dma_start3A_292 : memref<56xi32, #tpu.memory_space<vmem>>) semaphore(%arg24 : memref<!tpu.dma_semaphore, #tpu.memory_space<semaphore_mem>>)
        %dma_wait3A_296 = arith.constant 2 : i32
        %dma_wait3A_297 = arith.constant 0 : i32
        %dma_wait3A_298 = tpu.memref_slice %arg8[%dma_wait3A_296, %dma_wait3A_297] : memref<6x56xi32, #tpu.memory_space<vmem>> -> memref<1x56xi32, #tpu.memory_space<vmem>>
        %dma_wait3A_299 = tpu.memref_squeeze %dma_wait3A_298 : memref<1x56xi32, #tpu.memory_space<vmem>> -> memref<56xi32, #tpu.memory_space<vmem>>
        %dma_wait3A_300 = arith.constant 0 : i32
        %dma_wait3A_301 = arith.constant 0 : i32
        %dma_wait3A_302 = tpu.memref_slice %arg19[%dma_wait3A_300, %dma_wait3A_301] : memref<10112x128xf32, #tpu.memory_space<vmem_shared>> -> memref<10112x128xf32, #tpu.memory_space<vmem_shared>>
        tpu.wait_indirect_dma semaphore(%arg29 : memref<!tpu.dma_semaphore, #tpu.memory_space<semaphore_mem>>) src(%arg15 : memref<56x128xf32, #tpu.memory_space<vmem>>) dst(%dma_wait3A_302 : memref<10112x128xf32, #tpu.memory_space<vmem_shared>>)
        %dma_start3A_303 = arith.constant 2 : i32
        %dma_start3A_304 = arith.constant 0 : i32
        %dma_start3A_305 = tpu.memref_slice %arg9[%dma_start3A_303, %dma_start3A_304] : memref<6x56xi32, #tpu.memory_space<vmem>> -> memref<1x56xi32, #tpu.memory_space<vmem>>
        %dma_start3A_306 = tpu.memref_squeeze %dma_start3A_305 : memref<1x56xi32, #tpu.memory_space<vmem>> -> memref<56xi32, #tpu.memory_space<vmem>>
        %dma_start3A_307 = arith.constant 0 : i32
        %dma_start3A_308 = arith.constant 0 : i32
        %dma_start3A_309 = tpu.memref_slice %arg2[%dma_start3A_307, %dma_start3A_308] : memref<10000x128xf32, #tpu.memory_space<hbm>> -> memref<10000x128xf32, #tpu.memory_space<hbm>>
        tpu.enqueue_indirect_dma source(%dma_start3A_309 : memref<10000x128xf32, #tpu.memory_space<hbm>>) target(%arg15 : memref<56x128xf32, #tpu.memory_space<vmem>>) offsets(%dma_start3A_306 : memref<56xi32, #tpu.memory_space<vmem>>) semaphore(%arg25 : memref<!tpu.dma_semaphore, #tpu.memory_space<semaphore_mem>>)
        %dma_wait3A_310 = arith.constant 3 : i32
        %dma_wait3A_311 = arith.constant 0 : i32
        %dma_wait3A_312 = tpu.memref_slice %arg8[%dma_wait3A_310, %dma_wait3A_311] : memref<6x56xi32, #tpu.memory_space<vmem>> -> memref<1x56xi32, #tpu.memory_space<vmem>>
        %dma_wait3A_313 = tpu.memref_squeeze %dma_wait3A_312 : memref<1x56xi32, #tpu.memory_space<vmem>> -> memref<56xi32, #tpu.memory_space<vmem>>
        %dma_wait3A_314 = arith.constant 0 : i32
        %dma_wait3A_315 = arith.constant 0 : i32
        %dma_wait3A_316 = tpu.memref_slice %arg19[%dma_wait3A_314, %dma_wait3A_315] : memref<10112x128xf32, #tpu.memory_space<vmem_shared>> -> memref<10112x128xf32, #tpu.memory_space<vmem_shared>>
        tpu.wait_indirect_dma semaphore(%arg29 : memref<!tpu.dma_semaphore, #tpu.memory_space<semaphore_mem>>) src(%arg16 : memref<56x128xf32, #tpu.memory_space<vmem>>) dst(%dma_wait3A_316 : memref<10112x128xf32, #tpu.memory_space<vmem_shared>>)
        %dma_start3A_317 = arith.constant 3 : i32
        %dma_start3A_318 = arith.constant 0 : i32
        %dma_start3A_319 = tpu.memref_slice %arg9[%dma_start3A_317, %dma_start3A_318] : memref<6x56xi32, #tpu.memory_space<vmem>> -> memref<1x56xi32, #tpu.memory_space<vmem>>
        %dma_start3A_320 = tpu.memref_squeeze %dma_start3A_319 : memref<1x56xi32, #tpu.memory_space<vmem>> -> memref<56xi32, #tpu.memory_space<vmem>>
        %dma_start3A_321 = arith.constant 0 : i32
        %dma_start3A_322 = arith.constant 0 : i32
        %dma_start3A_323 = tpu.memref_slice %arg2[%dma_start3A_321, %dma_start3A_322] : memref<10000x128xf32, #tpu.memory_space<hbm>> -> memref<10000x128xf32, #tpu.memory_space<hbm>>
        tpu.enqueue_indirect_dma source(%dma_start3A_323 : memref<10000x128xf32, #tpu.memory_space<hbm>>) target(%arg16 : memref<56x128xf32, #tpu.memory_space<vmem>>) offsets(%dma_start3A_320 : memref<56xi32, #tpu.memory_space<vmem>>) semaphore(%arg26 : memref<!tpu.dma_semaphore, #tpu.memory_space<semaphore_mem>>)
        %dma_wait3A_324 = arith.constant 4 : i32
        %dma_wait3A_325 = arith.constant 0 : i32
        %dma_wait3A_326 = tpu.memref_slice %arg8[%dma_wait3A_324, %dma_wait3A_325] : memref<6x56xi32, #tpu.memory_space<vmem>> -> memref<1x56xi32, #tpu.memory_space<vmem>>
        %dma_wait3A_327 = tpu.memref_squeeze %dma_wait3A_326 : memref<1x56xi32, #tpu.memory_space<vmem>> -> memref<56xi32, #tpu.memory_space<vmem>>
        %dma_wait3A_328 = arith.constant 0 : i32
        %dma_wait3A_329 = arith.constant 0 : i32
        %dma_wait3A_330 = tpu.memref_slice %arg19[%dma_wait3A_328, %dma_wait3A_329] : memref<10112x128xf32, #tpu.memory_space<vmem_shared>> -> memref<10112x128xf32, #tpu.memory_space<vmem_shared>>
        tpu.wait_indirect_dma semaphore(%arg29 : memref<!tpu.dma_semaphore, #tpu.memory_space<semaphore_mem>>) src(%arg17 : memref<56x128xf32, #tpu.memory_space<vmem>>) dst(%dma_wait3A_330 : memref<10112x128xf32, #tpu.memory_space<vmem_shared>>)
        %dma_start3A_331 = arith.constant 4 : i32
        %dma_start3A_332 = arith.constant 0 : i32
        %dma_start3A_333 = tpu.memref_slice %arg9[%dma_start3A_331, %dma_start3A_332] : memref<6x56xi32, #tpu.memory_space<vmem>> -> memref<1x56xi32, #tpu.memory_space<vmem>>
        %dma_start3A_334 = tpu.memref_squeeze %dma_start3A_333 : memref<1x56xi32, #tpu.memory_space<vmem>> -> memref<56xi32, #tpu.memory_space<vmem>>
        %dma_start3A_335 = arith.constant 0 : i32
        %dma_start3A_336 = arith.constant 0 : i32
        %dma_start3A_337 = tpu.memref_slice %arg2[%dma_start3A_335, %dma_start3A_336] : memref<10000x128xf32, #tpu.memory_space<hbm>> -> memref<10000x128xf32, #tpu.memory_space<hbm>>
        tpu.enqueue_indirect_dma source(%dma_start3A_337 : memref<10000x128xf32, #tpu.memory_space<hbm>>) target(%arg17 : memref<56x128xf32, #tpu.memory_space<vmem>>) offsets(%dma_start3A_334 : memref<56xi32, #tpu.memory_space<vmem>>) semaphore(%arg27 : memref<!tpu.dma_semaphore, #tpu.memory_space<semaphore_mem>>)
        %dma_wait3A_338 = arith.constant 5 : i32
        %dma_wait3A_339 = arith.constant 0 : i32
        %dma_wait3A_340 = tpu.memref_slice %arg8[%dma_wait3A_338, %dma_wait3A_339] : memref<6x56xi32, #tpu.memory_space<vmem>> -> memref<1x56xi32, #tpu.memory_space<vmem>>
        %dma_wait3A_341 = tpu.memref_squeeze %dma_wait3A_340 : memref<1x56xi32, #tpu.memory_space<vmem>> -> memref<56xi32, #tpu.memory_space<vmem>>
        %dma_wait3A_342 = arith.constant 0 : i32
        %dma_wait3A_343 = arith.constant 0 : i32
        %dma_wait3A_344 = tpu.memref_slice %arg19[%dma_wait3A_342, %dma_wait3A_343] : memref<10112x128xf32, #tpu.memory_space<vmem_shared>> -> memref<10112x128xf32, #tpu.memory_space<vmem_shared>>
        tpu.wait_indirect_dma semaphore(%arg29 : memref<!tpu.dma_semaphore, #tpu.memory_space<semaphore_mem>>) src(%arg18 : memref<56x128xf32, #tpu.memory_space<vmem>>) dst(%dma_wait3A_344 : memref<10112x128xf32, #tpu.memory_space<vmem_shared>>)
        %dma_start3A_345 = arith.constant 5 : i32
        %dma_start3A_346 = arith.constant 0 : i32
        %dma_start3A_347 = tpu.memref_slice %arg9[%dma_start3A_345, %dma_start3A_346] : memref<6x56xi32, #tpu.memory_space<vmem>> -> memref<1x56xi32, #tpu.memory_space<vmem>>
        %dma_start3A_348 = tpu.memref_squeeze %dma_start3A_347 : memref<1x56xi32, #tpu.memory_space<vmem>> -> memref<56xi32, #tpu.memory_space<vmem>>
        %dma_start3A_349 = arith.constant 0 : i32
        %dma_start3A_350 = arith.constant 0 : i32
        %dma_start3A_351 = tpu.memref_slice %arg2[%dma_start3A_349, %dma_start3A_350] : memref<10000x128xf32, #tpu.memory_space<hbm>> -> memref<10000x128xf32, #tpu.memory_space<hbm>>
        tpu.enqueue_indirect_dma source(%dma_start3A_351 : memref<10000x128xf32, #tpu.memory_space<hbm>>) target(%arg18 : memref<56x128xf32, #tpu.memory_space<vmem>>) offsets(%dma_start3A_348 : memref<56xi32, #tpu.memory_space<vmem>>) semaphore(%arg28 : memref<!tpu.dma_semaphore, #tpu.memory_space<semaphore_mem>>)
        %dma_wait3A_352 = arith.constant 0 : i32
        %dma_wait3A_353 = arith.constant 0 : i32
        %dma_wait3A_354 = tpu.memref_slice %arg9[%dma_wait3A_352, %dma_wait3A_353] : memref<6x56xi32, #tpu.memory_space<vmem>> -> memref<1x56xi32, #tpu.memory_space<vmem>>
        %dma_wait3A_355 = tpu.memref_squeeze %dma_wait3A_354 : memref<1x56xi32, #tpu.memory_space<vmem>> -> memref<56xi32, #tpu.memory_space<vmem>>
        %dma_wait3A_356 = arith.constant 0 : i32
        %dma_wait3A_357 = arith.constant 0 : i32
        %dma_wait3A_358 = tpu.memref_slice %arg2[%dma_wait3A_356, %dma_wait3A_357] : memref<10000x128xf32, #tpu.memory_space<hbm>> -> memref<10000x128xf32, #tpu.memory_space<hbm>>
        tpu.wait_indirect_dma semaphore(%arg23 : memref<!tpu.dma_semaphore, #tpu.memory_space<semaphore_mem>>) src(%dma_wait3A_358 : memref<10000x128xf32, #tpu.memory_space<hbm>>) dst(%arg13 : memref<56x128xf32, #tpu.memory_space<vmem>>)
        %dma_start3A_359 = arith.constant 0 : i32
        %dma_start3A_360 = arith.constant 0 : i32
        %dma_start3A_361 = tpu.memref_slice %arg10[%dma_start3A_359, %dma_start3A_360] : memref<6x56xi32, #tpu.memory_space<vmem>> -> memref<1x56xi32, #tpu.memory_space<vmem>>
        %dma_start3A_362 = tpu.memref_squeeze %dma_start3A_361 : memref<1x56xi32, #tpu.memory_space<vmem>> -> memref<56xi32, #tpu.memory_space<vmem>>
        %dma_start3A_363 = arith.constant 0 : i32
        %dma_start3A_364 = arith.constant 0 : i32
        %dma_start3A_365 = tpu.memref_slice %arg19[%dma_start3A_363, %dma_start3A_364] : memref<10112x128xf32, #tpu.memory_space<vmem_shared>> -> memref<10112x128xf32, #tpu.memory_space<vmem_shared>>
        tpu.enqueue_indirect_dma source(%arg13 : memref<56x128xf32, #tpu.memory_space<vmem>>) target(%dma_start3A_365 : memref<10112x128xf32, #tpu.memory_space<vmem_shared>>) offsets(%dma_start3A_362 : memref<56xi32, #tpu.memory_space<vmem>>) semaphore(%arg29 : memref<!tpu.dma_semaphore, #tpu.memory_space<semaphore_mem>>) {add = true}
        %dma_wait3A_366 = arith.constant 1 : i32
        %dma_wait3A_367 = arith.constant 0 : i32
        %dma_wait3A_368 = tpu.memref_slice %arg9[%dma_wait3A_366, %dma_wait3A_367] : memref<6x56xi32, #tpu.memory_space<vmem>> -> memref<1x56xi32, #tpu.memory_space<vmem>>
        %dma_wait3A_369 = tpu.memref_squeeze %dma_wait3A_368 : memref<1x56xi32, #tpu.memory_space<vmem>> -> memref<56xi32, #tpu.memory_space<vmem>>
        %dma_wait3A_370 = arith.constant 0 : i32
        %dma_wait3A_371 = arith.constant 0 : i32
        %dma_wait3A_372 = tpu.memref_slice %arg2[%dma_wait3A_370, %dma_wait3A_371] : memref<10000x128xf32, #tpu.memory_space<hbm>> -> memref<10000x128xf32, #tpu.memory_space<hbm>>
        tpu.wait_indirect_dma semaphore(%arg24 : memref<!tpu.dma_semaphore, #tpu.memory_space<semaphore_mem>>) src(%dma_wait3A_372 : memref<10000x128xf32, #tpu.memory_space<hbm>>) dst(%arg14 : memref<56x128xf32, #tpu.memory_space<vmem>>)
        %dma_start3A_373 = arith.constant 1 : i32
        %dma_start3A_374 = arith.constant 0 : i32
        %dma_start3A_375 = tpu.memref_slice %arg10[%dma_start3A_373, %dma_start3A_374] : memref<6x56xi32, #tpu.memory_space<vmem>> -> memref<1x56xi32, #tpu.memory_space<vmem>>
        %dma_start3A_376 = tpu.memref_squeeze %dma_start3A_375 : memref<1x56xi32, #tpu.memory_space<vmem>> -> memref<56xi32, #tpu.memory_space<vmem>>
        %dma_start3A_377 = arith.constant 0 : i32
        %dma_start3A_378 = arith.constant 0 : i32
        %dma_start3A_379 = tpu.memref_slice %arg19[%dma_start3A_377, %dma_start3A_378] : memref<10112x128xf32, #tpu.memory_space<vmem_shared>> -> memref<10112x128xf32, #tpu.memory_space<vmem_shared>>
        tpu.enqueue_indirect_dma source(%arg14 : memref<56x128xf32, #tpu.memory_space<vmem>>) target(%dma_start3A_379 : memref<10112x128xf32, #tpu.memory_space<vmem_shared>>) offsets(%dma_start3A_376 : memref<56xi32, #tpu.memory_space<vmem>>) semaphore(%arg29 : memref<!tpu.dma_semaphore, #tpu.memory_space<semaphore_mem>>) {add = true}
        %dma_wait3A_380 = arith.constant 2 : i32
        %dma_wait3A_381 = arith.constant 0 : i32
        %dma_wait3A_382 = tpu.memref_slice %arg9[%dma_wait3A_380, %dma_wait3A_381] : memref<6x56xi32, #tpu.memory_space<vmem>> -> memref<1x56xi32, #tpu.memory_space<vmem>>
        %dma_wait3A_383 = tpu.memref_squeeze %dma_wait3A_382 : memref<1x56xi32, #tpu.memory_space<vmem>> -> memref<56xi32, #tpu.memory_space<vmem>>
        %dma_wait3A_384 = arith.constant 0 : i32
        %dma_wait3A_385 = arith.constant 0 : i32
        %dma_wait3A_386 = tpu.memref_slice %arg2[%dma_wait3A_384, %dma_wait3A_385] : memref<10000x128xf32, #tpu.memory_space<hbm>> -> memref<10000x128xf32, #tpu.memory_space<hbm>>
        tpu.wait_indirect_dma semaphore(%arg25 : memref<!tpu.dma_semaphore, #tpu.memory_space<semaphore_mem>>) src(%dma_wait3A_386 : memref<10000x128xf32, #tpu.memory_space<hbm>>) dst(%arg15 : memref<56x128xf32, #tpu.memory_space<vmem>>)
        %dma_start3A_387 = arith.constant 2 : i32
        %dma_start3A_388 = arith.constant 0 : i32
        %dma_start3A_389 = tpu.memref_slice %arg10[%dma_start3A_387, %dma_start3A_388] : memref<6x56xi32, #tpu.memory_space<vmem>> -> memref<1x56xi32, #tpu.memory_space<vmem>>
        %dma_start3A_390 = tpu.memref_squeeze %dma_start3A_389 : memref<1x56xi32, #tpu.memory_space<vmem>> -> memref<56xi32, #tpu.memory_space<vmem>>
        %dma_start3A_391 = arith.constant 0 : i32
        %dma_start3A_392 = arith.constant 0 : i32
        %dma_start3A_393 = tpu.memref_slice %arg19[%dma_start3A_391, %dma_start3A_392] : memref<10112x128xf32, #tpu.memory_space<vmem_shared>> -> memref<10112x128xf32, #tpu.memory_space<vmem_shared>>
        tpu.enqueue_indirect_dma source(%arg15 : memref<56x128xf32, #tpu.memory_space<vmem>>) target(%dma_start3A_393 : memref<10112x128xf32, #tpu.memory_space<vmem_shared>>) offsets(%dma_start3A_390 : memref<56xi32, #tpu.memory_space<vmem>>) semaphore(%arg29 : memref<!tpu.dma_semaphore, #tpu.memory_space<semaphore_mem>>) {add = true}
        %dma_wait3A_394 = arith.constant 3 : i32
        %dma_wait3A_395 = arith.constant 0 : i32
        %dma_wait3A_396 = tpu.memref_slice %arg9[%dma_wait3A_394, %dma_wait3A_395] : memref<6x56xi32, #tpu.memory_space<vmem>> -> memref<1x56xi32, #tpu.memory_space<vmem>>
        %dma_wait3A_397 = tpu.memref_squeeze %dma_wait3A_396 : memref<1x56xi32, #tpu.memory_space<vmem>> -> memref<56xi32, #tpu.memory_space<vmem>>
        %dma_wait3A_398 = arith.constant 0 : i32
        %dma_wait3A_399 = arith.constant 0 : i32
        %dma_wait3A_400 = tpu.memref_slice %arg2[%dma_wait3A_398, %dma_wait3A_399] : memref<10000x128xf32, #tpu.memory_space<hbm>> -> memref<10000x128xf32, #tpu.memory_space<hbm>>
        tpu.wait_indirect_dma semaphore(%arg26 : memref<!tpu.dma_semaphore, #tpu.memory_space<semaphore_mem>>) src(%dma_wait3A_400 : memref<10000x128xf32, #tpu.memory_space<hbm>>) dst(%arg16 : memref<56x128xf32, #tpu.memory_space<vmem>>)
        %dma_start3A_401 = arith.constant 3 : i32
        %dma_start3A_402 = arith.constant 0 : i32
        %dma_start3A_403 = tpu.memref_slice %arg10[%dma_start3A_401, %dma_start3A_402] : memref<6x56xi32, #tpu.memory_space<vmem>> -> memref<1x56xi32, #tpu.memory_space<vmem>>
        %dma_start3A_404 = tpu.memref_squeeze %dma_start3A_403 : memref<1x56xi32, #tpu.memory_space<vmem>> -> memref<56xi32, #tpu.memory_space<vmem>>
        %dma_start3A_405 = arith.constant 0 : i32
        %dma_start3A_406 = arith.constant 0 : i32
        %dma_start3A_407 = tpu.memref_slice %arg19[%dma_start3A_405, %dma_start3A_406] : memref<10112x128xf32, #tpu.memory_space<vmem_shared>> -> memref<10112x128xf32, #tpu.memory_space<vmem_shared>>
        tpu.enqueue_indirect_dma source(%arg16 : memref<56x128xf32, #tpu.memory_space<vmem>>) target(%dma_start3A_407 : memref<10112x128xf32, #tpu.memory_space<vmem_shared>>) offsets(%dma_start3A_404 : memref<56xi32, #tpu.memory_space<vmem>>) semaphore(%arg29 : memref<!tpu.dma_semaphore, #tpu.memory_space<semaphore_mem>>) {add = true}
        %dma_wait3A_408 = arith.constant 4 : i32
        %dma_wait3A_409 = arith.constant 0 : i32
        %dma_wait3A_410 = tpu.memref_slice %arg9[%dma_wait3A_408, %dma_wait3A_409] : memref<6x56xi32, #tpu.memory_space<vmem>> -> memref<1x56xi32, #tpu.memory_space<vmem>>
        %dma_wait3A_411 = tpu.memref_squeeze %dma_wait3A_410 : memref<1x56xi32, #tpu.memory_space<vmem>> -> memref<56xi32, #tpu.memory_space<vmem>>
        %dma_wait3A_412 = arith.constant 0 : i32
        %dma_wait3A_413 = arith.constant 0 : i32
        %dma_wait3A_414 = tpu.memref_slice %arg2[%dma_wait3A_412, %dma_wait3A_413] : memref<10000x128xf32, #tpu.memory_space<hbm>> -> memref<10000x128xf32, #tpu.memory_space<hbm>>
        tpu.wait_indirect_dma semaphore(%arg27 : memref<!tpu.dma_semaphore, #tpu.memory_space<semaphore_mem>>) src(%dma_wait3A_414 : memref<10000x128xf32, #tpu.memory_space<hbm>>) dst(%arg17 : memref<56x128xf32, #tpu.memory_space<vmem>>)
        %dma_start3A_415 = arith.constant 4 : i32
        %dma_start3A_416 = arith.constant 0 : i32
        %dma_start3A_417 = tpu.memref_slice %arg10[%dma_start3A_415, %dma_start3A_416] : memref<6x56xi32, #tpu.memory_space<vmem>> -> memref<1x56xi32, #tpu.memory_space<vmem>>
        %dma_start3A_418 = tpu.memref_squeeze %dma_start3A_417 : memref<1x56xi32, #tpu.memory_space<vmem>> -> memref<56xi32, #tpu.memory_space<vmem>>
        %dma_start3A_419 = arith.constant 0 : i32
        %dma_start3A_420 = arith.constant 0 : i32
        %dma_start3A_421 = tpu.memref_slice %arg19[%dma_start3A_419, %dma_start3A_420] : memref<10112x128xf32, #tpu.memory_space<vmem_shared>> -> memref<10112x128xf32, #tpu.memory_space<vmem_shared>>
        tpu.enqueue_indirect_dma source(%arg17 : memref<56x128xf32, #tpu.memory_space<vmem>>) target(%dma_start3A_421 : memref<10112x128xf32, #tpu.memory_space<vmem_shared>>) offsets(%dma_start3A_418 : memref<56xi32, #tpu.memory_space<vmem>>) semaphore(%arg29 : memref<!tpu.dma_semaphore, #tpu.memory_space<semaphore_mem>>) {add = true}
        %dma_wait3A_422 = arith.constant 5 : i32
        %dma_wait3A_423 = arith.constant 0 : i32
        %dma_wait3A_424 = tpu.memref_slice %arg9[%dma_wait3A_422, %dma_wait3A_423] : memref<6x56xi32, #tpu.memory_space<vmem>> -> memref<1x56xi32, #tpu.memory_space<vmem>>
        %dma_wait3A_425 = tpu.memref_squeeze %dma_wait3A_424 : memref<1x56xi32, #tpu.memory_space<vmem>> -> memref<56xi32, #tpu.memory_space<vmem>>
        %dma_wait3A_426 = arith.constant 0 : i32
        %dma_wait3A_427 = arith.constant 0 : i32
        %dma_wait3A_428 = tpu.memref_slice %arg2[%dma_wait3A_426, %dma_wait3A_427] : memref<10000x128xf32, #tpu.memory_space<hbm>> -> memref<10000x128xf32, #tpu.memory_space<hbm>>
        tpu.wait_indirect_dma semaphore(%arg28 : memref<!tpu.dma_semaphore, #tpu.memory_space<semaphore_mem>>) src(%dma_wait3A_428 : memref<10000x128xf32, #tpu.memory_space<hbm>>) dst(%arg18 : memref<56x128xf32, #tpu.memory_space<vmem>>)
        %dma_start3A_429 = arith.constant 5 : i32
        %dma_start3A_430 = arith.constant 0 : i32
        %dma_start3A_431 = tpu.memref_slice %arg10[%dma_start3A_429, %dma_start3A_430] : memref<6x56xi32, #tpu.memory_space<vmem>> -> memref<1x56xi32, #tpu.memory_space<vmem>>
        %dma_start3A_432 = tpu.memref_squeeze %dma_start3A_431 : memref<1x56xi32, #tpu.memory_space<vmem>> -> memref<56xi32, #tpu.memory_space<vmem>>
        %dma_start3A_433 = arith.constant 0 : i32
        %dma_start3A_434 = arith.constant 0 : i32
        %dma_start3A_435 = tpu.memref_slice %arg19[%dma_start3A_433, %dma_start3A_434] : memref<10112x128xf32, #tpu.memory_space<vmem_shared>> -> memref<10112x128xf32, #tpu.memory_space<vmem_shared>>
        tpu.enqueue_indirect_dma source(%arg18 : memref<56x128xf32, #tpu.memory_space<vmem>>) target(%dma_start3A_435 : memref<10112x128xf32, #tpu.memory_space<vmem_shared>>) offsets(%dma_start3A_432 : memref<56xi32, #tpu.memory_space<vmem>>) semaphore(%arg29 : memref<!tpu.dma_semaphore, #tpu.memory_space<semaphore_mem>>) {add = true}
        %dma_wait3A_436 = arith.constant 0 : i32
        %dma_wait3A_437 = arith.constant 0 : i32
        %dma_wait3A_438 = tpu.memref_slice %arg3[%add3A, %add3A_251, %dma_wait3A_436, %dma_wait3A_437] : memref<32x42x6x56xi32, #tpu.memory_space<hbm>> -> memref<1x1x6x56xi32, #tpu.memory_space<hbm>>
        %dma_wait3A_439 = tpu.memref_squeeze %dma_wait3A_438 : memref<1x1x6x56xi32, #tpu.memory_space<hbm>> -> memref<6x56xi32, #tpu.memory_space<hbm>>
        %dma_wait3A_440 = arith.constant 0 : i32
        %dma_wait3A_441 = arith.constant 0 : i32
        %dma_wait3A_442 = tpu.memref_slice %arg3[%add3A, %add3A_251, %dma_wait3A_440, %dma_wait3A_441] : memref<32x42x6x56xi32, #tpu.memory_space<hbm>> -> memref<1x1x6x56xi32, #tpu.memory_space<hbm>>
        %dma_wait3A_443 = tpu.memref_squeeze %dma_wait3A_442 : memref<1x1x6x56xi32, #tpu.memory_space<hbm>> -> memref<6x56xi32, #tpu.memory_space<hbm>>
        tpu.wait_dma2 semaphore(%arg22 : memref<!tpu.dma_semaphore, #tpu.memory_space<semaphore_mem>>) src(%dma_wait3A_443 : memref<6x56xi32, #tpu.memory_space<hbm>>) dst(%arg11 : memref<6x56xi32, #tpu.memory_space<vmem>>)
        %dma_wait3A_444 = arith.constant 0 : i32
        %dma_wait3A_445 = arith.constant 0 : i32
        %dma_wait3A_446 = tpu.memref_slice %arg4[%add3A, %add3A_251, %dma_wait3A_444, %dma_wait3A_445] : memref<32x42x6x56xi32, #tpu.memory_space<hbm>> -> memref<1x1x6x56xi32, #tpu.memory_space<hbm>>
        %dma_wait3A_447 = tpu.memref_squeeze %dma_wait3A_446 : memref<1x1x6x56xi32, #tpu.memory_space<hbm>> -> memref<6x56xi32, #tpu.memory_space<hbm>>
        %dma_wait3A_448 = arith.constant 0 : i32
        %dma_wait3A_449 = arith.constant 0 : i32
        %dma_wait3A_450 = tpu.memref_slice %arg4[%add3A, %add3A_251, %dma_wait3A_448, %dma_wait3A_449] : memref<32x42x6x56xi32, #tpu.memory_space<hbm>> -> memref<1x1x6x56xi32, #tpu.memory_space<hbm>>
        %dma_wait3A_451 = tpu.memref_squeeze %dma_wait3A_450 : memref<1x1x6x56xi32, #tpu.memory_space<hbm>> -> memref<6x56xi32, #tpu.memory_space<hbm>>
        tpu.wait_dma2 semaphore(%arg22 : memref<!tpu.dma_semaphore, #tpu.memory_space<semaphore_mem>>) src(%dma_wait3A_451 : memref<6x56xi32, #tpu.memory_space<hbm>>) dst(%arg12 : memref<6x56xi32, #tpu.memory_space<vmem>>)
        %dma_wait3A_452 = arith.constant 0 : i32
        %dma_wait3A_453 = arith.constant 0 : i32
        %dma_wait3A_454 = tpu.memref_slice %arg10[%dma_wait3A_452, %dma_wait3A_453] : memref<6x56xi32, #tpu.memory_space<vmem>> -> memref<1x56xi32, #tpu.memory_space<vmem>>
        %dma_wait3A_455 = tpu.memref_squeeze %dma_wait3A_454 : memref<1x56xi32, #tpu.memory_space<vmem>> -> memref<56xi32, #tpu.memory_space<vmem>>
        %dma_wait3A_456 = arith.constant 0 : i32
        %dma_wait3A_457 = arith.constant 0 : i32
        %dma_wait3A_458 = tpu.memref_slice %arg19[%dma_wait3A_456, %dma_wait3A_457] : memref<10112x128xf32, #tpu.memory_space<vmem_shared>> -> memref<10112x128xf32, #tpu.memory_space<vmem_shared>>
        tpu.wait_indirect_dma semaphore(%arg29 : memref<!tpu.dma_semaphore, #tpu.memory_space<semaphore_mem>>) src(%arg13 : memref<56x128xf32, #tpu.memory_space<vmem>>) dst(%dma_wait3A_458 : memref<10112x128xf32, #tpu.memory_space<vmem_shared>>)
        %dma_start3A_459 = arith.constant 0 : i32
        %dma_start3A_460 = arith.constant 0 : i32
        %dma_start3A_461 = tpu.memref_slice %arg11[%dma_start3A_459, %dma_start3A_460] : memref<6x56xi32, #tpu.memory_space<vmem>> -> memref<1x56xi32, #tpu.memory_space<vmem>>
        %dma_start3A_462 = tpu.memref_squeeze %dma_start3A_461 : memref<1x56xi32, #tpu.memory_space<vmem>> -> memref<56xi32, #tpu.memory_space<vmem>>
        %dma_start3A_463 = arith.constant 0 : i32
        %dma_start3A_464 = arith.constant 0 : i32
        %dma_start3A_465 = tpu.memref_slice %arg2[%dma_start3A_463, %dma_start3A_464] : memref<10000x128xf32, #tpu.memory_space<hbm>> -> memref<10000x128xf32, #tpu.memory_space<hbm>>
        tpu.enqueue_indirect_dma source(%dma_start3A_465 : memref<10000x128xf32, #tpu.memory_space<hbm>>) target(%arg13 : memref<56x128xf32, #tpu.memory_space<vmem>>) offsets(%dma_start3A_462 : memref<56xi32, #tpu.memory_space<vmem>>) semaphore(%arg23 : memref<!tpu.dma_semaphore, #tpu.memory_space<semaphore_mem>>)
        %dma_wait3A_466 = arith.constant 1 : i32
        %dma_wait3A_467 = arith.constant 0 : i32
        %dma_wait3A_468 = tpu.memref_slice %arg10[%dma_wait3A_466, %dma_wait3A_467] : memref<6x56xi32, #tpu.memory_space<vmem>> -> memref<1x56xi32, #tpu.memory_space<vmem>>
        %dma_wait3A_469 = tpu.memref_squeeze %dma_wait3A_468 : memref<1x56xi32, #tpu.memory_space<vmem>> -> memref<56xi32, #tpu.memory_space<vmem>>
        %dma_wait3A_470 = arith.constant 0 : i32
        %dma_wait3A_471 = arith.constant 0 : i32
        %dma_wait3A_472 = tpu.memref_slice %arg19[%dma_wait3A_470, %dma_wait3A_471] : memref<10112x128xf32, #tpu.memory_space<vmem_shared>> -> memref<10112x128xf32, #tpu.memory_space<vmem_shared>>
        tpu.wait_indirect_dma semaphore(%arg29 : memref<!tpu.dma_semaphore, #tpu.memory_space<semaphore_mem>>) src(%arg14 : memref<56x128xf32, #tpu.memory_space<vmem>>) dst(%dma_wait3A_472 : memref<10112x128xf32, #tpu.memory_space<vmem_shared>>)
        %dma_start3A_473 = arith.constant 1 : i32
        %dma_start3A_474 = arith.constant 0 : i32
        %dma_start3A_475 = tpu.memref_slice %arg11[%dma_start3A_473, %dma_start3A_474] : memref<6x56xi32, #tpu.memory_space<vmem>> -> memref<1x56xi32, #tpu.memory_space<vmem>>
        %dma_start3A_476 = tpu.memref_squeeze %dma_start3A_475 : memref<1x56xi32, #tpu.memory_space<vmem>> -> memref<56xi32, #tpu.memory_space<vmem>>
        %dma_start3A_477 = arith.constant 0 : i32
        %dma_start3A_478 = arith.constant 0 : i32
        %dma_start3A_479 = tpu.memref_slice %arg2[%dma_start3A_477, %dma_start3A_478] : memref<10000x128xf32, #tpu.memory_space<hbm>> -> memref<10000x128xf32, #tpu.memory_space<hbm>>
        tpu.enqueue_indirect_dma source(%dma_start3A_479 : memref<10000x128xf32, #tpu.memory_space<hbm>>) target(%arg14 : memref<56x128xf32, #tpu.memory_space<vmem>>) offsets(%dma_start3A_476 : memref<56xi32, #tpu.memory_space<vmem>>) semaphore(%arg24 : memref<!tpu.dma_semaphore, #tpu.memory_space<semaphore_mem>>)
        %dma_wait3A_480 = arith.constant 2 : i32
        %dma_wait3A_481 = arith.constant 0 : i32
        %dma_wait3A_482 = tpu.memref_slice %arg10[%dma_wait3A_480, %dma_wait3A_481] : memref<6x56xi32, #tpu.memory_space<vmem>> -> memref<1x56xi32, #tpu.memory_space<vmem>>
        %dma_wait3A_483 = tpu.memref_squeeze %dma_wait3A_482 : memref<1x56xi32, #tpu.memory_space<vmem>> -> memref<56xi32, #tpu.memory_space<vmem>>
        %dma_wait3A_484 = arith.constant 0 : i32
        %dma_wait3A_485 = arith.constant 0 : i32
        %dma_wait3A_486 = tpu.memref_slice %arg19[%dma_wait3A_484, %dma_wait3A_485] : memref<10112x128xf32, #tpu.memory_space<vmem_shared>> -> memref<10112x128xf32, #tpu.memory_space<vmem_shared>>
        tpu.wait_indirect_dma semaphore(%arg29 : memref<!tpu.dma_semaphore, #tpu.memory_space<semaphore_mem>>) src(%arg15 : memref<56x128xf32, #tpu.memory_space<vmem>>) dst(%dma_wait3A_486 : memref<10112x128xf32, #tpu.memory_space<vmem_shared>>)
        %dma_start3A_487 = arith.constant 2 : i32
        %dma_start3A_488 = arith.constant 0 : i32
        %dma_start3A_489 = tpu.memref_slice %arg11[%dma_start3A_487, %dma_start3A_488] : memref<6x56xi32, #tpu.memory_space<vmem>> -> memref<1x56xi32, #tpu.memory_space<vmem>>
        %dma_start3A_490 = tpu.memref_squeeze %dma_start3A_489 : memref<1x56xi32, #tpu.memory_space<vmem>> -> memref<56xi32, #tpu.memory_space<vmem>>
        %dma_start3A_491 = arith.constant 0 : i32
        %dma_start3A_492 = arith.constant 0 : i32
        %dma_start3A_493 = tpu.memref_slice %arg2[%dma_start3A_491, %dma_start3A_492] : memref<10000x128xf32, #tpu.memory_space<hbm>> -> memref<10000x128xf32, #tpu.memory_space<hbm>>
        tpu.enqueue_indirect_dma source(%dma_start3A_493 : memref<10000x128xf32, #tpu.memory_space<hbm>>) target(%arg15 : memref<56x128xf32, #tpu.memory_space<vmem>>) offsets(%dma_start3A_490 : memref<56xi32, #tpu.memory_space<vmem>>) semaphore(%arg25 : memref<!tpu.dma_semaphore, #tpu.memory_space<semaphore_mem>>)
        %dma_wait3A_494 = arith.constant 3 : i32
        %dma_wait3A_495 = arith.constant 0 : i32
        %dma_wait3A_496 = tpu.memref_slice %arg10[%dma_wait3A_494, %dma_wait3A_495] : memref<6x56xi32, #tpu.memory_space<vmem>> -> memref<1x56xi32, #tpu.memory_space<vmem>>
        %dma_wait3A_497 = tpu.memref_squeeze %dma_wait3A_496 : memref<1x56xi32, #tpu.memory_space<vmem>> -> memref<56xi32, #tpu.memory_space<vmem>>
        %dma_wait3A_498 = arith.constant 0 : i32
        %dma_wait3A_499 = arith.constant 0 : i32
        %dma_wait3A_500 = tpu.memref_slice %arg19[%dma_wait3A_498, %dma_wait3A_499] : memref<10112x128xf32, #tpu.memory_space<vmem_shared>> -> memref<10112x128xf32, #tpu.memory_space<vmem_shared>>
        tpu.wait_indirect_dma semaphore(%arg29 : memref<!tpu.dma_semaphore, #tpu.memory_space<semaphore_mem>>) src(%arg16 : memref<56x128xf32, #tpu.memory_space<vmem>>) dst(%dma_wait3A_500 : memref<10112x128xf32, #tpu.memory_space<vmem_shared>>)
        %dma_start3A_501 = arith.constant 3 : i32
        %dma_start3A_502 = arith.constant 0 : i32
        %dma_start3A_503 = tpu.memref_slice %arg11[%dma_start3A_501, %dma_start3A_502] : memref<6x56xi32, #tpu.memory_space<vmem>> -> memref<1x56xi32, #tpu.memory_space<vmem>>
        %dma_start3A_504 = tpu.memref_squeeze %dma_start3A_503 : memref<1x56xi32, #tpu.memory_space<vmem>> -> memref<56xi32, #tpu.memory_space<vmem>>
        %dma_start3A_505 = arith.constant 0 : i32
        %dma_start3A_506 = arith.constant 0 : i32
        %dma_start3A_507 = tpu.memref_slice %arg2[%dma_start3A_505, %dma_start3A_506] : memref<10000x128xf32, #tpu.memory_space<hbm>> -> memref<10000x128xf32, #tpu.memory_space<hbm>>
        tpu.enqueue_indirect_dma source(%dma_start3A_507 : memref<10000x128xf32, #tpu.memory_space<hbm>>) target(%arg16 : memref<56x128xf32, #tpu.memory_space<vmem>>) offsets(%dma_start3A_504 : memref<56xi32, #tpu.memory_space<vmem>>) semaphore(%arg26 : memref<!tpu.dma_semaphore, #tpu.memory_space<semaphore_mem>>)
        %dma_wait3A_508 = arith.constant 4 : i32
        %dma_wait3A_509 = arith.constant 0 : i32
        %dma_wait3A_510 = tpu.memref_slice %arg10[%dma_wait3A_508, %dma_wait3A_509] : memref<6x56xi32, #tpu.memory_space<vmem>> -> memref<1x56xi32, #tpu.memory_space<vmem>>
        %dma_wait3A_511 = tpu.memref_squeeze %dma_wait3A_510 : memref<1x56xi32, #tpu.memory_space<vmem>> -> memref<56xi32, #tpu.memory_space<vmem>>
        %dma_wait3A_512 = arith.constant 0 : i32
        %dma_wait3A_513 = arith.constant 0 : i32
        %dma_wait3A_514 = tpu.memref_slice %arg19[%dma_wait3A_512, %dma_wait3A_513] : memref<10112x128xf32, #tpu.memory_space<vmem_shared>> -> memref<10112x128xf32, #tpu.memory_space<vmem_shared>>
        tpu.wait_indirect_dma semaphore(%arg29 : memref<!tpu.dma_semaphore, #tpu.memory_space<semaphore_mem>>) src(%arg17 : memref<56x128xf32, #tpu.memory_space<vmem>>) dst(%dma_wait3A_514 : memref<10112x128xf32, #tpu.memory_space<vmem_shared>>)
        %dma_start3A_515 = arith.constant 4 : i32
        %dma_start3A_516 = arith.constant 0 : i32
        %dma_start3A_517 = tpu.memref_slice %arg11[%dma_start3A_515, %dma_start3A_516] : memref<6x56xi32, #tpu.memory_space<vmem>> -> memref<1x56xi32, #tpu.memory_space<vmem>>
        %dma_start3A_518 = tpu.memref_squeeze %dma_start3A_517 : memref<1x56xi32, #tpu.memory_space<vmem>> -> memref<56xi32, #tpu.memory_space<vmem>>
        %dma_start3A_519 = arith.constant 0 : i32
        %dma_start3A_520 = arith.constant 0 : i32
        %dma_start3A_521 = tpu.memref_slice %arg2[%dma_start3A_519, %dma_start3A_520] : memref<10000x128xf32, #tpu.memory_space<hbm>> -> memref<10000x128xf32, #tpu.memory_space<hbm>>
        tpu.enqueue_indirect_dma source(%dma_start3A_521 : memref<10000x128xf32, #tpu.memory_space<hbm>>) target(%arg17 : memref<56x128xf32, #tpu.memory_space<vmem>>) offsets(%dma_start3A_518 : memref<56xi32, #tpu.memory_space<vmem>>) semaphore(%arg27 : memref<!tpu.dma_semaphore, #tpu.memory_space<semaphore_mem>>)
        %dma_wait3A_522 = arith.constant 5 : i32
        %dma_wait3A_523 = arith.constant 0 : i32
        %dma_wait3A_524 = tpu.memref_slice %arg10[%dma_wait3A_522, %dma_wait3A_523] : memref<6x56xi32, #tpu.memory_space<vmem>> -> memref<1x56xi32, #tpu.memory_space<vmem>>
        %dma_wait3A_525 = tpu.memref_squeeze %dma_wait3A_524 : memref<1x56xi32, #tpu.memory_space<vmem>> -> memref<56xi32, #tpu.memory_space<vmem>>
        %dma_wait3A_526 = arith.constant 0 : i32
        %dma_wait3A_527 = arith.constant 0 : i32
        %dma_wait3A_528 = tpu.memref_slice %arg19[%dma_wait3A_526, %dma_wait3A_527] : memref<10112x128xf32, #tpu.memory_space<vmem_shared>> -> memref<10112x128xf32, #tpu.memory_space<vmem_shared>>
        tpu.wait_indirect_dma semaphore(%arg29 : memref<!tpu.dma_semaphore, #tpu.memory_space<semaphore_mem>>) src(%arg18 : memref<56x128xf32, #tpu.memory_space<vmem>>) dst(%dma_wait3A_528 : memref<10112x128xf32, #tpu.memory_space<vmem_shared>>)
        %dma_start3A_529 = arith.constant 5 : i32
        %dma_start3A_530 = arith.constant 0 : i32
        %dma_start3A_531 = tpu.memref_slice %arg11[%dma_start3A_529, %dma_start3A_530] : memref<6x56xi32, #tpu.memory_space<vmem>> -> memref<1x56xi32, #tpu.memory_space<vmem>>
        %dma_start3A_532 = tpu.memref_squeeze %dma_start3A_531 : memref<1x56xi32, #tpu.memory_space<vmem>> -> memref<56xi32, #tpu.memory_space<vmem>>
        %dma_start3A_533 = arith.constant 0 : i32
        %dma_start3A_534 = arith.constant 0 : i32
        %dma_start3A_535 = tpu.memref_slice %arg2[%dma_start3A_533, %dma_start3A_534] : memref<10000x128xf32, #tpu.memory_space<hbm>> -> memref<10000x128xf32, #tpu.memory_space<hbm>>
        tpu.enqueue_indirect_dma source(%dma_start3A_535 : memref<10000x128xf32, #tpu.memory_space<hbm>>) target(%arg18 : memref<56x128xf32, #tpu.memory_space<vmem>>) offsets(%dma_start3A_532 : memref<56xi32, #tpu.memory_space<vmem>>) semaphore(%arg28 : memref<!tpu.dma_semaphore, #tpu.memory_space<semaphore_mem>>)
        %dma_wait3A_536 = arith.constant 0 : i32
        %dma_wait3A_537 = arith.constant 0 : i32
        %dma_wait3A_538 = tpu.memref_slice %arg11[%dma_wait3A_536, %dma_wait3A_537] : memref<6x56xi32, #tpu.memory_space<vmem>> -> memref<1x56xi32, #tpu.memory_space<vmem>>
        %dma_wait3A_539 = tpu.memref_squeeze %dma_wait3A_538 : memref<1x56xi32, #tpu.memory_space<vmem>> -> memref<56xi32, #tpu.memory_space<vmem>>
        %dma_wait3A_540 = arith.constant 0 : i32
        %dma_wait3A_541 = arith.constant 0 : i32
        %dma_wait3A_542 = tpu.memref_slice %arg2[%dma_wait3A_540, %dma_wait3A_541] : memref<10000x128xf32, #tpu.memory_space<hbm>> -> memref<10000x128xf32, #tpu.memory_space<hbm>>
        tpu.wait_indirect_dma semaphore(%arg23 : memref<!tpu.dma_semaphore, #tpu.memory_space<semaphore_mem>>) src(%dma_wait3A_542 : memref<10000x128xf32, #tpu.memory_space<hbm>>) dst(%arg13 : memref<56x128xf32, #tpu.memory_space<vmem>>)
        %dma_start3A_543 = arith.constant 0 : i32
        %dma_start3A_544 = arith.constant 0 : i32
        %dma_start3A_545 = tpu.memref_slice %arg12[%dma_start3A_543, %dma_start3A_544] : memref<6x56xi32, #tpu.memory_space<vmem>> -> memref<1x56xi32, #tpu.memory_space<vmem>>
        %dma_start3A_546 = tpu.memref_squeeze %dma_start3A_545 : memref<1x56xi32, #tpu.memory_space<vmem>> -> memref<56xi32, #tpu.memory_space<vmem>>
        %dma_start3A_547 = arith.constant 0 : i32
        %dma_start3A_548 = arith.constant 0 : i32
        %dma_start3A_549 = tpu.memref_slice %arg19[%dma_start3A_547, %dma_start3A_548] : memref<10112x128xf32, #tpu.memory_space<vmem_shared>> -> memref<10112x128xf32, #tpu.memory_space<vmem_shared>>
        tpu.enqueue_indirect_dma source(%arg13 : memref<56x128xf32, #tpu.memory_space<vmem>>) target(%dma_start3A_549 : memref<10112x128xf32, #tpu.memory_space<vmem_shared>>) offsets(%dma_start3A_546 : memref<56xi32, #tpu.memory_space<vmem>>) semaphore(%arg29 : memref<!tpu.dma_semaphore, #tpu.memory_space<semaphore_mem>>) {add = true}
        %dma_wait3A_550 = arith.constant 1 : i32
        %dma_wait3A_551 = arith.constant 0 : i32
        %dma_wait3A_552 = tpu.memref_slice %arg11[%dma_wait3A_550, %dma_wait3A_551] : memref<6x56xi32, #tpu.memory_space<vmem>> -> memref<1x56xi32, #tpu.memory_space<vmem>>
        %dma_wait3A_553 = tpu.memref_squeeze %dma_wait3A_552 : memref<1x56xi32, #tpu.memory_space<vmem>> -> memref<56xi32, #tpu.memory_space<vmem>>
        %dma_wait3A_554 = arith.constant 0 : i32
        %dma_wait3A_555 = arith.constant 0 : i32
        %dma_wait3A_556 = tpu.memref_slice %arg2[%dma_wait3A_554, %dma_wait3A_555] : memref<10000x128xf32, #tpu.memory_space<hbm>> -> memref<10000x128xf32, #tpu.memory_space<hbm>>
        tpu.wait_indirect_dma semaphore(%arg24 : memref<!tpu.dma_semaphore, #tpu.memory_space<semaphore_mem>>) src(%dma_wait3A_556 : memref<10000x128xf32, #tpu.memory_space<hbm>>) dst(%arg14 : memref<56x128xf32, #tpu.memory_space<vmem>>)
        %dma_start3A_557 = arith.constant 1 : i32
        %dma_start3A_558 = arith.constant 0 : i32
        %dma_start3A_559 = tpu.memref_slice %arg12[%dma_start3A_557, %dma_start3A_558] : memref<6x56xi32, #tpu.memory_space<vmem>> -> memref<1x56xi32, #tpu.memory_space<vmem>>
        %dma_start3A_560 = tpu.memref_squeeze %dma_start3A_559 : memref<1x56xi32, #tpu.memory_space<vmem>> -> memref<56xi32, #tpu.memory_space<vmem>>
        %dma_start3A_561 = arith.constant 0 : i32
        %dma_start3A_562 = arith.constant 0 : i32
        %dma_start3A_563 = tpu.memref_slice %arg19[%dma_start3A_561, %dma_start3A_562] : memref<10112x128xf32, #tpu.memory_space<vmem_shared>> -> memref<10112x128xf32, #tpu.memory_space<vmem_shared>>
        tpu.enqueue_indirect_dma source(%arg14 : memref<56x128xf32, #tpu.memory_space<vmem>>) target(%dma_start3A_563 : memref<10112x128xf32, #tpu.memory_space<vmem_shared>>) offsets(%dma_start3A_560 : memref<56xi32, #tpu.memory_space<vmem>>) semaphore(%arg29 : memref<!tpu.dma_semaphore, #tpu.memory_space<semaphore_mem>>) {add = true}
        %dma_wait3A_564 = arith.constant 2 : i32
        %dma_wait3A_565 = arith.constant 0 : i32
        %dma_wait3A_566 = tpu.memref_slice %arg11[%dma_wait3A_564, %dma_wait3A_565] : memref<6x56xi32, #tpu.memory_space<vmem>> -> memref<1x56xi32, #tpu.memory_space<vmem>>
        %dma_wait3A_567 = tpu.memref_squeeze %dma_wait3A_566 : memref<1x56xi32, #tpu.memory_space<vmem>> -> memref<56xi32, #tpu.memory_space<vmem>>
        %dma_wait3A_568 = arith.constant 0 : i32
        %dma_wait3A_569 = arith.constant 0 : i32
        %dma_wait3A_570 = tpu.memref_slice %arg2[%dma_wait3A_568, %dma_wait3A_569] : memref<10000x128xf32, #tpu.memory_space<hbm>> -> memref<10000x128xf32, #tpu.memory_space<hbm>>
        tpu.wait_indirect_dma semaphore(%arg25 : memref<!tpu.dma_semaphore, #tpu.memory_space<semaphore_mem>>) src(%dma_wait3A_570 : memref<10000x128xf32, #tpu.memory_space<hbm>>) dst(%arg15 : memref<56x128xf32, #tpu.memory_space<vmem>>)
        %dma_start3A_571 = arith.constant 2 : i32
        %dma_start3A_572 = arith.constant 0 : i32
        %dma_start3A_573 = tpu.memref_slice %arg12[%dma_start3A_571, %dma_start3A_572] : memref<6x56xi32, #tpu.memory_space<vmem>> -> memref<1x56xi32, #tpu.memory_space<vmem>>
        %dma_start3A_574 = tpu.memref_squeeze %dma_start3A_573 : memref<1x56xi32, #tpu.memory_space<vmem>> -> memref<56xi32, #tpu.memory_space<vmem>>
        %dma_start3A_575 = arith.constant 0 : i32
        %dma_start3A_576 = arith.constant 0 : i32
        %dma_start3A_577 = tpu.memref_slice %arg19[%dma_start3A_575, %dma_start3A_576] : memref<10112x128xf32, #tpu.memory_space<vmem_shared>> -> memref<10112x128xf32, #tpu.memory_space<vmem_shared>>
        tpu.enqueue_indirect_dma source(%arg15 : memref<56x128xf32, #tpu.memory_space<vmem>>) target(%dma_start3A_577 : memref<10112x128xf32, #tpu.memory_space<vmem_shared>>) offsets(%dma_start3A_574 : memref<56xi32, #tpu.memory_space<vmem>>) semaphore(%arg29 : memref<!tpu.dma_semaphore, #tpu.memory_space<semaphore_mem>>) {add = true}
        %dma_wait3A_578 = arith.constant 3 : i32
        %dma_wait3A_579 = arith.constant 0 : i32
        %dma_wait3A_580 = tpu.memref_slice %arg11[%dma_wait3A_578, %dma_wait3A_579] : memref<6x56xi32, #tpu.memory_space<vmem>> -> memref<1x56xi32, #tpu.memory_space<vmem>>
        %dma_wait3A_581 = tpu.memref_squeeze %dma_wait3A_580 : memref<1x56xi32, #tpu.memory_space<vmem>> -> memref<56xi32, #tpu.memory_space<vmem>>
        %dma_wait3A_582 = arith.constant 0 : i32
        %dma_wait3A_583 = arith.constant 0 : i32
        %dma_wait3A_584 = tpu.memref_slice %arg2[%dma_wait3A_582, %dma_wait3A_583] : memref<10000x128xf32, #tpu.memory_space<hbm>> -> memref<10000x128xf32, #tpu.memory_space<hbm>>
        tpu.wait_indirect_dma semaphore(%arg26 : memref<!tpu.dma_semaphore, #tpu.memory_space<semaphore_mem>>) src(%dma_wait3A_584 : memref<10000x128xf32, #tpu.memory_space<hbm>>) dst(%arg16 : memref<56x128xf32, #tpu.memory_space<vmem>>)
        %dma_start3A_585 = arith.constant 3 : i32
        %dma_start3A_586 = arith.constant 0 : i32
        %dma_start3A_587 = tpu.memref_slice %arg12[%dma_start3A_585, %dma_start3A_586] : memref<6x56xi32, #tpu.memory_space<vmem>> -> memref<1x56xi32, #tpu.memory_space<vmem>>
        %dma_start3A_588 = tpu.memref_squeeze %dma_start3A_587 : memref<1x56xi32, #tpu.memory_space<vmem>> -> memref<56xi32, #tpu.memory_space<vmem>>
        %dma_start3A_589 = arith.constant 0 : i32
        %dma_start3A_590 = arith.constant 0 : i32
        %dma_start3A_591 = tpu.memref_slice %arg19[%dma_start3A_589, %dma_start3A_590] : memref<10112x128xf32, #tpu.memory_space<vmem_shared>> -> memref<10112x128xf32, #tpu.memory_space<vmem_shared>>
        tpu.enqueue_indirect_dma source(%arg16 : memref<56x128xf32, #tpu.memory_space<vmem>>) target(%dma_start3A_591 : memref<10112x128xf32, #tpu.memory_space<vmem_shared>>) offsets(%dma_start3A_588 : memref<56xi32, #tpu.memory_space<vmem>>) semaphore(%arg29 : memref<!tpu.dma_semaphore, #tpu.memory_space<semaphore_mem>>) {add = true}
        %dma_wait3A_592 = arith.constant 4 : i32
        %dma_wait3A_593 = arith.constant 0 : i32
        %dma_wait3A_594 = tpu.memref_slice %arg11[%dma_wait3A_592, %dma_wait3A_593] : memref<6x56xi32, #tpu.memory_space<vmem>> -> memref<1x56xi32, #tpu.memory_space<vmem>>
        %dma_wait3A_595 = tpu.memref_squeeze %dma_wait3A_594 : memref<1x56xi32, #tpu.memory_space<vmem>> -> memref<56xi32, #tpu.memory_space<vmem>>
        %dma_wait3A_596 = arith.constant 0 : i32
        %dma_wait3A_597 = arith.constant 0 : i32
        %dma_wait3A_598 = tpu.memref_slice %arg2[%dma_wait3A_596, %dma_wait3A_597] : memref<10000x128xf32, #tpu.memory_space<hbm>> -> memref<10000x128xf32, #tpu.memory_space<hbm>>
        tpu.wait_indirect_dma semaphore(%arg27 : memref<!tpu.dma_semaphore, #tpu.memory_space<semaphore_mem>>) src(%dma_wait3A_598 : memref<10000x128xf32, #tpu.memory_space<hbm>>) dst(%arg17 : memref<56x128xf32, #tpu.memory_space<vmem>>)
        %dma_start3A_599 = arith.constant 4 : i32
        %dma_start3A_600 = arith.constant 0 : i32
        %dma_start3A_601 = tpu.memref_slice %arg12[%dma_start3A_599, %dma_start3A_600] : memref<6x56xi32, #tpu.memory_space<vmem>> -> memref<1x56xi32, #tpu.memory_space<vmem>>
        %dma_start3A_602 = tpu.memref_squeeze %dma_start3A_601 : memref<1x56xi32, #tpu.memory_space<vmem>> -> memref<56xi32, #tpu.memory_space<vmem>>
        %dma_start3A_603 = arith.constant 0 : i32
        %dma_start3A_604 = arith.constant 0 : i32
        %dma_start3A_605 = tpu.memref_slice %arg19[%dma_start3A_603, %dma_start3A_604] : memref<10112x128xf32, #tpu.memory_space<vmem_shared>> -> memref<10112x128xf32, #tpu.memory_space<vmem_shared>>
        tpu.enqueue_indirect_dma source(%arg17 : memref<56x128xf32, #tpu.memory_space<vmem>>) target(%dma_start3A_605 : memref<10112x128xf32, #tpu.memory_space<vmem_shared>>) offsets(%dma_start3A_602 : memref<56xi32, #tpu.memory_space<vmem>>) semaphore(%arg29 : memref<!tpu.dma_semaphore, #tpu.memory_space<semaphore_mem>>) {add = true}
        %dma_wait3A_606 = arith.constant 5 : i32
        %dma_wait3A_607 = arith.constant 0 : i32
        %dma_wait3A_608 = tpu.memref_slice %arg11[%dma_wait3A_606, %dma_wait3A_607] : memref<6x56xi32, #tpu.memory_space<vmem>> -> memref<1x56xi32, #tpu.memory_space<vmem>>
        %dma_wait3A_609 = tpu.memref_squeeze %dma_wait3A_608 : memref<1x56xi32, #tpu.memory_space<vmem>> -> memref<56xi32, #tpu.memory_space<vmem>>
        %dma_wait3A_610 = arith.constant 0 : i32
        %dma_wait3A_611 = arith.constant 0 : i32
        %dma_wait3A_612 = tpu.memref_slice %arg2[%dma_wait3A_610, %dma_wait3A_611] : memref<10000x128xf32, #tpu.memory_space<hbm>> -> memref<10000x128xf32, #tpu.memory_space<hbm>>
        tpu.wait_indirect_dma semaphore(%arg28 : memref<!tpu.dma_semaphore, #tpu.memory_space<semaphore_mem>>) src(%dma_wait3A_612 : memref<10000x128xf32, #tpu.memory_space<hbm>>) dst(%arg18 : memref<56x128xf32, #tpu.memory_space<vmem>>)
        %dma_start3A_613 = arith.constant 5 : i32
        %dma_start3A_614 = arith.constant 0 : i32
        %dma_start3A_615 = tpu.memref_slice %arg12[%dma_start3A_613, %dma_start3A_614] : memref<6x56xi32, #tpu.memory_space<vmem>> -> memref<1x56xi32, #tpu.memory_space<vmem>>
        %dma_start3A_616 = tpu.memref_squeeze %dma_start3A_615 : memref<1x56xi32, #tpu.memory_space<vmem>> -> memref<56xi32, #tpu.memory_space<vmem>>
        %dma_start3A_617 = arith.constant 0 : i32
        %dma_start3A_618 = arith.constant 0 : i32
        %dma_start3A_619 = tpu.memref_slice %arg19[%dma_start3A_617, %dma_start3A_618] : memref<10112x128xf32, #tpu.memory_space<vmem_shared>> -> memref<10112x128xf32, #tpu.memory_space<vmem_shared>>
        tpu.enqueue_indirect_dma source(%arg18 : memref<56x128xf32, #tpu.memory_space<vmem>>) target(%dma_start3A_619 : memref<10112x128xf32, #tpu.memory_space<vmem_shared>>) offsets(%dma_start3A_616 : memref<56xi32, #tpu.memory_space<vmem>>) semaphore(%arg29 : memref<!tpu.dma_semaphore, #tpu.memory_space<semaphore_mem>>) {add = true}
        %dma_wait3A_620 = arith.constant 0 : i32
        %dma_wait3A_621 = arith.constant 0 : i32
        %dma_wait3A_622 = tpu.memref_slice %arg12[%dma_wait3A_620, %dma_wait3A_621] : memref<6x56xi32, #tpu.memory_space<vmem>> -> memref<1x56xi32, #tpu.memory_space<vmem>>
        %dma_wait3A_623 = tpu.memref_squeeze %dma_wait3A_622 : memref<1x56xi32, #tpu.memory_space<vmem>> -> memref<56xi32, #tpu.memory_space<vmem>>
        %dma_wait3A_624 = arith.constant 0 : i32
        %dma_wait3A_625 = arith.constant 0 : i32
        %dma_wait3A_626 = tpu.memref_slice %arg19[%dma_wait3A_624, %dma_wait3A_625] : memref<10112x128xf32, #tpu.memory_space<vmem_shared>> -> memref<10112x128xf32, #tpu.memory_space<vmem_shared>>
        tpu.wait_indirect_dma semaphore(%arg29 : memref<!tpu.dma_semaphore, #tpu.memory_space<semaphore_mem>>) src(%arg13 : memref<56x128xf32, #tpu.memory_space<vmem>>) dst(%dma_wait3A_626 : memref<10112x128xf32, #tpu.memory_space<vmem_shared>>)
        %dma_wait3A_627 = arith.constant 1 : i32
        %dma_wait3A_628 = arith.constant 0 : i32
        %dma_wait3A_629 = tpu.memref_slice %arg12[%dma_wait3A_627, %dma_wait3A_628] : memref<6x56xi32, #tpu.memory_space<vmem>> -> memref<1x56xi32, #tpu.memory_space<vmem>>
        %dma_wait3A_630 = tpu.memref_squeeze %dma_wait3A_629 : memref<1x56xi32, #tpu.memory_space<vmem>> -> memref<56xi32, #tpu.memory_space<vmem>>
        %dma_wait3A_631 = arith.constant 0 : i32
        %dma_wait3A_632 = arith.constant 0 : i32
        %dma_wait3A_633 = tpu.memref_slice %arg19[%dma_wait3A_631, %dma_wait3A_632] : memref<10112x128xf32, #tpu.memory_space<vmem_shared>> -> memref<10112x128xf32, #tpu.memory_space<vmem_shared>>
        tpu.wait_indirect_dma semaphore(%arg29 : memref<!tpu.dma_semaphore, #tpu.memory_space<semaphore_mem>>) src(%arg14 : memref<56x128xf32, #tpu.memory_space<vmem>>) dst(%dma_wait3A_633 : memref<10112x128xf32, #tpu.memory_space<vmem_shared>>)
        %dma_wait3A_634 = arith.constant 2 : i32
        %dma_wait3A_635 = arith.constant 0 : i32
        %dma_wait3A_636 = tpu.memref_slice %arg12[%dma_wait3A_634, %dma_wait3A_635] : memref<6x56xi32, #tpu.memory_space<vmem>> -> memref<1x56xi32, #tpu.memory_space<vmem>>
        %dma_wait3A_637 = tpu.memref_squeeze %dma_wait3A_636 : memref<1x56xi32, #tpu.memory_space<vmem>> -> memref<56xi32, #tpu.memory_space<vmem>>
        %dma_wait3A_638 = arith.constant 0 : i32
        %dma_wait3A_639 = arith.constant 0 : i32
        %dma_wait3A_640 = tpu.memref_slice %arg19[%dma_wait3A_638, %dma_wait3A_639] : memref<10112x128xf32, #tpu.memory_space<vmem_shared>> -> memref<10112x128xf32, #tpu.memory_space<vmem_shared>>
        tpu.wait_indirect_dma semaphore(%arg29 : memref<!tpu.dma_semaphore, #tpu.memory_space<semaphore_mem>>) src(%arg15 : memref<56x128xf32, #tpu.memory_space<vmem>>) dst(%dma_wait3A_640 : memref<10112x128xf32, #tpu.memory_space<vmem_shared>>)
        %dma_wait3A_641 = arith.constant 3 : i32
        %dma_wait3A_642 = arith.constant 0 : i32
        %dma_wait3A_643 = tpu.memref_slice %arg12[%dma_wait3A_641, %dma_wait3A_642] : memref<6x56xi32, #tpu.memory_space<vmem>> -> memref<1x56xi32, #tpu.memory_space<vmem>>
        %dma_wait3A_644 = tpu.memref_squeeze %dma_wait3A_643 : memref<1x56xi32, #tpu.memory_space<vmem>> -> memref<56xi32, #tpu.memory_space<vmem>>
        %dma_wait3A_645 = arith.constant 0 : i32
        %dma_wait3A_646 = arith.constant 0 : i32
        %dma_wait3A_647 = tpu.memref_slice %arg19[%dma_wait3A_645, %dma_wait3A_646] : memref<10112x128xf32, #tpu.memory_space<vmem_shared>> -> memref<10112x128xf32, #tpu.memory_space<vmem_shared>>
        tpu.wait_indirect_dma semaphore(%arg29 : memref<!tpu.dma_semaphore, #tpu.memory_space<semaphore_mem>>) src(%arg16 : memref<56x128xf32, #tpu.memory_space<vmem>>) dst(%dma_wait3A_647 : memref<10112x128xf32, #tpu.memory_space<vmem_shared>>)
        %dma_wait3A_648 = arith.constant 4 : i32
        %dma_wait3A_649 = arith.constant 0 : i32
        %dma_wait3A_650 = tpu.memref_slice %arg12[%dma_wait3A_648, %dma_wait3A_649] : memref<6x56xi32, #tpu.memory_space<vmem>> -> memref<1x56xi32, #tpu.memory_space<vmem>>
        %dma_wait3A_651 = tpu.memref_squeeze %dma_wait3A_650 : memref<1x56xi32, #tpu.memory_space<vmem>> -> memref<56xi32, #tpu.memory_space<vmem>>
        %dma_wait3A_652 = arith.constant 0 : i32
        %dma_wait3A_653 = arith.constant 0 : i32
        %dma_wait3A_654 = tpu.memref_slice %arg19[%dma_wait3A_652, %dma_wait3A_653] : memref<10112x128xf32, #tpu.memory_space<vmem_shared>> -> memref<10112x128xf32, #tpu.memory_space<vmem_shared>>
        tpu.wait_indirect_dma semaphore(%arg29 : memref<!tpu.dma_semaphore, #tpu.memory_space<semaphore_mem>>) src(%arg17 : memref<56x128xf32, #tpu.memory_space<vmem>>) dst(%dma_wait3A_654 : memref<10112x128xf32, #tpu.memory_space<vmem_shared>>)
        %dma_wait3A_655 = arith.constant 5 : i32
        %dma_wait3A_656 = arith.constant 0 : i32
        %dma_wait3A_657 = tpu.memref_slice %arg12[%dma_wait3A_655, %dma_wait3A_656] : memref<6x56xi32, #tpu.memory_space<vmem>> -> memref<1x56xi32, #tpu.memory_space<vmem>>
        %dma_wait3A_658 = tpu.memref_squeeze %dma_wait3A_657 : memref<1x56xi32, #tpu.memory_space<vmem>> -> memref<56xi32, #tpu.memory_space<vmem>>
        %dma_wait3A_659 = arith.constant 0 : i32
        %dma_wait3A_660 = arith.constant 0 : i32
        %dma_wait3A_661 = tpu.memref_slice %arg19[%dma_wait3A_659, %dma_wait3A_660] : memref<10112x128xf32, #tpu.memory_space<vmem_shared>> -> memref<10112x128xf32, #tpu.memory_space<vmem_shared>>
        tpu.wait_indirect_dma semaphore(%arg29 : memref<!tpu.dma_semaphore, #tpu.memory_space<semaphore_mem>>) src(%arg18 : memref<56x128xf32, #tpu.memory_space<vmem>>) dst(%dma_wait3A_661 : memref<10112x128xf32, #tpu.memory_space<vmem_shared>>)
      }
      %scan3A_56 = arith.constant 14 : i32
    } else {
    }
    %eq3A_35 = arith.constant 1 : i32
    %eq3A_36 = arith.cmpi eq, %arg0, %eq3A_35 : i32
    %convert_element_type3A_37 = arith.extui %eq3A_36 : i1 to i32
    %cond3A_38 = arith.constant 0 : i32
    %cond3A_39 = arith.cmpi ne, %convert_element_type3A_37, %cond3A_38 : i32
    scf.if %cond3A_39 {
      %scan3A_51 = arith.constant 0 : i32
      %scan3A_52 = arith.constant 0 : i32
      %scan3A_53 = arith.constant 6 : i32
      %scan3A_54 = arith.addi %scan3A_52, %scan3A_53 : i32
      %scan3A_55 = arith.constant 1 : i32
      scf.for %scan3A_57 = %scan3A_52 to %scan3A_54 step %scan3A_55  : i32 {
        %mul3A_58 = arith.constant 3 : i32
        %mul3A_59 = arith.muli %scan3A_57, %mul3A_58 : i32
        %dma_start3A = arith.constant 0 : i32
        %dma_start3A_60 = arith.constant 0 : i32
        %dma_start3A_61 = tpu.memref_slice %arg3[%add3A, %mul3A_59, %dma_start3A, %dma_start3A_60] : memref<32x42x6x56xi32, #tpu.memory_space<hbm>> -> memref<1x1x6x56xi32, #tpu.memory_space<hbm>>
        %dma_start3A_62 = tpu.memref_squeeze %dma_start3A_61 : memref<1x1x6x56xi32, #tpu.memory_space<hbm>> -> memref<6x56xi32, #tpu.memory_space<hbm>>
        %dma_start3A_63 = arith.constant 0 : i32
        %dma_start3A_64 = arith.constant 0 : i32
        %dma_start3A_65 = tpu.memref_slice %arg3[%add3A, %mul3A_59, %dma_start3A_63, %dma_start3A_64] : memref<32x42x6x56xi32, #tpu.memory_space<hbm>> -> memref<1x1x6x56xi32, #tpu.memory_space<hbm>>
        %dma_start3A_66 = tpu.memref_squeeze %dma_start3A_65 : memref<1x1x6x56xi32, #tpu.memory_space<hbm>> -> memref<6x56xi32, #tpu.memory_space<hbm>>
        tpu.enqueue_dma source(%dma_start3A_66 : memref<6x56xi32, #tpu.memory_space<hbm>>) target(%arg7 : memref<6x56xi32, #tpu.memory_space<vmem>>) target_semaphore(%arg20 : memref<!tpu.dma_semaphore, #tpu.memory_space<semaphore_mem>>)
        %dma_start3A_67 = arith.constant 0 : i32
        %dma_start3A_68 = arith.constant 0 : i32
        %dma_start3A_69 = tpu.memref_slice %arg4[%add3A, %mul3A_59, %dma_start3A_67, %dma_start3A_68] : memref<32x42x6x56xi32, #tpu.memory_space<hbm>> -> memref<1x1x6x56xi32, #tpu.memory_space<hbm>>
        %dma_start3A_70 = tpu.memref_squeeze %dma_start3A_69 : memref<1x1x6x56xi32, #tpu.memory_space<hbm>> -> memref<6x56xi32, #tpu.memory_space<hbm>>
        %dma_start3A_71 = arith.constant 0 : i32
        %dma_start3A_72 = arith.constant 0 : i32
        %dma_start3A_73 = tpu.memref_slice %arg4[%add3A, %mul3A_59, %dma_start3A_71, %dma_start3A_72] : memref<32x42x6x56xi32, #tpu.memory_space<hbm>> -> memref<1x1x6x56xi32, #tpu.memory_space<hbm>>
        %dma_start3A_74 = tpu.memref_squeeze %dma_start3A_73 : memref<1x1x6x56xi32, #tpu.memory_space<hbm>> -> memref<6x56xi32, #tpu.memory_space<hbm>>
        tpu.enqueue_dma source(%dma_start3A_74 : memref<6x56xi32, #tpu.memory_space<hbm>>) target(%arg8 : memref<6x56xi32, #tpu.memory_space<vmem>>) target_semaphore(%arg20 : memref<!tpu.dma_semaphore, #tpu.memory_space<semaphore_mem>>)
        %dma_wait3A = arith.constant 0 : i32
        %dma_wait3A_75 = arith.constant 0 : i32
        %dma_wait3A_76 = tpu.memref_slice %arg3[%add3A, %mul3A_59, %dma_wait3A, %dma_wait3A_75] : memref<32x42x6x56xi32, #tpu.memory_space<hbm>> -> memref<1x1x6x56xi32, #tpu.memory_space<hbm>>
        %dma_wait3A_77 = tpu.memref_squeeze %dma_wait3A_76 : memref<1x1x6x56xi32, #tpu.memory_space<hbm>> -> memref<6x56xi32, #tpu.memory_space<hbm>>
        %dma_wait3A_78 = arith.constant 0 : i32
        %dma_wait3A_79 = arith.constant 0 : i32
        %dma_wait3A_80 = tpu.memref_slice %arg3[%add3A, %mul3A_59, %dma_wait3A_78, %dma_wait3A_79] : memref<32x42x6x56xi32, #tpu.memory_space<hbm>> -> memref<1x1x6x56xi32, #tpu.memory_space<hbm>>
        %dma_wait3A_81 = tpu.memref_squeeze %dma_wait3A_80 : memref<1x1x6x56xi32, #tpu.memory_space<hbm>> -> memref<6x56xi32, #tpu.memory_space<hbm>>
        tpu.wait_dma2 semaphore(%arg20 : memref<!tpu.dma_semaphore, #tpu.memory_space<semaphore_mem>>) src(%dma_wait3A_81 : memref<6x56xi32, #tpu.memory_space<hbm>>) dst(%arg7 : memref<6x56xi32, #tpu.memory_space<vmem>>)
        %dma_wait3A_82 = arith.constant 0 : i32
        %dma_wait3A_83 = arith.constant 0 : i32
        %dma_wait3A_84 = tpu.memref_slice %arg4[%add3A, %mul3A_59, %dma_wait3A_82, %dma_wait3A_83] : memref<32x42x6x56xi32, #tpu.memory_space<hbm>> -> memref<1x1x6x56xi32, #tpu.memory_space<hbm>>
        %dma_wait3A_85 = tpu.memref_squeeze %dma_wait3A_84 : memref<1x1x6x56xi32, #tpu.memory_space<hbm>> -> memref<6x56xi32, #tpu.memory_space<hbm>>
        %dma_wait3A_86 = arith.constant 0 : i32
        %dma_wait3A_87 = arith.constant 0 : i32
        %dma_wait3A_88 = tpu.memref_slice %arg4[%add3A, %mul3A_59, %dma_wait3A_86, %dma_wait3A_87] : memref<32x42x6x56xi32, #tpu.memory_space<hbm>> -> memref<1x1x6x56xi32, #tpu.memory_space<hbm>>
        %dma_wait3A_89 = tpu.memref_squeeze %dma_wait3A_88 : memref<1x1x6x56xi32, #tpu.memory_space<hbm>> -> memref<6x56xi32, #tpu.memory_space<hbm>>
        tpu.wait_dma2 semaphore(%arg20 : memref<!tpu.dma_semaphore, #tpu.memory_space<semaphore_mem>>) src(%dma_wait3A_89 : memref<6x56xi32, #tpu.memory_space<hbm>>) dst(%arg8 : memref<6x56xi32, #tpu.memory_space<vmem>>)
        %add3A_90 = arith.constant 1 : i32
        %add3A_91 = arith.addi %mul3A_59, %add3A_90 : i32
        %dma_start3A_92 = arith.constant 0 : i32
        %dma_start3A_93 = arith.constant 0 : i32
        %dma_start3A_94 = tpu.memref_slice %arg3[%add3A, %add3A_91, %dma_start3A_92, %dma_start3A_93] : memref<32x42x6x56xi32, #tpu.memory_space<hbm>> -> memref<1x1x6x56xi32, #tpu.memory_space<hbm>>
        %dma_start3A_95 = tpu.memref_squeeze %dma_start3A_94 : memref<1x1x6x56xi32, #tpu.memory_space<hbm>> -> memref<6x56xi32, #tpu.memory_space<hbm>>
        %dma_start3A_96 = arith.constant 0 : i32
        %dma_start3A_97 = arith.constant 0 : i32
        %dma_start3A_98 = tpu.memref_slice %arg3[%add3A, %add3A_91, %dma_start3A_96, %dma_start3A_97] : memref<32x42x6x56xi32, #tpu.memory_space<hbm>> -> memref<1x1x6x56xi32, #tpu.memory_space<hbm>>
        %dma_start3A_99 = tpu.memref_squeeze %dma_start3A_98 : memref<1x1x6x56xi32, #tpu.memory_space<hbm>> -> memref<6x56xi32, #tpu.memory_space<hbm>>
        tpu.enqueue_dma source(%dma_start3A_99 : memref<6x56xi32, #tpu.memory_space<hbm>>) target(%arg9 : memref<6x56xi32, #tpu.memory_space<vmem>>) target_semaphore(%arg21 : memref<!tpu.dma_semaphore, #tpu.memory_space<semaphore_mem>>)
        %dma_start3A_100 = arith.constant 0 : i32
        %dma_start3A_101 = arith.constant 0 : i32
        %dma_start3A_102 = tpu.memref_slice %arg4[%add3A, %add3A_91, %dma_start3A_100, %dma_start3A_101] : memref<32x42x6x56xi32, #tpu.memory_space<hbm>> -> memref<1x1x6x56xi32, #tpu.memory_space<hbm>>
        %dma_start3A_103 = tpu.memref_squeeze %dma_start3A_102 : memref<1x1x6x56xi32, #tpu.memory_space<hbm>> -> memref<6x56xi32, #tpu.memory_space<hbm>>
        %dma_start3A_104 = arith.constant 0 : i32
        %dma_start3A_105 = arith.constant 0 : i32
        %dma_start3A_106 = tpu.memref_slice %arg4[%add3A, %add3A_91, %dma_start3A_104, %dma_start3A_105] : memref<32x42x6x56xi32, #tpu.memory_space<hbm>> -> memref<1x1x6x56xi32, #tpu.memory_space<hbm>>
        %dma_start3A_107 = tpu.memref_squeeze %dma_start3A_106 : memref<1x1x6x56xi32, #tpu.memory_space<hbm>> -> memref<6x56xi32, #tpu.memory_space<hbm>>
        tpu.enqueue_dma source(%dma_start3A_107 : memref<6x56xi32, #tpu.memory_space<hbm>>) target(%arg10 : memref<6x56xi32, #tpu.memory_space<vmem>>) target_semaphore(%arg21 : memref<!tpu.dma_semaphore, #tpu.memory_space<semaphore_mem>>)
        %dma_start3A_108 = arith.constant 0 : i32
        %dma_start3A_109 = arith.constant 0 : i32
        %dma_start3A_110 = tpu.memref_slice %arg7[%dma_start3A_108, %dma_start3A_109] : memref<6x56xi32, #tpu.memory_space<vmem>> -> memref<1x56xi32, #tpu.memory_space<vmem>>
        %dma_start3A_111 = tpu.memref_squeeze %dma_start3A_110 : memref<1x56xi32, #tpu.memory_space<vmem>> -> memref<56xi32, #tpu.memory_space<vmem>>
        %dma_start3A_112 = arith.constant 0 : i32
        %dma_start3A_113 = arith.constant 0 : i32
        %dma_start3A_114 = tpu.memref_slice %arg2[%dma_start3A_112, %dma_start3A_113] : memref<10000x128xf32, #tpu.memory_space<hbm>> -> memref<10000x128xf32, #tpu.memory_space<hbm>>
        tpu.enqueue_indirect_dma source(%dma_start3A_114 : memref<10000x128xf32, #tpu.memory_space<hbm>>) target(%arg13 : memref<56x128xf32, #tpu.memory_space<vmem>>) offsets(%dma_start3A_111 : memref<56xi32, #tpu.memory_space<vmem>>) semaphore(%arg23 : memref<!tpu.dma_semaphore, #tpu.memory_space<semaphore_mem>>)
        %dma_start3A_115 = arith.constant 1 : i32
        %dma_start3A_116 = arith.constant 0 : i32
        %dma_start3A_117 = tpu.memref_slice %arg7[%dma_start3A_115, %dma_start3A_116] : memref<6x56xi32, #tpu.memory_space<vmem>> -> memref<1x56xi32, #tpu.memory_space<vmem>>
        %dma_start3A_118 = tpu.memref_squeeze %dma_start3A_117 : memref<1x56xi32, #tpu.memory_space<vmem>> -> memref<56xi32, #tpu.memory_space<vmem>>
        %dma_start3A_119 = arith.constant 0 : i32
        %dma_start3A_120 = arith.constant 0 : i32
        %dma_start3A_121 = tpu.memref_slice %arg2[%dma_start3A_119, %dma_start3A_120] : memref<10000x128xf32, #tpu.memory_space<hbm>> -> memref<10000x128xf32, #tpu.memory_space<hbm>>
        tpu.enqueue_indirect_dma source(%dma_start3A_121 : memref<10000x128xf32, #tpu.memory_space<hbm>>) target(%arg14 : memref<56x128xf32, #tpu.memory_space<vmem>>) offsets(%dma_start3A_118 : memref<56xi32, #tpu.memory_space<vmem>>) semaphore(%arg24 : memref<!tpu.dma_semaphore, #tpu.memory_space<semaphore_mem>>)
        %dma_start3A_122 = arith.constant 2 : i32
        %dma_start3A_123 = arith.constant 0 : i32
        %dma_start3A_124 = tpu.memref_slice %arg7[%dma_start3A_122, %dma_start3A_123] : memref<6x56xi32, #tpu.memory_space<vmem>> -> memref<1x56xi32, #tpu.memory_space<vmem>>
        %dma_start3A_125 = tpu.memref_squeeze %dma_start3A_124 : memref<1x56xi32, #tpu.memory_space<vmem>> -> memref<56xi32, #tpu.memory_space<vmem>>
        %dma_start3A_126 = arith.constant 0 : i32
        %dma_start3A_127 = arith.constant 0 : i32
        %dma_start3A_128 = tpu.memref_slice %arg2[%dma_start3A_126, %dma_start3A_127] : memref<10000x128xf32, #tpu.memory_space<hbm>> -> memref<10000x128xf32, #tpu.memory_space<hbm>>
        tpu.enqueue_indirect_dma source(%dma_start3A_128 : memref<10000x128xf32, #tpu.memory_space<hbm>>) target(%arg15 : memref<56x128xf32, #tpu.memory_space<vmem>>) offsets(%dma_start3A_125 : memref<56xi32, #tpu.memory_space<vmem>>) semaphore(%arg25 : memref<!tpu.dma_semaphore, #tpu.memory_space<semaphore_mem>>)
        %dma_start3A_129 = arith.constant 3 : i32
        %dma_start3A_130 = arith.constant 0 : i32
        %dma_start3A_131 = tpu.memref_slice %arg7[%dma_start3A_129, %dma_start3A_130] : memref<6x56xi32, #tpu.memory_space<vmem>> -> memref<1x56xi32, #tpu.memory_space<vmem>>
        %dma_start3A_132 = tpu.memref_squeeze %dma_start3A_131 : memref<1x56xi32, #tpu.memory_space<vmem>> -> memref<56xi32, #tpu.memory_space<vmem>>
        %dma_start3A_133 = arith.constant 0 : i32
        %dma_start3A_134 = arith.constant 0 : i32
        %dma_start3A_135 = tpu.memref_slice %arg2[%dma_start3A_133, %dma_start3A_134] : memref<10000x128xf32, #tpu.memory_space<hbm>> -> memref<10000x128xf32, #tpu.memory_space<hbm>>
        tpu.enqueue_indirect_dma source(%dma_start3A_135 : memref<10000x128xf32, #tpu.memory_space<hbm>>) target(%arg16 : memref<56x128xf32, #tpu.memory_space<vmem>>) offsets(%dma_start3A_132 : memref<56xi32, #tpu.memory_space<vmem>>) semaphore(%arg26 : memref<!tpu.dma_semaphore, #tpu.memory_space<semaphore_mem>>)
        %dma_start3A_136 = arith.constant 4 : i32
        %dma_start3A_137 = arith.constant 0 : i32
        %dma_start3A_138 = tpu.memref_slice %arg7[%dma_start3A_136, %dma_start3A_137] : memref<6x56xi32, #tpu.memory_space<vmem>> -> memref<1x56xi32, #tpu.memory_space<vmem>>
        %dma_start3A_139 = tpu.memref_squeeze %dma_start3A_138 : memref<1x56xi32, #tpu.memory_space<vmem>> -> memref<56xi32, #tpu.memory_space<vmem>>
        %dma_start3A_140 = arith.constant 0 : i32
        %dma_start3A_141 = arith.constant 0 : i32
        %dma_start3A_142 = tpu.memref_slice %arg2[%dma_start3A_140, %dma_start3A_141] : memref<10000x128xf32, #tpu.memory_space<hbm>> -> memref<10000x128xf32, #tpu.memory_space<hbm>>
        tpu.enqueue_indirect_dma source(%dma_start3A_142 : memref<10000x128xf32, #tpu.memory_space<hbm>>) target(%arg17 : memref<56x128xf32, #tpu.memory_space<vmem>>) offsets(%dma_start3A_139 : memref<56xi32, #tpu.memory_space<vmem>>) semaphore(%arg27 : memref<!tpu.dma_semaphore, #tpu.memory_space<semaphore_mem>>)
        %dma_start3A_143 = arith.constant 5 : i32
        %dma_start3A_144 = arith.constant 0 : i32
        %dma_start3A_145 = tpu.memref_slice %arg7[%dma_start3A_143, %dma_start3A_144] : memref<6x56xi32, #tpu.memory_space<vmem>> -> memref<1x56xi32, #tpu.memory_space<vmem>>
        %dma_start3A_146 = tpu.memref_squeeze %dma_start3A_145 : memref<1x56xi32, #tpu.memory_space<vmem>> -> memref<56xi32, #tpu.memory_space<vmem>>
        %dma_start3A_147 = arith.constant 0 : i32
        %dma_start3A_148 = arith.constant 0 : i32
        %dma_start3A_149 = tpu.memref_slice %arg2[%dma_start3A_147, %dma_start3A_148] : memref<10000x128xf32, #tpu.memory_space<hbm>> -> memref<10000x128xf32, #tpu.memory_space<hbm>>
        tpu.enqueue_indirect_dma source(%dma_start3A_149 : memref<10000x128xf32, #tpu.memory_space<hbm>>) target(%arg18 : memref<56x128xf32, #tpu.memory_space<vmem>>) offsets(%dma_start3A_146 : memref<56xi32, #tpu.memory_space<vmem>>) semaphore(%arg28 : memref<!tpu.dma_semaphore, #tpu.memory_space<semaphore_mem>>)
        %dma_wait3A_150 = arith.constant 0 : i32
        %dma_wait3A_151 = arith.constant 0 : i32
        %dma_wait3A_152 = tpu.memref_slice %arg7[%dma_wait3A_150, %dma_wait3A_151] : memref<6x56xi32, #tpu.memory_space<vmem>> -> memref<1x56xi32, #tpu.memory_space<vmem>>
        %dma_wait3A_153 = tpu.memref_squeeze %dma_wait3A_152 : memref<1x56xi32, #tpu.memory_space<vmem>> -> memref<56xi32, #tpu.memory_space<vmem>>
        %dma_wait3A_154 = arith.constant 0 : i32
        %dma_wait3A_155 = arith.constant 0 : i32
        %dma_wait3A_156 = tpu.memref_slice %arg2[%dma_wait3A_154, %dma_wait3A_155] : memref<10000x128xf32, #tpu.memory_space<hbm>> -> memref<10000x128xf32, #tpu.memory_space<hbm>>
        tpu.wait_indirect_dma semaphore(%arg23 : memref<!tpu.dma_semaphore, #tpu.memory_space<semaphore_mem>>) src(%dma_wait3A_156 : memref<10000x128xf32, #tpu.memory_space<hbm>>) dst(%arg13 : memref<56x128xf32, #tpu.memory_space<vmem>>)
        %dma_start3A_157 = arith.constant 0 : i32
        %dma_start3A_158 = arith.constant 0 : i32
        %dma_start3A_159 = tpu.memref_slice %arg8[%dma_start3A_157, %dma_start3A_158] : memref<6x56xi32, #tpu.memory_space<vmem>> -> memref<1x56xi32, #tpu.memory_space<vmem>>
        %dma_start3A_160 = tpu.memref_squeeze %dma_start3A_159 : memref<1x56xi32, #tpu.memory_space<vmem>> -> memref<56xi32, #tpu.memory_space<vmem>>
        %dma_start3A_161 = arith.constant 0 : i32
        %dma_start3A_162 = arith.constant 0 : i32
        %dma_start3A_163 = tpu.memref_slice %arg19[%dma_start3A_161, %dma_start3A_162] : memref<10112x128xf32, #tpu.memory_space<vmem_shared>> -> memref<10112x128xf32, #tpu.memory_space<vmem_shared>>
        tpu.enqueue_indirect_dma source(%arg13 : memref<56x128xf32, #tpu.memory_space<vmem>>) target(%dma_start3A_163 : memref<10112x128xf32, #tpu.memory_space<vmem_shared>>) offsets(%dma_start3A_160 : memref<56xi32, #tpu.memory_space<vmem>>) semaphore(%arg29 : memref<!tpu.dma_semaphore, #tpu.memory_space<semaphore_mem>>) {add = true}
        %dma_wait3A_164 = arith.constant 1 : i32
        %dma_wait3A_165 = arith.constant 0 : i32
        %dma_wait3A_166 = tpu.memref_slice %arg7[%dma_wait3A_164, %dma_wait3A_165] : memref<6x56xi32, #tpu.memory_space<vmem>> -> memref<1x56xi32, #tpu.memory_space<vmem>>
        %dma_wait3A_167 = tpu.memref_squeeze %dma_wait3A_166 : memref<1x56xi32, #tpu.memory_space<vmem>> -> memref<56xi32, #tpu.memory_space<vmem>>
        %dma_wait3A_168 = arith.constant 0 : i32
        %dma_wait3A_169 = arith.constant 0 : i32
        %dma_wait3A_170 = tpu.memref_slice %arg2[%dma_wait3A_168, %dma_wait3A_169] : memref<10000x128xf32, #tpu.memory_space<hbm>> -> memref<10000x128xf32, #tpu.memory_space<hbm>>
        tpu.wait_indirect_dma semaphore(%arg24 : memref<!tpu.dma_semaphore, #tpu.memory_space<semaphore_mem>>) src(%dma_wait3A_170 : memref<10000x128xf32, #tpu.memory_space<hbm>>) dst(%arg14 : memref<56x128xf32, #tpu.memory_space<vmem>>)
        %dma_start3A_171 = arith.constant 1 : i32
        %dma_start3A_172 = arith.constant 0 : i32
        %dma_start3A_173 = tpu.memref_slice %arg8[%dma_start3A_171, %dma_start3A_172] : memref<6x56xi32, #tpu.memory_space<vmem>> -> memref<1x56xi32, #tpu.memory_space<vmem>>
        %dma_start3A_174 = tpu.memref_squeeze %dma_start3A_173 : memref<1x56xi32, #tpu.memory_space<vmem>> -> memref<56xi32, #tpu.memory_space<vmem>>
        %dma_start3A_175 = arith.constant 0 : i32
        %dma_start3A_176 = arith.constant 0 : i32
        %dma_start3A_177 = tpu.memref_slice %arg19[%dma_start3A_175, %dma_start3A_176] : memref<10112x128xf32, #tpu.memory_space<vmem_shared>> -> memref<10112x128xf32, #tpu.memory_space<vmem_shared>>
        tpu.enqueue_indirect_dma source(%arg14 : memref<56x128xf32, #tpu.memory_space<vmem>>) target(%dma_start3A_177 : memref<10112x128xf32, #tpu.memory_space<vmem_shared>>) offsets(%dma_start3A_174 : memref<56xi32, #tpu.memory_space<vmem>>) semaphore(%arg29 : memref<!tpu.dma_semaphore, #tpu.memory_space<semaphore_mem>>) {add = true}
        %dma_wait3A_178 = arith.constant 2 : i32
        %dma_wait3A_179 = arith.constant 0 : i32
        %dma_wait3A_180 = tpu.memref_slice %arg7[%dma_wait3A_178, %dma_wait3A_179] : memref<6x56xi32, #tpu.memory_space<vmem>> -> memref<1x56xi32, #tpu.memory_space<vmem>>
        %dma_wait3A_181 = tpu.memref_squeeze %dma_wait3A_180 : memref<1x56xi32, #tpu.memory_space<vmem>> -> memref<56xi32, #tpu.memory_space<vmem>>
        %dma_wait3A_182 = arith.constant 0 : i32
        %dma_wait3A_183 = arith.constant 0 : i32
        %dma_wait3A_184 = tpu.memref_slice %arg2[%dma_wait3A_182, %dma_wait3A_183] : memref<10000x128xf32, #tpu.memory_space<hbm>> -> memref<10000x128xf32, #tpu.memory_space<hbm>>
        tpu.wait_indirect_dma semaphore(%arg25 : memref<!tpu.dma_semaphore, #tpu.memory_space<semaphore_mem>>) src(%dma_wait3A_184 : memref<10000x128xf32, #tpu.memory_space<hbm>>) dst(%arg15 : memref<56x128xf32, #tpu.memory_space<vmem>>)
        %dma_start3A_185 = arith.constant 2 : i32
        %dma_start3A_186 = arith.constant 0 : i32
        %dma_start3A_187 = tpu.memref_slice %arg8[%dma_start3A_185, %dma_start3A_186] : memref<6x56xi32, #tpu.memory_space<vmem>> -> memref<1x56xi32, #tpu.memory_space<vmem>>
        %dma_start3A_188 = tpu.memref_squeeze %dma_start3A_187 : memref<1x56xi32, #tpu.memory_space<vmem>> -> memref<56xi32, #tpu.memory_space<vmem>>
        %dma_start3A_189 = arith.constant 0 : i32
        %dma_start3A_190 = arith.constant 0 : i32
        %dma_start3A_191 = tpu.memref_slice %arg19[%dma_start3A_189, %dma_start3A_190] : memref<10112x128xf32, #tpu.memory_space<vmem_shared>> -> memref<10112x128xf32, #tpu.memory_space<vmem_shared>>
        tpu.enqueue_indirect_dma source(%arg15 : memref<56x128xf32, #tpu.memory_space<vmem>>) target(%dma_start3A_191 : memref<10112x128xf32, #tpu.memory_space<vmem_shared>>) offsets(%dma_start3A_188 : memref<56xi32, #tpu.memory_space<vmem>>) semaphore(%arg29 : memref<!tpu.dma_semaphore, #tpu.memory_space<semaphore_mem>>) {add = true}
        %dma_wait3A_192 = arith.constant 3 : i32
        %dma_wait3A_193 = arith.constant 0 : i32
        %dma_wait3A_194 = tpu.memref_slice %arg7[%dma_wait3A_192, %dma_wait3A_193] : memref<6x56xi32, #tpu.memory_space<vmem>> -> memref<1x56xi32, #tpu.memory_space<vmem>>
        %dma_wait3A_195 = tpu.memref_squeeze %dma_wait3A_194 : memref<1x56xi32, #tpu.memory_space<vmem>> -> memref<56xi32, #tpu.memory_space<vmem>>
        %dma_wait3A_196 = arith.constant 0 : i32
        %dma_wait3A_197 = arith.constant 0 : i32
        %dma_wait3A_198 = tpu.memref_slice %arg2[%dma_wait3A_196, %dma_wait3A_197] : memref<10000x128xf32, #tpu.memory_space<hbm>> -> memref<10000x128xf32, #tpu.memory_space<hbm>>
        tpu.wait_indirect_dma semaphore(%arg26 : memref<!tpu.dma_semaphore, #tpu.memory_space<semaphore_mem>>) src(%dma_wait3A_198 : memref<10000x128xf32, #tpu.memory_space<hbm>>) dst(%arg16 : memref<56x128xf32, #tpu.memory_space<vmem>>)
        %dma_start3A_199 = arith.constant 3 : i32
        %dma_start3A_200 = arith.constant 0 : i32
        %dma_start3A_201 = tpu.memref_slice %arg8[%dma_start3A_199, %dma_start3A_200] : memref<6x56xi32, #tpu.memory_space<vmem>> -> memref<1x56xi32, #tpu.memory_space<vmem>>
        %dma_start3A_202 = tpu.memref_squeeze %dma_start3A_201 : memref<1x56xi32, #tpu.memory_space<vmem>> -> memref<56xi32, #tpu.memory_space<vmem>>
        %dma_start3A_203 = arith.constant 0 : i32
        %dma_start3A_204 = arith.constant 0 : i32
        %dma_start3A_205 = tpu.memref_slice %arg19[%dma_start3A_203, %dma_start3A_204] : memref<10112x128xf32, #tpu.memory_space<vmem_shared>> -> memref<10112x128xf32, #tpu.memory_space<vmem_shared>>
        tpu.enqueue_indirect_dma source(%arg16 : memref<56x128xf32, #tpu.memory_space<vmem>>) target(%dma_start3A_205 : memref<10112x128xf32, #tpu.memory_space<vmem_shared>>) offsets(%dma_start3A_202 : memref<56xi32, #tpu.memory_space<vmem>>) semaphore(%arg29 : memref<!tpu.dma_semaphore, #tpu.memory_space<semaphore_mem>>) {add = true}
        %dma_wait3A_206 = arith.constant 4 : i32
        %dma_wait3A_207 = arith.constant 0 : i32
        %dma_wait3A_208 = tpu.memref_slice %arg7[%dma_wait3A_206, %dma_wait3A_207] : memref<6x56xi32, #tpu.memory_space<vmem>> -> memref<1x56xi32, #tpu.memory_space<vmem>>
        %dma_wait3A_209 = tpu.memref_squeeze %dma_wait3A_208 : memref<1x56xi32, #tpu.memory_space<vmem>> -> memref<56xi32, #tpu.memory_space<vmem>>
        %dma_wait3A_210 = arith.constant 0 : i32
        %dma_wait3A_211 = arith.constant 0 : i32
        %dma_wait3A_212 = tpu.memref_slice %arg2[%dma_wait3A_210, %dma_wait3A_211] : memref<10000x128xf32, #tpu.memory_space<hbm>> -> memref<10000x128xf32, #tpu.memory_space<hbm>>
        tpu.wait_indirect_dma semaphore(%arg27 : memref<!tpu.dma_semaphore, #tpu.memory_space<semaphore_mem>>) src(%dma_wait3A_212 : memref<10000x128xf32, #tpu.memory_space<hbm>>) dst(%arg17 : memref<56x128xf32, #tpu.memory_space<vmem>>)
        %dma_start3A_213 = arith.constant 4 : i32
        %dma_start3A_214 = arith.constant 0 : i32
        %dma_start3A_215 = tpu.memref_slice %arg8[%dma_start3A_213, %dma_start3A_214] : memref<6x56xi32, #tpu.memory_space<vmem>> -> memref<1x56xi32, #tpu.memory_space<vmem>>
        %dma_start3A_216 = tpu.memref_squeeze %dma_start3A_215 : memref<1x56xi32, #tpu.memory_space<vmem>> -> memref<56xi32, #tpu.memory_space<vmem>>
        %dma_start3A_217 = arith.constant 0 : i32
        %dma_start3A_218 = arith.constant 0 : i32
        %dma_start3A_219 = tpu.memref_slice %arg19[%dma_start3A_217, %dma_start3A_218] : memref<10112x128xf32, #tpu.memory_space<vmem_shared>> -> memref<10112x128xf32, #tpu.memory_space<vmem_shared>>
        tpu.enqueue_indirect_dma source(%arg17 : memref<56x128xf32, #tpu.memory_space<vmem>>) target(%dma_start3A_219 : memref<10112x128xf32, #tpu.memory_space<vmem_shared>>) offsets(%dma_start3A_216 : memref<56xi32, #tpu.memory_space<vmem>>) semaphore(%arg29 : memref<!tpu.dma_semaphore, #tpu.memory_space<semaphore_mem>>) {add = true}
        %dma_wait3A_220 = arith.constant 5 : i32
        %dma_wait3A_221 = arith.constant 0 : i32
        %dma_wait3A_222 = tpu.memref_slice %arg7[%dma_wait3A_220, %dma_wait3A_221] : memref<6x56xi32, #tpu.memory_space<vmem>> -> memref<1x56xi32, #tpu.memory_space<vmem>>
        %dma_wait3A_223 = tpu.memref_squeeze %dma_wait3A_222 : memref<1x56xi32, #tpu.memory_space<vmem>> -> memref<56xi32, #tpu.memory_space<vmem>>
        %dma_wait3A_224 = arith.constant 0 : i32
        %dma_wait3A_225 = arith.constant 0 : i32
        %dma_wait3A_226 = tpu.memref_slice %arg2[%dma_wait3A_224, %dma_wait3A_225] : memref<10000x128xf32, #tpu.memory_space<hbm>> -> memref<10000x128xf32, #tpu.memory_space<hbm>>
        tpu.wait_indirect_dma semaphore(%arg28 : memref<!tpu.dma_semaphore, #tpu.memory_space<semaphore_mem>>) src(%dma_wait3A_226 : memref<10000x128xf32, #tpu.memory_space<hbm>>) dst(%arg18 : memref<56x128xf32, #tpu.memory_space<vmem>>)
        %dma_start3A_227 = arith.constant 5 : i32
        %dma_start3A_228 = arith.constant 0 : i32
        %dma_start3A_229 = tpu.memref_slice %arg8[%dma_start3A_227, %dma_start3A_228] : memref<6x56xi32, #tpu.memory_space<vmem>> -> memref<1x56xi32, #tpu.memory_space<vmem>>
        %dma_start3A_230 = tpu.memref_squeeze %dma_start3A_229 : memref<1x56xi32, #tpu.memory_space<vmem>> -> memref<56xi32, #tpu.memory_space<vmem>>
        %dma_start3A_231 = arith.constant 0 : i32
        %dma_start3A_232 = arith.constant 0 : i32
        %dma_start3A_233 = tpu.memref_slice %arg19[%dma_start3A_231, %dma_start3A_232] : memref<10112x128xf32, #tpu.memory_space<vmem_shared>> -> memref<10112x128xf32, #tpu.memory_space<vmem_shared>>
        tpu.enqueue_indirect_dma source(%arg18 : memref<56x128xf32, #tpu.memory_space<vmem>>) target(%dma_start3A_233 : memref<10112x128xf32, #tpu.memory_space<vmem_shared>>) offsets(%dma_start3A_230 : memref<56xi32, #tpu.memory_space<vmem>>) semaphore(%arg29 : memref<!tpu.dma_semaphore, #tpu.memory_space<semaphore_mem>>) {add = true}
        %dma_wait3A_234 = arith.constant 0 : i32
        %dma_wait3A_235 = arith.constant 0 : i32
        %dma_wait3A_236 = tpu.memref_slice %arg3[%add3A, %add3A_91, %dma_wait3A_234, %dma_wait3A_235] : memref<32x42x6x56xi32, #tpu.memory_space<hbm>> -> memref<1x1x6x56xi32, #tpu.memory_space<hbm>>
        %dma_wait3A_237 = tpu.memref_squeeze %dma_wait3A_236 : memref<1x1x6x56xi32, #tpu.memory_space<hbm>> -> memref<6x56xi32, #tpu.memory_space<hbm>>
        %dma_wait3A_238 = arith.constant 0 : i32
        %dma_wait3A_239 = arith.constant 0 : i32
        %dma_wait3A_240 = tpu.memref_slice %arg3[%add3A, %add3A_91, %dma_wait3A_238, %dma_wait3A_239] : memref<32x42x6x56xi32, #tpu.memory_space<hbm>> -> memref<1x1x6x56xi32, #tpu.memory_space<hbm>>
        %dma_wait3A_241 = tpu.memref_squeeze %dma_wait3A_240 : memref<1x1x6x56xi32, #tpu.memory_space<hbm>> -> memref<6x56xi32, #tpu.memory_space<hbm>>
        tpu.wait_dma2 semaphore(%arg21 : memref<!tpu.dma_semaphore, #tpu.memory_space<semaphore_mem>>) src(%dma_wait3A_241 : memref<6x56xi32, #tpu.memory_space<hbm>>) dst(%arg9 : memref<6x56xi32, #tpu.memory_space<vmem>>)
        %dma_wait3A_242 = arith.constant 0 : i32
        %dma_wait3A_243 = arith.constant 0 : i32
        %dma_wait3A_244 = tpu.memref_slice %arg4[%add3A, %add3A_91, %dma_wait3A_242, %dma_wait3A_243] : memref<32x42x6x56xi32, #tpu.memory_space<hbm>> -> memref<1x1x6x56xi32, #tpu.memory_space<hbm>>
        %dma_wait3A_245 = tpu.memref_squeeze %dma_wait3A_244 : memref<1x1x6x56xi32, #tpu.memory_space<hbm>> -> memref<6x56xi32, #tpu.memory_space<hbm>>
        %dma_wait3A_246 = arith.constant 0 : i32
        %dma_wait3A_247 = arith.constant 0 : i32
        %dma_wait3A_248 = tpu.memref_slice %arg4[%add3A, %add3A_91, %dma_wait3A_246, %dma_wait3A_247] : memref<32x42x6x56xi32, #tpu.memory_space<hbm>> -> memref<1x1x6x56xi32, #tpu.memory_space<hbm>>
        %dma_wait3A_249 = tpu.memref_squeeze %dma_wait3A_248 : memref<1x1x6x56xi32, #tpu.memory_space<hbm>> -> memref<6x56xi32, #tpu.memory_space<hbm>>
        tpu.wait_dma2 semaphore(%arg21 : memref<!tpu.dma_semaphore, #tpu.memory_space<semaphore_mem>>) src(%dma_wait3A_249 : memref<6x56xi32, #tpu.memory_space<hbm>>) dst(%arg10 : memref<6x56xi32, #tpu.memory_space<vmem>>)
        %add3A_250 = arith.constant 2 : i32
        %add3A_251 = arith.addi %mul3A_59, %add3A_250 : i32
        %dma_start3A_252 = arith.constant 0 : i32
        %dma_start3A_253 = arith.constant 0 : i32
        %dma_start3A_254 = tpu.memref_slice %arg3[%add3A, %add3A_251, %dma_start3A_252, %dma_start3A_253] : memref<32x42x6x56xi32, #tpu.memory_space<hbm>> -> memref<1x1x6x56xi32, #tpu.memory_space<hbm>>
        %dma_start3A_255 = tpu.memref_squeeze %dma_start3A_254 : memref<1x1x6x56xi32, #tpu.memory_space<hbm>> -> memref<6x56xi32, #tpu.memory_space<hbm>>
        %dma_start3A_256 = arith.constant 0 : i32
        %dma_start3A_257 = arith.constant 0 : i32
        %dma_start3A_258 = tpu.memref_slice %arg3[%add3A, %add3A_251, %dma_start3A_256, %dma_start3A_257] : memref<32x42x6x56xi32, #tpu.memory_space<hbm>> -> memref<1x1x6x56xi32, #tpu.memory_space<hbm>>
        %dma_start3A_259 = tpu.memref_squeeze %dma_start3A_258 : memref<1x1x6x56xi32, #tpu.memory_space<hbm>> -> memref<6x56xi32, #tpu.memory_space<hbm>>
        tpu.enqueue_dma source(%dma_start3A_259 : memref<6x56xi32, #tpu.memory_space<hbm>>) target(%arg11 : memref<6x56xi32, #tpu.memory_space<vmem>>) target_semaphore(%arg22 : memref<!tpu.dma_semaphore, #tpu.memory_space<semaphore_mem>>)
        %dma_start3A_260 = arith.constant 0 : i32
        %dma_start3A_261 = arith.constant 0 : i32
        %dma_start3A_262 = tpu.memref_slice %arg4[%add3A, %add3A_251, %dma_start3A_260, %dma_start3A_261] : memref<32x42x6x56xi32, #tpu.memory_space<hbm>> -> memref<1x1x6x56xi32, #tpu.memory_space<hbm>>
        %dma_start3A_263 = tpu.memref_squeeze %dma_start3A_262 : memref<1x1x6x56xi32, #tpu.memory_space<hbm>> -> memref<6x56xi32, #tpu.memory_space<hbm>>
        %dma_start3A_264 = arith.constant 0 : i32
        %dma_start3A_265 = arith.constant 0 : i32
        %dma_start3A_266 = tpu.memref_slice %arg4[%add3A, %add3A_251, %dma_start3A_264, %dma_start3A_265] : memref<32x42x6x56xi32, #tpu.memory_space<hbm>> -> memref<1x1x6x56xi32, #tpu.memory_space<hbm>>
        %dma_start3A_267 = tpu.memref_squeeze %dma_start3A_266 : memref<1x1x6x56xi32, #tpu.memory_space<hbm>> -> memref<6x56xi32, #tpu.memory_space<hbm>>
        tpu.enqueue_dma source(%dma_start3A_267 : memref<6x56xi32, #tpu.memory_space<hbm>>) target(%arg12 : memref<6x56xi32, #tpu.memory_space<vmem>>) target_semaphore(%arg22 : memref<!tpu.dma_semaphore, #tpu.memory_space<semaphore_mem>>)
        %dma_wait3A_268 = arith.constant 0 : i32
        %dma_wait3A_269 = arith.constant 0 : i32
        %dma_wait3A_270 = tpu.memref_slice %arg8[%dma_wait3A_268, %dma_wait3A_269] : memref<6x56xi32, #tpu.memory_space<vmem>> -> memref<1x56xi32, #tpu.memory_space<vmem>>
        %dma_wait3A_271 = tpu.memref_squeeze %dma_wait3A_270 : memref<1x56xi32, #tpu.memory_space<vmem>> -> memref<56xi32, #tpu.memory_space<vmem>>
        %dma_wait3A_272 = arith.constant 0 : i32
        %dma_wait3A_273 = arith.constant 0 : i32
        %dma_wait3A_274 = tpu.memref_slice %arg19[%dma_wait3A_272, %dma_wait3A_273] : memref<10112x128xf32, #tpu.memory_space<vmem_shared>> -> memref<10112x128xf32, #tpu.memory_space<vmem_shared>>
        tpu.wait_indirect_dma semaphore(%arg29 : memref<!tpu.dma_semaphore, #tpu.memory_space<semaphore_mem>>) src(%arg13 : memref<56x128xf32, #tpu.memory_space<vmem>>) dst(%dma_wait3A_274 : memref<10112x128xf32, #tpu.memory_space<vmem_shared>>)
        %dma_start3A_275 = arith.constant 0 : i32
        %dma_start3A_276 = arith.constant 0 : i32
        %dma_start3A_277 = tpu.memref_slice %arg9[%dma_start3A_275, %dma_start3A_276] : memref<6x56xi32, #tpu.memory_space<vmem>> -> memref<1x56xi32, #tpu.memory_space<vmem>>
        %dma_start3A_278 = tpu.memref_squeeze %dma_start3A_277 : memref<1x56xi32, #tpu.memory_space<vmem>> -> memref<56xi32, #tpu.memory_space<vmem>>
        %dma_start3A_279 = arith.constant 0 : i32
        %dma_start3A_280 = arith.constant 0 : i32
        %dma_start3A_281 = tpu.memref_slice %arg2[%dma_start3A_279, %dma_start3A_280] : memref<10000x128xf32, #tpu.memory_space<hbm>> -> memref<10000x128xf32, #tpu.memory_space<hbm>>
        tpu.enqueue_indirect_dma source(%dma_start3A_281 : memref<10000x128xf32, #tpu.memory_space<hbm>>) target(%arg13 : memref<56x128xf32, #tpu.memory_space<vmem>>) offsets(%dma_start3A_278 : memref<56xi32, #tpu.memory_space<vmem>>) semaphore(%arg23 : memref<!tpu.dma_semaphore, #tpu.memory_space<semaphore_mem>>)
        %dma_wait3A_282 = arith.constant 1 : i32
        %dma_wait3A_283 = arith.constant 0 : i32
        %dma_wait3A_284 = tpu.memref_slice %arg8[%dma_wait3A_282, %dma_wait3A_283] : memref<6x56xi32, #tpu.memory_space<vmem>> -> memref<1x56xi32, #tpu.memory_space<vmem>>
        %dma_wait3A_285 = tpu.memref_squeeze %dma_wait3A_284 : memref<1x56xi32, #tpu.memory_space<vmem>> -> memref<56xi32, #tpu.memory_space<vmem>>
        %dma_wait3A_286 = arith.constant 0 : i32
        %dma_wait3A_287 = arith.constant 0 : i32
        %dma_wait3A_288 = tpu.memref_slice %arg19[%dma_wait3A_286, %dma_wait3A_287] : memref<10112x128xf32, #tpu.memory_space<vmem_shared>> -> memref<10112x128xf32, #tpu.memory_space<vmem_shared>>
        tpu.wait_indirect_dma semaphore(%arg29 : memref<!tpu.dma_semaphore, #tpu.memory_space<semaphore_mem>>) src(%arg14 : memref<56x128xf32, #tpu.memory_space<vmem>>) dst(%dma_wait3A_288 : memref<10112x128xf32, #tpu.memory_space<vmem_shared>>)
        %dma_start3A_289 = arith.constant 1 : i32
        %dma_start3A_290 = arith.constant 0 : i32
        %dma_start3A_291 = tpu.memref_slice %arg9[%dma_start3A_289, %dma_start3A_290] : memref<6x56xi32, #tpu.memory_space<vmem>> -> memref<1x56xi32, #tpu.memory_space<vmem>>
        %dma_start3A_292 = tpu.memref_squeeze %dma_start3A_291 : memref<1x56xi32, #tpu.memory_space<vmem>> -> memref<56xi32, #tpu.memory_space<vmem>>
        %dma_start3A_293 = arith.constant 0 : i32
        %dma_start3A_294 = arith.constant 0 : i32
        %dma_start3A_295 = tpu.memref_slice %arg2[%dma_start3A_293, %dma_start3A_294] : memref<10000x128xf32, #tpu.memory_space<hbm>> -> memref<10000x128xf32, #tpu.memory_space<hbm>>
        tpu.enqueue_indirect_dma source(%dma_start3A_295 : memref<10000x128xf32, #tpu.memory_space<hbm>>) target(%arg14 : memref<56x128xf32, #tpu.memory_space<vmem>>) offsets(%dma_start3A_292 : memref<56xi32, #tpu.memory_space<vmem>>) semaphore(%arg24 : memref<!tpu.dma_semaphore, #tpu.memory_space<semaphore_mem>>)
        %dma_wait3A_296 = arith.constant 2 : i32
        %dma_wait3A_297 = arith.constant 0 : i32
        %dma_wait3A_298 = tpu.memref_slice %arg8[%dma_wait3A_296, %dma_wait3A_297] : memref<6x56xi32, #tpu.memory_space<vmem>> -> memref<1x56xi32, #tpu.memory_space<vmem>>
        %dma_wait3A_299 = tpu.memref_squeeze %dma_wait3A_298 : memref<1x56xi32, #tpu.memory_space<vmem>> -> memref<56xi32, #tpu.memory_space<vmem>>
        %dma_wait3A_300 = arith.constant 0 : i32
        %dma_wait3A_301 = arith.constant 0 : i32
        %dma_wait3A_302 = tpu.memref_slice %arg19[%dma_wait3A_300, %dma_wait3A_301] : memref<10112x128xf32, #tpu.memory_space<vmem_shared>> -> memref<10112x128xf32, #tpu.memory_space<vmem_shared>>
        tpu.wait_indirect_dma semaphore(%arg29 : memref<!tpu.dma_semaphore, #tpu.memory_space<semaphore_mem>>) src(%arg15 : memref<56x128xf32, #tpu.memory_space<vmem>>) dst(%dma_wait3A_302 : memref<10112x128xf32, #tpu.memory_space<vmem_shared>>)
        %dma_start3A_303 = arith.constant 2 : i32
        %dma_start3A_304 = arith.constant 0 : i32
        %dma_start3A_305 = tpu.memref_slice %arg9[%dma_start3A_303, %dma_start3A_304] : memref<6x56xi32, #tpu.memory_space<vmem>> -> memref<1x56xi32, #tpu.memory_space<vmem>>
        %dma_start3A_306 = tpu.memref_squeeze %dma_start3A_305 : memref<1x56xi32, #tpu.memory_space<vmem>> -> memref<56xi32, #tpu.memory_space<vmem>>
        %dma_start3A_307 = arith.constant 0 : i32
        %dma_start3A_308 = arith.constant 0 : i32
        %dma_start3A_309 = tpu.memref_slice %arg2[%dma_start3A_307, %dma_start3A_308] : memref<10000x128xf32, #tpu.memory_space<hbm>> -> memref<10000x128xf32, #tpu.memory_space<hbm>>
        tpu.enqueue_indirect_dma source(%dma_start3A_309 : memref<10000x128xf32, #tpu.memory_space<hbm>>) target(%arg15 : memref<56x128xf32, #tpu.memory_space<vmem>>) offsets(%dma_start3A_306 : memref<56xi32, #tpu.memory_space<vmem>>) semaphore(%arg25 : memref<!tpu.dma_semaphore, #tpu.memory_space<semaphore_mem>>)
        %dma_wait3A_310 = arith.constant 3 : i32
        %dma_wait3A_311 = arith.constant 0 : i32
        %dma_wait3A_312 = tpu.memref_slice %arg8[%dma_wait3A_310, %dma_wait3A_311] : memref<6x56xi32, #tpu.memory_space<vmem>> -> memref<1x56xi32, #tpu.memory_space<vmem>>
        %dma_wait3A_313 = tpu.memref_squeeze %dma_wait3A_312 : memref<1x56xi32, #tpu.memory_space<vmem>> -> memref<56xi32, #tpu.memory_space<vmem>>
        %dma_wait3A_314 = arith.constant 0 : i32
        %dma_wait3A_315 = arith.constant 0 : i32
        %dma_wait3A_316 = tpu.memref_slice %arg19[%dma_wait3A_314, %dma_wait3A_315] : memref<10112x128xf32, #tpu.memory_space<vmem_shared>> -> memref<10112x128xf32, #tpu.memory_space<vmem_shared>>
        tpu.wait_indirect_dma semaphore(%arg29 : memref<!tpu.dma_semaphore, #tpu.memory_space<semaphore_mem>>) src(%arg16 : memref<56x128xf32, #tpu.memory_space<vmem>>) dst(%dma_wait3A_316 : memref<10112x128xf32, #tpu.memory_space<vmem_shared>>)
        %dma_start3A_317 = arith.constant 3 : i32
        %dma_start3A_318 = arith.constant 0 : i32
        %dma_start3A_319 = tpu.memref_slice %arg9[%dma_start3A_317, %dma_start3A_318] : memref<6x56xi32, #tpu.memory_space<vmem>> -> memref<1x56xi32, #tpu.memory_space<vmem>>
        %dma_start3A_320 = tpu.memref_squeeze %dma_start3A_319 : memref<1x56xi32, #tpu.memory_space<vmem>> -> memref<56xi32, #tpu.memory_space<vmem>>
        %dma_start3A_321 = arith.constant 0 : i32
        %dma_start3A_322 = arith.constant 0 : i32
        %dma_start3A_323 = tpu.memref_slice %arg2[%dma_start3A_321, %dma_start3A_322] : memref<10000x128xf32, #tpu.memory_space<hbm>> -> memref<10000x128xf32, #tpu.memory_space<hbm>>
        tpu.enqueue_indirect_dma source(%dma_start3A_323 : memref<10000x128xf32, #tpu.memory_space<hbm>>) target(%arg16 : memref<56x128xf32, #tpu.memory_space<vmem>>) offsets(%dma_start3A_320 : memref<56xi32, #tpu.memory_space<vmem>>) semaphore(%arg26 : memref<!tpu.dma_semaphore, #tpu.memory_space<semaphore_mem>>)
        %dma_wait3A_324 = arith.constant 4 : i32
        %dma_wait3A_325 = arith.constant 0 : i32
        %dma_wait3A_326 = tpu.memref_slice %arg8[%dma_wait3A_324, %dma_wait3A_325] : memref<6x56xi32, #tpu.memory_space<vmem>> -> memref<1x56xi32, #tpu.memory_space<vmem>>
        %dma_wait3A_327 = tpu.memref_squeeze %dma_wait3A_326 : memref<1x56xi32, #tpu.memory_space<vmem>> -> memref<56xi32, #tpu.memory_space<vmem>>
        %dma_wait3A_328 = arith.constant 0 : i32
        %dma_wait3A_329 = arith.constant 0 : i32
        %dma_wait3A_330 = tpu.memref_slice %arg19[%dma_wait3A_328, %dma_wait3A_329] : memref<10112x128xf32, #tpu.memory_space<vmem_shared>> -> memref<10112x128xf32, #tpu.memory_space<vmem_shared>>
        tpu.wait_indirect_dma semaphore(%arg29 : memref<!tpu.dma_semaphore, #tpu.memory_space<semaphore_mem>>) src(%arg17 : memref<56x128xf32, #tpu.memory_space<vmem>>) dst(%dma_wait3A_330 : memref<10112x128xf32, #tpu.memory_space<vmem_shared>>)
        %dma_start3A_331 = arith.constant 4 : i32
        %dma_start3A_332 = arith.constant 0 : i32
        %dma_start3A_333 = tpu.memref_slice %arg9[%dma_start3A_331, %dma_start3A_332] : memref<6x56xi32, #tpu.memory_space<vmem>> -> memref<1x56xi32, #tpu.memory_space<vmem>>
        %dma_start3A_334 = tpu.memref_squeeze %dma_start3A_333 : memref<1x56xi32, #tpu.memory_space<vmem>> -> memref<56xi32, #tpu.memory_space<vmem>>
        %dma_start3A_335 = arith.constant 0 : i32
        %dma_start3A_336 = arith.constant 0 : i32
        %dma_start3A_337 = tpu.memref_slice %arg2[%dma_start3A_335, %dma_start3A_336] : memref<10000x128xf32, #tpu.memory_space<hbm>> -> memref<10000x128xf32, #tpu.memory_space<hbm>>
        tpu.enqueue_indirect_dma source(%dma_start3A_337 : memref<10000x128xf32, #tpu.memory_space<hbm>>) target(%arg17 : memref<56x128xf32, #tpu.memory_space<vmem>>) offsets(%dma_start3A_334 : memref<56xi32, #tpu.memory_space<vmem>>) semaphore(%arg27 : memref<!tpu.dma_semaphore, #tpu.memory_space<semaphore_mem>>)
        %dma_wait3A_338 = arith.constant 5 : i32
        %dma_wait3A_339 = arith.constant 0 : i32
        %dma_wait3A_340 = tpu.memref_slice %arg8[%dma_wait3A_338, %dma_wait3A_339] : memref<6x56xi32, #tpu.memory_space<vmem>> -> memref<1x56xi32, #tpu.memory_space<vmem>>
        %dma_wait3A_341 = tpu.memref_squeeze %dma_wait3A_340 : memref<1x56xi32, #tpu.memory_space<vmem>> -> memref<56xi32, #tpu.memory_space<vmem>>
        %dma_wait3A_342 = arith.constant 0 : i32
        %dma_wait3A_343 = arith.constant 0 : i32
        %dma_wait3A_344 = tpu.memref_slice %arg19[%dma_wait3A_342, %dma_wait3A_343] : memref<10112x128xf32, #tpu.memory_space<vmem_shared>> -> memref<10112x128xf32, #tpu.memory_space<vmem_shared>>
        tpu.wait_indirect_dma semaphore(%arg29 : memref<!tpu.dma_semaphore, #tpu.memory_space<semaphore_mem>>) src(%arg18 : memref<56x128xf32, #tpu.memory_space<vmem>>) dst(%dma_wait3A_344 : memref<10112x128xf32, #tpu.memory_space<vmem_shared>>)
        %dma_start3A_345 = arith.constant 5 : i32
        %dma_start3A_346 = arith.constant 0 : i32
        %dma_start3A_347 = tpu.memref_slice %arg9[%dma_start3A_345, %dma_start3A_346] : memref<6x56xi32, #tpu.memory_space<vmem>> -> memref<1x56xi32, #tpu.memory_space<vmem>>
        %dma_start3A_348 = tpu.memref_squeeze %dma_start3A_347 : memref<1x56xi32, #tpu.memory_space<vmem>> -> memref<56xi32, #tpu.memory_space<vmem>>
        %dma_start3A_349 = arith.constant 0 : i32
        %dma_start3A_350 = arith.constant 0 : i32
        %dma_start3A_351 = tpu.memref_slice %arg2[%dma_start3A_349, %dma_start3A_350] : memref<10000x128xf32, #tpu.memory_space<hbm>> -> memref<10000x128xf32, #tpu.memory_space<hbm>>
        tpu.enqueue_indirect_dma source(%dma_start3A_351 : memref<10000x128xf32, #tpu.memory_space<hbm>>) target(%arg18 : memref<56x128xf32, #tpu.memory_space<vmem>>) offsets(%dma_start3A_348 : memref<56xi32, #tpu.memory_space<vmem>>) semaphore(%arg28 : memref<!tpu.dma_semaphore, #tpu.memory_space<semaphore_mem>>)
        %dma_wait3A_352 = arith.constant 0 : i32
        %dma_wait3A_353 = arith.constant 0 : i32
        %dma_wait3A_354 = tpu.memref_slice %arg9[%dma_wait3A_352, %dma_wait3A_353] : memref<6x56xi32, #tpu.memory_space<vmem>> -> memref<1x56xi32, #tpu.memory_space<vmem>>
        %dma_wait3A_355 = tpu.memref_squeeze %dma_wait3A_354 : memref<1x56xi32, #tpu.memory_space<vmem>> -> memref<56xi32, #tpu.memory_space<vmem>>
        %dma_wait3A_356 = arith.constant 0 : i32
        %dma_wait3A_357 = arith.constant 0 : i32
        %dma_wait3A_358 = tpu.memref_slice %arg2[%dma_wait3A_356, %dma_wait3A_357] : memref<10000x128xf32, #tpu.memory_space<hbm>> -> memref<10000x128xf32, #tpu.memory_space<hbm>>
        tpu.wait_indirect_dma semaphore(%arg23 : memref<!tpu.dma_semaphore, #tpu.memory_space<semaphore_mem>>) src(%dma_wait3A_358 : memref<10000x128xf32, #tpu.memory_space<hbm>>) dst(%arg13 : memref<56x128xf32, #tpu.memory_space<vmem>>)
        %dma_start3A_359 = arith.constant 0 : i32
        %dma_start3A_360 = arith.constant 0 : i32
        %dma_start3A_361 = tpu.memref_slice %arg10[%dma_start3A_359, %dma_start3A_360] : memref<6x56xi32, #tpu.memory_space<vmem>> -> memref<1x56xi32, #tpu.memory_space<vmem>>
        %dma_start3A_362 = tpu.memref_squeeze %dma_start3A_361 : memref<1x56xi32, #tpu.memory_space<vmem>> -> memref<56xi32, #tpu.memory_space<vmem>>
        %dma_start3A_363 = arith.constant 0 : i32
        %dma_start3A_364 = arith.constant 0 : i32
        %dma_start3A_365 = tpu.memref_slice %arg19[%dma_start3A_363, %dma_start3A_364] : memref<10112x128xf32, #tpu.memory_space<vmem_shared>> -> memref<10112x128xf32, #tpu.memory_space<vmem_shared>>
        tpu.enqueue_indirect_dma source(%arg13 : memref<56x128xf32, #tpu.memory_space<vmem>>) target(%dma_start3A_365 : memref<10112x128xf32, #tpu.memory_space<vmem_shared>>) offsets(%dma_start3A_362 : memref<56xi32, #tpu.memory_space<vmem>>) semaphore(%arg29 : memref<!tpu.dma_semaphore, #tpu.memory_space<semaphore_mem>>) {add = true}
        %dma_wait3A_366 = arith.constant 1 : i32
        %dma_wait3A_367 = arith.constant 0 : i32
        %dma_wait3A_368 = tpu.memref_slice %arg9[%dma_wait3A_366, %dma_wait3A_367] : memref<6x56xi32, #tpu.memory_space<vmem>> -> memref<1x56xi32, #tpu.memory_space<vmem>>
        %dma_wait3A_369 = tpu.memref_squeeze %dma_wait3A_368 : memref<1x56xi32, #tpu.memory_space<vmem>> -> memref<56xi32, #tpu.memory_space<vmem>>
        %dma_wait3A_370 = arith.constant 0 : i32
        %dma_wait3A_371 = arith.constant 0 : i32
        %dma_wait3A_372 = tpu.memref_slice %arg2[%dma_wait3A_370, %dma_wait3A_371] : memref<10000x128xf32, #tpu.memory_space<hbm>> -> memref<10000x128xf32, #tpu.memory_space<hbm>>
        tpu.wait_indirect_dma semaphore(%arg24 : memref<!tpu.dma_semaphore, #tpu.memory_space<semaphore_mem>>) src(%dma_wait3A_372 : memref<10000x128xf32, #tpu.memory_space<hbm>>) dst(%arg14 : memref<56x128xf32, #tpu.memory_space<vmem>>)
        %dma_start3A_373 = arith.constant 1 : i32
        %dma_start3A_374 = arith.constant 0 : i32
        %dma_start3A_375 = tpu.memref_slice %arg10[%dma_start3A_373, %dma_start3A_374] : memref<6x56xi32, #tpu.memory_space<vmem>> -> memref<1x56xi32, #tpu.memory_space<vmem>>
        %dma_start3A_376 = tpu.memref_squeeze %dma_start3A_375 : memref<1x56xi32, #tpu.memory_space<vmem>> -> memref<56xi32, #tpu.memory_space<vmem>>
        %dma_start3A_377 = arith.constant 0 : i32
        %dma_start3A_378 = arith.constant 0 : i32
        %dma_start3A_379 = tpu.memref_slice %arg19[%dma_start3A_377, %dma_start3A_378] : memref<10112x128xf32, #tpu.memory_space<vmem_shared>> -> memref<10112x128xf32, #tpu.memory_space<vmem_shared>>
        tpu.enqueue_indirect_dma source(%arg14 : memref<56x128xf32, #tpu.memory_space<vmem>>) target(%dma_start3A_379 : memref<10112x128xf32, #tpu.memory_space<vmem_shared>>) offsets(%dma_start3A_376 : memref<56xi32, #tpu.memory_space<vmem>>) semaphore(%arg29 : memref<!tpu.dma_semaphore, #tpu.memory_space<semaphore_mem>>) {add = true}
        %dma_wait3A_380 = arith.constant 2 : i32
        %dma_wait3A_381 = arith.constant 0 : i32
        %dma_wait3A_382 = tpu.memref_slice %arg9[%dma_wait3A_380, %dma_wait3A_381] : memref<6x56xi32, #tpu.memory_space<vmem>> -> memref<1x56xi32, #tpu.memory_space<vmem>>
        %dma_wait3A_383 = tpu.memref_squeeze %dma_wait3A_382 : memref<1x56xi32, #tpu.memory_space<vmem>> -> memref<56xi32, #tpu.memory_space<vmem>>
        %dma_wait3A_384 = arith.constant 0 : i32
        %dma_wait3A_385 = arith.constant 0 : i32
        %dma_wait3A_386 = tpu.memref_slice %arg2[%dma_wait3A_384, %dma_wait3A_385] : memref<10000x128xf32, #tpu.memory_space<hbm>> -> memref<10000x128xf32, #tpu.memory_space<hbm>>
        tpu.wait_indirect_dma semaphore(%arg25 : memref<!tpu.dma_semaphore, #tpu.memory_space<semaphore_mem>>) src(%dma_wait3A_386 : memref<10000x128xf32, #tpu.memory_space<hbm>>) dst(%arg15 : memref<56x128xf32, #tpu.memory_space<vmem>>)
        %dma_start3A_387 = arith.constant 2 : i32
        %dma_start3A_388 = arith.constant 0 : i32
        %dma_start3A_389 = tpu.memref_slice %arg10[%dma_start3A_387, %dma_start3A_388] : memref<6x56xi32, #tpu.memory_space<vmem>> -> memref<1x56xi32, #tpu.memory_space<vmem>>
        %dma_start3A_390 = tpu.memref_squeeze %dma_start3A_389 : memref<1x56xi32, #tpu.memory_space<vmem>> -> memref<56xi32, #tpu.memory_space<vmem>>
        %dma_start3A_391 = arith.constant 0 : i32
        %dma_start3A_392 = arith.constant 0 : i32
        %dma_start3A_393 = tpu.memref_slice %arg19[%dma_start3A_391, %dma_start3A_392] : memref<10112x128xf32, #tpu.memory_space<vmem_shared>> -> memref<10112x128xf32, #tpu.memory_space<vmem_shared>>
        tpu.enqueue_indirect_dma source(%arg15 : memref<56x128xf32, #tpu.memory_space<vmem>>) target(%dma_start3A_393 : memref<10112x128xf32, #tpu.memory_space<vmem_shared>>) offsets(%dma_start3A_390 : memref<56xi32, #tpu.memory_space<vmem>>) semaphore(%arg29 : memref<!tpu.dma_semaphore, #tpu.memory_space<semaphore_mem>>) {add = true}
        %dma_wait3A_394 = arith.constant 3 : i32
        %dma_wait3A_395 = arith.constant 0 : i32
        %dma_wait3A_396 = tpu.memref_slice %arg9[%dma_wait3A_394, %dma_wait3A_395] : memref<6x56xi32, #tpu.memory_space<vmem>> -> memref<1x56xi32, #tpu.memory_space<vmem>>
        %dma_wait3A_397 = tpu.memref_squeeze %dma_wait3A_396 : memref<1x56xi32, #tpu.memory_space<vmem>> -> memref<56xi32, #tpu.memory_space<vmem>>
        %dma_wait3A_398 = arith.constant 0 : i32
        %dma_wait3A_399 = arith.constant 0 : i32
        %dma_wait3A_400 = tpu.memref_slice %arg2[%dma_wait3A_398, %dma_wait3A_399] : memref<10000x128xf32, #tpu.memory_space<hbm>> -> memref<10000x128xf32, #tpu.memory_space<hbm>>
        tpu.wait_indirect_dma semaphore(%arg26 : memref<!tpu.dma_semaphore, #tpu.memory_space<semaphore_mem>>) src(%dma_wait3A_400 : memref<10000x128xf32, #tpu.memory_space<hbm>>) dst(%arg16 : memref<56x128xf32, #tpu.memory_space<vmem>>)
        %dma_start3A_401 = arith.constant 3 : i32
        %dma_start3A_402 = arith.constant 0 : i32
        %dma_start3A_403 = tpu.memref_slice %arg10[%dma_start3A_401, %dma_start3A_402] : memref<6x56xi32, #tpu.memory_space<vmem>> -> memref<1x56xi32, #tpu.memory_space<vmem>>
        %dma_start3A_404 = tpu.memref_squeeze %dma_start3A_403 : memref<1x56xi32, #tpu.memory_space<vmem>> -> memref<56xi32, #tpu.memory_space<vmem>>
        %dma_start3A_405 = arith.constant 0 : i32
        %dma_start3A_406 = arith.constant 0 : i32
        %dma_start3A_407 = tpu.memref_slice %arg19[%dma_start3A_405, %dma_start3A_406] : memref<10112x128xf32, #tpu.memory_space<vmem_shared>> -> memref<10112x128xf32, #tpu.memory_space<vmem_shared>>
        tpu.enqueue_indirect_dma source(%arg16 : memref<56x128xf32, #tpu.memory_space<vmem>>) target(%dma_start3A_407 : memref<10112x128xf32, #tpu.memory_space<vmem_shared>>) offsets(%dma_start3A_404 : memref<56xi32, #tpu.memory_space<vmem>>) semaphore(%arg29 : memref<!tpu.dma_semaphore, #tpu.memory_space<semaphore_mem>>) {add = true}
        %dma_wait3A_408 = arith.constant 4 : i32
        %dma_wait3A_409 = arith.constant 0 : i32
        %dma_wait3A_410 = tpu.memref_slice %arg9[%dma_wait3A_408, %dma_wait3A_409] : memref<6x56xi32, #tpu.memory_space<vmem>> -> memref<1x56xi32, #tpu.memory_space<vmem>>
        %dma_wait3A_411 = tpu.memref_squeeze %dma_wait3A_410 : memref<1x56xi32, #tpu.memory_space<vmem>> -> memref<56xi32, #tpu.memory_space<vmem>>
        %dma_wait3A_412 = arith.constant 0 : i32
        %dma_wait3A_413 = arith.constant 0 : i32
        %dma_wait3A_414 = tpu.memref_slice %arg2[%dma_wait3A_412, %dma_wait3A_413] : memref<10000x128xf32, #tpu.memory_space<hbm>> -> memref<10000x128xf32, #tpu.memory_space<hbm>>
        tpu.wait_indirect_dma semaphore(%arg27 : memref<!tpu.dma_semaphore, #tpu.memory_space<semaphore_mem>>) src(%dma_wait3A_414 : memref<10000x128xf32, #tpu.memory_space<hbm>>) dst(%arg17 : memref<56x128xf32, #tpu.memory_space<vmem>>)
        %dma_start3A_415 = arith.constant 4 : i32
        %dma_start3A_416 = arith.constant 0 : i32
        %dma_start3A_417 = tpu.memref_slice %arg10[%dma_start3A_415, %dma_start3A_416] : memref<6x56xi32, #tpu.memory_space<vmem>> -> memref<1x56xi32, #tpu.memory_space<vmem>>
        %dma_start3A_418 = tpu.memref_squeeze %dma_start3A_417 : memref<1x56xi32, #tpu.memory_space<vmem>> -> memref<56xi32, #tpu.memory_space<vmem>>
        %dma_start3A_419 = arith.constant 0 : i32
        %dma_start3A_420 = arith.constant 0 : i32
        %dma_start3A_421 = tpu.memref_slice %arg19[%dma_start3A_419, %dma_start3A_420] : memref<10112x128xf32, #tpu.memory_space<vmem_shared>> -> memref<10112x128xf32, #tpu.memory_space<vmem_shared>>
        tpu.enqueue_indirect_dma source(%arg17 : memref<56x128xf32, #tpu.memory_space<vmem>>) target(%dma_start3A_421 : memref<10112x128xf32, #tpu.memory_space<vmem_shared>>) offsets(%dma_start3A_418 : memref<56xi32, #tpu.memory_space<vmem>>) semaphore(%arg29 : memref<!tpu.dma_semaphore, #tpu.memory_space<semaphore_mem>>) {add = true}
        %dma_wait3A_422 = arith.constant 5 : i32
        %dma_wait3A_423 = arith.constant 0 : i32
        %dma_wait3A_424 = tpu.memref_slice %arg9[%dma_wait3A_422, %dma_wait3A_423] : memref<6x56xi32, #tpu.memory_space<vmem>> -> memref<1x56xi32, #tpu.memory_space<vmem>>
        %dma_wait3A_425 = tpu.memref_squeeze %dma_wait3A_424 : memref<1x56xi32, #tpu.memory_space<vmem>> -> memref<56xi32, #tpu.memory_space<vmem>>
        %dma_wait3A_426 = arith.constant 0 : i32
        %dma_wait3A_427 = arith.constant 0 : i32
        %dma_wait3A_428 = tpu.memref_slice %arg2[%dma_wait3A_426, %dma_wait3A_427] : memref<10000x128xf32, #tpu.memory_space<hbm>> -> memref<10000x128xf32, #tpu.memory_space<hbm>>
        tpu.wait_indirect_dma semaphore(%arg28 : memref<!tpu.dma_semaphore, #tpu.memory_space<semaphore_mem>>) src(%dma_wait3A_428 : memref<10000x128xf32, #tpu.memory_space<hbm>>) dst(%arg18 : memref<56x128xf32, #tpu.memory_space<vmem>>)
        %dma_start3A_429 = arith.constant 5 : i32
        %dma_start3A_430 = arith.constant 0 : i32
        %dma_start3A_431 = tpu.memref_slice %arg10[%dma_start3A_429, %dma_start3A_430] : memref<6x56xi32, #tpu.memory_space<vmem>> -> memref<1x56xi32, #tpu.memory_space<vmem>>
        %dma_start3A_432 = tpu.memref_squeeze %dma_start3A_431 : memref<1x56xi32, #tpu.memory_space<vmem>> -> memref<56xi32, #tpu.memory_space<vmem>>
        %dma_start3A_433 = arith.constant 0 : i32
        %dma_start3A_434 = arith.constant 0 : i32
        %dma_start3A_435 = tpu.memref_slice %arg19[%dma_start3A_433, %dma_start3A_434] : memref<10112x128xf32, #tpu.memory_space<vmem_shared>> -> memref<10112x128xf32, #tpu.memory_space<vmem_shared>>
        tpu.enqueue_indirect_dma source(%arg18 : memref<56x128xf32, #tpu.memory_space<vmem>>) target(%dma_start3A_435 : memref<10112x128xf32, #tpu.memory_space<vmem_shared>>) offsets(%dma_start3A_432 : memref<56xi32, #tpu.memory_space<vmem>>) semaphore(%arg29 : memref<!tpu.dma_semaphore, #tpu.memory_space<semaphore_mem>>) {add = true}
        %dma_wait3A_436 = arith.constant 0 : i32
        %dma_wait3A_437 = arith.constant 0 : i32
        %dma_wait3A_438 = tpu.memref_slice %arg3[%add3A, %add3A_251, %dma_wait3A_436, %dma_wait3A_437] : memref<32x42x6x56xi32, #tpu.memory_space<hbm>> -> memref<1x1x6x56xi32, #tpu.memory_space<hbm>>
        %dma_wait3A_439 = tpu.memref_squeeze %dma_wait3A_438 : memref<1x1x6x56xi32, #tpu.memory_space<hbm>> -> memref<6x56xi32, #tpu.memory_space<hbm>>
        %dma_wait3A_440 = arith.constant 0 : i32
        %dma_wait3A_441 = arith.constant 0 : i32
        %dma_wait3A_442 = tpu.memref_slice %arg3[%add3A, %add3A_251, %dma_wait3A_440, %dma_wait3A_441] : memref<32x42x6x56xi32, #tpu.memory_space<hbm>> -> memref<1x1x6x56xi32, #tpu.memory_space<hbm>>
        %dma_wait3A_443 = tpu.memref_squeeze %dma_wait3A_442 : memref<1x1x6x56xi32, #tpu.memory_space<hbm>> -> memref<6x56xi32, #tpu.memory_space<hbm>>
        tpu.wait_dma2 semaphore(%arg22 : memref<!tpu.dma_semaphore, #tpu.memory_space<semaphore_mem>>) src(%dma_wait3A_443 : memref<6x56xi32, #tpu.memory_space<hbm>>) dst(%arg11 : memref<6x56xi32, #tpu.memory_space<vmem>>)
        %dma_wait3A_444 = arith.constant 0 : i32
        %dma_wait3A_445 = arith.constant 0 : i32
        %dma_wait3A_446 = tpu.memref_slice %arg4[%add3A, %add3A_251, %dma_wait3A_444, %dma_wait3A_445] : memref<32x42x6x56xi32, #tpu.memory_space<hbm>> -> memref<1x1x6x56xi32, #tpu.memory_space<hbm>>
        %dma_wait3A_447 = tpu.memref_squeeze %dma_wait3A_446 : memref<1x1x6x56xi32, #tpu.memory_space<hbm>> -> memref<6x56xi32, #tpu.memory_space<hbm>>
        %dma_wait3A_448 = arith.constant 0 : i32
        %dma_wait3A_449 = arith.constant 0 : i32
        %dma_wait3A_450 = tpu.memref_slice %arg4[%add3A, %add3A_251, %dma_wait3A_448, %dma_wait3A_449] : memref<32x42x6x56xi32, #tpu.memory_space<hbm>> -> memref<1x1x6x56xi32, #tpu.memory_space<hbm>>
        %dma_wait3A_451 = tpu.memref_squeeze %dma_wait3A_450 : memref<1x1x6x56xi32, #tpu.memory_space<hbm>> -> memref<6x56xi32, #tpu.memory_space<hbm>>
        tpu.wait_dma2 semaphore(%arg22 : memref<!tpu.dma_semaphore, #tpu.memory_space<semaphore_mem>>) src(%dma_wait3A_451 : memref<6x56xi32, #tpu.memory_space<hbm>>) dst(%arg12 : memref<6x56xi32, #tpu.memory_space<vmem>>)
        %dma_wait3A_452 = arith.constant 0 : i32
        %dma_wait3A_453 = arith.constant 0 : i32
        %dma_wait3A_454 = tpu.memref_slice %arg10[%dma_wait3A_452, %dma_wait3A_453] : memref<6x56xi32, #tpu.memory_space<vmem>> -> memref<1x56xi32, #tpu.memory_space<vmem>>
        %dma_wait3A_455 = tpu.memref_squeeze %dma_wait3A_454 : memref<1x56xi32, #tpu.memory_space<vmem>> -> memref<56xi32, #tpu.memory_space<vmem>>
        %dma_wait3A_456 = arith.constant 0 : i32
        %dma_wait3A_457 = arith.constant 0 : i32
        %dma_wait3A_458 = tpu.memref_slice %arg19[%dma_wait3A_456, %dma_wait3A_457] : memref<10112x128xf32, #tpu.memory_space<vmem_shared>> -> memref<10112x128xf32, #tpu.memory_space<vmem_shared>>
        tpu.wait_indirect_dma semaphore(%arg29 : memref<!tpu.dma_semaphore, #tpu.memory_space<semaphore_mem>>) src(%arg13 : memref<56x128xf32, #tpu.memory_space<vmem>>) dst(%dma_wait3A_458 : memref<10112x128xf32, #tpu.memory_space<vmem_shared>>)
        %dma_start3A_459 = arith.constant 0 : i32
        %dma_start3A_460 = arith.constant 0 : i32
        %dma_start3A_461 = tpu.memref_slice %arg11[%dma_start3A_459, %dma_start3A_460] : memref<6x56xi32, #tpu.memory_space<vmem>> -> memref<1x56xi32, #tpu.memory_space<vmem>>
        %dma_start3A_462 = tpu.memref_squeeze %dma_start3A_461 : memref<1x56xi32, #tpu.memory_space<vmem>> -> memref<56xi32, #tpu.memory_space<vmem>>
        %dma_start3A_463 = arith.constant 0 : i32
        %dma_start3A_464 = arith.constant 0 : i32
        %dma_start3A_465 = tpu.memref_slice %arg2[%dma_start3A_463, %dma_start3A_464] : memref<10000x128xf32, #tpu.memory_space<hbm>> -> memref<10000x128xf32, #tpu.memory_space<hbm>>
        tpu.enqueue_indirect_dma source(%dma_start3A_465 : memref<10000x128xf32, #tpu.memory_space<hbm>>) target(%arg13 : memref<56x128xf32, #tpu.memory_space<vmem>>) offsets(%dma_start3A_462 : memref<56xi32, #tpu.memory_space<vmem>>) semaphore(%arg23 : memref<!tpu.dma_semaphore, #tpu.memory_space<semaphore_mem>>)
        %dma_wait3A_466 = arith.constant 1 : i32
        %dma_wait3A_467 = arith.constant 0 : i32
        %dma_wait3A_468 = tpu.memref_slice %arg10[%dma_wait3A_466, %dma_wait3A_467] : memref<6x56xi32, #tpu.memory_space<vmem>> -> memref<1x56xi32, #tpu.memory_space<vmem>>
        %dma_wait3A_469 = tpu.memref_squeeze %dma_wait3A_468 : memref<1x56xi32, #tpu.memory_space<vmem>> -> memref<56xi32, #tpu.memory_space<vmem>>
        %dma_wait3A_470 = arith.constant 0 : i32
        %dma_wait3A_471 = arith.constant 0 : i32
        %dma_wait3A_472 = tpu.memref_slice %arg19[%dma_wait3A_470, %dma_wait3A_471] : memref<10112x128xf32, #tpu.memory_space<vmem_shared>> -> memref<10112x128xf32, #tpu.memory_space<vmem_shared>>
        tpu.wait_indirect_dma semaphore(%arg29 : memref<!tpu.dma_semaphore, #tpu.memory_space<semaphore_mem>>) src(%arg14 : memref<56x128xf32, #tpu.memory_space<vmem>>) dst(%dma_wait3A_472 : memref<10112x128xf32, #tpu.memory_space<vmem_shared>>)
        %dma_start3A_473 = arith.constant 1 : i32
        %dma_start3A_474 = arith.constant 0 : i32
        %dma_start3A_475 = tpu.memref_slice %arg11[%dma_start3A_473, %dma_start3A_474] : memref<6x56xi32, #tpu.memory_space<vmem>> -> memref<1x56xi32, #tpu.memory_space<vmem>>
        %dma_start3A_476 = tpu.memref_squeeze %dma_start3A_475 : memref<1x56xi32, #tpu.memory_space<vmem>> -> memref<56xi32, #tpu.memory_space<vmem>>
        %dma_start3A_477 = arith.constant 0 : i32
        %dma_start3A_478 = arith.constant 0 : i32
        %dma_start3A_479 = tpu.memref_slice %arg2[%dma_start3A_477, %dma_start3A_478] : memref<10000x128xf32, #tpu.memory_space<hbm>> -> memref<10000x128xf32, #tpu.memory_space<hbm>>
        tpu.enqueue_indirect_dma source(%dma_start3A_479 : memref<10000x128xf32, #tpu.memory_space<hbm>>) target(%arg14 : memref<56x128xf32, #tpu.memory_space<vmem>>) offsets(%dma_start3A_476 : memref<56xi32, #tpu.memory_space<vmem>>) semaphore(%arg24 : memref<!tpu.dma_semaphore, #tpu.memory_space<semaphore_mem>>)
        %dma_wait3A_480 = arith.constant 2 : i32
        %dma_wait3A_481 = arith.constant 0 : i32
        %dma_wait3A_482 = tpu.memref_slice %arg10[%dma_wait3A_480, %dma_wait3A_481] : memref<6x56xi32, #tpu.memory_space<vmem>> -> memref<1x56xi32, #tpu.memory_space<vmem>>
        %dma_wait3A_483 = tpu.memref_squeeze %dma_wait3A_482 : memref<1x56xi32, #tpu.memory_space<vmem>> -> memref<56xi32, #tpu.memory_space<vmem>>
        %dma_wait3A_484 = arith.constant 0 : i32
        %dma_wait3A_485 = arith.constant 0 : i32
        %dma_wait3A_486 = tpu.memref_slice %arg19[%dma_wait3A_484, %dma_wait3A_485] : memref<10112x128xf32, #tpu.memory_space<vmem_shared>> -> memref<10112x128xf32, #tpu.memory_space<vmem_shared>>
        tpu.wait_indirect_dma semaphore(%arg29 : memref<!tpu.dma_semaphore, #tpu.memory_space<semaphore_mem>>) src(%arg15 : memref<56x128xf32, #tpu.memory_space<vmem>>) dst(%dma_wait3A_486 : memref<10112x128xf32, #tpu.memory_space<vmem_shared>>)
        %dma_start3A_487 = arith.constant 2 : i32
        %dma_start3A_488 = arith.constant 0 : i32
        %dma_start3A_489 = tpu.memref_slice %arg11[%dma_start3A_487, %dma_start3A_488] : memref<6x56xi32, #tpu.memory_space<vmem>> -> memref<1x56xi32, #tpu.memory_space<vmem>>
        %dma_start3A_490 = tpu.memref_squeeze %dma_start3A_489 : memref<1x56xi32, #tpu.memory_space<vmem>> -> memref<56xi32, #tpu.memory_space<vmem>>
        %dma_start3A_491 = arith.constant 0 : i32
        %dma_start3A_492 = arith.constant 0 : i32
        %dma_start3A_493 = tpu.memref_slice %arg2[%dma_start3A_491, %dma_start3A_492] : memref<10000x128xf32, #tpu.memory_space<hbm>> -> memref<10000x128xf32, #tpu.memory_space<hbm>>
        tpu.enqueue_indirect_dma source(%dma_start3A_493 : memref<10000x128xf32, #tpu.memory_space<hbm>>) target(%arg15 : memref<56x128xf32, #tpu.memory_space<vmem>>) offsets(%dma_start3A_490 : memref<56xi32, #tpu.memory_space<vmem>>) semaphore(%arg25 : memref<!tpu.dma_semaphore, #tpu.memory_space<semaphore_mem>>)
        %dma_wait3A_494 = arith.constant 3 : i32
        %dma_wait3A_495 = arith.constant 0 : i32
        %dma_wait3A_496 = tpu.memref_slice %arg10[%dma_wait3A_494, %dma_wait3A_495] : memref<6x56xi32, #tpu.memory_space<vmem>> -> memref<1x56xi32, #tpu.memory_space<vmem>>
        %dma_wait3A_497 = tpu.memref_squeeze %dma_wait3A_496 : memref<1x56xi32, #tpu.memory_space<vmem>> -> memref<56xi32, #tpu.memory_space<vmem>>
        %dma_wait3A_498 = arith.constant 0 : i32
        %dma_wait3A_499 = arith.constant 0 : i32
        %dma_wait3A_500 = tpu.memref_slice %arg19[%dma_wait3A_498, %dma_wait3A_499] : memref<10112x128xf32, #tpu.memory_space<vmem_shared>> -> memref<10112x128xf32, #tpu.memory_space<vmem_shared>>
        tpu.wait_indirect_dma semaphore(%arg29 : memref<!tpu.dma_semaphore, #tpu.memory_space<semaphore_mem>>) src(%arg16 : memref<56x128xf32, #tpu.memory_space<vmem>>) dst(%dma_wait3A_500 : memref<10112x128xf32, #tpu.memory_space<vmem_shared>>)
        %dma_start3A_501 = arith.constant 3 : i32
        %dma_start3A_502 = arith.constant 0 : i32
        %dma_start3A_503 = tpu.memref_slice %arg11[%dma_start3A_501, %dma_start3A_502] : memref<6x56xi32, #tpu.memory_space<vmem>> -> memref<1x56xi32, #tpu.memory_space<vmem>>
        %dma_start3A_504 = tpu.memref_squeeze %dma_start3A_503 : memref<1x56xi32, #tpu.memory_space<vmem>> -> memref<56xi32, #tpu.memory_space<vmem>>
        %dma_start3A_505 = arith.constant 0 : i32
        %dma_start3A_506 = arith.constant 0 : i32
        %dma_start3A_507 = tpu.memref_slice %arg2[%dma_start3A_505, %dma_start3A_506] : memref<10000x128xf32, #tpu.memory_space<hbm>> -> memref<10000x128xf32, #tpu.memory_space<hbm>>
        tpu.enqueue_indirect_dma source(%dma_start3A_507 : memref<10000x128xf32, #tpu.memory_space<hbm>>) target(%arg16 : memref<56x128xf32, #tpu.memory_space<vmem>>) offsets(%dma_start3A_504 : memref<56xi32, #tpu.memory_space<vmem>>) semaphore(%arg26 : memref<!tpu.dma_semaphore, #tpu.memory_space<semaphore_mem>>)
        %dma_wait3A_508 = arith.constant 4 : i32
        %dma_wait3A_509 = arith.constant 0 : i32
        %dma_wait3A_510 = tpu.memref_slice %arg10[%dma_wait3A_508, %dma_wait3A_509] : memref<6x56xi32, #tpu.memory_space<vmem>> -> memref<1x56xi32, #tpu.memory_space<vmem>>
        %dma_wait3A_511 = tpu.memref_squeeze %dma_wait3A_510 : memref<1x56xi32, #tpu.memory_space<vmem>> -> memref<56xi32, #tpu.memory_space<vmem>>
        %dma_wait3A_512 = arith.constant 0 : i32
        %dma_wait3A_513 = arith.constant 0 : i32
        %dma_wait3A_514 = tpu.memref_slice %arg19[%dma_wait3A_512, %dma_wait3A_513] : memref<10112x128xf32, #tpu.memory_space<vmem_shared>> -> memref<10112x128xf32, #tpu.memory_space<vmem_shared>>
        tpu.wait_indirect_dma semaphore(%arg29 : memref<!tpu.dma_semaphore, #tpu.memory_space<semaphore_mem>>) src(%arg17 : memref<56x128xf32, #tpu.memory_space<vmem>>) dst(%dma_wait3A_514 : memref<10112x128xf32, #tpu.memory_space<vmem_shared>>)
        %dma_start3A_515 = arith.constant 4 : i32
        %dma_start3A_516 = arith.constant 0 : i32
        %dma_start3A_517 = tpu.memref_slice %arg11[%dma_start3A_515, %dma_start3A_516] : memref<6x56xi32, #tpu.memory_space<vmem>> -> memref<1x56xi32, #tpu.memory_space<vmem>>
        %dma_start3A_518 = tpu.memref_squeeze %dma_start3A_517 : memref<1x56xi32, #tpu.memory_space<vmem>> -> memref<56xi32, #tpu.memory_space<vmem>>
        %dma_start3A_519 = arith.constant 0 : i32
        %dma_start3A_520 = arith.constant 0 : i32
        %dma_start3A_521 = tpu.memref_slice %arg2[%dma_start3A_519, %dma_start3A_520] : memref<10000x128xf32, #tpu.memory_space<hbm>> -> memref<10000x128xf32, #tpu.memory_space<hbm>>
        tpu.enqueue_indirect_dma source(%dma_start3A_521 : memref<10000x128xf32, #tpu.memory_space<hbm>>) target(%arg17 : memref<56x128xf32, #tpu.memory_space<vmem>>) offsets(%dma_start3A_518 : memref<56xi32, #tpu.memory_space<vmem>>) semaphore(%arg27 : memref<!tpu.dma_semaphore, #tpu.memory_space<semaphore_mem>>)
        %dma_wait3A_522 = arith.constant 5 : i32
        %dma_wait3A_523 = arith.constant 0 : i32
        %dma_wait3A_524 = tpu.memref_slice %arg10[%dma_wait3A_522, %dma_wait3A_523] : memref<6x56xi32, #tpu.memory_space<vmem>> -> memref<1x56xi32, #tpu.memory_space<vmem>>
        %dma_wait3A_525 = tpu.memref_squeeze %dma_wait3A_524 : memref<1x56xi32, #tpu.memory_space<vmem>> -> memref<56xi32, #tpu.memory_space<vmem>>
        %dma_wait3A_526 = arith.constant 0 : i32
        %dma_wait3A_527 = arith.constant 0 : i32
        %dma_wait3A_528 = tpu.memref_slice %arg19[%dma_wait3A_526, %dma_wait3A_527] : memref<10112x128xf32, #tpu.memory_space<vmem_shared>> -> memref<10112x128xf32, #tpu.memory_space<vmem_shared>>
        tpu.wait_indirect_dma semaphore(%arg29 : memref<!tpu.dma_semaphore, #tpu.memory_space<semaphore_mem>>) src(%arg18 : memref<56x128xf32, #tpu.memory_space<vmem>>) dst(%dma_wait3A_528 : memref<10112x128xf32, #tpu.memory_space<vmem_shared>>)
        %dma_start3A_529 = arith.constant 5 : i32
        %dma_start3A_530 = arith.constant 0 : i32
        %dma_start3A_531 = tpu.memref_slice %arg11[%dma_start3A_529, %dma_start3A_530] : memref<6x56xi32, #tpu.memory_space<vmem>> -> memref<1x56xi32, #tpu.memory_space<vmem>>
        %dma_start3A_532 = tpu.memref_squeeze %dma_start3A_531 : memref<1x56xi32, #tpu.memory_space<vmem>> -> memref<56xi32, #tpu.memory_space<vmem>>
        %dma_start3A_533 = arith.constant 0 : i32
        %dma_start3A_534 = arith.constant 0 : i32
        %dma_start3A_535 = tpu.memref_slice %arg2[%dma_start3A_533, %dma_start3A_534] : memref<10000x128xf32, #tpu.memory_space<hbm>> -> memref<10000x128xf32, #tpu.memory_space<hbm>>
        tpu.enqueue_indirect_dma source(%dma_start3A_535 : memref<10000x128xf32, #tpu.memory_space<hbm>>) target(%arg18 : memref<56x128xf32, #tpu.memory_space<vmem>>) offsets(%dma_start3A_532 : memref<56xi32, #tpu.memory_space<vmem>>) semaphore(%arg28 : memref<!tpu.dma_semaphore, #tpu.memory_space<semaphore_mem>>)
        %dma_wait3A_536 = arith.constant 0 : i32
        %dma_wait3A_537 = arith.constant 0 : i32
        %dma_wait3A_538 = tpu.memref_slice %arg11[%dma_wait3A_536, %dma_wait3A_537] : memref<6x56xi32, #tpu.memory_space<vmem>> -> memref<1x56xi32, #tpu.memory_space<vmem>>
        %dma_wait3A_539 = tpu.memref_squeeze %dma_wait3A_538 : memref<1x56xi32, #tpu.memory_space<vmem>> -> memref<56xi32, #tpu.memory_space<vmem>>
        %dma_wait3A_540 = arith.constant 0 : i32
        %dma_wait3A_541 = arith.constant 0 : i32
        %dma_wait3A_542 = tpu.memref_slice %arg2[%dma_wait3A_540, %dma_wait3A_541] : memref<10000x128xf32, #tpu.memory_space<hbm>> -> memref<10000x128xf32, #tpu.memory_space<hbm>>
        tpu.wait_indirect_dma semaphore(%arg23 : memref<!tpu.dma_semaphore, #tpu.memory_space<semaphore_mem>>) src(%dma_wait3A_542 : memref<10000x128xf32, #tpu.memory_space<hbm>>) dst(%arg13 : memref<56x128xf32, #tpu.memory_space<vmem>>)
        %dma_start3A_543 = arith.constant 0 : i32
        %dma_start3A_544 = arith.constant 0 : i32
        %dma_start3A_545 = tpu.memref_slice %arg12[%dma_start3A_543, %dma_start3A_544] : memref<6x56xi32, #tpu.memory_space<vmem>> -> memref<1x56xi32, #tpu.memory_space<vmem>>
        %dma_start3A_546 = tpu.memref_squeeze %dma_start3A_545 : memref<1x56xi32, #tpu.memory_space<vmem>> -> memref<56xi32, #tpu.memory_space<vmem>>
        %dma_start3A_547 = arith.constant 0 : i32
        %dma_start3A_548 = arith.constant 0 : i32
        %dma_start3A_549 = tpu.memref_slice %arg19[%dma_start3A_547, %dma_start3A_548] : memref<10112x128xf32, #tpu.memory_space<vmem_shared>> -> memref<10112x128xf32, #tpu.memory_space<vmem_shared>>
        tpu.enqueue_indirect_dma source(%arg13 : memref<56x128xf32, #tpu.memory_space<vmem>>) target(%dma_start3A_549 : memref<10112x128xf32, #tpu.memory_space<vmem_shared>>) offsets(%dma_start3A_546 : memref<56xi32, #tpu.memory_space<vmem>>) semaphore(%arg29 : memref<!tpu.dma_semaphore, #tpu.memory_space<semaphore_mem>>) {add = true}
        %dma_wait3A_550 = arith.constant 1 : i32
        %dma_wait3A_551 = arith.constant 0 : i32
        %dma_wait3A_552 = tpu.memref_slice %arg11[%dma_wait3A_550, %dma_wait3A_551] : memref<6x56xi32, #tpu.memory_space<vmem>> -> memref<1x56xi32, #tpu.memory_space<vmem>>
        %dma_wait3A_553 = tpu.memref_squeeze %dma_wait3A_552 : memref<1x56xi32, #tpu.memory_space<vmem>> -> memref<56xi32, #tpu.memory_space<vmem>>
        %dma_wait3A_554 = arith.constant 0 : i32
        %dma_wait3A_555 = arith.constant 0 : i32
        %dma_wait3A_556 = tpu.memref_slice %arg2[%dma_wait3A_554, %dma_wait3A_555] : memref<10000x128xf32, #tpu.memory_space<hbm>> -> memref<10000x128xf32, #tpu.memory_space<hbm>>
        tpu.wait_indirect_dma semaphore(%arg24 : memref<!tpu.dma_semaphore, #tpu.memory_space<semaphore_mem>>) src(%dma_wait3A_556 : memref<10000x128xf32, #tpu.memory_space<hbm>>) dst(%arg14 : memref<56x128xf32, #tpu.memory_space<vmem>>)
        %dma_start3A_557 = arith.constant 1 : i32
        %dma_start3A_558 = arith.constant 0 : i32
        %dma_start3A_559 = tpu.memref_slice %arg12[%dma_start3A_557, %dma_start3A_558] : memref<6x56xi32, #tpu.memory_space<vmem>> -> memref<1x56xi32, #tpu.memory_space<vmem>>
        %dma_start3A_560 = tpu.memref_squeeze %dma_start3A_559 : memref<1x56xi32, #tpu.memory_space<vmem>> -> memref<56xi32, #tpu.memory_space<vmem>>
        %dma_start3A_561 = arith.constant 0 : i32
        %dma_start3A_562 = arith.constant 0 : i32
        %dma_start3A_563 = tpu.memref_slice %arg19[%dma_start3A_561, %dma_start3A_562] : memref<10112x128xf32, #tpu.memory_space<vmem_shared>> -> memref<10112x128xf32, #tpu.memory_space<vmem_shared>>
        tpu.enqueue_indirect_dma source(%arg14 : memref<56x128xf32, #tpu.memory_space<vmem>>) target(%dma_start3A_563 : memref<10112x128xf32, #tpu.memory_space<vmem_shared>>) offsets(%dma_start3A_560 : memref<56xi32, #tpu.memory_space<vmem>>) semaphore(%arg29 : memref<!tpu.dma_semaphore, #tpu.memory_space<semaphore_mem>>) {add = true}
        %dma_wait3A_564 = arith.constant 2 : i32
        %dma_wait3A_565 = arith.constant 0 : i32
        %dma_wait3A_566 = tpu.memref_slice %arg11[%dma_wait3A_564, %dma_wait3A_565] : memref<6x56xi32, #tpu.memory_space<vmem>> -> memref<1x56xi32, #tpu.memory_space<vmem>>
        %dma_wait3A_567 = tpu.memref_squeeze %dma_wait3A_566 : memref<1x56xi32, #tpu.memory_space<vmem>> -> memref<56xi32, #tpu.memory_space<vmem>>
        %dma_wait3A_568 = arith.constant 0 : i32
        %dma_wait3A_569 = arith.constant 0 : i32
        %dma_wait3A_570 = tpu.memref_slice %arg2[%dma_wait3A_568, %dma_wait3A_569] : memref<10000x128xf32, #tpu.memory_space<hbm>> -> memref<10000x128xf32, #tpu.memory_space<hbm>>
        tpu.wait_indirect_dma semaphore(%arg25 : memref<!tpu.dma_semaphore, #tpu.memory_space<semaphore_mem>>) src(%dma_wait3A_570 : memref<10000x128xf32, #tpu.memory_space<hbm>>) dst(%arg15 : memref<56x128xf32, #tpu.memory_space<vmem>>)
        %dma_start3A_571 = arith.constant 2 : i32
        %dma_start3A_572 = arith.constant 0 : i32
        %dma_start3A_573 = tpu.memref_slice %arg12[%dma_start3A_571, %dma_start3A_572] : memref<6x56xi32, #tpu.memory_space<vmem>> -> memref<1x56xi32, #tpu.memory_space<vmem>>
        %dma_start3A_574 = tpu.memref_squeeze %dma_start3A_573 : memref<1x56xi32, #tpu.memory_space<vmem>> -> memref<56xi32, #tpu.memory_space<vmem>>
        %dma_start3A_575 = arith.constant 0 : i32
        %dma_start3A_576 = arith.constant 0 : i32
        %dma_start3A_577 = tpu.memref_slice %arg19[%dma_start3A_575, %dma_start3A_576] : memref<10112x128xf32, #tpu.memory_space<vmem_shared>> -> memref<10112x128xf32, #tpu.memory_space<vmem_shared>>
        tpu.enqueue_indirect_dma source(%arg15 : memref<56x128xf32, #tpu.memory_space<vmem>>) target(%dma_start3A_577 : memref<10112x128xf32, #tpu.memory_space<vmem_shared>>) offsets(%dma_start3A_574 : memref<56xi32, #tpu.memory_space<vmem>>) semaphore(%arg29 : memref<!tpu.dma_semaphore, #tpu.memory_space<semaphore_mem>>) {add = true}
        %dma_wait3A_578 = arith.constant 3 : i32
        %dma_wait3A_579 = arith.constant 0 : i32
        %dma_wait3A_580 = tpu.memref_slice %arg11[%dma_wait3A_578, %dma_wait3A_579] : memref<6x56xi32, #tpu.memory_space<vmem>> -> memref<1x56xi32, #tpu.memory_space<vmem>>
        %dma_wait3A_581 = tpu.memref_squeeze %dma_wait3A_580 : memref<1x56xi32, #tpu.memory_space<vmem>> -> memref<56xi32, #tpu.memory_space<vmem>>
        %dma_wait3A_582 = arith.constant 0 : i32
        %dma_wait3A_583 = arith.constant 0 : i32
        %dma_wait3A_584 = tpu.memref_slice %arg2[%dma_wait3A_582, %dma_wait3A_583] : memref<10000x128xf32, #tpu.memory_space<hbm>> -> memref<10000x128xf32, #tpu.memory_space<hbm>>
        tpu.wait_indirect_dma semaphore(%arg26 : memref<!tpu.dma_semaphore, #tpu.memory_space<semaphore_mem>>) src(%dma_wait3A_584 : memref<10000x128xf32, #tpu.memory_space<hbm>>) dst(%arg16 : memref<56x128xf32, #tpu.memory_space<vmem>>)
        %dma_start3A_585 = arith.constant 3 : i32
        %dma_start3A_586 = arith.constant 0 : i32
        %dma_start3A_587 = tpu.memref_slice %arg12[%dma_start3A_585, %dma_start3A_586] : memref<6x56xi32, #tpu.memory_space<vmem>> -> memref<1x56xi32, #tpu.memory_space<vmem>>
        %dma_start3A_588 = tpu.memref_squeeze %dma_start3A_587 : memref<1x56xi32, #tpu.memory_space<vmem>> -> memref<56xi32, #tpu.memory_space<vmem>>
        %dma_start3A_589 = arith.constant 0 : i32
        %dma_start3A_590 = arith.constant 0 : i32
        %dma_start3A_591 = tpu.memref_slice %arg19[%dma_start3A_589, %dma_start3A_590] : memref<10112x128xf32, #tpu.memory_space<vmem_shared>> -> memref<10112x128xf32, #tpu.memory_space<vmem_shared>>
        tpu.enqueue_indirect_dma source(%arg16 : memref<56x128xf32, #tpu.memory_space<vmem>>) target(%dma_start3A_591 : memref<10112x128xf32, #tpu.memory_space<vmem_shared>>) offsets(%dma_start3A_588 : memref<56xi32, #tpu.memory_space<vmem>>) semaphore(%arg29 : memref<!tpu.dma_semaphore, #tpu.memory_space<semaphore_mem>>) {add = true}
        %dma_wait3A_592 = arith.constant 4 : i32
        %dma_wait3A_593 = arith.constant 0 : i32
        %dma_wait3A_594 = tpu.memref_slice %arg11[%dma_wait3A_592, %dma_wait3A_593] : memref<6x56xi32, #tpu.memory_space<vmem>> -> memref<1x56xi32, #tpu.memory_space<vmem>>
        %dma_wait3A_595 = tpu.memref_squeeze %dma_wait3A_594 : memref<1x56xi32, #tpu.memory_space<vmem>> -> memref<56xi32, #tpu.memory_space<vmem>>
        %dma_wait3A_596 = arith.constant 0 : i32
        %dma_wait3A_597 = arith.constant 0 : i32
        %dma_wait3A_598 = tpu.memref_slice %arg2[%dma_wait3A_596, %dma_wait3A_597] : memref<10000x128xf32, #tpu.memory_space<hbm>> -> memref<10000x128xf32, #tpu.memory_space<hbm>>
        tpu.wait_indirect_dma semaphore(%arg27 : memref<!tpu.dma_semaphore, #tpu.memory_space<semaphore_mem>>) src(%dma_wait3A_598 : memref<10000x128xf32, #tpu.memory_space<hbm>>) dst(%arg17 : memref<56x128xf32, #tpu.memory_space<vmem>>)
        %dma_start3A_599 = arith.constant 4 : i32
        %dma_start3A_600 = arith.constant 0 : i32
        %dma_start3A_601 = tpu.memref_slice %arg12[%dma_start3A_599, %dma_start3A_600] : memref<6x56xi32, #tpu.memory_space<vmem>> -> memref<1x56xi32, #tpu.memory_space<vmem>>
        %dma_start3A_602 = tpu.memref_squeeze %dma_start3A_601 : memref<1x56xi32, #tpu.memory_space<vmem>> -> memref<56xi32, #tpu.memory_space<vmem>>
        %dma_start3A_603 = arith.constant 0 : i32
        %dma_start3A_604 = arith.constant 0 : i32
        %dma_start3A_605 = tpu.memref_slice %arg19[%dma_start3A_603, %dma_start3A_604] : memref<10112x128xf32, #tpu.memory_space<vmem_shared>> -> memref<10112x128xf32, #tpu.memory_space<vmem_shared>>
        tpu.enqueue_indirect_dma source(%arg17 : memref<56x128xf32, #tpu.memory_space<vmem>>) target(%dma_start3A_605 : memref<10112x128xf32, #tpu.memory_space<vmem_shared>>) offsets(%dma_start3A_602 : memref<56xi32, #tpu.memory_space<vmem>>) semaphore(%arg29 : memref<!tpu.dma_semaphore, #tpu.memory_space<semaphore_mem>>) {add = true}
        %dma_wait3A_606 = arith.constant 5 : i32
        %dma_wait3A_607 = arith.constant 0 : i32
        %dma_wait3A_608 = tpu.memref_slice %arg11[%dma_wait3A_606, %dma_wait3A_607] : memref<6x56xi32, #tpu.memory_space<vmem>> -> memref<1x56xi32, #tpu.memory_space<vmem>>
        %dma_wait3A_609 = tpu.memref_squeeze %dma_wait3A_608 : memref<1x56xi32, #tpu.memory_space<vmem>> -> memref<56xi32, #tpu.memory_space<vmem>>
        %dma_wait3A_610 = arith.constant 0 : i32
        %dma_wait3A_611 = arith.constant 0 : i32
        %dma_wait3A_612 = tpu.memref_slice %arg2[%dma_wait3A_610, %dma_wait3A_611] : memref<10000x128xf32, #tpu.memory_space<hbm>> -> memref<10000x128xf32, #tpu.memory_space<hbm>>
        tpu.wait_indirect_dma semaphore(%arg28 : memref<!tpu.dma_semaphore, #tpu.memory_space<semaphore_mem>>) src(%dma_wait3A_612 : memref<10000x128xf32, #tpu.memory_space<hbm>>) dst(%arg18 : memref<56x128xf32, #tpu.memory_space<vmem>>)
        %dma_start3A_613 = arith.constant 5 : i32
        %dma_start3A_614 = arith.constant 0 : i32
        %dma_start3A_615 = tpu.memref_slice %arg12[%dma_start3A_613, %dma_start3A_614] : memref<6x56xi32, #tpu.memory_space<vmem>> -> memref<1x56xi32, #tpu.memory_space<vmem>>
        %dma_start3A_616 = tpu.memref_squeeze %dma_start3A_615 : memref<1x56xi32, #tpu.memory_space<vmem>> -> memref<56xi32, #tpu.memory_space<vmem>>
        %dma_start3A_617 = arith.constant 0 : i32
        %dma_start3A_618 = arith.constant 0 : i32
        %dma_start3A_619 = tpu.memref_slice %arg19[%dma_start3A_617, %dma_start3A_618] : memref<10112x128xf32, #tpu.memory_space<vmem_shared>> -> memref<10112x128xf32, #tpu.memory_space<vmem_shared>>
        tpu.enqueue_indirect_dma source(%arg18 : memref<56x128xf32, #tpu.memory_space<vmem>>) target(%dma_start3A_619 : memref<10112x128xf32, #tpu.memory_space<vmem_shared>>) offsets(%dma_start3A_616 : memref<56xi32, #tpu.memory_space<vmem>>) semaphore(%arg29 : memref<!tpu.dma_semaphore, #tpu.memory_space<semaphore_mem>>) {add = true}
        %dma_wait3A_620 = arith.constant 0 : i32
        %dma_wait3A_621 = arith.constant 0 : i32
        %dma_wait3A_622 = tpu.memref_slice %arg12[%dma_wait3A_620, %dma_wait3A_621] : memref<6x56xi32, #tpu.memory_space<vmem>> -> memref<1x56xi32, #tpu.memory_space<vmem>>
        %dma_wait3A_623 = tpu.memref_squeeze %dma_wait3A_622 : memref<1x56xi32, #tpu.memory_space<vmem>> -> memref<56xi32, #tpu.memory_space<vmem>>
        %dma_wait3A_624 = arith.constant 0 : i32
        %dma_wait3A_625 = arith.constant 0 : i32
        %dma_wait3A_626 = tpu.memref_slice %arg19[%dma_wait3A_624, %dma_wait3A_625] : memref<10112x128xf32, #tpu.memory_space<vmem_shared>> -> memref<10112x128xf32, #tpu.memory_space<vmem_shared>>
        tpu.wait_indirect_dma semaphore(%arg29 : memref<!tpu.dma_semaphore, #tpu.memory_space<semaphore_mem>>) src(%arg13 : memref<56x128xf32, #tpu.memory_space<vmem>>) dst(%dma_wait3A_626 : memref<10112x128xf32, #tpu.memory_space<vmem_shared>>)
        %dma_wait3A_627 = arith.constant 1 : i32
        %dma_wait3A_628 = arith.constant 0 : i32
        %dma_wait3A_629 = tpu.memref_slice %arg12[%dma_wait3A_627, %dma_wait3A_628] : memref<6x56xi32, #tpu.memory_space<vmem>> -> memref<1x56xi32, #tpu.memory_space<vmem>>
        %dma_wait3A_630 = tpu.memref_squeeze %dma_wait3A_629 : memref<1x56xi32, #tpu.memory_space<vmem>> -> memref<56xi32, #tpu.memory_space<vmem>>
        %dma_wait3A_631 = arith.constant 0 : i32
        %dma_wait3A_632 = arith.constant 0 : i32
        %dma_wait3A_633 = tpu.memref_slice %arg19[%dma_wait3A_631, %dma_wait3A_632] : memref<10112x128xf32, #tpu.memory_space<vmem_shared>> -> memref<10112x128xf32, #tpu.memory_space<vmem_shared>>
        tpu.wait_indirect_dma semaphore(%arg29 : memref<!tpu.dma_semaphore, #tpu.memory_space<semaphore_mem>>) src(%arg14 : memref<56x128xf32, #tpu.memory_space<vmem>>) dst(%dma_wait3A_633 : memref<10112x128xf32, #tpu.memory_space<vmem_shared>>)
        %dma_wait3A_634 = arith.constant 2 : i32
        %dma_wait3A_635 = arith.constant 0 : i32
        %dma_wait3A_636 = tpu.memref_slice %arg12[%dma_wait3A_634, %dma_wait3A_635] : memref<6x56xi32, #tpu.memory_space<vmem>> -> memref<1x56xi32, #tpu.memory_space<vmem>>
        %dma_wait3A_637 = tpu.memref_squeeze %dma_wait3A_636 : memref<1x56xi32, #tpu.memory_space<vmem>> -> memref<56xi32, #tpu.memory_space<vmem>>
        %dma_wait3A_638 = arith.constant 0 : i32
        %dma_wait3A_639 = arith.constant 0 : i32
        %dma_wait3A_640 = tpu.memref_slice %arg19[%dma_wait3A_638, %dma_wait3A_639] : memref<10112x128xf32, #tpu.memory_space<vmem_shared>> -> memref<10112x128xf32, #tpu.memory_space<vmem_shared>>
        tpu.wait_indirect_dma semaphore(%arg29 : memref<!tpu.dma_semaphore, #tpu.memory_space<semaphore_mem>>) src(%arg15 : memref<56x128xf32, #tpu.memory_space<vmem>>) dst(%dma_wait3A_640 : memref<10112x128xf32, #tpu.memory_space<vmem_shared>>)
        %dma_wait3A_641 = arith.constant 3 : i32
        %dma_wait3A_642 = arith.constant 0 : i32
        %dma_wait3A_643 = tpu.memref_slice %arg12[%dma_wait3A_641, %dma_wait3A_642] : memref<6x56xi32, #tpu.memory_space<vmem>> -> memref<1x56xi32, #tpu.memory_space<vmem>>
        %dma_wait3A_644 = tpu.memref_squeeze %dma_wait3A_643 : memref<1x56xi32, #tpu.memory_space<vmem>> -> memref<56xi32, #tpu.memory_space<vmem>>
        %dma_wait3A_645 = arith.constant 0 : i32
        %dma_wait3A_646 = arith.constant 0 : i32
        %dma_wait3A_647 = tpu.memref_slice %arg19[%dma_wait3A_645, %dma_wait3A_646] : memref<10112x128xf32, #tpu.memory_space<vmem_shared>> -> memref<10112x128xf32, #tpu.memory_space<vmem_shared>>
        tpu.wait_indirect_dma semaphore(%arg29 : memref<!tpu.dma_semaphore, #tpu.memory_space<semaphore_mem>>) src(%arg16 : memref<56x128xf32, #tpu.memory_space<vmem>>) dst(%dma_wait3A_647 : memref<10112x128xf32, #tpu.memory_space<vmem_shared>>)
        %dma_wait3A_648 = arith.constant 4 : i32
        %dma_wait3A_649 = arith.constant 0 : i32
        %dma_wait3A_650 = tpu.memref_slice %arg12[%dma_wait3A_648, %dma_wait3A_649] : memref<6x56xi32, #tpu.memory_space<vmem>> -> memref<1x56xi32, #tpu.memory_space<vmem>>
        %dma_wait3A_651 = tpu.memref_squeeze %dma_wait3A_650 : memref<1x56xi32, #tpu.memory_space<vmem>> -> memref<56xi32, #tpu.memory_space<vmem>>
        %dma_wait3A_652 = arith.constant 0 : i32
        %dma_wait3A_653 = arith.constant 0 : i32
        %dma_wait3A_654 = tpu.memref_slice %arg19[%dma_wait3A_652, %dma_wait3A_653] : memref<10112x128xf32, #tpu.memory_space<vmem_shared>> -> memref<10112x128xf32, #tpu.memory_space<vmem_shared>>
        tpu.wait_indirect_dma semaphore(%arg29 : memref<!tpu.dma_semaphore, #tpu.memory_space<semaphore_mem>>) src(%arg17 : memref<56x128xf32, #tpu.memory_space<vmem>>) dst(%dma_wait3A_654 : memref<10112x128xf32, #tpu.memory_space<vmem_shared>>)
        %dma_wait3A_655 = arith.constant 5 : i32
        %dma_wait3A_656 = arith.constant 0 : i32
        %dma_wait3A_657 = tpu.memref_slice %arg12[%dma_wait3A_655, %dma_wait3A_656] : memref<6x56xi32, #tpu.memory_space<vmem>> -> memref<1x56xi32, #tpu.memory_space<vmem>>
        %dma_wait3A_658 = tpu.memref_squeeze %dma_wait3A_657 : memref<1x56xi32, #tpu.memory_space<vmem>> -> memref<56xi32, #tpu.memory_space<vmem>>
        %dma_wait3A_659 = arith.constant 0 : i32
        %dma_wait3A_660 = arith.constant 0 : i32
        %dma_wait3A_661 = tpu.memref_slice %arg19[%dma_wait3A_659, %dma_wait3A_660] : memref<10112x128xf32, #tpu.memory_space<vmem_shared>> -> memref<10112x128xf32, #tpu.memory_space<vmem_shared>>
        tpu.wait_indirect_dma semaphore(%arg29 : memref<!tpu.dma_semaphore, #tpu.memory_space<semaphore_mem>>) src(%arg18 : memref<56x128xf32, #tpu.memory_space<vmem>>) dst(%dma_wait3A_661 : memref<10112x128xf32, #tpu.memory_space<vmem_shared>>)
      }
      %scan3A_56 = arith.constant 6 : i32
    } else {
    }
    %barrier3A_40 = arith.constant 0 : index
    tpu.barrier barrier_id(%barrier3A_40)
    %eq3A_41 = arith.constant 0 : i32
    %eq3A_42 = arith.cmpi eq, %arg0, %eq3A_41 : i32
    %convert_element_type3A_43 = arith.extui %eq3A_42 : i1 to i32
    %cond3A_44 = arith.constant 0 : i32
    %cond3A_45 = arith.cmpi ne, %convert_element_type3A_43, %cond3A_44 : i32
    scf.if %cond3A_45 {
      "tpu.region"() ({
        %run_scoped3A = tpu.sem_alloc : memref<!tpu.dma_semaphore, #tpu.memory_space<semaphore_mem>>
        %dma_start3A = arith.constant 0 : i32
        %dma_start3A_51 = tpu.memref_slice %arg5[%mul3A_8, %dma_start3A] : memref<10112x128xf32, #tpu.memory_space<hbm>> -> memref<632x128xf32, #tpu.memory_space<hbm>>
        %dma_start3A_52 = arith.constant 0 : i32
        %dma_start3A_53 = tpu.memref_slice %arg19[%mul3A_8, %dma_start3A_52] : memref<10112x128xf32, #tpu.memory_space<vmem_shared>> -> memref<632x128xf32, #tpu.memory_space<vmem_shared>>
        tpu.enqueue_dma source(%dma_start3A_53 : memref<632x128xf32, #tpu.memory_space<vmem_shared>>) target(%dma_start3A_51 : memref<632x128xf32, #tpu.memory_space<hbm>>) target_semaphore(%run_scoped3A : memref<!tpu.dma_semaphore, #tpu.memory_space<semaphore_mem>>)
        %dma_wait3A = arith.constant 0 : i32
        %dma_wait3A_54 = tpu.memref_slice %arg5[%mul3A_8, %dma_wait3A] : memref<10112x128xf32, #tpu.memory_space<hbm>> -> memref<632x128xf32, #tpu.memory_space<hbm>>
        %dma_wait3A_55 = arith.constant 0 : i32
        %dma_wait3A_56 = tpu.memref_slice %arg19[%mul3A_8, %dma_wait3A_55] : memref<10112x128xf32, #tpu.memory_space<vmem_shared>> -> memref<632x128xf32, #tpu.memory_space<vmem_shared>>
        tpu.wait_dma2 semaphore(%run_scoped3A : memref<!tpu.dma_semaphore, #tpu.memory_space<semaphore_mem>>) src(%dma_wait3A_56 : memref<632x128xf32, #tpu.memory_space<vmem_shared>>) dst(%dma_wait3A_54 : memref<632x128xf32, #tpu.memory_space<hbm>>)
        tpu.yield
      }) : () -> ()
    } else {
    }
    %eq3A_46 = arith.constant 1 : i32
    %eq3A_47 = arith.cmpi eq, %arg0, %eq3A_46 : i32
    %convert_element_type3A_48 = arith.extui %eq3A_47 : i1 to i32
    %cond3A_49 = arith.constant 0 : i32
    %cond3A_50 = arith.cmpi ne, %convert_element_type3A_48, %cond3A_49 : i32
    scf.if %cond3A_50 {
      "tpu.region"() ({
        %run_scoped3A = tpu.sem_alloc : memref<!tpu.dma_semaphore, #tpu.memory_space<semaphore_mem>>
        %dma_start3A = arith.constant 0 : i32
        %dma_start3A_51 = tpu.memref_slice %arg6[%mul3A_8, %dma_start3A] : memref<10112x128xf32, #tpu.memory_space<hbm>> -> memref<632x128xf32, #tpu.memory_space<hbm>>
        %dma_start3A_52 = arith.constant 0 : i32
        %dma_start3A_53 = tpu.memref_slice %arg19[%mul3A_8, %dma_start3A_52] : memref<10112x128xf32, #tpu.memory_space<vmem_shared>> -> memref<632x128xf32, #tpu.memory_space<vmem_shared>>
        tpu.enqueue_dma source(%dma_start3A_53 : memref<632x128xf32, #tpu.memory_space<vmem_shared>>) target(%dma_start3A_51 : memref<632x128xf32, #tpu.memory_space<hbm>>) target_semaphore(%run_scoped3A : memref<!tpu.dma_semaphore, #tpu.memory_space<semaphore_mem>>)
        %dma_wait3A = arith.constant 0 : i32
        %dma_wait3A_54 = tpu.memref_slice %arg6[%mul3A_8, %dma_wait3A] : memref<10112x128xf32, #tpu.memory_space<hbm>> -> memref<632x128xf32, #tpu.memory_space<hbm>>
        %dma_wait3A_55 = arith.constant 0 : i32
        %dma_wait3A_56 = tpu.memref_slice %arg19[%mul3A_8, %dma_wait3A_55] : memref<10112x128xf32, #tpu.memory_space<vmem_shared>> -> memref<632x128xf32, #tpu.memory_space<vmem_shared>>
        tpu.wait_dma2 semaphore(%run_scoped3A : memref<!tpu.dma_semaphore, #tpu.memory_space<semaphore_mem>>) src(%dma_wait3A_56 : memref<632x128xf32, #tpu.memory_space<vmem_shared>>) dst(%dma_wait3A_54 : memref<632x128xf32, #tpu.memory_space<hbm>>)
        tpu.yield
      }) : () -> ()
    } else {
    }
    return
  }
}

module attributes {stable_mosaic.version = 14 : i64} {
  func.func @body(%arg0: i32, %arg1: memref<1000x128xf32, #tpu.memory_space<vmem>>, %arg2: memref<1000x128xf32, #tpu.memory_space<vmem>>, %arg3: memref<1000x128xf32, #tpu.memory_space<vmem>>, %arg4: memref<128x128xf32, #tpu.memory_space<vmem>>, %arg5: memref<1x128xf32, #tpu.memory_space<vmem>>, %arg6: memref<1x128xf32, #tpu.memory_space<vmem>>, %arg7: memref<1000x128xf32, #tpu.memory_space<vmem>>) attributes {dimension_semantics = [#tpu.dimension_semantics<arbitrary>], iteration_bounds = array<i64: 10>, scalar_prefetch = 0 : i64, scratch_operands = 0 : i64, tpu.core_type = #tpu.core_type<tc>, window_params = [{transform_indices = @transform_0, window_bounds = array<i64: 1000, 128>}, {transform_indices = @transform_1, window_bounds = array<i64: 1000, 128>}, {transform_indices = @transform_2, window_bounds = array<i64: 1000, 128>}, {pipeline_mode = #tpu.pipeline_mode<synchronous>, transform_indices = @transform_3, window_bounds = array<i64: 128, 128>}, {pipeline_mode = #tpu.pipeline_mode<synchronous>, transform_indices = @transform_4, window_bounds = array<i64: 1, 128>}, {pipeline_mode = #tpu.pipeline_mode<synchronous>, transform_indices = @transform_5, window_bounds = array<i64: 1, 128>}, {transform_indices = @transform_6, window_bounds = array<i64: 1000, 128>}]} {
    %get3A = arith.constant 0 : index
    %get3A_0 = arith.constant 0 : index
    %get3A_1 = vector.load %arg1[%get3A, %get3A_0] : memref<1000x128xf32, #tpu.memory_space<vmem>>, vector<1000x128xf32>
    %get3A_2 = arith.constant 0 : index
    %get3A_3 = arith.constant 0 : index
    %get3A_4 = vector.load %arg2[%get3A_2, %get3A_3] : memref<1000x128xf32, #tpu.memory_space<vmem>>, vector<1000x128xf32>
    %add3A = arith.addf %get3A_1, %get3A_4 : vector<1000x128xf32>
    %get3A_5 = arith.constant 0 : index
    %get3A_6 = arith.constant 0 : index
    %get3A_7 = vector.load %arg4[%get3A_5, %get3A_6] : memref<128x128xf32, #tpu.memory_space<vmem>>, vector<128x128xf32>
    %dot_general3A = arith.constant dense<0.000000e+00> : vector<1000x128xf32>
    %dot_general3A_8 = tpu.matmul %add3A, %get3A_7, %dot_general3A {dimension_numbers = #tpu.dot_dimension_numbers<[1], [0], [0], [1], [0, 0, 1, 1], [], []>, precision = #tpu.contract_precision<fp32>, transpose_lhs_hint = false} : vector<1000x128xf32>, vector<128x128xf32>, vector<1000x128xf32> -> vector<1000x128xf32>
    %get3A_9 = arith.constant 0 : index
    %get3A_10 = arith.constant 0 : index
    %get3A_11 = vector.load %arg5[%get3A_9, %get3A_10] : memref<1x128xf32, #tpu.memory_space<vmem>>, vector<1x128xf32>
    %mul3A = vector.broadcast %get3A_11 : vector<1x128xf32> to vector<1000x128xf32>
    %mul3A_12 = arith.mulf %dot_general3A_8, %mul3A : vector<1000x128xf32>
    %get3A_13 = arith.constant 0 : index
    %get3A_14 = arith.constant 0 : index
    %get3A_15 = vector.load %arg6[%get3A_13, %get3A_14] : memref<1x128xf32, #tpu.memory_space<vmem>>, vector<1x128xf32>
    %add3A_16 = vector.broadcast %get3A_15 : vector<1x128xf32> to vector<1000x128xf32>
    %add3A_17 = arith.addf %mul3A_12, %add3A_16 : vector<1000x128xf32>
    %gt3A = arith.constant 0.000000e+00 : f32
    %gt3A_18 = vector.broadcast %gt3A : f32 to vector<1000x128xf32>
    %gt3A_19 = arith.cmpf ogt, %add3A_17, %gt3A_18 : vector<1000x128xf32>
    %min3A = arith.constant 0.000000e+00 : f32
    %min3A_20 = vector.broadcast %min3A : f32 to vector<1000x128xf32>
    %min3A_21 = arith.minimumf %add3A_17, %min3A_20 : vector<1000x128xf32>
    %exp3A = math.exp %min3A_21 : vector<1000x128xf32>
    %sub3A = arith.constant 1.000000e+00 : f32
    %sub3A_22 = vector.broadcast %sub3A : f32 to vector<1000x128xf32>
    %sub3A_23 = arith.subf %exp3A, %sub3A_22 : vector<1000x128xf32>
    %select_n3A = arith.select %gt3A_19, %add3A_17, %sub3A_23 : vector<1000x128xi1>, vector<1000x128xf32>
    %get3A_24 = arith.constant 0 : index
    %get3A_25 = arith.constant 0 : index
    %get3A_26 = vector.load %arg3[%get3A_24, %get3A_25] : memref<1000x128xf32, #tpu.memory_space<vmem>>, vector<1000x128xf32>
    %add3A_27 = arith.addf %get3A_26, %select_n3A : vector<1000x128xf32>
    %swap3A = arith.constant 0 : index
    %swap3A_28 = arith.constant 0 : index
    %swap3A_29 = vector.load %arg7[%swap3A, %swap3A_28] : memref<1000x128xf32, #tpu.memory_space<vmem>>, vector<1000x128xf32>
    tpu.vector_store %arg7[%swap3A, %swap3A_28], %add3A_27 {strides = array<i32>} : memref<1000x128xf32, #tpu.memory_space<vmem>>, vector<1000x128xf32>,
    return
  }
  func.func @transform_0(%arg0: i32) -> (i32, i32) {
    %c0_i32 = arith.constant 0 : i32
    %c0_i32_0 = arith.constant 0 : i32
    return %arg0, %c0_i32 : i32, i32
  }
  func.func @transform_1(%arg0: i32) -> (i32, i32) {
    %c0_i32 = arith.constant 0 : i32
    %c0_i32_0 = arith.constant 0 : i32
    return %arg0, %c0_i32 : i32, i32
  }
  func.func @transform_2(%arg0: i32) -> (i32, i32) {
    %c0_i32 = arith.constant 0 : i32
    %c0_i32_0 = arith.constant 0 : i32
    return %arg0, %c0_i32 : i32, i32
  }
  func.func @transform_3(%arg0: i32) -> (i32, i32) {
    %c0_i32 = arith.constant 0 : i32
    %c0_i32_0 = arith.constant 0 : i32
    %c0_i32_1 = arith.constant 0 : i32
    return %c0_i32, %c0_i32_0 : i32, i32
  }
  func.func @transform_4(%arg0: i32) -> (i32, i32) {
    %c0_i32 = arith.constant 0 : i32
    %c0_i32_0 = arith.constant 0 : i32
    %c0_i32_1 = arith.constant 0 : i32
    return %c0_i32, %c0_i32_0 : i32, i32
  }
  func.func @transform_5(%arg0: i32) -> (i32, i32) {
    %c0_i32 = arith.constant 0 : i32
    %c0_i32_0 = arith.constant 0 : i32
    %c0_i32_1 = arith.constant 0 : i32
    return %c0_i32, %c0_i32_0 : i32, i32
  }
  func.func @transform_6(%arg0: i32) -> (i32, i32) {
    %c0_i32 = arith.constant 0 : i32
    %c0_i32_0 = arith.constant 0 : i32
    return %arg0, %c0_i32 : i32, i32
  }
}

</mosaic_0001>

<sc_bundles>
// kernel: kernel.4.cloned.1.call-start
scs
__scs_entry_jumppad:
0x0: {  	(pc) =	sbr.rel $0x88, $3  }
0x1: {  	(tag) =	ssettag $0x0;
	lr =	simm.s32 $0x1  }
0x2: {  	[smem:$0x3F9B] =	sst lr;
	_ =	strace $0xD0000000  }
0x3: {  	_ = 	snop  }
0x4: {  	_ = 	snop  }
0x5: {  	_ = 	snop  }
0x6: {  	_ = 	snop  }
0x7: {  	_ = 	snop  }
__scs_overlays_trampoline_lowered:
0x8: {  	[smem:$0x3FAA] =	sst s0  }
0x9: {  	[smem:$0x3FAB] =	sst s1  }
0xa: {  	[smem:$0x3FAC] =	sst s2  }
0xb: {  	[smem:$0x3FAD] =	sst s3  }
0xc: {  	[smem:$0x3FAE] =	sst s4  }
0xd: {  	[smem:$0x3FAF] =	sst s5  }
0xe: {  	[smem:$0x3FB0] =	sst s6  }
0xf: {  	[smem:$0x3FB1] =	sst s7  }
0x10: {  	[smem:$0x3FB2] =	sst s8  }
0x11: {  	[smem:$0x3FB3] =	sst s9;
	s0 =	simm.s32 @!p0 $0x0  }
0x12: {  	s1 =	sld [smem:$0x3F99];
	s0 =	simm.s32 @p0 $0x1  }
0x13: {  	[smem:$0x3FB4] =	sst s0;
	s0 =	simm.s32 @!p1 $0x0  }
0x14: {  	s2 =	sld [smem:$0x3F98];
	s0 =	simm.s32 @p1 $0x1  }
0x15: {  	[smem:$0x3FB5] =	sst s0;
	s0 =	simm.s32 @!p2 $0x0  }
0x16: {  	s3 =	sld [smem:$0x3FDB];
	s0 =	simm.s32 @p2 $0x1  }
0x17: {  	s4 =	simm.s32 $0x1BF5;
	[smem:$0x3FB7] =	sst s0  }
0x18: {  	s0 =	sld [smem:$0x3F9A];
	_ =	swait.ge [sflag:s4], $0x0  }
0x19: {  	s7 =	sld [smem:$0x3F9B]  }
0x1a: {  	s8 =	sadd.s32 $0xFFFFE003, lr  }
0x1b: {  	s9 =	sadd.s32 $0xFFFFFEF7, lr;
	s5 =	simm.s32 $0xFFFFFFFF;
	p2 =	slt.u32 s8, $0xFFFFF086  }
0x1c: {  	p1 =	slt.u32 s9, $0xF7A;
	s5 =	simm.s32 @!p2 $0x0  }
0x1d: {  	s5 =	simm.s32 @p1 $0x1;
	p0 =	seq.s32 s7, s2  }
0x1e: {  	s7 =	smul.u32 @!p0 $0xF7A, s2;
	p2 =	seq.s32 @!p0 s5, $0x0  }
0x1f: {  	s9 =	smul.u32 $0xF7A, s1;
	s8 =	simm.s32 @!p0 $0x1BF5;
	p2 =	por !p2, p0  }
0x20: {  	[sflag:s8] =	ssyncset.s32 @!p0 $0xFFFFF086;
	s6 =	sadd.s32 @!p0 s3, s7;
	s7 =	simm.s32 @!p0 $0x108  }
0x21: {  	s3 =	sadd.s32 s3, s9;
	s6 =	sadd.s32 @!p0 $0x88, s6;
	s7 =	simm.s32 @p2 $0x1082  }
0x22: {  	[simem:s7], [sflag:s8] =	dma.local @!p0 [hbm:s6], $0xF7A  }
0x23: {  	s9 =	sor.u32 $0xD0000000, s2;
	s6 =	simm.s32 $0x108;
	_ =	swait.ge @!p0 [sflag:s8], $0x0  }
0x24: {  	s3 =	sadd.s32 $0x88, s3;
	s6 =	simm.s32 @!p1 $0x1082;
	[sflag:s4] =	ssyncset.s32 $0xFFFFF086  }
0x25: {  	[simem:s6], [sflag:s4] =	dma.local [hbm:s3], $0xF7A  }
0x26: {  	[smem:$0x3F9B] =	sst s1;
	(tag) =	ssettag s2;
	_ =	strace s9  }
0x27: {  	s1 =	sld [smem:$0x3FAB]  }
0x28: {  	s2 =	sld [smem:$0x3FAC]  }
0x29: {  	s4 =	sld [smem:$0x3FAE]  }
0x2a: {  	p0 =	seq.s32 s5, $0x0;
	s5 =	sld [smem:$0x3FAF]  }
0x2b: {  	s6 =	sld [smem:$0x3FB0]  }
0x2c: {  	s7 =	sld [smem:$0x3FB1]  }
0x2d: {  	s3 =	simm.s32 $0x108;
	s8 =	sld [smem:$0x3FB2]  }
0x2e: {  	s3 =	simm.s32 @!p0 $0x1082;
	s9 =	sld [smem:$0x3FB3]  }
0x2f: {  	lr =	sadd.s32 s0, s3;
	s0 =	sld [smem:$0x3FAA]  }
0x30: {  	s3 =	sld [smem:$0x3FAD]  }
0x31: {  	[smem:$0x3FB6] =	sst s10  }
0x32: {  	s10 =	sld [smem:$0x3FB4];
	_ =	sdelay $0x3  }
0x33: {  	p0 =	seq.s32 s10, $0x1;
	s10 =	sld [smem:$0x3FB6];
	_ =	sdelay $0x3  }
0x34: {  	[smem:$0x3FB6] =	sst s10  }
0x35: {  	s10 =	sld [smem:$0x3FB5];
	_ =	sdelay $0x3  }
0x36: {  	p1 =	seq.s32 s10, $0x1;
	s10 =	sld [smem:$0x3FB6];
	_ =	sdelay $0x3  }
0x37: {  	[smem:$0x3FB6] =	sst s10  }
0x38: {  	s10 =	sld [smem:$0x3FB7]  }
0x39: {  	_ = 	snop;
	(pc) =	sbr.ind lr, $3  }
0x3a: {  	_ = 	snop  }
0x3b: {  	_ = 	snop  }
0x3c: {  	p2 =	seq.s32 s10, $0x1;
	s10 =	sld [smem:$0x3FB6]  }
0x3d: {  	_ =	shalt  }
0x3e: {  	_ =	shalt  }
0x3f: {  	_ =	shalt  }
0x40: {  	_ =	shalt  }
0x41: {  	_ =	shalt  }
0x42: {  	_ =	shalt  }
0x43: {  	_ =	shalt  }
0x44: {  	_ =	shalt  }
0x45: {  	_ =	shalt  }
0x46: {  	_ =	shalt  }
0x47: {  	_ =	shalt  }
0x48: {  	_ =	shalt  }
0x49: {  	_ =	shalt  }
0x4a: {  	_ =	shalt  }
0x4b: {  	_ =	shalt  }
0x4c: {  	_ =	shalt  }
0x4d: {  	_ =	shalt  }
0x4e: {  	_ =	shalt  }
0x4f: {  	_ =	shalt  }
0x50: {  	_ =	shalt  }
0x51: {  	_ =	shalt  }
0x52: {  	_ =	shalt  }
0x53: {  	_ =	shalt  }
0x54: {  	_ =	shalt  }
0x55: {  	_ =	shalt  }
0x56: {  	_ =	shalt  }
0x57: {  	_ =	shalt  }
0x58: {  	_ =	shalt  }
0x59: {  	_ =	shalt  }
0x5a: {  	_ =	shalt  }
0x5b: {  	_ =	shalt  }
0x5c: {  	_ =	shalt  }
0x5d: {  	_ =	shalt  }
0x5e: {  	_ =	shalt  }
0x5f: {  	_ =	shalt  }
0x60: {  	_ =	shalt  }
0x61: {  	_ =	shalt  }
0x62: {  	_ =	shalt  }
0x63: {  	_ =	shalt  }
0x64: {  	_ =	shalt  }
0x65: {  	_ =	shalt  }
0x66: {  	_ =	shalt  }
0x67: {  	_ =	shalt  }
0x68: {  	_ =	shalt  }
0x69: {  	_ =	shalt  }
0x6a: {  	_ =	shalt  }
0x6b: {  	_ =	shalt  }
0x6c: {  	_ =	shalt  }
0x6d: {  	_ =	shalt  }
0x6e: {  	_ =	shalt  }
0x6f: {  	_ =	shalt  }
0x70: {  	_ =	shalt  }
0x71: {  	_ =	shalt  }
0x72: {  	_ =	shalt  }
0x73: {  	_ =	shalt  }
0x74: {  	_ =	shalt  }
0x75: {  	_ =	shalt  }
0x76: {  	_ =	shalt  }
0x77: {  	_ =	shalt  }
0x78: {  	_ =	shalt  }
0x79: {  	_ =	shalt  }
0x7a: {  	_ =	shalt  }
0x7b: {  	_ =	shalt  }
0x7c: {  	_ =	shalt  }
0x7d: {  	_ =	shalt  }
0x7e: {  	_ =	shalt  }
0x7f: {  	_ =	shalt  }
0x80: {  	_ =	shalt  }
0x81: {  	_ =	shalt  }
0x82: {  	_ =	shalt  }
0x83: {  	_ =	shalt  }
0x84: {  	_ =	shalt  }
0x85: {  	_ =	shalt  }
0x86: {  	_ =	shalt  }
0x87: {  	_ =	shalt  }
.Lfunc_end0:
.L_simem_size_0:
called_computation_lowered:
.L_overlay_start_0:
0x88: {  	s2 =	sld [smem:$0x3FD9]  }
0x89: {  	s3 =	sld [smem:$0x3FFE];
	_ =	sdelay $0x1  }
0x8a: {  	s1 =	srdreg.scid  }
0x8b: {  	s0 =	sand.u32 $0x1, s1  }
0x8c: {  	s17 =	sshll.u32 s0, $0xA;
	s2 =	sadd.s32 s3, s2  }
0x8d: {  	s2 =	sadd.s32 s2, s17  }
0x8e: {  	[smem:$0x3FC2] =	sst s2  }
0x8f: {  	_ = 	snop  }
0x90: {  	s2 =	sld [smem:$0x3FC9];
	(tm) =	ssettm $0x1  }
0x91: {  	s18 =	sld [smem:$0x3FFB];
	_ =	sdelay $0x3  }
0x92: {  	_ =	strace s18  }
0x93: {  	s3 =	sld [smem:$0x3FFC];
	_ =	sdelay $0x3  }
0x94: {  	_ =	strace s3  }
0x95: {  	s3 =	sld [smem:$0x3FFD];
	_ =	sdelay $0x3  }
0x96: {  	_ =	strace s3  }
0x97: {  	_ =	strace $0x8FFFFFFF  }
0x98: {  	s19 =	sld [smem:$0x3FDB];
	_ =	sdelay $0x1  }
0x99: {  	s4 =	simm.s32 $_scs_section_size  }
0x9a: {  	s5 =	simm.s32 $_size__tile_overlayer_lowered;
	s6 =	simm.s32 $_tile_overlayer_lowered  }
0x9b: {  	s22 =	simm.s32 $0x1BFF;
	s21 =	sshll.u32 s6, $0x1;
	s3 =	sadd.s32 s4, s19  }
0x9c: {  	s7 =	simm.s32 $0x0;
	s20 =	sshll.u32 s5, $0x1;
	s5 =	sadd.s32 s21, s3  }
0x9d: {  	[timem:s7], [sflag:s22] =	dma.local [hbm:s5], s20  }
0x9e: {  	_ =	swait.ge [sflag:s22], s20  }
0x9f: {  	s4 =	ssub.s32 $0x0, s20;
	[sflag:s22] =	ssyncset.done $0x0  }
0xa0: {  	[sflag:s22] =	ssyncadd.s32 s4;
	_ =	sdelay $0x1  }
0xa1: {  	s23 =	simm.s32 $0x1B8B  }
0xa2: {  	_ =	swait.ge [sflag:s23], $0x1  }
0xa3: {  	[sflag:s23] =	ssyncset.done $0x0  }
0xa4: {  	s25 =	simm.s32 $0x1B8E;
	s24 =	sld [smem:$0x3FFE];
	[sflag:s23] =	ssyncadd.s32 $0xFFFFFFFF  }
0xa5: {  	s26 =	simm.s32 $execute0_lowered;
	[smem:$0x3FD2] =	sst s25  }
0xa6: {  	s5 =	sshll.u32 s26, $0x1;
	_ =	strace $0x80000046;
	[dreg:$0x1] =	wrdreg $0xFFFFFFFF  }
0xa7: {  	s28 =	simm.s32 $_size_execute0_lowered;
	s3 =	sadd.s32 s3, s5;
	[dreg:$0x0] =	wrdreg $0x0  }
0xa8: {  	s5 =	sshll.u32 s28, $0x1;
	[dreg:$0x2] =	wrdreg s3  }
0xa9: {  	[dreg:$0x3] =	wrdreg s5  }
0xaa: {  	[dreg:$0x4] =	wrdreg $0xC0  }
0xab: {  	_ =	task [dreg:s7], $0x5FFFF  }
0xac: {  	[dreg:$0x1] =	wrdreg $0xFFFFFFFF  }
0xad: {  	[dreg:$0x0] =	wrdreg $0x60  }
0xae: {  	[dreg:$0x2] =	wrdreg s2  }
0xaf: {  	[dreg:$0x3] =	wrdreg s24  }
0xb0: {  	[dreg:$0x4] =	wrdreg $0xC0000  }
0xb1: {  	[dreg:$0x5] =	wrdreg $0x9  }
0xb2: {  	_ =	task.clear_ibuf [dreg:s7], $0x6FFFF;
	_ =	strace $0x90000046  }
0xb3: {  	s29 =	simm.s32 $0x9;
	_ =	strace $0x80000048  }
0xb4: {  	_ =	swait.ge [sflag:s29], $0x1  }
0xb5: {  	[sflag:s29] =	ssyncadd.s32 $0xFFFFFFFF  }
0xb6: {  	_ =	strace $0x90000048  }
0xb7: {  	_ =	sfence  }
0xb8: {  	s30 =	sld [smem:$0x0];
	_ =	sdelay $0x2  }
0xb9: {  	s31 =	sshll.u32 s1, $0xD;
	s1 =	sshrl.u32 s1, $0x2  }
0xba: {  	s3 =	sand.u32 $0x4000, s31;
	s1 =	sadd.s32 s1, s30  }
0xbb: {  	s0 =	sor.u32 s3, s0;
	s1 =	sshll.u32 s1, $0x11  }
0xbc: {  	s0 =	sor.u32 s1, s0  }
0xbd: {  	s0 =	sadd.s32 $0x8F2B, s0  }
0xbe: {  	[sflag:s0] =	ssyncadd.remote.s32 $0x1  }
0xbf: {  	_ =	sfence.sel $0xFFFF  }
0xc0: {  	[dreg:$0x0] =	wrdreg $0xFFFFFFFF;
	(pc) =	sbr.abs _section_cstart, $3  }
0xc1: {  	[dreg:$0x1] =	wrdreg $0xFFFFFFFF  }
0xc2: {  	_ =	task.clear_ibuf [dreg:s7], $0x2FFFF;
	_ =	strace $0x9FFFFFFF  }
0xc3: {  	(tm) =	ssettm $0x7FFFFFFF  }
tec
execute0_lowered:
.L_overlay_start_1:
0x0: {  	(tag) =	ssettag $0x1  }
0x1: {  	s1 =	rddreg [dreg:$0x0]  }
0x2: {  	s0 =	rddreg [dreg:$0x1]  }
0x3: {  	s3 =	rddreg [dreg:$0x2]  }
0x4: {  	s4 =	simm.s32 $0x0;
	s8 =	stileid.u32;
	s2 =	srdreg.scid  }
0x5: {  	s30 =	simm.s32 $0x1;
	s28 =	simm.s32 $0x3;
	[smem:$0x7FF] =	sst s4  }
0x6: {  	s5 =	smul.u32 $0x4F000, s8;
	s6 =	sadd.s32 $0x2C00, s0;
	s2 =	sand.u32 $0x1, s2  }
0x7: {  	s10 =	sadd.s32 $0x2CC00, s0;
	_ =	strace $0x80000047;
	[dreg:$0x4] =	wrdreg s6  }
0x8: {  	s7 =	sadd.s32 $0x56C00, s0;
	s19 =	smul.u32 $0x15000, s8;
	[dreg:$0x5] =	wrdreg s10  }
0x9: {  	s0 =	sadd.s32 $0x7E400, s0;
	s26 =	smul.u32 $0x2780, s8;
	[dreg:$0x6] =	wrdreg s7  }
0xa: {  	s8 =	simm.s32 $0x7;
	s11 =	ssub.s32 $0x2, s2;
	[dreg:$0x8] =	wrdreg s0  }
0xb: {  	s22 =	smul.u32 $0xA800, s2;
	p0 =	sne.s32 s2, $0x0;
	s5 =	sshrl.u32 s5, $0x2  }
0xc: {  	s7 =	simm.s32 $0x38;
	[dreg:$0x14] =	wrdreg s26;
	s9 =	sadd.s32 s5, s3  }
0xd: {  	s2 =	simm.s32 $0x3400;
	s5 =	sadd.s32 $0x1C00, s9;
	[dreg:$0x7] =	wrdreg s9  }
0xe: {  	s6 =	simm.s32 $0x8;
	s14 =	sadd.s32 $0x3800, s9;
	[dreg:$0x9] =	wrdreg s5  }
0xf: {  	s12 =	sshrl.u32 s11, $0x1;
	s15 =	sadd.s32 $0x5400, s9;
	[dreg:$0xa] =	wrdreg s14  }
0x10: {  	s26 =	simm.s32 $0x1800;
	s16 =	sadd.s32 $0x7000, s9;
	[dreg:$0xb] =	wrdreg s15  }
0x11: {  	s13 =	ssub.s32 s11, s12;
	s17 =	sadd.s32 $0x8C00, s9;
	[dreg:$0xc] =	wrdreg s16  }
0x12: {  	s29 =	sadd.s32 s22, s19;
	s18 =	sadd.s32 $0xA800, s9;
	[dreg:$0xd] =	wrdreg s17  }
0x13: {  	s11 =	simm.s32 $0x5000;
	s20 =	sadd.s32 $0xC400, s9;
	[dreg:$0xe] =	wrdreg s18  }
0x14: {  	s19 =	simm.s32 $0x5;
	s21 =	sadd.s32 $0xE000, s9;
	[dreg:$0xf] =	wrdreg s20  }
0x15: {  	s12 =	simm.s32 $0x2;
	s23 =	sadd.s32 $0xFC00, s9;
	[dreg:$0x10] =	wrdreg s21  }
0x16: {  	s24 =	sadd.s32 $0x11800, s9;
	s25 =	sadd.s32 $0x13400, s9;
	[dreg:$0x11] =	wrdreg s23  }
0x17: {  	s0 =	smax.u32 s13, $0x1;
	s31 =	sor.u32 $0x400, s29;
	[dreg:$0x12] =	wrdreg s24  }
.Ltmp0:
0x18: {  	s13 =	simm.s32 $0x6C00;
	[dreg:$0x13] =	wrdreg s25;
	(pc) =	sbr.rel .LBB2_1-.Ltmp0, $4  }
0x19: {  	s9 =	simm.s32 $0x9;
	[dreg:$0x15] =	wrdreg s0;
	s5 =	sadd.s32 $0x800, s29  }
0x1a: {  	s24 =	sshrl.u32 s31, $0x3;
	s25 =	sshrl.u32 s29, $0x3;
	s15 =	simm.s32 $0x8800  }
0x1b: {  	s17 =	simm.s32 $0xA400;
	s18 =	simm.s32 $0x4;
	s21 =	simm.s32 $0x6  }
0x1c: {  	v0 =	vimm.f32 $0.0e+00;
	s20 =	simm.s32 $0xA;
	s0 =	simm.s32 $0x0;
	s23 =	sshrl.u32 s5, $0x3  }
.LBB2_9:
0x1d: {  	s10 =	sadd.s32 s22, s25;
	[sflag:s20] =	ssyncadd.s32 $0xFFFFE400;
	s5 =	sadd.s32 $0x180, s5  }
0x1e: {  	[tilespmem:s4], [sflag:$0x1] =	stream.linear.gather [hbm4b:s10+s4], $0x300, $0x38;
	[tilespmem:$0x1FC00] =	vst v63  }
0x1f: {  	s0 =	simm.s32 $0x400;
	s16 =	sadd.s32 s5, s25  }
0x20: {  	[tilespmem:s0], [sflag:$0x1] =	stream.linear.gather [hbm4b:s16+s4], $0x300, $0x38;
	[tilespmem:$0x1FC00] =	vst v63  }
0x21: {  	_ =	swait.ge [sflag:s30], $0x300  }
0x22: {  	[sflag:s30] =	ssyncset.done $0x0  }
0x23: {  	[sflag:s30] =	ssyncadd.s32 $0xFFFFFD00  }
0x24: {  	_ =	swait.ge [sflag:s30], $0x300  }
0x25: {  	[sflag:s30] =	ssyncset.done $0x0  }
0x26: {  	s29 =	sadd.s32 s22, s24;
	s16 =	simm.s32 $0x800;
	[sflag:s30] =	ssyncadd.s32 $0xFFFFFD00  }
0x27: {  	[tilespmem:s16], [sflag:$0x2] =	stream.linear.gather [hbm4b:s29+s4], $0x300, $0x38;
	[tilespmem:$0x1FC00] =	vst v63  }
0x28: {  	s14 =	simm.s32 $0xC00;
	s31 =	sadd.s32 s5, s24  }
0x29: {  	[tilespmem:s14], [sflag:$0x2] =	stream.linear.gather [hbm4b:s31+s4], $0x300, $0x38;
	[tilespmem:$0x1FC00] =	vst v63  }
0x2a: {  	_ = 	snop  }
0x2b: {  	[tilespmem:s26], [sflag:$0x4] =	stream.indirect.gather [hbm4b:s1+s7], $0x80, s4, s7, $0xb8;
	[tilespmem:$0x1FC00] =	vst v63  }
0x2c: {  	s29 =	simm.s32 $0x80  }
0x2d: {  	[tilespmem:s2], [sflag:$0x5] =	stream.indirect.gather [hbm4b:s1+s7], $0x80, s29, s7, $0xb8;
	[tilespmem:$0x1FC00] =	vst v63  }
0x2e: {  	s31 =	simm.s32 $0x100  }
0x2f: {  	[tilespmem:s11], [sflag:$0x6] =	stream.indirect.gather [hbm4b:s1+s7], $0x80, s31, s7, $0xb8;
	[tilespmem:$0x1FC00] =	vst v63  }
0x30: {  	s29 =	simm.s32 $0x180  }
0x31: {  	[tilespmem:s13], [sflag:$0x7] =	stream.indirect.gather [hbm4b:s1+s7], $0x80, s29, s7, $0xb8;
	[tilespmem:$0x1FC00] =	vst v63  }
0x32: {  	s31 =	simm.s32 $0x200  }
0x33: {  	[tilespmem:s15], [sflag:$0x8] =	stream.indirect.gather [hbm4b:s1+s7], $0x80, s31, s7, $0xb8;
	[tilespmem:$0x1FC00] =	vst v63  }
0x34: {  	s29 =	simm.s32 $0x280  }
0x35: {  	[tilespmem:s17], [sflag:$0x9] =	stream.indirect.gather [hbm4b:s1+s7], $0x80, s29, s7, $0xb8;
	[tilespmem:$0x1FC00] =	vst v63  }
0x36: {  	_ =	swait.ge [sflag:s18], $0x1C00  }
0x37: {  	[sflag:s18] =	ssyncset.done $0x0  }
0x38: {  	[sflag:s18] =	ssyncadd.s32 $0xFFFFE400  }
0x39: {  	[spmem:s3] =	stream.indirect.scatter.add.f32 [tilespmem:s26], [sflag:$0xA], $0x80, s0, s7, $0xb8;
	[tilespmem:$0x1FC00] =	vst v63  }
0x3a: {  	_ =	swait.ge [sflag:s19], $0x1C00  }
0x3b: {  	[sflag:s19] =	ssyncset.done $0x0  }
0x3c: {  	s31 =	simm.s32 $0x480;
	[sflag:s19] =	ssyncadd.s32 $0xFFFFE400  }
0x3d: {  	[spmem:s3] =	stream.indirect.scatter.add.f32 [tilespmem:s2], [sflag:$0xA], $0x80, s31, s7, $0xb8;
	[tilespmem:$0x1FC00] =	vst v63  }
0x3e: {  	_ =	swait.ge [sflag:s21], $0x1C00  }
0x3f: {  	[sflag:s21] =	ssyncset.done $0x0  }
0x40: {  	s10 =	simm.s32 $0x500;
	[sflag:s21] =	ssyncadd.s32 $0xFFFFE400  }
0x41: {  	[spmem:s3] =	stream.indirect.scatter.add.f32 [tilespmem:s11], [sflag:$0xA], $0x80, s10, s7, $0xb8;
	[tilespmem:$0x1FC00] =	vst v63  }
0x42: {  	_ =	swait.ge [sflag:s8], $0x1C00  }
0x43: {  	[sflag:s8] =	ssyncset.done $0x0  }
0x44: {  	s29 =	simm.s32 $0x580;
	[sflag:s8] =	ssyncadd.s32 $0xFFFFE400  }
0x45: {  	[spmem:s3] =	stream.indirect.scatter.add.f32 [tilespmem:s13], [sflag:$0xA], $0x80, s29, s7, $0xb8;
	[tilespmem:$0x1FC00] =	vst v63  }
0x46: {  	_ =	swait.ge [sflag:s6], $0x1C00  }
0x47: {  	[sflag:s6] =	ssyncset.done $0x0  }
0x48: {  	s31 =	simm.s32 $0x600;
	[sflag:s6] =	ssyncadd.s32 $0xFFFFE400  }
0x49: {  	[spmem:s3] =	stream.indirect.scatter.add.f32 [tilespmem:s15], [sflag:$0xA], $0x80, s31, s7, $0xb8;
	[tilespmem:$0x1FC00] =	vst v63  }
0x4a: {  	_ =	swait.ge [sflag:s9], $0x1C00  }
0x4b: {  	[sflag:s9] =	ssyncset.done $0x0  }
0x4c: {  	s10 =	simm.s32 $0x680;
	[sflag:s9] =	ssyncadd.s32 $0xFFFFE400  }
0x4d: {  	[spmem:s3] =	stream.indirect.scatter.add.f32 [tilespmem:s17], [sflag:$0xA], $0x80, s10, s7, $0xb8;
	[tilespmem:$0x1FC00] =	vst v63  }
0x4e: {  	_ =	swait.ge [sflag:s12], $0x300  }
0x4f: {  	[sflag:s12] =	ssyncset.done $0x0  }
0x50: {  	[sflag:s12] =	ssyncadd.s32 $0xFFFFFD00  }
0x51: {  	_ =	swait.ge [sflag:s12], $0x300  }
0x52: {  	[sflag:s12] =	ssyncset.done $0x0  }
0x53: {  	s0 =	simm.s32 $0x1000;
	s29 =	sadd.s32 s22, s23;
	[sflag:s12] =	ssyncadd.s32 $0xFFFFFD00  }
0x54: {  	[tilespmem:s0], [sflag:$0x3] =	stream.linear.gather [hbm4b:s29+s4], $0x300, $0x38;
	[tilespmem:$0x1FC00] =	vst v63  }
0x55: {  	s5 =	sadd.s32 s5, s23;
	s10 =	simm.s32 $0x1400  }
0x56: {  	[tilespmem:s10], [sflag:$0x3] =	stream.linear.gather [hbm4b:s5+s4], $0x300, $0x38;
	[tilespmem:$0x1FC00] =	vst v63  }
0x57: {  	_ =	swait.ge [sflag:s20], $0x1C00  }
0x58: {  	[sflag:s20] =	ssyncset.done $0x0  }
0x59: {  	[sflag:s20] =	ssyncadd.s32 $0xFFFFE400  }
0x5a: {  	[tilespmem:s26], [sflag:$0x4] =	stream.indirect.gather [hbm4b:s1+s7], $0x80, s16, s7, $0xb8;
	[tilespmem:$0x1FC00] =	vst v63  }
0x5b: {  	_ =	swait.ge [sflag:s20], $0x1C00  }
0x5c: {  	[sflag:s20] =	ssyncset.done $0x0  }
0x5d: {  	s31 =	simm.s32 $0x880;
	[sflag:s20] =	ssyncadd.s32 $0xFFFFE400  }
0x5e: {  	[tilespmem:s2], [sflag:$0x5] =	stream.indirect.gather [hbm4b:s1+s7], $0x80, s31, s7, $0xb8;
	[tilespmem:$0x1FC00] =	vst v63  }
0x5f: {  	_ =	swait.ge [sflag:s20], $0x1C00  }
0x60: {  	[sflag:s20] =	ssyncset.done $0x0  }
0x61: {  	s16 =	simm.s32 $0x900;
	[sflag:s20] =	ssyncadd.s32 $0xFFFFE400  }
0x62: {  	[tilespmem:s11], [sflag:$0x6] =	stream.indirect.gather [hbm4b:s1+s7], $0x80, s16, s7, $0xb8;
	[tilespmem:$0x1FC00] =	vst v63  }
0x63: {  	_ =	swait.ge [sflag:s20], $0x1C00  }
0x64: {  	[sflag:s20] =	ssyncset.done $0x0  }
0x65: {  	s22 =	simm.s32 $0x980;
	[sflag:s20] =	ssyncadd.s32 $0xFFFFE400  }
0x66: {  	[tilespmem:s13], [sflag:$0x7] =	stream.indirect.gather [hbm4b:s1+s7], $0x80, s22, s7, $0xb8;
	[tilespmem:$0x1FC00] =	vst v63  }
0x67: {  	_ =	swait.ge [sflag:s20], $0x1C00  }
0x68: {  	[sflag:s20] =	ssyncset.done $0x0  }
0x69: {  	s29 =	simm.s32 $0xA00;
	[sflag:s20] =	ssyncadd.s32 $0xFFFFE400  }
0x6a: {  	[tilespmem:s15], [sflag:$0x8] =	stream.indirect.gather [hbm4b:s1+s7], $0x80, s29, s7, $0xb8;
	[tilespmem:$0x1FC00] =	vst v63  }
0x6b: {  	_ =	swait.ge [sflag:s20], $0x1C00  }
0x6c: {  	[sflag:s20] =	ssyncset.done $0x0  }
0x6d: {  	s31 =	simm.s32 $0xA80;
	[sflag:s20] =	ssyncadd.s32 $0xFFFFE400  }
0x6e: {  	[tilespmem:s17], [sflag:$0x9] =	stream.indirect.gather [hbm4b:s1+s7], $0x80, s31, s7, $0xb8;
	[tilespmem:$0x1FC00] =	vst v63  }
0x6f: {  	_ =	swait.ge [sflag:s18], $0x1C00  }
0x70: {  	[sflag:s18] =	ssyncset.done $0x0  }
0x71: {  	[sflag:s18] =	ssyncadd.s32 $0xFFFFE400  }
0x72: {  	[spmem:s3] =	stream.indirect.scatter.add.f32 [tilespmem:s26], [sflag:$0xA], $0x80, s14, s7, $0xb8;
	[tilespmem:$0x1FC00] =	vst v63  }
0x73: {  	_ =	swait.ge [sflag:s19], $0x1C00  }
0x74: {  	[sflag:s19] =	ssyncset.done $0x0  }
0x75: {  	s16 =	simm.s32 $0xC80;
	[sflag:s19] =	ssyncadd.s32 $0xFFFFE400  }
0x76: {  	[spmem:s3] =	stream.indirect.scatter.add.f32 [tilespmem:s2], [sflag:$0xA], $0x80, s16, s7, $0xb8;
	[tilespmem:$0x1FC00] =	vst v63  }
0x77: {  	_ =	swait.ge [sflag:s21], $0x1C00  }
0x78: {  	[sflag:s21] =	ssyncset.done $0x0  }
0x79: {  	s22 =	simm.s32 $0xD00;
	[sflag:s21] =	ssyncadd.s32 $0xFFFFE400  }
0x7a: {  	[spmem:s3] =	stream.indirect.scatter.add.f32 [tilespmem:s11], [sflag:$0xA], $0x80, s22, s7, $0xb8;
	[tilespmem:$0x1FC00] =	vst v63  }
0x7b: {  	_ =	swait.ge [sflag:s8], $0x1C00  }
0x7c: {  	[sflag:s8] =	ssyncset.done $0x0  }
0x7d: {  	s29 =	simm.s32 $0xD80;
	[sflag:s8] =	ssyncadd.s32 $0xFFFFE400  }
0x7e: {  	[spmem:s3] =	stream.indirect.scatter.add.f32 [tilespmem:s13], [sflag:$0xA], $0x80, s29, s7, $0xb8;
	[tilespmem:$0x1FC00] =	vst v63  }
0x7f: {  	_ =	swait.ge [sflag:s6], $0x1C00  }
0x80: {  	[sflag:s6] =	ssyncset.done $0x0  }
0x81: {  	s31 =	simm.s32 $0xE00;
	[sflag:s6] =	ssyncadd.s32 $0xFFFFE400  }
0x82: {  	[spmem:s3] =	stream.indirect.scatter.add.f32 [tilespmem:s15], [sflag:$0xA], $0x80, s31, s7, $0xb8;
	[tilespmem:$0x1FC00] =	vst v63  }
0x83: {  	_ =	swait.ge [sflag:s9], $0x1C00  }
0x84: {  	[sflag:s9] =	ssyncset.done $0x0  }
0x85: {  	s14 =	simm.s32 $0xE80;
	[sflag:s9] =	ssyncadd.s32 $0xFFFFE400  }
0x86: {  	[spmem:s3] =	stream.indirect.scatter.add.f32 [tilespmem:s17], [sflag:$0xA], $0x80, s14, s7, $0xb8;
	[tilespmem:$0x1FC00] =	vst v63  }
0x87: {  	_ =	swait.ge [sflag:s28], $0x300  }
0x88: {  	[sflag:s28] =	ssyncset.done $0x0  }
0x89: {  	[sflag:s28] =	ssyncadd.s32 $0xFFFFFD00  }
0x8a: {  	_ =	swait.ge [sflag:s28], $0x300  }
0x8b: {  	[sflag:s28] =	ssyncset.done $0x0  }
0x8c: {  	[sflag:s28] =	ssyncadd.s32 $0xFFFFFD00  }
0x8d: {  	_ =	swait.ge [sflag:s20], $0x1C00  }
0x8e: {  	[sflag:s20] =	ssyncset.done $0x0  }
0x8f: {  	[sflag:s20] =	ssyncadd.s32 $0xFFFFE400  }
0x90: {  	[tilespmem:s26], [sflag:$0x4] =	stream.indirect.gather [hbm4b:s1+s7], $0x80, s0, s7, $0xb8;
	[tilespmem:$0x1FC00] =	vst v63  }
0x91: {  	_ =	swait.ge [sflag:s20], $0x1C00  }
0x92: {  	[sflag:s20] =	ssyncset.done $0x0  }
0x93: {  	s16 =	simm.s32 $0x1080;
	[sflag:s20] =	ssyncadd.s32 $0xFFFFE400  }
0x94: {  	[tilespmem:s2], [sflag:$0x5] =	stream.indirect.gather [hbm4b:s1+s7], $0x80, s16, s7, $0xb8;
	[tilespmem:$0x1FC00] =	vst v63  }
0x95: {  	_ =	swait.ge [sflag:s20], $0x1C00  }
0x96: {  	[sflag:s20] =	ssyncset.done $0x0  }
0x97: {  	s22 =	simm.s32 $0x1100;
	[sflag:s20] =	ssyncadd.s32 $0xFFFFE400  }
0x98: {  	[tilespmem:s11], [sflag:$0x6] =	stream.indirect.gather [hbm4b:s1+s7], $0x80, s22, s7, $0xb8;
	[tilespmem:$0x1FC00] =	vst v63  }
0x99: {  	_ =	swait.ge [sflag:s20], $0x1C00  }
0x9a: {  	[sflag:s20] =	ssyncset.done $0x0  }
0x9b: {  	s29 =	simm.s32 $0x1180;
	[sflag:s20] =	ssyncadd.s32 $0xFFFFE400  }
0x9c: {  	[tilespmem:s13], [sflag:$0x7] =	stream.indirect.gather [hbm4b:s1+s7], $0x80, s29, s7, $0xb8;
	[tilespmem:$0x1FC00] =	vst v63  }
0x9d: {  	_ =	swait.ge [sflag:s20], $0x1C00  }
0x9e: {  	[sflag:s20] =	ssyncset.done $0x0  }
0x9f: {  	s31 =	simm.s32 $0x1200;
	[sflag:s20] =	ssyncadd.s32 $0xFFFFE400  }
0xa0: {  	[tilespmem:s15], [sflag:$0x8] =	stream.indirect.gather [hbm4b:s1+s7], $0x80, s31, s7, $0xb8;
	[tilespmem:$0x1FC00] =	vst v63  }
0xa1: {  	_ =	swait.ge [sflag:s20], $0x1C00  }
0xa2: {  	[sflag:s20] =	ssyncset.done $0x0  }
0xa3: {  	s5 =	simm.s32 $0x1280;
	[sflag:s20] =	ssyncadd.s32 $0xFFFFE400  }
0xa4: {  	[tilespmem:s17], [sflag:$0x9] =	stream.indirect.gather [hbm4b:s1+s7], $0x80, s5, s7, $0xb8;
	[tilespmem:$0x1FC00] =	vst v63  }
0xa5: {  	_ =	swait.ge [sflag:s18], $0x1C00  }
0xa6: {  	[sflag:s18] =	ssyncset.done $0x0  }
0xa7: {  	[sflag:s18] =	ssyncadd.s32 $0xFFFFE400  }
0xa8: {  	[spmem:s3] =	stream.indirect.scatter.add.f32 [tilespmem:s26], [sflag:$0xA], $0x80, s10, s7, $0xb8;
	[tilespmem:$0x1FC00] =	vst v63  }
0xa9: {  	_ =	swait.ge [sflag:s19], $0x1C00  }
0xaa: {  	[sflag:s19] =	ssyncset.done $0x0  }
0xab: {  	s14 =	simm.s32 $0x1480;
	[sflag:s19] =	ssyncadd.s32 $0xFFFFE400  }
0xac: {  	[spmem:s3] =	stream.indirect.scatter.add.f32 [tilespmem:s2], [sflag:$0xA], $0x80, s14, s7, $0xb8;
	[tilespmem:$0x1FC00] =	vst v63  }
0xad: {  	_ =	swait.ge [sflag:s21], $0x1C00  }
0xae: {  	[sflag:s21] =	ssyncset.done $0x0  }
0xaf: {  	s16 =	simm.s32 $0x1500;
	[sflag:s21] =	ssyncadd.s32 $0xFFFFE400  }
0xb0: {  	[spmem:s3] =	stream.indirect.scatter.add.f32 [tilespmem:s11], [sflag:$0xA], $0x80, s16, s7, $0xb8;
	[tilespmem:$0x1FC00] =	vst v63  }
0xb1: {  	_ =	swait.ge [sflag:s8], $0x1C00  }
0xb2: {  	[sflag:s8] =	ssyncset.done $0x0  }
0xb3: {  	s22 =	simm.s32 $0x1580;
	[sflag:s8] =	ssyncadd.s32 $0xFFFFE400  }
0xb4: {  	[spmem:s3] =	stream.indirect.scatter.add.f32 [tilespmem:s13], [sflag:$0xA], $0x80, s22, s7, $0xb8;
	[tilespmem:$0x1FC00] =	vst v63  }
0xb5: {  	_ =	swait.ge [sflag:s6], $0x1C00  }
0xb6: {  	[sflag:s6] =	ssyncset.done $0x0  }
0xb7: {  	s29 =	simm.s32 $0x1600;
	[sflag:s6] =	ssyncadd.s32 $0xFFFFE400  }
0xb8: {  	[spmem:s3] =	stream.indirect.scatter.add.f32 [tilespmem:s15], [sflag:$0xA], $0x80, s29, s7, $0xb8;
	[tilespmem:$0x1FC00] =	vst v63  }
0xb9: {  	_ =	swait.ge [sflag:s9], $0x1C00  }
0xba: {  	[sflag:s9] =	ssyncset.done $0x0  }
0xbb: {  	s31 =	simm.s32 $0x1680;
	[sflag:s9] =	ssyncadd.s32 $0xFFFFE400  }
0xbc: {  	[spmem:s3] =	stream.indirect.scatter.add.f32 [tilespmem:s17], [sflag:$0xA], $0x80, s31, s7, $0xb8;
	[tilespmem:$0x1FC00] =	vst v63  }
0xbd: {  	_ =	swait.ge [sflag:s20], $0x1C00  }
0xbe: {  	[sflag:s20] =	ssyncset.done $0x0  }
0xbf: {  	[sflag:s20] =	ssyncadd.s32 $0xFFFFE400  }
0xc0: {  	_ =	swait.ge [sflag:s20], $0x1C00  }
0xc1: {  	[sflag:s20] =	ssyncset.done $0x0  }
0xc2: {  	[sflag:s20] =	ssyncadd.s32 $0xFFFFE400  }
0xc3: {  	_ =	swait.ge [sflag:s20], $0x1C00  }
0xc4: {  	[sflag:s20] =	ssyncset.done $0x0  }
0xc5: {  	[sflag:s20] =	ssyncadd.s32 $0xFFFFE400  }
0xc6: {  	_ =	swait.ge [sflag:s20], $0x1C00  }
0xc7: {  	[sflag:s20] =	ssyncset.done $0x0  }
0xc8: {  	[sflag:s20] =	ssyncadd.s32 $0xFFFFE400  }
0xc9: {  	_ =	swait.ge [sflag:s20], $0x1C00  }
0xca: {  	[sflag:s20] =	ssyncset.done $0x0  }
0xcb: {  	[sflag:s20] =	ssyncadd.s32 $0xFFFFE400  }
0xcc: {  	_ =	swait.ge [sflag:s20], $0x1C00  }
0xcd: {  	[sflag:s20] =	ssyncset.done $0x0;
	s5 =	rddreg [dreg:$0x8]  }
0xce: {  	s0 =	rddreg [dreg:$0x16];
	[sflag:s20] =	ssyncadd.s32 $0xFFFFE400  }
.LBB2_10:
0xcf: {  	s10 =	rddreg [dreg:$0x14];
	s22 =	stileid.u32;
	[bflag:$0x0] =	sbarrier.arrive $0xFFFF  }
0xd0: {  	s5 =	sadd.s32 s5, s10;
	s10 =	sshll.u32 s22, $0x6;
	s22 =	rddreg [dreg:$0x7]  }
0xd1: {  	s29 =	simm.s32 $0xB;
	s10 =	sor.u32 $0x1C0B, s10;
	s22 =	sshrl.u32 s22, $0x3  }
0xd2: {  	[hbm:s5], [sflag:s10] =	dma.local [spmem:s22], $0x2780  }
0xd3: {  	_ =	swait.ge [sflag:s29], $0x2780  }
0xd4: {  	s0 =	sadd.s32 $0x1, s0;
	s31 =	rddreg [dreg:$0x15]  }
0xd5: {  	p1 =	sne.s32 s0, s31  }
.Ltmp1:
0xd6: {  	_ = 	snop;
	(pc) =	sbr.rel @!p1 .LBB2_11-.Ltmp1, $3  }
0xd7: {  	_ =	sdelay $0x1  }
0xd8: {  	[sflag:s29] =	ssyncset.done $0x0  }
0xd9: {  	[sflag:s29] =	ssyncadd.s32 $0xFFFFD880  }
.LBB2_1:
0xda: {  	s5 =	sand.u32 $0x7E00, s4  }
0xdb: {  	s10 =	sand.u32 $0x70, s4;
	s22 =	sshrl.u32 s5, $0x2  }
0xdc: {  	s5 =	simm.s32 $0x40;
	s22 =	sor.u32 s10, s22;
	s10 =	simm.s32 $0x0  }
.LBB2_2:
0xdd: {  	p1 =	sne.s32 s5, $0x6FC0  }
0xde: {  	[tilespmem:s22+$0x1800] =	vst v0;
	s10 =	sadd.s32 $0x10, s10;
	s22 =	smov.u32 s5;
	s5 =	sadd.s32 $0x40, s5  }
.Ltmp2:
0xdf: {  	(pc) =	sbr.rel @p1 .LBB2_2-.Ltmp2, $4  }
0xe0: {  	_ = 	snop  }
0xe1: {  	s22 =	sand.u32 $0x7E00, s22  }
0xe2: {  	s29 =	sand.u32 $0x70, s10;
	s22 =	sshrl.u32 s22, $0x2  }
0xe3: {  	s22 =	sor.u32 s29, s22  }
0xe4: {  	[dreg:$0x16] =	wrdreg s0  }
0xe5: {  	[tilespmem:s22+$0x1800] =	vst v0;
	s5 =	rddreg [dreg:$0x7];
	s10 =	simm.s32 $0xB  }
0xe6: {  	[spmem:s5] =	stream.linear.scatter [tilespmem:s26], [sflag:$0xB], $0x1C00, $0x38;
	[tilespmem:$0x1FC00] =	vst v63  }
0xe7: {  	_ =	swait.ge [sflag:s10], $0x1C00  }
0xe8: {  	[sflag:s10] =	ssyncset.done $0x0  }
0xe9: {  	s14 =	rddreg [dreg:$0x9];
	[sflag:s10] =	ssyncadd.s32 $0xFFFFE400  }
0xea: {  	[spmem:s14] =	stream.linear.scatter [tilespmem:s26], [sflag:$0xB], $0x1C00, $0x38;
	[tilespmem:$0x1FC00] =	vst v63  }
0xeb: {  	_ =	swait.ge [sflag:s10], $0x1C00  }
0xec: {  	[sflag:s10] =	ssyncset.done $0x0  }
0xed: {  	s16 =	rddreg [dreg:$0xa];
	[sflag:s10] =	ssyncadd.s32 $0xFFFFE400  }
0xee: {  	[spmem:s16] =	stream.linear.scatter [tilespmem:s26], [sflag:$0xB], $0x1C00, $0x38;
	[tilespmem:$0x1FC00] =	vst v63  }
0xef: {  	_ =	swait.ge [sflag:s10], $0x1C00  }
0xf0: {  	[sflag:s10] =	ssyncset.done $0x0  }
0xf1: {  	s22 =	rddreg [dreg:$0xb];
	[sflag:s10] =	ssyncadd.s32 $0xFFFFE400  }
0xf2: {  	[spmem:s22] =	stream.linear.scatter [tilespmem:s26], [sflag:$0xB], $0x1C00, $0x38;
	[tilespmem:$0x1FC00] =	vst v63  }
0xf3: {  	_ =	swait.ge [sflag:s10], $0x1C00  }
0xf4: {  	[sflag:s10] =	ssyncset.done $0x0  }
0xf5: {  	s29 =	rddreg [dreg:$0xc];
	[sflag:s10] =	ssyncadd.s32 $0xFFFFE400  }
0xf6: {  	[spmem:s29] =	stream.linear.scatter [tilespmem:s26], [sflag:$0xB], $0x1C00, $0x38;
	[tilespmem:$0x1FC00] =	vst v63  }
0xf7: {  	_ =	swait.ge [sflag:s10], $0x1C00  }
0xf8: {  	[sflag:s10] =	ssyncset.done $0x0  }
0xf9: {  	s31 =	rddreg [dreg:$0xd];
	[sflag:s10] =	ssyncadd.s32 $0xFFFFE400  }
0xfa: {  	[spmem:s31] =	stream.linear.scatter [tilespmem:s26], [sflag:$0xB], $0x1C00, $0x38;
	[tilespmem:$0x1FC00] =	vst v63  }
0xfb: {  	_ =	swait.ge [sflag:s10], $0x1C00  }
0xfc: {  	[sflag:s10] =	ssyncset.done $0x0  }
0xfd: {  	s0 =	rddreg [dreg:$0xe];
	[sflag:s10] =	ssyncadd.s32 $0xFFFFE400  }
0xfe: {  	[spmem:s0] =	stream.linear.scatter [tilespmem:s26], [sflag:$0xB], $0x1C00, $0x38;
	[tilespmem:$0x1FC00] =	vst v63  }
0xff: {  	_ =	swait.ge [sflag:s10], $0x1C00  }
0x100: {  	[sflag:s10] =	ssyncset.done $0x0  }
0x101: {  	s14 =	rddreg [dreg:$0xf];
	[sflag:s10] =	ssyncadd.s32 $0xFFFFE400  }
0x102: {  	[spmem:s14] =	stream.linear.scatter [tilespmem:s26], [sflag:$0xB], $0x1C00, $0x38;
	[tilespmem:$0x1FC00] =	vst v63  }
0x103: {  	_ =	swait.ge [sflag:s10], $0x1C00  }
0x104: {  	[sflag:s10] =	ssyncset.done $0x0  }
0x105: {  	s16 =	rddreg [dreg:$0x10];
	[sflag:s10] =	ssyncadd.s32 $0xFFFFE400  }
0x106: {  	[spmem:s16] =	stream.linear.scatter [tilespmem:s26], [sflag:$0xB], $0x1C00, $0x38;
	[tilespmem:$0x1FC00] =	vst v63  }
0x107: {  	_ =	swait.ge [sflag:s10], $0x1C00  }
0x108: {  	[sflag:s10] =	ssyncset.done $0x0  }
0x109: {  	s22 =	rddreg [dreg:$0x11];
	[sflag:s10] =	ssyncadd.s32 $0xFFFFE400  }
0x10a: {  	[spmem:s22] =	stream.linear.scatter [tilespmem:s26], [sflag:$0xB], $0x1C00, $0x38;
	[tilespmem:$0x1FC00] =	vst v63  }
0x10b: {  	_ =	swait.ge [sflag:s10], $0x1C00  }
0x10c: {  	[sflag:s10] =	ssyncset.done $0x0  }
0x10d: {  	s29 =	rddreg [dreg:$0x12];
	[sflag:s10] =	ssyncadd.s32 $0xFFFFE400  }
0x10e: {  	[spmem:s29] =	stream.linear.scatter [tilespmem:s26], [sflag:$0xB], $0x1C00, $0x38;
	[tilespmem:$0x1FC00] =	vst v63  }
0x10f: {  	_ =	swait.ge [sflag:s10], $0x1C00  }
0x110: {  	[sflag:s10] =	ssyncset.done $0x0  }
0x111: {  	s31 =	rddreg [dreg:$0x13];
	[sflag:s10] =	ssyncadd.s32 $0xFFFFE400  }
0x112: {  	[spmem:s31] =	stream.linear.scatter [tilespmem:s26], [sflag:$0xB], $0x800, $0x38;
	[tilespmem:$0x1FC00] =	vst v63  }
.Ltmp3:
0x113: {  	_ =	swait.ge [sflag:s10], $0x800;
	(pc) =	sbr.rel @p0 .LBB2_7-.Ltmp3, $4  }
0x114: {  	[sflag:s10] =	ssyncset.done $0x0  }
0x115: {  	[sflag:s10] =	ssyncadd.s32 $0xFFFFF800  }
0x116: {  	[bflag:$0x0] =	sbarrier.arrive $0xFFFF  }
0x117: {  	s5 =	simm.s32 $0x6;
	s10 =	simm.s32 $0xE  }
0x118: {  	s22 =	rddreg [dreg:$0x4]  }
0x119: {  	s29 =	rddreg [dreg:$0x5];
	s5 =	sadd.s32 s22, s25  }
0x11a: {  	[tilespmem:s4], [sflag:$0x1] =	stream.linear.gather [hbm4b:s5+s4], $0x300, $0x38;
	[tilespmem:$0x1FC00] =	vst v63  }
0x11b: {  	s0 =	simm.s32 $0x400;
	s14 =	sadd.s32 s29, s25  }
0x11c: {  	[tilespmem:s0], [sflag:$0x1] =	stream.linear.gather [hbm4b:s14+s4], $0x300, $0x38;
	[tilespmem:$0x1FC00] =	vst v63  }
0x11d: {  	_ =	swait.ge [sflag:s30], $0x300  }
0x11e: {  	[sflag:s30] =	ssyncset.done $0x0  }
0x11f: {  	[sflag:s30] =	ssyncadd.s32 $0xFFFFFD00  }
0x120: {  	_ =	swait.ge [sflag:s30], $0x300  }
0x121: {  	[sflag:s30] =	ssyncset.done $0x0  }
0x122: {  	s31 =	simm.s32 $0x800;
	s16 =	sadd.s32 s22, s24;
	[sflag:s30] =	ssyncadd.s32 $0xFFFFFD00  }
0x123: {  	[tilespmem:s31], [sflag:$0x2] =	stream.linear.gather [hbm4b:s16+s4], $0x300, $0x38;
	[tilespmem:$0x1FC00] =	vst v63  }
0x124: {  	s14 =	sadd.s32 s29, s24;
	s16 =	simm.s32 $0xC00  }
0x125: {  	[tilespmem:s16], [sflag:$0x2] =	stream.linear.gather [hbm4b:s14+s4], $0x300, $0x38;
	[tilespmem:$0x1FC00] =	vst v63  }
0x126: {  	_ = 	snop  }
0x127: {  	[tilespmem:s26], [sflag:$0x4] =	stream.indirect.gather [hbm4b:s1+s7], $0x80, s4, s7, $0xb8;
	[tilespmem:$0x1FC00] =	vst v63  }
0x128: {  	s14 =	simm.s32 $0x80  }
0x129: {  	[tilespmem:s2], [sflag:$0x5] =	stream.indirect.gather [hbm4b:s1+s7], $0x80, s14, s7, $0xb8;
	[tilespmem:$0x1FC00] =	vst v63  }
0x12a: {  	s14 =	simm.s32 $0x100  }
0x12b: {  	[tilespmem:s11], [sflag:$0x6] =	stream.indirect.gather [hbm4b:s1+s7], $0x80, s14, s7, $0xb8;
	[tilespmem:$0x1FC00] =	vst v63  }
0x12c: {  	s14 =	simm.s32 $0x180  }
0x12d: {  	[tilespmem:s13], [sflag:$0x7] =	stream.indirect.gather [hbm4b:s1+s7], $0x80, s14, s7, $0xb8;
	[tilespmem:$0x1FC00] =	vst v63  }
0x12e: {  	s14 =	simm.s32 $0x200  }
0x12f: {  	[tilespmem:s15], [sflag:$0x8] =	stream.indirect.gather [hbm4b:s1+s7], $0x80, s14, s7, $0xb8;
	[tilespmem:$0x1FC00] =	vst v63  }
0x130: {  	s14 =	simm.s32 $0x280  }
0x131: {  	[tilespmem:s17], [sflag:$0x9] =	stream.indirect.gather [hbm4b:s1+s7], $0x80, s14, s7, $0xb8;
	[tilespmem:$0x1FC00] =	vst v63  }
0x132: {  	_ =	swait.ge [sflag:s18], $0x1C00  }
0x133: {  	[sflag:s18] =	ssyncset.done $0x0  }
0x134: {  	[sflag:s18] =	ssyncadd.s32 $0xFFFFE400  }
0x135: {  	[spmem:s3] =	stream.indirect.scatter.add.f32 [tilespmem:s26], [sflag:$0xA], $0x80, s0, s7, $0xb8;
	[tilespmem:$0x1FC00] =	vst v63  }
0x136: {  	_ =	swait.ge [sflag:s19], $0x1C00  }
0x137: {  	[sflag:s19] =	ssyncset.done $0x0  }
0x138: {  	s5 =	simm.s32 $0x480;
	[sflag:s19] =	ssyncadd.s32 $0xFFFFE400  }
0x139: {  	[spmem:s3] =	stream.indirect.scatter.add.f32 [tilespmem:s2], [sflag:$0xA], $0x80, s5, s7, $0xb8;
	[tilespmem:$0x1FC00] =	vst v63  }
0x13a: {  	_ =	swait.ge [sflag:s21], $0x1C00  }
0x13b: {  	[sflag:s21] =	ssyncset.done $0x0  }
0x13c: {  	s14 =	simm.s32 $0x500;
	[sflag:s21] =	ssyncadd.s32 $0xFFFFE400  }
0x13d: {  	[spmem:s3] =	stream.indirect.scatter.add.f32 [tilespmem:s11], [sflag:$0xA], $0x80, s14, s7, $0xb8;
	[tilespmem:$0x1FC00] =	vst v63  }
0x13e: {  	_ =	swait.ge [sflag:s8], $0x1C00  }
0x13f: {  	[sflag:s8] =	ssyncset.done $0x0  }
0x140: {  	s5 =	simm.s32 $0x580;
	[sflag:s8] =	ssyncadd.s32 $0xFFFFE400  }
0x141: {  	[spmem:s3] =	stream.indirect.scatter.add.f32 [tilespmem:s13], [sflag:$0xA], $0x80, s5, s7, $0xb8;
	[tilespmem:$0x1FC00] =	vst v63  }
0x142: {  	_ =	swait.ge [sflag:s6], $0x1C00  }
0x143: {  	[sflag:s6] =	ssyncset.done $0x0  }
0x144: {  	s14 =	simm.s32 $0x600;
	[sflag:s6] =	ssyncadd.s32 $0xFFFFE400  }
0x145: {  	[spmem:s3] =	stream.indirect.scatter.add.f32 [tilespmem:s15], [sflag:$0xA], $0x80, s14, s7, $0xb8;
	[tilespmem:$0x1FC00] =	vst v63  }
0x146: {  	_ =	swait.ge [sflag:s9], $0x1C00  }
0x147: {  	[sflag:s9] =	ssyncset.done $0x0  }
0x148: {  	s5 =	simm.s32 $0x680;
	[sflag:s9] =	ssyncadd.s32 $0xFFFFE400  }
0x149: {  	[spmem:s3] =	stream.indirect.scatter.add.f32 [tilespmem:s17], [sflag:$0xA], $0x80, s5, s7, $0xb8;
	[tilespmem:$0x1FC00] =	vst v63  }
0x14a: {  	_ =	swait.ge [sflag:s12], $0x300  }
0x14b: {  	[sflag:s12] =	ssyncset.done $0x0  }
0x14c: {  	[sflag:s12] =	ssyncadd.s32 $0xFFFFFD00  }
0x14d: {  	_ =	swait.ge [sflag:s12], $0x300  }
0x14e: {  	[sflag:s12] =	ssyncset.done $0x0  }
0x14f: {  	s0 =	simm.s32 $0x1000;
	s14 =	sadd.s32 s22, s23;
	[sflag:s12] =	ssyncadd.s32 $0xFFFFFD00  }
0x150: {  	[tilespmem:s0], [sflag:$0x3] =	stream.linear.gather [hbm4b:s14+s4], $0x300, $0x38;
	[tilespmem:$0x1FC00] =	vst v63  }
0x151: {  	s5 =	sadd.s32 s29, s23;
	s14 =	simm.s32 $0x1400  }
0x152: {  	[tilespmem:s14], [sflag:$0x3] =	stream.linear.gather [hbm4b:s5+s4], $0x300, $0x38;
	[tilespmem:$0x1FC00] =	vst v63  }
0x153: {  	_ =	swait.ge [sflag:s20], $0x1C00  }
0x154: {  	[sflag:s20] =	ssyncset.done $0x0  }
0x155: {  	[sflag:s20] =	ssyncadd.s32 $0xFFFFE400  }
0x156: {  	[tilespmem:s26], [sflag:$0x4] =	stream.indirect.gather [hbm4b:s1+s7], $0x80, s31, s7, $0xb8;
	[tilespmem:$0x1FC00] =	vst v63  }
0x157: {  	_ =	swait.ge [sflag:s20], $0x1C00  }
0x158: {  	[sflag:s20] =	ssyncset.done $0x0  }
0x159: {  	s31 =	simm.s32 $0x880;
	[sflag:s20] =	ssyncadd.s32 $0xFFFFE400  }
0x15a: {  	[tilespmem:s2], [sflag:$0x5] =	stream.indirect.gather [hbm4b:s1+s7], $0x80, s31, s7, $0xb8;
	[tilespmem:$0x1FC00] =	vst v63  }
0x15b: {  	_ =	swait.ge [sflag:s20], $0x1C00  }
0x15c: {  	[sflag:s20] =	ssyncset.done $0x0  }
0x15d: {  	s31 =	simm.s32 $0x900;
	[sflag:s20] =	ssyncadd.s32 $0xFFFFE400  }
0x15e: {  	[tilespmem:s11], [sflag:$0x6] =	stream.indirect.gather [hbm4b:s1+s7], $0x80, s31, s7, $0xb8;
	[tilespmem:$0x1FC00] =	vst v63  }
0x15f: {  	_ =	swait.ge [sflag:s20], $0x1C00  }
0x160: {  	[sflag:s20] =	ssyncset.done $0x0  }
0x161: {  	s31 =	simm.s32 $0x980;
	[sflag:s20] =	ssyncadd.s32 $0xFFFFE400  }
0x162: {  	[tilespmem:s13], [sflag:$0x7] =	stream.indirect.gather [hbm4b:s1+s7], $0x80, s31, s7, $0xb8;
	[tilespmem:$0x1FC00] =	vst v63  }
0x163: {  	_ =	swait.ge [sflag:s20], $0x1C00  }
0x164: {  	[sflag:s20] =	ssyncset.done $0x0  }
0x165: {  	s31 =	simm.s32 $0xA00;
	[sflag:s20] =	ssyncadd.s32 $0xFFFFE400  }
0x166: {  	[tilespmem:s15], [sflag:$0x8] =	stream.indirect.gather [hbm4b:s1+s7], $0x80, s31, s7, $0xb8;
	[tilespmem:$0x1FC00] =	vst v63  }
0x167: {  	_ =	swait.ge [sflag:s20], $0x1C00  }
0x168: {  	[sflag:s20] =	ssyncset.done $0x0  }
0x169: {  	s31 =	simm.s32 $0xA80;
	[sflag:s20] =	ssyncadd.s32 $0xFFFFE400  }
0x16a: {  	[tilespmem:s17], [sflag:$0x9] =	stream.indirect.gather [hbm4b:s1+s7], $0x80, s31, s7, $0xb8;
	[tilespmem:$0x1FC00] =	vst v63  }
0x16b: {  	_ =	swait.ge [sflag:s18], $0x1C00  }
0x16c: {  	[sflag:s18] =	ssyncset.done $0x0  }
0x16d: {  	[sflag:s18] =	ssyncadd.s32 $0xFFFFE400  }
0x16e: {  	[spmem:s3] =	stream.indirect.scatter.add.f32 [tilespmem:s26], [sflag:$0xA], $0x80, s16, s7, $0xb8;
	[tilespmem:$0x1FC00] =	vst v63  }
0x16f: {  	_ =	swait.ge [sflag:s19], $0x1C00  }
0x170: {  	[sflag:s19] =	ssyncset.done $0x0  }
0x171: {  	s16 =	simm.s32 $0xC80;
	[sflag:s19] =	ssyncadd.s32 $0xFFFFE400  }
0x172: {  	[spmem:s3] =	stream.indirect.scatter.add.f32 [tilespmem:s2], [sflag:$0xA], $0x80, s16, s7, $0xb8;
	[tilespmem:$0x1FC00] =	vst v63  }
0x173: {  	_ =	swait.ge [sflag:s21], $0x1C00  }
0x174: {  	[sflag:s21] =	ssyncset.done $0x0  }
0x175: {  	s31 =	simm.s32 $0xD00;
	[sflag:s21] =	ssyncadd.s32 $0xFFFFE400  }
0x176: {  	[spmem:s3] =	stream.indirect.scatter.add.f32 [tilespmem:s11], [sflag:$0xA], $0x80, s31, s7, $0xb8;
	[tilespmem:$0x1FC00] =	vst v63  }
0x177: {  	_ =	swait.ge [sflag:s8], $0x1C00  }
0x178: {  	[sflag:s8] =	ssyncset.done $0x0  }
0x179: {  	s16 =	simm.s32 $0xD80;
	[sflag:s8] =	ssyncadd.s32 $0xFFFFE400  }
0x17a: {  	[spmem:s3] =	stream.indirect.scatter.add.f32 [tilespmem:s13], [sflag:$0xA], $0x80, s16, s7, $0xb8;
	[tilespmem:$0x1FC00] =	vst v63  }
0x17b: {  	_ =	swait.ge [sflag:s6], $0x1C00  }
0x17c: {  	[sflag:s6] =	ssyncset.done $0x0  }
0x17d: {  	s31 =	simm.s32 $0xE00;
	[sflag:s6] =	ssyncadd.s32 $0xFFFFE400  }
0x17e: {  	[spmem:s3] =	stream.indirect.scatter.add.f32 [tilespmem:s15], [sflag:$0xA], $0x80, s31, s7, $0xb8;
	[tilespmem:$0x1FC00] =	vst v63  }
0x17f: {  	_ =	swait.ge [sflag:s9], $0x1C00  }
0x180: {  	[sflag:s9] =	ssyncset.done $0x0  }
0x181: {  	s16 =	simm.s32 $0xE80;
	[sflag:s9] =	ssyncadd.s32 $0xFFFFE400  }
0x182: {  	[spmem:s3] =	stream.indirect.scatter.add.f32 [tilespmem:s17], [sflag:$0xA], $0x80, s16, s7, $0xb8;
	[tilespmem:$0x1FC00] =	vst v63  }
0x183: {  	_ =	swait.ge [sflag:s28], $0x300  }
0x184: {  	[sflag:s28] =	ssyncset.done $0x0  }
0x185: {  	[sflag:s28] =	ssyncadd.s32 $0xFFFFFD00  }
0x186: {  	_ =	swait.ge [sflag:s28], $0x300  }
0x187: {  	[sflag:s28] =	ssyncset.done $0x0  }
0x188: {  	[sflag:s28] =	ssyncadd.s32 $0xFFFFFD00  }
0x189: {  	_ =	swait.ge [sflag:s20], $0x1C00  }
0x18a: {  	[sflag:s20] =	ssyncset.done $0x0  }
0x18b: {  	[sflag:s20] =	ssyncadd.s32 $0xFFFFE400  }
0x18c: {  	[tilespmem:s26], [sflag:$0x4] =	stream.indirect.gather [hbm4b:s1+s7], $0x80, s0, s7, $0xb8;
	[tilespmem:$0x1FC00] =	vst v63  }
0x18d: {  	_ =	swait.ge [sflag:s20], $0x1C00  }
0x18e: {  	[sflag:s20] =	ssyncset.done $0x0  }
0x18f: {  	s31 =	simm.s32 $0x1080;
	[sflag:s20] =	ssyncadd.s32 $0xFFFFE400  }
0x190: {  	[tilespmem:s2], [sflag:$0x5] =	stream.indirect.gather [hbm4b:s1+s7], $0x80, s31, s7, $0xb8;
	[tilespmem:$0x1FC00] =	vst v63  }
0x191: {  	_ =	swait.ge [sflag:s20], $0x1C00  }
0x192: {  	[sflag:s20] =	ssyncset.done $0x0  }
0x193: {  	s5 =	simm.s32 $0x1100;
	[sflag:s20] =	ssyncadd.s32 $0xFFFFE400  }
0x194: {  	[tilespmem:s11], [sflag:$0x6] =	stream.indirect.gather [hbm4b:s1+s7], $0x80, s5, s7, $0xb8;
	[tilespmem:$0x1FC00] =	vst v63  }
0x195: {  	_ =	swait.ge [sflag:s20], $0x1C00  }
0x196: {  	[sflag:s20] =	ssyncset.done $0x0  }
0x197: {  	s16 =	simm.s32 $0x1180;
	[sflag:s20] =	ssyncadd.s32 $0xFFFFE400  }
0x198: {  	[tilespmem:s13], [sflag:$0x7] =	stream.indirect.gather [hbm4b:s1+s7], $0x80, s16, s7, $0xb8;
	[tilespmem:$0x1FC00] =	vst v63  }
0x199: {  	_ =	swait.ge [sflag:s20], $0x1C00  }
0x19a: {  	[sflag:s20] =	ssyncset.done $0x0  }
0x19b: {  	s31 =	simm.s32 $0x1200;
	[sflag:s20] =	ssyncadd.s32 $0xFFFFE400  }
0x19c: {  	[tilespmem:s15], [sflag:$0x8] =	stream.indirect.gather [hbm4b:s1+s7], $0x80, s31, s7, $0xb8;
	[tilespmem:$0x1FC00] =	vst v63  }
0x19d: {  	_ =	swait.ge [sflag:s20], $0x1C00  }
0x19e: {  	[sflag:s20] =	ssyncset.done $0x0  }
0x19f: {  	s5 =	simm.s32 $0x1280;
	[sflag:s20] =	ssyncadd.s32 $0xFFFFE400  }
0x1a0: {  	[tilespmem:s17], [sflag:$0x9] =	stream.indirect.gather [hbm4b:s1+s7], $0x80, s5, s7, $0xb8;
	[tilespmem:$0x1FC00] =	vst v63  }
0x1a1: {  	_ =	swait.ge [sflag:s18], $0x1C00  }
0x1a2: {  	[sflag:s18] =	ssyncset.done $0x0  }
0x1a3: {  	[sflag:s18] =	ssyncadd.s32 $0xFFFFE400  }
0x1a4: {  	[spmem:s3] =	stream.indirect.scatter.add.f32 [tilespmem:s26], [sflag:$0xA], $0x80, s14, s7, $0xb8;
	[tilespmem:$0x1FC00] =	vst v63  }
0x1a5: {  	_ =	swait.ge [sflag:s19], $0x1C00  }
0x1a6: {  	[sflag:s19] =	ssyncset.done $0x0  }
0x1a7: {  	s16 =	simm.s32 $0x1480;
	[sflag:s19] =	ssyncadd.s32 $0xFFFFE400  }
0x1a8: {  	[spmem:s3] =	stream.indirect.scatter.add.f32 [tilespmem:s2], [sflag:$0xA], $0x80, s16, s7, $0xb8;
	[tilespmem:$0x1FC00] =	vst v63  }
0x1a9: {  	_ =	swait.ge [sflag:s21], $0x1C00  }
0x1aa: {  	[sflag:s21] =	ssyncset.done $0x0  }
0x1ab: {  	s31 =	simm.s32 $0x1500;
	[sflag:s21] =	ssyncadd.s32 $0xFFFFE400  }
0x1ac: {  	[spmem:s3] =	stream.indirect.scatter.add.f32 [tilespmem:s11], [sflag:$0xA], $0x80, s31, s7, $0xb8;
	[tilespmem:$0x1FC00] =	vst v63  }
0x1ad: {  	_ =	swait.ge [sflag:s8], $0x1C00  }
0x1ae: {  	[sflag:s8] =	ssyncset.done $0x0  }
0x1af: {  	s5 =	simm.s32 $0x1580;
	[sflag:s8] =	ssyncadd.s32 $0xFFFFE400  }
0x1b0: {  	[spmem:s3] =	stream.indirect.scatter.add.f32 [tilespmem:s13], [sflag:$0xA], $0x80, s5, s7, $0xb8;
	[tilespmem:$0x1FC00] =	vst v63  }
0x1b1: {  	_ =	swait.ge [sflag:s6], $0x1C00  }
0x1b2: {  	[sflag:s6] =	ssyncset.done $0x0  }
0x1b3: {  	s14 =	simm.s32 $0x1600;
	[sflag:s6] =	ssyncadd.s32 $0xFFFFE400  }
0x1b4: {  	[spmem:s3] =	stream.indirect.scatter.add.f32 [tilespmem:s15], [sflag:$0xA], $0x80, s14, s7, $0xb8;
	[tilespmem:$0x1FC00] =	vst v63  }
0x1b5: {  	_ =	swait.ge [sflag:s9], $0x1C00  }
0x1b6: {  	[sflag:s9] =	ssyncset.done $0x0  }
0x1b7: {  	s16 =	simm.s32 $0x1680;
	[sflag:s9] =	ssyncadd.s32 $0xFFFFE400  }
0x1b8: {  	[spmem:s3] =	stream.indirect.scatter.add.f32 [tilespmem:s17], [sflag:$0xA], $0x80, s16, s7, $0xb8;
	[tilespmem:$0x1FC00] =	vst v63  }
0x1b9: {  	_ =	swait.ge [sflag:s20], $0x1C00  }
0x1ba: {  	[sflag:s20] =	ssyncset.done $0x0  }
0x1bb: {  	[sflag:s20] =	ssyncadd.s32 $0xFFFFE400  }
0x1bc: {  	_ =	swait.ge [sflag:s20], $0x1C00  }
0x1bd: {  	[sflag:s20] =	ssyncset.done $0x0  }
0x1be: {  	[sflag:s20] =	ssyncadd.s32 $0xFFFFE400  }
0x1bf: {  	_ =	swait.ge [sflag:s20], $0x1C00  }
0x1c0: {  	[sflag:s20] =	ssyncset.done $0x0  }
0x1c1: {  	[sflag:s20] =	ssyncadd.s32 $0xFFFFE400  }
0x1c2: {  	_ =	swait.ge [sflag:s20], $0x1C00  }
0x1c3: {  	[sflag:s20] =	ssyncset.done $0x0  }
0x1c4: {  	[sflag:s20] =	ssyncadd.s32 $0xFFFFE400  }
0x1c5: {  	_ =	swait.ge [sflag:s20], $0x1C00  }
0x1c6: {  	[sflag:s20] =	ssyncset.done $0x0  }
0x1c7: {  	[sflag:s20] =	ssyncadd.s32 $0xFFFFE400  }
0x1c8: {  	s22 =	sadd.s32 $0x180, s22;
	s31 =	sadd.s32 $0xFFFFFFFF, s10;
	_ =	swait.ge [sflag:s20], $0x1C00  }
0x1c9: {  	s10 =	sadd.s32 $0xFFFFFFFF, s31;
	s5 =	smov.u32 s29;
	[sflag:s20] =	ssyncset.done $0x0  }
.LBB2_5:
0x1ca: {  	s29 =	sadd.s32 s22, s25  }
0x1cb: {  	[sflag:s20] =	ssyncadd.s32 $0xFFFFE400;
	s5 =	sadd.s32 $0x180, s5;
	p1 =	seq.s32 s10, $0x1  }
0x1cc: {  	[tilespmem:s4], [sflag:$0x1] =	stream.linear.gather [hbm4b:s29+s4], $0x300, $0x38;
	[tilespmem:$0x1FC00] =	vst v63  }
0x1cd: {  	s10 =	sadd.s32 $0xFFFFFFFF, s10;
	s0 =	simm.s32 $0x400;
	s29 =	sadd.s32 s5, s25  }
0x1ce: {  	[tilespmem:s0], [sflag:$0x1] =	stream.linear.gather [hbm4b:s29+s4], $0x300, $0x38;
	[tilespmem:$0x1FC00] =	vst v63  }
0x1cf: {  	_ =	swait.ge [sflag:s30], $0x300  }
0x1d0: {  	[sflag:s30] =	ssyncset.done $0x0  }
0x1d1: {  	[sflag:s30] =	ssyncadd.s32 $0xFFFFFD00  }
0x1d2: {  	_ =	swait.ge [sflag:s30], $0x300  }
0x1d3: {  	[sflag:s30] =	ssyncset.done $0x0  }
0x1d4: {  	s31 =	simm.s32 $0x800;
	s29 =	sadd.s32 s22, s24;
	[sflag:s30] =	ssyncadd.s32 $0xFFFFFD00  }
0x1d5: {  	[tilespmem:s31], [sflag:$0x2] =	stream.linear.gather [hbm4b:s29+s4], $0x300, $0x38;
	[tilespmem:$0x1FC00] =	vst v63  }
0x1d6: {  	s16 =	simm.s32 $0xC00;
	s29 =	sadd.s32 s5, s24  }
0x1d7: {  	[tilespmem:s16], [sflag:$0x2] =	stream.linear.gather [hbm4b:s29+s4], $0x300, $0x38;
	[tilespmem:$0x1FC00] =	vst v63  }
0x1d8: {  	_ = 	snop  }
0x1d9: {  	[tilespmem:s26], [sflag:$0x4] =	stream.indirect.gather [hbm4b:s1+s7], $0x80, s4, s7, $0xb8;
	[tilespmem:$0x1FC00] =	vst v63  }
0x1da: {  	s14 =	simm.s32 $0x80  }
0x1db: {  	[tilespmem:s2], [sflag:$0x5] =	stream.indirect.gather [hbm4b:s1+s7], $0x80, s14, s7, $0xb8;
	[tilespmem:$0x1FC00] =	vst v63  }
0x1dc: {  	s14 =	simm.s32 $0x100  }
0x1dd: {  	[tilespmem:s11], [sflag:$0x6] =	stream.indirect.gather [hbm4b:s1+s7], $0x80, s14, s7, $0xb8;
	[tilespmem:$0x1FC00] =	vst v63  }
0x1de: {  	s14 =	simm.s32 $0x180  }
0x1df: {  	[tilespmem:s13], [sflag:$0x7] =	stream.indirect.gather [hbm4b:s1+s7], $0x80, s14, s7, $0xb8;
	[tilespmem:$0x1FC00] =	vst v63  }
0x1e0: {  	s14 =	simm.s32 $0x200  }
0x1e1: {  	[tilespmem:s15], [sflag:$0x8] =	stream.indirect.gather [hbm4b:s1+s7], $0x80, s14, s7, $0xb8;
	[tilespmem:$0x1FC00] =	vst v63  }
0x1e2: {  	s14 =	simm.s32 $0x280  }
0x1e3: {  	[tilespmem:s17], [sflag:$0x9] =	stream.indirect.gather [hbm4b:s1+s7], $0x80, s14, s7, $0xb8;
	[tilespmem:$0x1FC00] =	vst v63  }
0x1e4: {  	_ =	swait.ge [sflag:s18], $0x1C00  }
0x1e5: {  	[sflag:s18] =	ssyncset.done $0x0  }
0x1e6: {  	[sflag:s18] =	ssyncadd.s32 $0xFFFFE400  }
0x1e7: {  	[spmem:s3] =	stream.indirect.scatter.add.f32 [tilespmem:s26], [sflag:$0xA], $0x80, s0, s7, $0xb8;
	[tilespmem:$0x1FC00] =	vst v63  }
0x1e8: {  	_ =	swait.ge [sflag:s19], $0x1C00  }
0x1e9: {  	[sflag:s19] =	ssyncset.done $0x0  }
0x1ea: {  	s0 =	simm.s32 $0x480;
	[sflag:s19] =	ssyncadd.s32 $0xFFFFE400  }
0x1eb: {  	[spmem:s3] =	stream.indirect.scatter.add.f32 [tilespmem:s2], [sflag:$0xA], $0x80, s0, s7, $0xb8;
	[tilespmem:$0x1FC00] =	vst v63  }
0x1ec: {  	_ =	swait.ge [sflag:s21], $0x1C00  }
0x1ed: {  	[sflag:s21] =	ssyncset.done $0x0  }
0x1ee: {  	s0 =	simm.s32 $0x500;
	[sflag:s21] =	ssyncadd.s32 $0xFFFFE400  }
0x1ef: {  	[spmem:s3] =	stream.indirect.scatter.add.f32 [tilespmem:s11], [sflag:$0xA], $0x80, s0, s7, $0xb8;
	[tilespmem:$0x1FC00] =	vst v63  }
0x1f0: {  	_ =	swait.ge [sflag:s8], $0x1C00  }
0x1f1: {  	[sflag:s8] =	ssyncset.done $0x0  }
0x1f2: {  	s0 =	simm.s32 $0x580;
	[sflag:s8] =	ssyncadd.s32 $0xFFFFE400  }
0x1f3: {  	[spmem:s3] =	stream.indirect.scatter.add.f32 [tilespmem:s13], [sflag:$0xA], $0x80, s0, s7, $0xb8;
	[tilespmem:$0x1FC00] =	vst v63  }
0x1f4: {  	_ =	swait.ge [sflag:s6], $0x1C00  }
0x1f5: {  	[sflag:s6] =	ssyncset.done $0x0  }
0x1f6: {  	s0 =	simm.s32 $0x600;
	[sflag:s6] =	ssyncadd.s32 $0xFFFFE400  }
0x1f7: {  	[spmem:s3] =	stream.indirect.scatter.add.f32 [tilespmem:s15], [sflag:$0xA], $0x80, s0, s7, $0xb8;
	[tilespmem:$0x1FC00] =	vst v63  }
0x1f8: {  	_ =	swait.ge [sflag:s9], $0x1C00  }
0x1f9: {  	[sflag:s9] =	ssyncset.done $0x0  }
0x1fa: {  	s0 =	simm.s32 $0x680;
	[sflag:s9] =	ssyncadd.s32 $0xFFFFE400  }
0x1fb: {  	[spmem:s3] =	stream.indirect.scatter.add.f32 [tilespmem:s17], [sflag:$0xA], $0x80, s0, s7, $0xb8;
	[tilespmem:$0x1FC00] =	vst v63  }
0x1fc: {  	_ =	swait.ge [sflag:s12], $0x300  }
0x1fd: {  	[sflag:s12] =	ssyncset.done $0x0  }
0x1fe: {  	[sflag:s12] =	ssyncadd.s32 $0xFFFFFD00  }
0x1ff: {  	_ =	swait.ge [sflag:s12], $0x300  }
0x200: {  	[sflag:s12] =	ssyncset.done $0x0  }
0x201: {  	s29 =	sadd.s32 s22, s23;
	s0 =	simm.s32 $0x1000;
	[sflag:s12] =	ssyncadd.s32 $0xFFFFFD00  }
0x202: {  	[tilespmem:s0], [sflag:$0x3] =	stream.linear.gather [hbm4b:s29+s4], $0x300, $0x38;
	[tilespmem:$0x1FC00] =	vst v63  }
0x203: {  	s14 =	simm.s32 $0x1400;
	s29 =	sadd.s32 s5, s23  }
0x204: {  	[tilespmem:s14], [sflag:$0x3] =	stream.linear.gather [hbm4b:s29+s4], $0x300, $0x38;
	[tilespmem:$0x1FC00] =	vst v63  }
0x205: {  	_ =	swait.ge [sflag:s20], $0x1C00  }
0x206: {  	[sflag:s20] =	ssyncset.done $0x0  }
0x207: {  	[sflag:s20] =	ssyncadd.s32 $0xFFFFE400  }
0x208: {  	[tilespmem:s26], [sflag:$0x4] =	stream.indirect.gather [hbm4b:s1+s7], $0x80, s31, s7, $0xb8;
	[tilespmem:$0x1FC00] =	vst v63  }
0x209: {  	_ =	swait.ge [sflag:s20], $0x1C00  }
0x20a: {  	[sflag:s20] =	ssyncset.done $0x0  }
0x20b: {  	s29 =	simm.s32 $0x880;
	[sflag:s20] =	ssyncadd.s32 $0xFFFFE400  }
0x20c: {  	[tilespmem:s2], [sflag:$0x5] =	stream.indirect.gather [hbm4b:s1+s7], $0x80, s29, s7, $0xb8;
	[tilespmem:$0x1FC00] =	vst v63  }
0x20d: {  	_ =	swait.ge [sflag:s20], $0x1C00  }
0x20e: {  	[sflag:s20] =	ssyncset.done $0x0  }
0x20f: {  	s29 =	simm.s32 $0x900;
	[sflag:s20] =	ssyncadd.s32 $0xFFFFE400  }
0x210: {  	[tilespmem:s11], [sflag:$0x6] =	stream.indirect.gather [hbm4b:s1+s7], $0x80, s29, s7, $0xb8;
	[tilespmem:$0x1FC00] =	vst v63  }
0x211: {  	_ =	swait.ge [sflag:s20], $0x1C00  }
0x212: {  	[sflag:s20] =	ssyncset.done $0x0  }
0x213: {  	s29 =	simm.s32 $0x980;
	[sflag:s20] =	ssyncadd.s32 $0xFFFFE400  }
0x214: {  	[tilespmem:s13], [sflag:$0x7] =	stream.indirect.gather [hbm4b:s1+s7], $0x80, s29, s7, $0xb8;
	[tilespmem:$0x1FC00] =	vst v63  }
0x215: {  	_ =	swait.ge [sflag:s20], $0x1C00  }
0x216: {  	[sflag:s20] =	ssyncset.done $0x0  }
0x217: {  	s29 =	simm.s32 $0xA00;
	[sflag:s20] =	ssyncadd.s32 $0xFFFFE400  }
0x218: {  	[tilespmem:s15], [sflag:$0x8] =	stream.indirect.gather [hbm4b:s1+s7], $0x80, s29, s7, $0xb8;
	[tilespmem:$0x1FC00] =	vst v63  }
0x219: {  	_ =	swait.ge [sflag:s20], $0x1C00  }
0x21a: {  	[sflag:s20] =	ssyncset.done $0x0  }
0x21b: {  	s29 =	simm.s32 $0xA80;
	[sflag:s20] =	ssyncadd.s32 $0xFFFFE400  }
0x21c: {  	[tilespmem:s17], [sflag:$0x9] =	stream.indirect.gather [hbm4b:s1+s7], $0x80, s29, s7, $0xb8;
	[tilespmem:$0x1FC00] =	vst v63  }
0x21d: {  	_ =	swait.ge [sflag:s18], $0x1C00  }
0x21e: {  	[sflag:s18] =	ssyncset.done $0x0  }
0x21f: {  	[sflag:s18] =	ssyncadd.s32 $0xFFFFE400  }
0x220: {  	[spmem:s3] =	stream.indirect.scatter.add.f32 [tilespmem:s26], [sflag:$0xA], $0x80, s16, s7, $0xb8;
	[tilespmem:$0x1FC00] =	vst v63  }
0x221: {  	_ =	swait.ge [sflag:s19], $0x1C00  }
0x222: {  	[sflag:s19] =	ssyncset.done $0x0  }
0x223: {  	s16 =	simm.s32 $0xC80;
	[sflag:s19] =	ssyncadd.s32 $0xFFFFE400  }
0x224: {  	[spmem:s3] =	stream.indirect.scatter.add.f32 [tilespmem:s2], [sflag:$0xA], $0x80, s16, s7, $0xb8;
	[tilespmem:$0x1FC00] =	vst v63  }
0x225: {  	_ =	swait.ge [sflag:s21], $0x1C00  }
0x226: {  	[sflag:s21] =	ssyncset.done $0x0  }
0x227: {  	s16 =	simm.s32 $0xD00;
	[sflag:s21] =	ssyncadd.s32 $0xFFFFE400  }
0x228: {  	[spmem:s3] =	stream.indirect.scatter.add.f32 [tilespmem:s11], [sflag:$0xA], $0x80, s16, s7, $0xb8;
	[tilespmem:$0x1FC00] =	vst v63  }
0x229: {  	_ =	swait.ge [sflag:s8], $0x1C00  }
0x22a: {  	[sflag:s8] =	ssyncset.done $0x0  }
0x22b: {  	s16 =	simm.s32 $0xD80;
	[sflag:s8] =	ssyncadd.s32 $0xFFFFE400  }
0x22c: {  	[spmem:s3] =	stream.indirect.scatter.add.f32 [tilespmem:s13], [sflag:$0xA], $0x80, s16, s7, $0xb8;
	[tilespmem:$0x1FC00] =	vst v63  }
0x22d: {  	_ =	swait.ge [sflag:s6], $0x1C00  }
0x22e: {  	[sflag:s6] =	ssyncset.done $0x0  }
0x22f: {  	s16 =	simm.s32 $0xE00;
	[sflag:s6] =	ssyncadd.s32 $0xFFFFE400  }
0x230: {  	[spmem:s3] =	stream.indirect.scatter.add.f32 [tilespmem:s15], [sflag:$0xA], $0x80, s16, s7, $0xb8;
	[tilespmem:$0x1FC00] =	vst v63  }
0x231: {  	_ =	swait.ge [sflag:s9], $0x1C00  }
0x232: {  	[sflag:s9] =	ssyncset.done $0x0  }
0x233: {  	s16 =	simm.s32 $0xE80;
	[sflag:s9] =	ssyncadd.s32 $0xFFFFE400  }
0x234: {  	[spmem:s3] =	stream.indirect.scatter.add.f32 [tilespmem:s17], [sflag:$0xA], $0x80, s16, s7, $0xb8;
	[tilespmem:$0x1FC00] =	vst v63  }
0x235: {  	_ =	swait.ge [sflag:s28], $0x300  }
0x236: {  	[sflag:s28] =	ssyncset.done $0x0  }
0x237: {  	[sflag:s28] =	ssyncadd.s32 $0xFFFFFD00  }
0x238: {  	_ =	swait.ge [sflag:s28], $0x300  }
0x239: {  	[sflag:s28] =	ssyncset.done $0x0  }
0x23a: {  	[sflag:s28] =	ssyncadd.s32 $0xFFFFFD00  }
0x23b: {  	_ =	swait.ge [sflag:s20], $0x1C00  }
0x23c: {  	[sflag:s20] =	ssyncset.done $0x0  }
0x23d: {  	[sflag:s20] =	ssyncadd.s32 $0xFFFFE400  }
0x23e: {  	[tilespmem:s26], [sflag:$0x4] =	stream.indirect.gather [hbm4b:s1+s7], $0x80, s0, s7, $0xb8;
	[tilespmem:$0x1FC00] =	vst v63  }
0x23f: {  	_ =	swait.ge [sflag:s20], $0x1C00  }
0x240: {  	[sflag:s20] =	ssyncset.done $0x0  }
0x241: {  	s0 =	simm.s32 $0x1080;
	[sflag:s20] =	ssyncadd.s32 $0xFFFFE400  }
0x242: {  	[tilespmem:s2], [sflag:$0x5] =	stream.indirect.gather [hbm4b:s1+s7], $0x80, s0, s7, $0xb8;
	[tilespmem:$0x1FC00] =	vst v63  }
0x243: {  	_ =	swait.ge [sflag:s20], $0x1C00  }
0x244: {  	[sflag:s20] =	ssyncset.done $0x0  }
0x245: {  	s0 =	simm.s32 $0x1100;
	[sflag:s20] =	ssyncadd.s32 $0xFFFFE400  }
0x246: {  	[tilespmem:s11], [sflag:$0x6] =	stream.indirect.gather [hbm4b:s1+s7], $0x80, s0, s7, $0xb8;
	[tilespmem:$0x1FC00] =	vst v63  }
0x247: {  	_ =	swait.ge [sflag:s20], $0x1C00  }
0x248: {  	[sflag:s20] =	ssyncset.done $0x0  }
0x249: {  	s0 =	simm.s32 $0x1180;
	[sflag:s20] =	ssyncadd.s32 $0xFFFFE400  }
0x24a: {  	[tilespmem:s13], [sflag:$0x7] =	stream.indirect.gather [hbm4b:s1+s7], $0x80, s0, s7, $0xb8;
	[tilespmem:$0x1FC00] =	vst v63  }
0x24b: {  	_ =	swait.ge [sflag:s20], $0x1C00  }
0x24c: {  	[sflag:s20] =	ssyncset.done $0x0  }
0x24d: {  	s0 =	simm.s32 $0x1200;
	[sflag:s20] =	ssyncadd.s32 $0xFFFFE400  }
0x24e: {  	[tilespmem:s15], [sflag:$0x8] =	stream.indirect.gather [hbm4b:s1+s7], $0x80, s0, s7, $0xb8;
	[tilespmem:$0x1FC00] =	vst v63  }
0x24f: {  	_ =	swait.ge [sflag:s20], $0x1C00  }
0x250: {  	[sflag:s20] =	ssyncset.done $0x0  }
0x251: {  	s0 =	simm.s32 $0x1280;
	[sflag:s20] =	ssyncadd.s32 $0xFFFFE400  }
0x252: {  	[tilespmem:s17], [sflag:$0x9] =	stream.indirect.gather [hbm4b:s1+s7], $0x80, s0, s7, $0xb8;
	[tilespmem:$0x1FC00] =	vst v63  }
0x253: {  	_ =	swait.ge [sflag:s18], $0x1C00  }
0x254: {  	[sflag:s18] =	ssyncset.done $0x0  }
0x255: {  	[sflag:s18] =	ssyncadd.s32 $0xFFFFE400  }
0x256: {  	[spmem:s3] =	stream.indirect.scatter.add.f32 [tilespmem:s26], [sflag:$0xA], $0x80, s14, s7, $0xb8;
	[tilespmem:$0x1FC00] =	vst v63  }
0x257: {  	_ =	swait.ge [sflag:s19], $0x1C00  }
0x258: {  	[sflag:s19] =	ssyncset.done $0x0  }
0x259: {  	s0 =	simm.s32 $0x1480;
	[sflag:s19] =	ssyncadd.s32 $0xFFFFE400  }
0x25a: {  	[spmem:s3] =	stream.indirect.scatter.add.f32 [tilespmem:s2], [sflag:$0xA], $0x80, s0, s7, $0xb8;
	[tilespmem:$0x1FC00] =	vst v63  }
0x25b: {  	_ =	swait.ge [sflag:s21], $0x1C00  }
0x25c: {  	[sflag:s21] =	ssyncset.done $0x0  }
0x25d: {  	s0 =	simm.s32 $0x1500;
	[sflag:s21] =	ssyncadd.s32 $0xFFFFE400  }
0x25e: {  	[spmem:s3] =	stream.indirect.scatter.add.f32 [tilespmem:s11], [sflag:$0xA], $0x80, s0, s7, $0xb8;
	[tilespmem:$0x1FC00] =	vst v63  }
0x25f: {  	_ =	swait.ge [sflag:s8], $0x1C00  }
0x260: {  	[sflag:s8] =	ssyncset.done $0x0  }
0x261: {  	s0 =	simm.s32 $0x1580;
	[sflag:s8] =	ssyncadd.s32 $0xFFFFE400  }
0x262: {  	[spmem:s3] =	stream.indirect.scatter.add.f32 [tilespmem:s13], [sflag:$0xA], $0x80, s0, s7, $0xb8;
	[tilespmem:$0x1FC00] =	vst v63  }
0x263: {  	_ =	swait.ge [sflag:s6], $0x1C00  }
0x264: {  	[sflag:s6] =	ssyncset.done $0x0  }
0x265: {  	s0 =	simm.s32 $0x1600;
	[sflag:s6] =	ssyncadd.s32 $0xFFFFE400  }
0x266: {  	[spmem:s3] =	stream.indirect.scatter.add.f32 [tilespmem:s15], [sflag:$0xA], $0x80, s0, s7, $0xb8;
	[tilespmem:$0x1FC00] =	vst v63  }
0x267: {  	_ =	swait.ge [sflag:s9], $0x1C00  }
0x268: {  	[sflag:s9] =	ssyncset.done $0x0  }
0x269: {  	s0 =	simm.s32 $0x1680;
	[sflag:s9] =	ssyncadd.s32 $0xFFFFE400  }
0x26a: {  	[spmem:s3] =	stream.indirect.scatter.add.f32 [tilespmem:s17], [sflag:$0xA], $0x80, s0, s7, $0xb8;
	[tilespmem:$0x1FC00] =	vst v63  }
0x26b: {  	_ =	swait.ge [sflag:s20], $0x1C00  }
0x26c: {  	[sflag:s20] =	ssyncset.done $0x0  }
0x26d: {  	[sflag:s20] =	ssyncadd.s32 $0xFFFFE400  }
0x26e: {  	_ =	swait.ge [sflag:s20], $0x1C00  }
0x26f: {  	[sflag:s20] =	ssyncset.done $0x0  }
0x270: {  	[sflag:s20] =	ssyncadd.s32 $0xFFFFE400  }
0x271: {  	_ =	swait.ge [sflag:s20], $0x1C00  }
0x272: {  	[sflag:s20] =	ssyncset.done $0x0  }
0x273: {  	[sflag:s20] =	ssyncadd.s32 $0xFFFFE400  }
0x274: {  	_ =	swait.ge [sflag:s20], $0x1C00  }
0x275: {  	[sflag:s20] =	ssyncset.done $0x0  }
0x276: {  	[sflag:s20] =	ssyncadd.s32 $0xFFFFE400  }
.Ltmp4:
0x277: {  	_ =	swait.ge [sflag:s20], $0x1C00;
	(pc) =	sbr.rel @!p1 .LBB2_5-.Ltmp4, $4  }
0x278: {  	[sflag:s20] =	ssyncset.done $0x0  }
0x279: {  	[sflag:s20] =	ssyncadd.s32 $0xFFFFE400  }
0x27a: {  	_ =	swait.ge [sflag:s20], $0x1C00  }
0x27b: {  	s22 =	sadd.s32 $0x180, s22;
	[sflag:s20] =	ssyncset.done $0x0  }
0x27c: {  	s10 =	sadd.s32 s22, s25;
	[sflag:s20] =	ssyncadd.s32 $0xFFFFE400;
	s5 =	sadd.s32 $0x180, s5  }
0x27d: {  	[tilespmem:s4], [sflag:$0x1] =	stream.linear.gather [hbm4b:s10+s4], $0x300, $0x38;
	[tilespmem:$0x1FC00] =	vst v63  }
0x27e: {  	s0 =	simm.s32 $0x400;
	s16 =	sadd.s32 s5, s25  }
0x27f: {  	[tilespmem:s0], [sflag:$0x1] =	stream.linear.gather [hbm4b:s16+s4], $0x300, $0x38;
	[tilespmem:$0x1FC00] =	vst v63  }
0x280: {  	_ =	swait.ge [sflag:s30], $0x300  }
0x281: {  	[sflag:s30] =	ssyncset.done $0x0  }
0x282: {  	[sflag:s30] =	ssyncadd.s32 $0xFFFFFD00  }
0x283: {  	_ =	swait.ge [sflag:s30], $0x300  }
0x284: {  	[sflag:s30] =	ssyncset.done $0x0  }
0x285: {  	s29 =	sadd.s32 s22, s24;
	s16 =	simm.s32 $0x800;
	[sflag:s30] =	ssyncadd.s32 $0xFFFFFD00  }
0x286: {  	[tilespmem:s16], [sflag:$0x2] =	stream.linear.gather [hbm4b:s29+s4], $0x300, $0x38;
	[tilespmem:$0x1FC00] =	vst v63  }
0x287: {  	s14 =	simm.s32 $0xC00;
	s31 =	sadd.s32 s5, s24  }
0x288: {  	[tilespmem:s14], [sflag:$0x2] =	stream.linear.gather [hbm4b:s31+s4], $0x300, $0x38;
	[tilespmem:$0x1FC00] =	vst v63  }
0x289: {  	_ = 	snop  }
0x28a: {  	[tilespmem:s26], [sflag:$0x4] =	stream.indirect.gather [hbm4b:s1+s7], $0x80, s4, s7, $0xb8;
	[tilespmem:$0x1FC00] =	vst v63  }
0x28b: {  	s29 =	simm.s32 $0x80  }
0x28c: {  	[tilespmem:s2], [sflag:$0x5] =	stream.indirect.gather [hbm4b:s1+s7], $0x80, s29, s7, $0xb8;
	[tilespmem:$0x1FC00] =	vst v63  }
0x28d: {  	s31 =	simm.s32 $0x100  }
0x28e: {  	[tilespmem:s11], [sflag:$0x6] =	stream.indirect.gather [hbm4b:s1+s7], $0x80, s31, s7, $0xb8;
	[tilespmem:$0x1FC00] =	vst v63  }
0x28f: {  	s29 =	simm.s32 $0x180  }
0x290: {  	[tilespmem:s13], [sflag:$0x7] =	stream.indirect.gather [hbm4b:s1+s7], $0x80, s29, s7, $0xb8;
	[tilespmem:$0x1FC00] =	vst v63  }
0x291: {  	s31 =	simm.s32 $0x200  }
0x292: {  	[tilespmem:s15], [sflag:$0x8] =	stream.indirect.gather [hbm4b:s1+s7], $0x80, s31, s7, $0xb8;
	[tilespmem:$0x1FC00] =	vst v63  }
0x293: {  	s29 =	simm.s32 $0x280  }
0x294: {  	[tilespmem:s17], [sflag:$0x9] =	stream.indirect.gather [hbm4b:s1+s7], $0x80, s29, s7, $0xb8;
	[tilespmem:$0x1FC00] =	vst v63  }
0x295: {  	_ =	swait.ge [sflag:s18], $0x1C00  }
0x296: {  	[sflag:s18] =	ssyncset.done $0x0  }
0x297: {  	[sflag:s18] =	ssyncadd.s32 $0xFFFFE400  }
0x298: {  	[spmem:s3] =	stream.indirect.scatter.add.f32 [tilespmem:s26], [sflag:$0xA], $0x80, s0, s7, $0xb8;
	[tilespmem:$0x1FC00] =	vst v63  }
0x299: {  	_ =	swait.ge [sflag:s19], $0x1C00  }
0x29a: {  	[sflag:s19] =	ssyncset.done $0x0  }
0x29b: {  	s31 =	simm.s32 $0x480;
	[sflag:s19] =	ssyncadd.s32 $0xFFFFE400  }
0x29c: {  	[spmem:s3] =	stream.indirect.scatter.add.f32 [tilespmem:s2], [sflag:$0xA], $0x80, s31, s7, $0xb8;
	[tilespmem:$0x1FC00] =	vst v63  }
0x29d: {  	_ =	swait.ge [sflag:s21], $0x1C00  }
0x29e: {  	[sflag:s21] =	ssyncset.done $0x0  }
0x29f: {  	s10 =	simm.s32 $0x500;
	[sflag:s21] =	ssyncadd.s32 $0xFFFFE400  }
0x2a0: {  	[spmem:s3] =	stream.indirect.scatter.add.f32 [tilespmem:s11], [sflag:$0xA], $0x80, s10, s7, $0xb8;
	[tilespmem:$0x1FC00] =	vst v63  }
0x2a1: {  	_ =	swait.ge [sflag:s8], $0x1C00  }
0x2a2: {  	[sflag:s8] =	ssyncset.done $0x0  }
0x2a3: {  	s29 =	simm.s32 $0x580;
	[sflag:s8] =	ssyncadd.s32 $0xFFFFE400  }
0x2a4: {  	[spmem:s3] =	stream.indirect.scatter.add.f32 [tilespmem:s13], [sflag:$0xA], $0x80, s29, s7, $0xb8;
	[tilespmem:$0x1FC00] =	vst v63  }
0x2a5: {  	_ =	swait.ge [sflag:s6], $0x1C00  }
0x2a6: {  	[sflag:s6] =	ssyncset.done $0x0  }
0x2a7: {  	s31 =	simm.s32 $0x600;
	[sflag:s6] =	ssyncadd.s32 $0xFFFFE400  }
0x2a8: {  	[spmem:s3] =	stream.indirect.scatter.add.f32 [tilespmem:s15], [sflag:$0xA], $0x80, s31, s7, $0xb8;
	[tilespmem:$0x1FC00] =	vst v63  }
0x2a9: {  	_ =	swait.ge [sflag:s9], $0x1C00  }
0x2aa: {  	[sflag:s9] =	ssyncset.done $0x0  }
0x2ab: {  	s10 =	simm.s32 $0x680;
	[sflag:s9] =	ssyncadd.s32 $0xFFFFE400  }
0x2ac: {  	[spmem:s3] =	stream.indirect.scatter.add.f32 [tilespmem:s17], [sflag:$0xA], $0x80, s10, s7, $0xb8;
	[tilespmem:$0x1FC00] =	vst v63  }
0x2ad: {  	_ =	swait.ge [sflag:s12], $0x300  }
0x2ae: {  	[sflag:s12] =	ssyncset.done $0x0  }
0x2af: {  	[sflag:s12] =	ssyncadd.s32 $0xFFFFFD00  }
0x2b0: {  	_ =	swait.ge [sflag:s12], $0x300  }
0x2b1: {  	[sflag:s12] =	ssyncset.done $0x0  }
0x2b2: {  	s0 =	simm.s32 $0x1000;
	s29 =	sadd.s32 s22, s23;
	[sflag:s12] =	ssyncadd.s32 $0xFFFFFD00  }
0x2b3: {  	[tilespmem:s0], [sflag:$0x3] =	stream.linear.gather [hbm4b:s29+s4], $0x300, $0x38;
	[tilespmem:$0x1FC00] =	vst v63  }
0x2b4: {  	s5 =	sadd.s32 s5, s23;
	s10 =	simm.s32 $0x1400  }
0x2b5: {  	[tilespmem:s10], [sflag:$0x3] =	stream.linear.gather [hbm4b:s5+s4], $0x300, $0x38;
	[tilespmem:$0x1FC00] =	vst v63  }
0x2b6: {  	_ =	swait.ge [sflag:s20], $0x1C00  }
0x2b7: {  	[sflag:s20] =	ssyncset.done $0x0  }
0x2b8: {  	[sflag:s20] =	ssyncadd.s32 $0xFFFFE400  }
0x2b9: {  	[tilespmem:s26], [sflag:$0x4] =	stream.indirect.gather [hbm4b:s1+s7], $0x80, s16, s7, $0xb8;
	[tilespmem:$0x1FC00] =	vst v63  }
0x2ba: {  	_ =	swait.ge [sflag:s20], $0x1C00  }
0x2bb: {  	[sflag:s20] =	ssyncset.done $0x0  }
0x2bc: {  	s31 =	simm.s32 $0x880;
	[sflag:s20] =	ssyncadd.s32 $0xFFFFE400  }
0x2bd: {  	[tilespmem:s2], [sflag:$0x5] =	stream.indirect.gather [hbm4b:s1+s7], $0x80, s31, s7, $0xb8;
	[tilespmem:$0x1FC00] =	vst v63  }
0x2be: {  	_ =	swait.ge [sflag:s20], $0x1C00  }
0x2bf: {  	[sflag:s20] =	ssyncset.done $0x0  }
0x2c0: {  	s16 =	simm.s32 $0x900;
	[sflag:s20] =	ssyncadd.s32 $0xFFFFE400  }
0x2c1: {  	[tilespmem:s11], [sflag:$0x6] =	stream.indirect.gather [hbm4b:s1+s7], $0x80, s16, s7, $0xb8;
	[tilespmem:$0x1FC00] =	vst v63  }
0x2c2: {  	_ =	swait.ge [sflag:s20], $0x1C00  }
0x2c3: {  	[sflag:s20] =	ssyncset.done $0x0  }
0x2c4: {  	s22 =	simm.s32 $0x980;
	[sflag:s20] =	ssyncadd.s32 $0xFFFFE400  }
0x2c5: {  	[tilespmem:s13], [sflag:$0x7] =	stream.indirect.gather [hbm4b:s1+s7], $0x80, s22, s7, $0xb8;
	[tilespmem:$0x1FC00] =	vst v63  }
0x2c6: {  	_ =	swait.ge [sflag:s20], $0x1C00  }
0x2c7: {  	[sflag:s20] =	ssyncset.done $0x0  }
0x2c8: {  	s29 =	simm.s32 $0xA00;
	[sflag:s20] =	ssyncadd.s32 $0xFFFFE400  }
0x2c9: {  	[tilespmem:s15], [sflag:$0x8] =	stream.indirect.gather [hbm4b:s1+s7], $0x80, s29, s7, $0xb8;
	[tilespmem:$0x1FC00] =	vst v63  }
0x2ca: {  	_ =	swait.ge [sflag:s20], $0x1C00  }
0x2cb: {  	[sflag:s20] =	ssyncset.done $0x0  }
0x2cc: {  	s31 =	simm.s32 $0xA80;
	[sflag:s20] =	ssyncadd.s32 $0xFFFFE400  }
0x2cd: {  	[tilespmem:s17], [sflag:$0x9] =	stream.indirect.gather [hbm4b:s1+s7], $0x80, s31, s7, $0xb8;
	[tilespmem:$0x1FC00] =	vst v63  }
0x2ce: {  	_ =	swait.ge [sflag:s18], $0x1C00  }
0x2cf: {  	[sflag:s18] =	ssyncset.done $0x0  }
0x2d0: {  	[sflag:s18] =	ssyncadd.s32 $0xFFFFE400  }
0x2d1: {  	[spmem:s3] =	stream.indirect.scatter.add.f32 [tilespmem:s26], [sflag:$0xA], $0x80, s14, s7, $0xb8;
	[tilespmem:$0x1FC00] =	vst v63  }
0x2d2: {  	_ =	swait.ge [sflag:s19], $0x1C00  }
0x2d3: {  	[sflag:s19] =	ssyncset.done $0x0  }
0x2d4: {  	s16 =	simm.s32 $0xC80;
	[sflag:s19] =	ssyncadd.s32 $0xFFFFE400  }
0x2d5: {  	[spmem:s3] =	stream.indirect.scatter.add.f32 [tilespmem:s2], [sflag:$0xA], $0x80, s16, s7, $0xb8;
	[tilespmem:$0x1FC00] =	vst v63  }
0x2d6: {  	_ =	swait.ge [sflag:s21], $0x1C00  }
0x2d7: {  	[sflag:s21] =	ssyncset.done $0x0  }
0x2d8: {  	s22 =	simm.s32 $0xD00;
	[sflag:s21] =	ssyncadd.s32 $0xFFFFE400  }
0x2d9: {  	[spmem:s3] =	stream.indirect.scatter.add.f32 [tilespmem:s11], [sflag:$0xA], $0x80, s22, s7, $0xb8;
	[tilespmem:$0x1FC00] =	vst v63  }
0x2da: {  	_ =	swait.ge [sflag:s8], $0x1C00  }
0x2db: {  	[sflag:s8] =	ssyncset.done $0x0  }
0x2dc: {  	s29 =	simm.s32 $0xD80;
	[sflag:s8] =	ssyncadd.s32 $0xFFFFE400  }
0x2dd: {  	[spmem:s3] =	stream.indirect.scatter.add.f32 [tilespmem:s13], [sflag:$0xA], $0x80, s29, s7, $0xb8;
	[tilespmem:$0x1FC00] =	vst v63  }
0x2de: {  	_ =	swait.ge [sflag:s6], $0x1C00  }
0x2df: {  	[sflag:s6] =	ssyncset.done $0x0  }
0x2e0: {  	s31 =	simm.s32 $0xE00;
	[sflag:s6] =	ssyncadd.s32 $0xFFFFE400  }
0x2e1: {  	[spmem:s3] =	stream.indirect.scatter.add.f32 [tilespmem:s15], [sflag:$0xA], $0x80, s31, s7, $0xb8;
	[tilespmem:$0x1FC00] =	vst v63  }
0x2e2: {  	_ =	swait.ge [sflag:s9], $0x1C00  }
0x2e3: {  	[sflag:s9] =	ssyncset.done $0x0  }
0x2e4: {  	s14 =	simm.s32 $0xE80;
	[sflag:s9] =	ssyncadd.s32 $0xFFFFE400  }
0x2e5: {  	[spmem:s3] =	stream.indirect.scatter.add.f32 [tilespmem:s17], [sflag:$0xA], $0x80, s14, s7, $0xb8;
	[tilespmem:$0x1FC00] =	vst v63  }
0x2e6: {  	_ =	swait.ge [sflag:s28], $0x300  }
0x2e7: {  	[sflag:s28] =	ssyncset.done $0x0  }
0x2e8: {  	[sflag:s28] =	ssyncadd.s32 $0xFFFFFD00  }
0x2e9: {  	_ =	swait.ge [sflag:s28], $0x300  }
0x2ea: {  	[sflag:s28] =	ssyncset.done $0x0  }
0x2eb: {  	[sflag:s28] =	ssyncadd.s32 $0xFFFFFD00  }
0x2ec: {  	_ =	swait.ge [sflag:s20], $0x1C00  }
0x2ed: {  	[sflag:s20] =	ssyncset.done $0x0  }
0x2ee: {  	[sflag:s20] =	ssyncadd.s32 $0xFFFFE400  }
0x2ef: {  	[tilespmem:s26], [sflag:$0x4] =	stream.indirect.gather [hbm4b:s1+s7], $0x80, s0, s7, $0xb8;
	[tilespmem:$0x1FC00] =	vst v63  }
0x2f0: {  	_ =	swait.ge [sflag:s20], $0x1C00  }
0x2f1: {  	[sflag:s20] =	ssyncset.done $0x0  }
0x2f2: {  	s16 =	simm.s32 $0x1080;
	[sflag:s20] =	ssyncadd.s32 $0xFFFFE400  }
0x2f3: {  	[tilespmem:s2], [sflag:$0x5] =	stream.indirect.gather [hbm4b:s1+s7], $0x80, s16, s7, $0xb8;
	[tilespmem:$0x1FC00] =	vst v63  }
0x2f4: {  	_ =	swait.ge [sflag:s20], $0x1C00  }
0x2f5: {  	[sflag:s20] =	ssyncset.done $0x0  }
0x2f6: {  	s22 =	simm.s32 $0x1100;
	[sflag:s20] =	ssyncadd.s32 $0xFFFFE400  }
0x2f7: {  	[tilespmem:s11], [sflag:$0x6] =	stream.indirect.gather [hbm4b:s1+s7], $0x80, s22, s7, $0xb8;
	[tilespmem:$0x1FC00] =	vst v63  }
0x2f8: {  	_ =	swait.ge [sflag:s20], $0x1C00  }
0x2f9: {  	[sflag:s20] =	ssyncset.done $0x0  }
0x2fa: {  	s29 =	simm.s32 $0x1180;
	[sflag:s20] =	ssyncadd.s32 $0xFFFFE400  }
0x2fb: {  	[tilespmem:s13], [sflag:$0x7] =	stream.indirect.gather [hbm4b:s1+s7], $0x80, s29, s7, $0xb8;
	[tilespmem:$0x1FC00] =	vst v63  }
0x2fc: {  	_ =	swait.ge [sflag:s20], $0x1C00  }
0x2fd: {  	[sflag:s20] =	ssyncset.done $0x0  }
0x2fe: {  	s31 =	simm.s32 $0x1200;
	[sflag:s20] =	ssyncadd.s32 $0xFFFFE400  }
0x2ff: {  	[tilespmem:s15], [sflag:$0x8] =	stream.indirect.gather [hbm4b:s1+s7], $0x80, s31, s7, $0xb8;
	[tilespmem:$0x1FC00] =	vst v63  }
0x300: {  	_ =	swait.ge [sflag:s20], $0x1C00  }
0x301: {  	[sflag:s20] =	ssyncset.done $0x0  }
0x302: {  	s5 =	simm.s32 $0x1280;
	[sflag:s20] =	ssyncadd.s32 $0xFFFFE400  }
0x303: {  	[tilespmem:s17], [sflag:$0x9] =	stream.indirect.gather [hbm4b:s1+s7], $0x80, s5, s7, $0xb8;
	[tilespmem:$0x1FC00] =	vst v63  }
0x304: {  	_ =	swait.ge [sflag:s18], $0x1C00  }
0x305: {  	[sflag:s18] =	ssyncset.done $0x0  }
0x306: {  	[sflag:s18] =	ssyncadd.s32 $0xFFFFE400  }
0x307: {  	[spmem:s3] =	stream.indirect.scatter.add.f32 [tilespmem:s26], [sflag:$0xA], $0x80, s10, s7, $0xb8;
	[tilespmem:$0x1FC00] =	vst v63  }
0x308: {  	_ =	swait.ge [sflag:s19], $0x1C00  }
0x309: {  	[sflag:s19] =	ssyncset.done $0x0  }
0x30a: {  	s14 =	simm.s32 $0x1480;
	[sflag:s19] =	ssyncadd.s32 $0xFFFFE400  }
0x30b: {  	[spmem:s3] =	stream.indirect.scatter.add.f32 [tilespmem:s2], [sflag:$0xA], $0x80, s14, s7, $0xb8;
	[tilespmem:$0x1FC00] =	vst v63  }
0x30c: {  	_ =	swait.ge [sflag:s21], $0x1C00  }
0x30d: {  	[sflag:s21] =	ssyncset.done $0x0  }
0x30e: {  	s16 =	simm.s32 $0x1500;
	[sflag:s21] =	ssyncadd.s32 $0xFFFFE400  }
0x30f: {  	[spmem:s3] =	stream.indirect.scatter.add.f32 [tilespmem:s11], [sflag:$0xA], $0x80, s16, s7, $0xb8;
	[tilespmem:$0x1FC00] =	vst v63  }
0x310: {  	_ =	swait.ge [sflag:s8], $0x1C00  }
0x311: {  	[sflag:s8] =	ssyncset.done $0x0  }
0x312: {  	s22 =	simm.s32 $0x1580;
	[sflag:s8] =	ssyncadd.s32 $0xFFFFE400  }
0x313: {  	[spmem:s3] =	stream.indirect.scatter.add.f32 [tilespmem:s13], [sflag:$0xA], $0x80, s22, s7, $0xb8;
	[tilespmem:$0x1FC00] =	vst v63  }
0x314: {  	_ =	swait.ge [sflag:s6], $0x1C00  }
0x315: {  	[sflag:s6] =	ssyncset.done $0x0  }
0x316: {  	s29 =	simm.s32 $0x1600;
	[sflag:s6] =	ssyncadd.s32 $0xFFFFE400  }
0x317: {  	[spmem:s3] =	stream.indirect.scatter.add.f32 [tilespmem:s15], [sflag:$0xA], $0x80, s29, s7, $0xb8;
	[tilespmem:$0x1FC00] =	vst v63  }
0x318: {  	_ =	swait.ge [sflag:s9], $0x1C00  }
0x319: {  	[sflag:s9] =	ssyncset.done $0x0  }
0x31a: {  	s31 =	simm.s32 $0x1680;
	[sflag:s9] =	ssyncadd.s32 $0xFFFFE400  }
0x31b: {  	[spmem:s3] =	stream.indirect.scatter.add.f32 [tilespmem:s17], [sflag:$0xA], $0x80, s31, s7, $0xb8;
	[tilespmem:$0x1FC00] =	vst v63  }
0x31c: {  	_ =	swait.ge [sflag:s20], $0x1C00  }
0x31d: {  	[sflag:s20] =	ssyncset.done $0x0  }
0x31e: {  	[sflag:s20] =	ssyncadd.s32 $0xFFFFE400  }
0x31f: {  	_ =	swait.ge [sflag:s20], $0x1C00  }
0x320: {  	[sflag:s20] =	ssyncset.done $0x0  }
0x321: {  	[sflag:s20] =	ssyncadd.s32 $0xFFFFE400  }
0x322: {  	_ =	swait.ge [sflag:s20], $0x1C00  }
0x323: {  	[sflag:s20] =	ssyncset.done $0x0  }
0x324: {  	[sflag:s20] =	ssyncadd.s32 $0xFFFFE400  }
0x325: {  	_ =	swait.ge [sflag:s20], $0x1C00  }
0x326: {  	[sflag:s20] =	ssyncset.done $0x0  }
0x327: {  	[sflag:s20] =	ssyncadd.s32 $0xFFFFE400  }
0x328: {  	_ =	swait.ge [sflag:s20], $0x1C00  }
.Ltmp5:
0x329: {  	[sflag:s20] =	ssyncset.done $0x0;
	(pc) =	sbr.rel .LBB2_10-.Ltmp5, $4  }
0x32a: {  	[sflag:s20] =	ssyncadd.s32 $0xFFFFE400  }
0x32b: {  	_ =	swait.ge [sflag:s20], $0x1C00  }
0x32c: {  	[sflag:s20] =	ssyncset.done $0x0;
	s5 =	rddreg [dreg:$0x6]  }
0x32d: {  	s0 =	rddreg [dreg:$0x16];
	[sflag:s20] =	ssyncadd.s32 $0xFFFFE400  }
.LBB2_7:
0x32e: {  	s22 =	rddreg [dreg:$0x4]  }
0x32f: {  	s29 =	rddreg [dreg:$0x5];
	s10 =	sadd.s32 s22, s25  }
0x330: {  	[tilespmem:s4], [sflag:$0x1] =	stream.linear.gather [hbm4b:s10+s4], $0x300, $0x38;
	[tilespmem:$0x1FC00] =	vst v63  }
0x331: {  	s0 =	simm.s32 $0x400;
	s14 =	sadd.s32 s29, s25  }
0x332: {  	[tilespmem:s0], [sflag:$0x1] =	stream.linear.gather [hbm4b:s14+s4], $0x300, $0x38;
	[tilespmem:$0x1FC00] =	vst v63  }
0x333: {  	_ =	swait.ge [sflag:s30], $0x300  }
0x334: {  	[sflag:s30] =	ssyncset.done $0x0  }
0x335: {  	[sflag:s30] =	ssyncadd.s32 $0xFFFFFD00  }
0x336: {  	_ =	swait.ge [sflag:s30], $0x300  }
0x337: {  	[sflag:s30] =	ssyncset.done $0x0  }
0x338: {  	s31 =	simm.s32 $0x800;
	s16 =	sadd.s32 s22, s24;
	[sflag:s30] =	ssyncadd.s32 $0xFFFFFD00  }
0x339: {  	[tilespmem:s31], [sflag:$0x2] =	stream.linear.gather [hbm4b:s16+s4], $0x300, $0x38;
	[tilespmem:$0x1FC00] =	vst v63  }
0x33a: {  	s14 =	sadd.s32 s29, s24;
	s16 =	simm.s32 $0xC00  }
0x33b: {  	[tilespmem:s16], [sflag:$0x2] =	stream.linear.gather [hbm4b:s14+s4], $0x300, $0x38;
	[tilespmem:$0x1FC00] =	vst v63  }
0x33c: {  	_ = 	snop  }
0x33d: {  	[tilespmem:s26], [sflag:$0x4] =	stream.indirect.gather [hbm4b:s1+s7], $0x80, s4, s7, $0xb8;
	[tilespmem:$0x1FC00] =	vst v63  }
0x33e: {  	s14 =	simm.s32 $0x80  }
0x33f: {  	[tilespmem:s2], [sflag:$0x5] =	stream.indirect.gather [hbm4b:s1+s7], $0x80, s14, s7, $0xb8;
	[tilespmem:$0x1FC00] =	vst v63  }
0x340: {  	s14 =	simm.s32 $0x100  }
0x341: {  	[tilespmem:s11], [sflag:$0x6] =	stream.indirect.gather [hbm4b:s1+s7], $0x80, s14, s7, $0xb8;
	[tilespmem:$0x1FC00] =	vst v63  }
0x342: {  	s14 =	simm.s32 $0x180  }
0x343: {  	[tilespmem:s13], [sflag:$0x7] =	stream.indirect.gather [hbm4b:s1+s7], $0x80, s14, s7, $0xb8;
	[tilespmem:$0x1FC00] =	vst v63  }
0x344: {  	s14 =	simm.s32 $0x200  }
0x345: {  	[tilespmem:s15], [sflag:$0x8] =	stream.indirect.gather [hbm4b:s1+s7], $0x80, s14, s7, $0xb8;
	[tilespmem:$0x1FC00] =	vst v63  }
0x346: {  	s14 =	simm.s32 $0x280  }
0x347: {  	[tilespmem:s17], [sflag:$0x9] =	stream.indirect.gather [hbm4b:s1+s7], $0x80, s14, s7, $0xb8;
	[tilespmem:$0x1FC00] =	vst v63  }
0x348: {  	_ =	swait.ge [sflag:s18], $0x1C00  }
0x349: {  	[sflag:s18] =	ssyncset.done $0x0  }
0x34a: {  	[sflag:s18] =	ssyncadd.s32 $0xFFFFE400  }
0x34b: {  	[spmem:s3] =	stream.indirect.scatter.add.f32 [tilespmem:s26], [sflag:$0xA], $0x80, s0, s7, $0xb8;
	[tilespmem:$0x1FC00] =	vst v63  }
0x34c: {  	_ =	swait.ge [sflag:s19], $0x1C00  }
0x34d: {  	[sflag:s19] =	ssyncset.done $0x0  }
0x34e: {  	s10 =	simm.s32 $0x480;
	[sflag:s19] =	ssyncadd.s32 $0xFFFFE400  }
0x34f: {  	[spmem:s3] =	stream.indirect.scatter.add.f32 [tilespmem:s2], [sflag:$0xA], $0x80, s10, s7, $0xb8;
	[tilespmem:$0x1FC00] =	vst v63  }
0x350: {  	_ =	swait.ge [sflag:s21], $0x1C00  }
0x351: {  	[sflag:s21] =	ssyncset.done $0x0  }
0x352: {  	s14 =	simm.s32 $0x500;
	[sflag:s21] =	ssyncadd.s32 $0xFFFFE400  }
0x353: {  	[spmem:s3] =	stream.indirect.scatter.add.f32 [tilespmem:s11], [sflag:$0xA], $0x80, s14, s7, $0xb8;
	[tilespmem:$0x1FC00] =	vst v63  }
0x354: {  	_ =	swait.ge [sflag:s8], $0x1C00  }
0x355: {  	[sflag:s8] =	ssyncset.done $0x0  }
0x356: {  	s10 =	simm.s32 $0x580;
	[sflag:s8] =	ssyncadd.s32 $0xFFFFE400  }
0x357: {  	[spmem:s3] =	stream.indirect.scatter.add.f32 [tilespmem:s13], [sflag:$0xA], $0x80, s10, s7, $0xb8;
	[tilespmem:$0x1FC00] =	vst v63  }
0x358: {  	_ =	swait.ge [sflag:s6], $0x1C00  }
0x359: {  	[sflag:s6] =	ssyncset.done $0x0  }
0x35a: {  	s14 =	simm.s32 $0x600;
	[sflag:s6] =	ssyncadd.s32 $0xFFFFE400  }
0x35b: {  	[spmem:s3] =	stream.indirect.scatter.add.f32 [tilespmem:s15], [sflag:$0xA], $0x80, s14, s7, $0xb8;
	[tilespmem:$0x1FC00] =	vst v63  }
0x35c: {  	_ =	swait.ge [sflag:s9], $0x1C00  }
0x35d: {  	[sflag:s9] =	ssyncset.done $0x0  }
0x35e: {  	s10 =	simm.s32 $0x680;
	[sflag:s9] =	ssyncadd.s32 $0xFFFFE400  }
0x35f: {  	[spmem:s3] =	stream.indirect.scatter.add.f32 [tilespmem:s17], [sflag:$0xA], $0x80, s10, s7, $0xb8;
	[tilespmem:$0x1FC00] =	vst v63  }
0x360: {  	_ =	swait.ge [sflag:s12], $0x300  }
0x361: {  	[sflag:s12] =	ssyncset.done $0x0  }
0x362: {  	[sflag:s12] =	ssyncadd.s32 $0xFFFFFD00  }
0x363: {  	_ =	swait.ge [sflag:s12], $0x300  }
0x364: {  	[sflag:s12] =	ssyncset.done $0x0  }
0x365: {  	s0 =	simm.s32 $0x1000;
	s14 =	sadd.s32 s22, s23;
	[sflag:s12] =	ssyncadd.s32 $0xFFFFFD00  }
0x366: {  	[tilespmem:s0], [sflag:$0x3] =	stream.linear.gather [hbm4b:s14+s4], $0x300, $0x38;
	[tilespmem:$0x1FC00] =	vst v63  }
0x367: {  	s10 =	sadd.s32 s29, s23;
	s14 =	simm.s32 $0x1400  }
0x368: {  	[tilespmem:s14], [sflag:$0x3] =	stream.linear.gather [hbm4b:s10+s4], $0x300, $0x38;
	[tilespmem:$0x1FC00] =	vst v63  }
0x369: {  	_ =	swait.ge [sflag:s20], $0x1C00  }
0x36a: {  	[sflag:s20] =	ssyncset.done $0x0  }
0x36b: {  	[sflag:s20] =	ssyncadd.s32 $0xFFFFE400  }
0x36c: {  	[tilespmem:s26], [sflag:$0x4] =	stream.indirect.gather [hbm4b:s1+s7], $0x80, s31, s7, $0xb8;
	[tilespmem:$0x1FC00] =	vst v63  }
0x36d: {  	_ =	swait.ge [sflag:s20], $0x1C00  }
0x36e: {  	[sflag:s20] =	ssyncset.done $0x0  }
0x36f: {  	s31 =	simm.s32 $0x880;
	[sflag:s20] =	ssyncadd.s32 $0xFFFFE400  }
0x370: {  	[tilespmem:s2], [sflag:$0x5] =	stream.indirect.gather [hbm4b:s1+s7], $0x80, s31, s7, $0xb8;
	[tilespmem:$0x1FC00] =	vst v63  }
0x371: {  	_ =	swait.ge [sflag:s20], $0x1C00  }
0x372: {  	[sflag:s20] =	ssyncset.done $0x0  }
0x373: {  	s31 =	simm.s32 $0x900;
	[sflag:s20] =	ssyncadd.s32 $0xFFFFE400  }
0x374: {  	[tilespmem:s11], [sflag:$0x6] =	stream.indirect.gather [hbm4b:s1+s7], $0x80, s31, s7, $0xb8;
	[tilespmem:$0x1FC00] =	vst v63  }
0x375: {  	_ =	swait.ge [sflag:s20], $0x1C00  }
0x376: {  	[sflag:s20] =	ssyncset.done $0x0  }
0x377: {  	s31 =	simm.s32 $0x980;
	[sflag:s20] =	ssyncadd.s32 $0xFFFFE400  }
0x378: {  	[tilespmem:s13], [sflag:$0x7] =	stream.indirect.gather [hbm4b:s1+s7], $0x80, s31, s7, $0xb8;
	[tilespmem:$0x1FC00] =	vst v63  }
0x379: {  	_ =	swait.ge [sflag:s20], $0x1C00  }
0x37a: {  	[sflag:s20] =	ssyncset.done $0x0  }
0x37b: {  	s31 =	simm.s32 $0xA00;
	[sflag:s20] =	ssyncadd.s32 $0xFFFFE400  }
0x37c: {  	[tilespmem:s15], [sflag:$0x8] =	stream.indirect.gather [hbm4b:s1+s7], $0x80, s31, s7, $0xb8;
	[tilespmem:$0x1FC00] =	vst v63  }
0x37d: {  	_ =	swait.ge [sflag:s20], $0x1C00  }
0x37e: {  	[sflag:s20] =	ssyncset.done $0x0  }
0x37f: {  	s31 =	simm.s32 $0xA80;
	[sflag:s20] =	ssyncadd.s32 $0xFFFFE400  }
0x380: {  	[tilespmem:s17], [sflag:$0x9] =	stream.indirect.gather [hbm4b:s1+s7], $0x80, s31, s7, $0xb8;
	[tilespmem:$0x1FC00] =	vst v63  }
0x381: {  	_ =	swait.ge [sflag:s18], $0x1C00  }
0x382: {  	[sflag:s18] =	ssyncset.done $0x0  }
0x383: {  	[sflag:s18] =	ssyncadd.s32 $0xFFFFE400  }
0x384: {  	[spmem:s3] =	stream.indirect.scatter.add.f32 [tilespmem:s26], [sflag:$0xA], $0x80, s16, s7, $0xb8;
	[tilespmem:$0x1FC00] =	vst v63  }
0x385: {  	_ =	swait.ge [sflag:s19], $0x1C00  }
0x386: {  	[sflag:s19] =	ssyncset.done $0x0  }
0x387: {  	s31 =	simm.s32 $0xC80;
	[sflag:s19] =	ssyncadd.s32 $0xFFFFE400  }
0x388: {  	[spmem:s3] =	stream.indirect.scatter.add.f32 [tilespmem:s2], [sflag:$0xA], $0x80, s31, s7, $0xb8;
	[tilespmem:$0x1FC00] =	vst v63  }
0x389: {  	_ =	swait.ge [sflag:s21], $0x1C00  }
0x38a: {  	[sflag:s21] =	ssyncset.done $0x0  }
0x38b: {  	s16 =	simm.s32 $0xD00;
	[sflag:s21] =	ssyncadd.s32 $0xFFFFE400  }
0x38c: {  	[spmem:s3] =	stream.indirect.scatter.add.f32 [tilespmem:s11], [sflag:$0xA], $0x80, s16, s7, $0xb8;
	[tilespmem:$0x1FC00] =	vst v63  }
0x38d: {  	_ =	swait.ge [sflag:s8], $0x1C00  }
0x38e: {  	[sflag:s8] =	ssyncset.done $0x0  }
0x38f: {  	s31 =	simm.s32 $0xD80;
	[sflag:s8] =	ssyncadd.s32 $0xFFFFE400  }
0x390: {  	[spmem:s3] =	stream.indirect.scatter.add.f32 [tilespmem:s13], [sflag:$0xA], $0x80, s31, s7, $0xb8;
	[tilespmem:$0x1FC00] =	vst v63  }
0x391: {  	_ =	swait.ge [sflag:s6], $0x1C00  }
0x392: {  	[sflag:s6] =	ssyncset.done $0x0  }
0x393: {  	s16 =	simm.s32 $0xE00;
	[sflag:s6] =	ssyncadd.s32 $0xFFFFE400  }
0x394: {  	[spmem:s3] =	stream.indirect.scatter.add.f32 [tilespmem:s15], [sflag:$0xA], $0x80, s16, s7, $0xb8;
	[tilespmem:$0x1FC00] =	vst v63  }
0x395: {  	_ =	swait.ge [sflag:s9], $0x1C00  }
0x396: {  	[sflag:s9] =	ssyncset.done $0x0  }
0x397: {  	s31 =	simm.s32 $0xE80;
	[sflag:s9] =	ssyncadd.s32 $0xFFFFE400  }
0x398: {  	[spmem:s3] =	stream.indirect.scatter.add.f32 [tilespmem:s17], [sflag:$0xA], $0x80, s31, s7, $0xb8;
	[tilespmem:$0x1FC00] =	vst v63  }
0x399: {  	_ =	swait.ge [sflag:s28], $0x300  }
0x39a: {  	[sflag:s28] =	ssyncset.done $0x0  }
0x39b: {  	[sflag:s28] =	ssyncadd.s32 $0xFFFFFD00  }
0x39c: {  	_ =	swait.ge [sflag:s28], $0x300  }
0x39d: {  	[sflag:s28] =	ssyncset.done $0x0  }
0x39e: {  	[sflag:s28] =	ssyncadd.s32 $0xFFFFFD00  }
0x39f: {  	_ =	swait.ge [sflag:s20], $0x1C00  }
0x3a0: {  	[sflag:s20] =	ssyncset.done $0x0  }
0x3a1: {  	[sflag:s20] =	ssyncadd.s32 $0xFFFFE400  }
0x3a2: {  	[tilespmem:s26], [sflag:$0x4] =	stream.indirect.gather [hbm4b:s1+s7], $0x80, s0, s7, $0xb8;
	[tilespmem:$0x1FC00] =	vst v63  }
0x3a3: {  	_ =	swait.ge [sflag:s20], $0x1C00  }
0x3a4: {  	[sflag:s20] =	ssyncset.done $0x0  }
0x3a5: {  	s10 =	simm.s32 $0x1080;
	[sflag:s20] =	ssyncadd.s32 $0xFFFFE400  }
0x3a6: {  	[tilespmem:s2], [sflag:$0x5] =	stream.indirect.gather [hbm4b:s1+s7], $0x80, s10, s7, $0xb8;
	[tilespmem:$0x1FC00] =	vst v63  }
0x3a7: {  	_ =	swait.ge [sflag:s20], $0x1C00  }
0x3a8: {  	[sflag:s20] =	ssyncset.done $0x0  }
0x3a9: {  	s16 =	simm.s32 $0x1100;
	[sflag:s20] =	ssyncadd.s32 $0xFFFFE400  }
0x3aa: {  	[tilespmem:s11], [sflag:$0x6] =	stream.indirect.gather [hbm4b:s1+s7], $0x80, s16, s7, $0xb8;
	[tilespmem:$0x1FC00] =	vst v63  }
0x3ab: {  	_ =	swait.ge [sflag:s20], $0x1C00  }
0x3ac: {  	[sflag:s20] =	ssyncset.done $0x0  }
0x3ad: {  	s31 =	simm.s32 $0x1180;
	[sflag:s20] =	ssyncadd.s32 $0xFFFFE400  }
0x3ae: {  	[tilespmem:s13], [sflag:$0x7] =	stream.indirect.gather [hbm4b:s1+s7], $0x80, s31, s7, $0xb8;
	[tilespmem:$0x1FC00] =	vst v63  }
0x3af: {  	_ =	swait.ge [sflag:s20], $0x1C00  }
0x3b0: {  	[sflag:s20] =	ssyncset.done $0x0  }
0x3b1: {  	s10 =	simm.s32 $0x1200;
	[sflag:s20] =	ssyncadd.s32 $0xFFFFE400  }
0x3b2: {  	[tilespmem:s15], [sflag:$0x8] =	stream.indirect.gather [hbm4b:s1+s7], $0x80, s10, s7, $0xb8;
	[tilespmem:$0x1FC00] =	vst v63  }
0x3b3: {  	_ =	swait.ge [sflag:s20], $0x1C00  }
0x3b4: {  	[sflag:s20] =	ssyncset.done $0x0  }
0x3b5: {  	s16 =	simm.s32 $0x1280;
	[sflag:s20] =	ssyncadd.s32 $0xFFFFE400  }
0x3b6: {  	[tilespmem:s17], [sflag:$0x9] =	stream.indirect.gather [hbm4b:s1+s7], $0x80, s16, s7, $0xb8;
	[tilespmem:$0x1FC00] =	vst v63  }
0x3b7: {  	_ =	swait.ge [sflag:s18], $0x1C00  }
0x3b8: {  	[sflag:s18] =	ssyncset.done $0x0  }
0x3b9: {  	[sflag:s18] =	ssyncadd.s32 $0xFFFFE400  }
0x3ba: {  	[spmem:s3] =	stream.indirect.scatter.add.f32 [tilespmem:s26], [sflag:$0xA], $0x80, s14, s7, $0xb8;
	[tilespmem:$0x1FC00] =	vst v63  }
0x3bb: {  	_ =	swait.ge [sflag:s19], $0x1C00  }
0x3bc: {  	[sflag:s19] =	ssyncset.done $0x0  }
0x3bd: {  	s31 =	simm.s32 $0x1480;
	[sflag:s19] =	ssyncadd.s32 $0xFFFFE400  }
0x3be: {  	[spmem:s3] =	stream.indirect.scatter.add.f32 [tilespmem:s2], [sflag:$0xA], $0x80, s31, s7, $0xb8;
	[tilespmem:$0x1FC00] =	vst v63  }
0x3bf: {  	_ =	swait.ge [sflag:s21], $0x1C00  }
0x3c0: {  	[sflag:s21] =	ssyncset.done $0x0  }
0x3c1: {  	s10 =	simm.s32 $0x1500;
	[sflag:s21] =	ssyncadd.s32 $0xFFFFE400  }
0x3c2: {  	[spmem:s3] =	stream.indirect.scatter.add.f32 [tilespmem:s11], [sflag:$0xA], $0x80, s10, s7, $0xb8;
	[tilespmem:$0x1FC00] =	vst v63  }
0x3c3: {  	_ =	swait.ge [sflag:s8], $0x1C00  }
0x3c4: {  	[sflag:s8] =	ssyncset.done $0x0  }
0x3c5: {  	s14 =	simm.s32 $0x1580;
	[sflag:s8] =	ssyncadd.s32 $0xFFFFE400  }
0x3c6: {  	[spmem:s3] =	stream.indirect.scatter.add.f32 [tilespmem:s13], [sflag:$0xA], $0x80, s14, s7, $0xb8;
	[tilespmem:$0x1FC00] =	vst v63  }
0x3c7: {  	_ =	swait.ge [sflag:s6], $0x1C00  }
0x3c8: {  	[sflag:s6] =	ssyncset.done $0x0  }
0x3c9: {  	s16 =	simm.s32 $0x1600;
	[sflag:s6] =	ssyncadd.s32 $0xFFFFE400  }
0x3ca: {  	[spmem:s3] =	stream.indirect.scatter.add.f32 [tilespmem:s15], [sflag:$0xA], $0x80, s16, s7, $0xb8;
	[tilespmem:$0x1FC00] =	vst v63  }
0x3cb: {  	_ =	swait.ge [sflag:s9], $0x1C00  }
0x3cc: {  	[sflag:s9] =	ssyncset.done $0x0  }
0x3cd: {  	s31 =	simm.s32 $0x1680;
	[sflag:s9] =	ssyncadd.s32 $0xFFFFE400  }
0x3ce: {  	[spmem:s3] =	stream.indirect.scatter.add.f32 [tilespmem:s17], [sflag:$0xA], $0x80, s31, s7, $0xb8;
	[tilespmem:$0x1FC00] =	vst v63  }
0x3cf: {  	_ =	swait.ge [sflag:s20], $0x1C00  }
0x3d0: {  	[sflag:s20] =	ssyncset.done $0x0  }
0x3d1: {  	[sflag:s20] =	ssyncadd.s32 $0xFFFFE400  }
0x3d2: {  	_ =	swait.ge [sflag:s20], $0x1C00  }
0x3d3: {  	[sflag:s20] =	ssyncset.done $0x0  }
0x3d4: {  	[sflag:s20] =	ssyncadd.s32 $0xFFFFE400  }
0x3d5: {  	_ =	swait.ge [sflag:s20], $0x1C00  }
0x3d6: {  	[sflag:s20] =	ssyncset.done $0x0  }
0x3d7: {  	[sflag:s20] =	ssyncadd.s32 $0xFFFFE400  }
0x3d8: {  	_ =	swait.ge [sflag:s20], $0x1C00  }
0x3d9: {  	[sflag:s20] =	ssyncset.done $0x0  }
0x3da: {  	[sflag:s20] =	ssyncadd.s32 $0xFFFFE400  }
0x3db: {  	_ =	swait.ge [sflag:s20], $0x1C00  }
0x3dc: {  	[sflag:s20] =	ssyncset.done $0x0  }
0x3dd: {  	[sflag:s20] =	ssyncadd.s32 $0xFFFFE400  }
0x3de: {  	s5 =	sadd.s32 $0xFFFFFFFF, s5;
	s22 =	sadd.s32 $0x180, s22;
	_ =	swait.ge [sflag:s20], $0x1C00  }
0x3df: {  	s10 =	sadd.s32 $0xFFFFFFFF, s5;
	s5 =	smov.u32 s29;
	[sflag:s20] =	ssyncset.done $0x0  }
.LBB2_8:
0x3e0: {  	s29 =	sadd.s32 s22, s25  }
0x3e1: {  	[sflag:s20] =	ssyncadd.s32 $0xFFFFE400;
	s5 =	sadd.s32 $0x180, s5;
	p1 =	sne.s32 s10, $0x1  }
0x3e2: {  	[tilespmem:s4], [sflag:$0x1] =	stream.linear.gather [hbm4b:s29+s4], $0x300, $0x38;
	[tilespmem:$0x1FC00] =	vst v63  }
0x3e3: {  	s10 =	sadd.s32 $0xFFFFFFFF, s10;
	s0 =	simm.s32 $0x400;
	s29 =	sadd.s32 s5, s25  }
0x3e4: {  	[tilespmem:s0], [sflag:$0x1] =	stream.linear.gather [hbm4b:s29+s4], $0x300, $0x38;
	[tilespmem:$0x1FC00] =	vst v63  }
0x3e5: {  	_ =	swait.ge [sflag:s30], $0x300  }
0x3e6: {  	[sflag:s30] =	ssyncset.done $0x0  }
0x3e7: {  	[sflag:s30] =	ssyncadd.s32 $0xFFFFFD00  }
0x3e8: {  	_ =	swait.ge [sflag:s30], $0x300  }
0x3e9: {  	[sflag:s30] =	ssyncset.done $0x0  }
0x3ea: {  	s31 =	simm.s32 $0x800;
	s29 =	sadd.s32 s22, s24;
	[sflag:s30] =	ssyncadd.s32 $0xFFFFFD00  }
0x3eb: {  	[tilespmem:s31], [sflag:$0x2] =	stream.linear.gather [hbm4b:s29+s4], $0x300, $0x38;
	[tilespmem:$0x1FC00] =	vst v63  }
0x3ec: {  	s16 =	simm.s32 $0xC00;
	s29 =	sadd.s32 s5, s24  }
0x3ed: {  	[tilespmem:s16], [sflag:$0x2] =	stream.linear.gather [hbm4b:s29+s4], $0x300, $0x38;
	[tilespmem:$0x1FC00] =	vst v63  }
0x3ee: {  	_ = 	snop  }
0x3ef: {  	[tilespmem:s26], [sflag:$0x4] =	stream.indirect.gather [hbm4b:s1+s7], $0x80, s4, s7, $0xb8;
	[tilespmem:$0x1FC00] =	vst v63  }
0x3f0: {  	s14 =	simm.s32 $0x80  }
0x3f1: {  	[tilespmem:s2], [sflag:$0x5] =	stream.indirect.gather [hbm4b:s1+s7], $0x80, s14, s7, $0xb8;
	[tilespmem:$0x1FC00] =	vst v63  }
0x3f2: {  	s14 =	simm.s32 $0x100  }
0x3f3: {  	[tilespmem:s11], [sflag:$0x6] =	stream.indirect.gather [hbm4b:s1+s7], $0x80, s14, s7, $0xb8;
	[tilespmem:$0x1FC00] =	vst v63  }
0x3f4: {  	s14 =	simm.s32 $0x180  }
0x3f5: {  	[tilespmem:s13], [sflag:$0x7] =	stream.indirect.gather [hbm4b:s1+s7], $0x80, s14, s7, $0xb8;
	[tilespmem:$0x1FC00] =	vst v63  }
0x3f6: {  	s14 =	simm.s32 $0x200  }
0x3f7: {  	[tilespmem:s15], [sflag:$0x8] =	stream.indirect.gather [hbm4b:s1+s7], $0x80, s14, s7, $0xb8;
	[tilespmem:$0x1FC00] =	vst v63  }
0x3f8: {  	s14 =	simm.s32 $0x280  }
0x3f9: {  	[tilespmem:s17], [sflag:$0x9] =	stream.indirect.gather [hbm4b:s1+s7], $0x80, s14, s7, $0xb8;
	[tilespmem:$0x1FC00] =	vst v63  }
0x3fa: {  	_ =	swait.ge [sflag:s18], $0x1C00  }
0x3fb: {  	[sflag:s18] =	ssyncset.done $0x0  }
0x3fc: {  	[sflag:s18] =	ssyncadd.s32 $0xFFFFE400  }
0x3fd: {  	[spmem:s3] =	stream.indirect.scatter.add.f32 [tilespmem:s26], [sflag:$0xA], $0x80, s0, s7, $0xb8;
	[tilespmem:$0x1FC00] =	vst v63  }
0x3fe: {  	_ =	swait.ge [sflag:s19], $0x1C00  }
0x3ff: {  	[sflag:s19] =	ssyncset.done $0x0  }
0x400: {  	s0 =	simm.s32 $0x480;
	[sflag:s19] =	ssyncadd.s32 $0xFFFFE400  }
0x401: {  	[spmem:s3] =	stream.indirect.scatter.add.f32 [tilespmem:s2], [sflag:$0xA], $0x80, s0, s7, $0xb8;
	[tilespmem:$0x1FC00] =	vst v63  }
0x402: {  	_ =	swait.ge [sflag:s21], $0x1C00  }
0x403: {  	[sflag:s21] =	ssyncset.done $0x0  }
0x404: {  	s0 =	simm.s32 $0x500;
	[sflag:s21] =	ssyncadd.s32 $0xFFFFE400  }
0x405: {  	[spmem:s3] =	stream.indirect.scatter.add.f32 [tilespmem:s11], [sflag:$0xA], $0x80, s0, s7, $0xb8;
	[tilespmem:$0x1FC00] =	vst v63  }
0x406: {  	_ =	swait.ge [sflag:s8], $0x1C00  }
0x407: {  	[sflag:s8] =	ssyncset.done $0x0  }
0x408: {  	s0 =	simm.s32 $0x580;
	[sflag:s8] =	ssyncadd.s32 $0xFFFFE400  }
0x409: {  	[spmem:s3] =	stream.indirect.scatter.add.f32 [tilespmem:s13], [sflag:$0xA], $0x80, s0, s7, $0xb8;
	[tilespmem:$0x1FC00] =	vst v63  }
0x40a: {  	_ =	swait.ge [sflag:s6], $0x1C00  }
0x40b: {  	[sflag:s6] =	ssyncset.done $0x0  }
0x40c: {  	s0 =	simm.s32 $0x600;
	[sflag:s6] =	ssyncadd.s32 $0xFFFFE400  }
0x40d: {  	[spmem:s3] =	stream.indirect.scatter.add.f32 [tilespmem:s15], [sflag:$0xA], $0x80, s0, s7, $0xb8;
	[tilespmem:$0x1FC00] =	vst v63  }
0x40e: {  	_ =	swait.ge [sflag:s9], $0x1C00  }
0x40f: {  	[sflag:s9] =	ssyncset.done $0x0  }
0x410: {  	s0 =	simm.s32 $0x680;
	[sflag:s9] =	ssyncadd.s32 $0xFFFFE400  }
0x411: {  	[spmem:s3] =	stream.indirect.scatter.add.f32 [tilespmem:s17], [sflag:$0xA], $0x80, s0, s7, $0xb8;
	[tilespmem:$0x1FC00] =	vst v63  }
0x412: {  	_ =	swait.ge [sflag:s12], $0x300  }
0x413: {  	[sflag:s12] =	ssyncset.done $0x0  }
0x414: {  	[sflag:s12] =	ssyncadd.s32 $0xFFFFFD00  }
0x415: {  	_ =	swait.ge [sflag:s12], $0x300  }
0x416: {  	[sflag:s12] =	ssyncset.done $0x0  }
0x417: {  	s29 =	sadd.s32 s22, s23;
	s0 =	simm.s32 $0x1000;
	[sflag:s12] =	ssyncadd.s32 $0xFFFFFD00  }
0x418: {  	[tilespmem:s0], [sflag:$0x3] =	stream.linear.gather [hbm4b:s29+s4], $0x300, $0x38;
	[tilespmem:$0x1FC00] =	vst v63  }
0x419: {  	s14 =	simm.s32 $0x1400;
	s29 =	sadd.s32 s5, s23  }
0x41a: {  	[tilespmem:s14], [sflag:$0x3] =	stream.linear.gather [hbm4b:s29+s4], $0x300, $0x38;
	[tilespmem:$0x1FC00] =	vst v63  }
0x41b: {  	_ =	swait.ge [sflag:s20], $0x1C00  }
0x41c: {  	[sflag:s20] =	ssyncset.done $0x0  }
0x41d: {  	[sflag:s20] =	ssyncadd.s32 $0xFFFFE400  }
0x41e: {  	[tilespmem:s26], [sflag:$0x4] =	stream.indirect.gather [hbm4b:s1+s7], $0x80, s31, s7, $0xb8;
	[tilespmem:$0x1FC00] =	vst v63  }
0x41f: {  	_ =	swait.ge [sflag:s20], $0x1C00  }
0x420: {  	[sflag:s20] =	ssyncset.done $0x0  }
0x421: {  	s29 =	simm.s32 $0x880;
	[sflag:s20] =	ssyncadd.s32 $0xFFFFE400  }
0x422: {  	[tilespmem:s2], [sflag:$0x5] =	stream.indirect.gather [hbm4b:s1+s7], $0x80, s29, s7, $0xb8;
	[tilespmem:$0x1FC00] =	vst v63  }
0x423: {  	_ =	swait.ge [sflag:s20], $0x1C00  }
0x424: {  	[sflag:s20] =	ssyncset.done $0x0  }
0x425: {  	s29 =	simm.s32 $0x900;
	[sflag:s20] =	ssyncadd.s32 $0xFFFFE400  }
0x426: {  	[tilespmem:s11], [sflag:$0x6] =	stream.indirect.gather [hbm4b:s1+s7], $0x80, s29, s7, $0xb8;
	[tilespmem:$0x1FC00] =	vst v63  }
0x427: {  	_ =	swait.ge [sflag:s20], $0x1C00  }
0x428: {  	[sflag:s20] =	ssyncset.done $0x0  }
0x429: {  	s29 =	simm.s32 $0x980;
	[sflag:s20] =	ssyncadd.s32 $0xFFFFE400  }
0x42a: {  	[tilespmem:s13], [sflag:$0x7] =	stream.indirect.gather [hbm4b:s1+s7], $0x80, s29, s7, $0xb8;
	[tilespmem:$0x1FC00] =	vst v63  }
0x42b: {  	_ =	swait.ge [sflag:s20], $0x1C00  }
0x42c: {  	[sflag:s20] =	ssyncset.done $0x0  }
0x42d: {  	s29 =	simm.s32 $0xA00;
	[sflag:s20] =	ssyncadd.s32 $0xFFFFE400  }
0x42e: {  	[tilespmem:s15], [sflag:$0x8] =	stream.indirect.gather [hbm4b:s1+s7], $0x80, s29, s7, $0xb8;
	[tilespmem:$0x1FC00] =	vst v63  }
0x42f: {  	_ =	swait.ge [sflag:s20], $0x1C00  }
0x430: {  	[sflag:s20] =	ssyncset.done $0x0  }
0x431: {  	s29 =	simm.s32 $0xA80;
	[sflag:s20] =	ssyncadd.s32 $0xFFFFE400  }
0x432: {  	[tilespmem:s17], [sflag:$0x9] =	stream.indirect.gather [hbm4b:s1+s7], $0x80, s29, s7, $0xb8;
	[tilespmem:$0x1FC00] =	vst v63  }
0x433: {  	_ =	swait.ge [sflag:s18], $0x1C00  }
0x434: {  	[sflag:s18] =	ssyncset.done $0x0  }
0x435: {  	[sflag:s18] =	ssyncadd.s32 $0xFFFFE400  }
0x436: {  	[spmem:s3] =	stream.indirect.scatter.add.f32 [tilespmem:s26], [sflag:$0xA], $0x80, s16, s7, $0xb8;
	[tilespmem:$0x1FC00] =	vst v63  }
0x437: {  	_ =	swait.ge [sflag:s19], $0x1C00  }
0x438: {  	[sflag:s19] =	ssyncset.done $0x0  }
0x439: {  	s16 =	simm.s32 $0xC80;
	[sflag:s19] =	ssyncadd.s32 $0xFFFFE400  }
0x43a: {  	[spmem:s3] =	stream.indirect.scatter.add.f32 [tilespmem:s2], [sflag:$0xA], $0x80, s16, s7, $0xb8;
	[tilespmem:$0x1FC00] =	vst v63  }
0x43b: {  	_ =	swait.ge [sflag:s21], $0x1C00  }
0x43c: {  	[sflag:s21] =	ssyncset.done $0x0  }
0x43d: {  	s16 =	simm.s32 $0xD00;
	[sflag:s21] =	ssyncadd.s32 $0xFFFFE400  }
0x43e: {  	[spmem:s3] =	stream.indirect.scatter.add.f32 [tilespmem:s11], [sflag:$0xA], $0x80, s16, s7, $0xb8;
	[tilespmem:$0x1FC00] =	vst v63  }
0x43f: {  	_ =	swait.ge [sflag:s8], $0x1C00  }
0x440: {  	[sflag:s8] =	ssyncset.done $0x0  }
0x441: {  	s16 =	simm.s32 $0xD80;
	[sflag:s8] =	ssyncadd.s32 $0xFFFFE400  }
0x442: {  	[spmem:s3] =	stream.indirect.scatter.add.f32 [tilespmem:s13], [sflag:$0xA], $0x80, s16, s7, $0xb8;
	[tilespmem:$0x1FC00] =	vst v63  }
0x443: {  	_ =	swait.ge [sflag:s6], $0x1C00  }
0x444: {  	[sflag:s6] =	ssyncset.done $0x0  }
0x445: {  	s16 =	simm.s32 $0xE00;
	[sflag:s6] =	ssyncadd.s32 $0xFFFFE400  }
0x446: {  	[spmem:s3] =	stream.indirect.scatter.add.f32 [tilespmem:s15], [sflag:$0xA], $0x80, s16, s7, $0xb8;
	[tilespmem:$0x1FC00] =	vst v63  }
0x447: {  	_ =	swait.ge [sflag:s9], $0x1C00  }
0x448: {  	[sflag:s9] =	ssyncset.done $0x0  }
0x449: {  	s16 =	simm.s32 $0xE80;
	[sflag:s9] =	ssyncadd.s32 $0xFFFFE400  }
0x44a: {  	[spmem:s3] =	stream.indirect.scatter.add.f32 [tilespmem:s17], [sflag:$0xA], $0x80, s16, s7, $0xb8;
	[tilespmem:$0x1FC00] =	vst v63  }
0x44b: {  	_ =	swait.ge [sflag:s28], $0x300  }
0x44c: {  	[sflag:s28] =	ssyncset.done $0x0  }
0x44d: {  	[sflag:s28] =	ssyncadd.s32 $0xFFFFFD00  }
0x44e: {  	_ =	swait.ge [sflag:s28], $0x300  }
0x44f: {  	[sflag:s28] =	ssyncset.done $0x0  }
0x450: {  	[sflag:s28] =	ssyncadd.s32 $0xFFFFFD00  }
0x451: {  	_ =	swait.ge [sflag:s20], $0x1C00  }
0x452: {  	[sflag:s20] =	ssyncset.done $0x0  }
0x453: {  	[sflag:s20] =	ssyncadd.s32 $0xFFFFE400  }
0x454: {  	[tilespmem:s26], [sflag:$0x4] =	stream.indirect.gather [hbm4b:s1+s7], $0x80, s0, s7, $0xb8;
	[tilespmem:$0x1FC00] =	vst v63  }
0x455: {  	_ =	swait.ge [sflag:s20], $0x1C00  }
0x456: {  	[sflag:s20] =	ssyncset.done $0x0  }
0x457: {  	s0 =	simm.s32 $0x1080;
	[sflag:s20] =	ssyncadd.s32 $0xFFFFE400  }
0x458: {  	[tilespmem:s2], [sflag:$0x5] =	stream.indirect.gather [hbm4b:s1+s7], $0x80, s0, s7, $0xb8;
	[tilespmem:$0x1FC00] =	vst v63  }
0x459: {  	_ =	swait.ge [sflag:s20], $0x1C00  }
0x45a: {  	[sflag:s20] =	ssyncset.done $0x0  }
0x45b: {  	s0 =	simm.s32 $0x1100;
	[sflag:s20] =	ssyncadd.s32 $0xFFFFE400  }
0x45c: {  	[tilespmem:s11], [sflag:$0x6] =	stream.indirect.gather [hbm4b:s1+s7], $0x80, s0, s7, $0xb8;
	[tilespmem:$0x1FC00] =	vst v63  }
0x45d: {  	_ =	swait.ge [sflag:s20], $0x1C00  }
0x45e: {  	[sflag:s20] =	ssyncset.done $0x0  }
0x45f: {  	s0 =	simm.s32 $0x1180;
	[sflag:s20] =	ssyncadd.s32 $0xFFFFE400  }
0x460: {  	[tilespmem:s13], [sflag:$0x7] =	stream.indirect.gather [hbm4b:s1+s7], $0x80, s0, s7, $0xb8;
	[tilespmem:$0x1FC00] =	vst v63  }
0x461: {  	_ =	swait.ge [sflag:s20], $0x1C00  }
0x462: {  	[sflag:s20] =	ssyncset.done $0x0  }
0x463: {  	s0 =	simm.s32 $0x1200;
	[sflag:s20] =	ssyncadd.s32 $0xFFFFE400  }
0x464: {  	[tilespmem:s15], [sflag:$0x8] =	stream.indirect.gather [hbm4b:s1+s7], $0x80, s0, s7, $0xb8;
	[tilespmem:$0x1FC00] =	vst v63  }
0x465: {  	_ =	swait.ge [sflag:s20], $0x1C00  }
0x466: {  	[sflag:s20] =	ssyncset.done $0x0  }
0x467: {  	s0 =	simm.s32 $0x1280;
	[sflag:s20] =	ssyncadd.s32 $0xFFFFE400  }
0x468: {  	[tilespmem:s17], [sflag:$0x9] =	stream.indirect.gather [hbm4b:s1+s7], $0x80, s0, s7, $0xb8;
	[tilespmem:$0x1FC00] =	vst v63  }
0x469: {  	_ =	swait.ge [sflag:s18], $0x1C00  }
0x46a: {  	[sflag:s18] =	ssyncset.done $0x0  }
0x46b: {  	[sflag:s18] =	ssyncadd.s32 $0xFFFFE400  }
0x46c: {  	[spmem:s3] =	stream.indirect.scatter.add.f32 [tilespmem:s26], [sflag:$0xA], $0x80, s14, s7, $0xb8;
	[tilespmem:$0x1FC00] =	vst v63  }
0x46d: {  	_ =	swait.ge [sflag:s19], $0x1C00  }
0x46e: {  	[sflag:s19] =	ssyncset.done $0x0  }
0x46f: {  	s0 =	simm.s32 $0x1480;
	[sflag:s19] =	ssyncadd.s32 $0xFFFFE400  }
0x470: {  	[spmem:s3] =	stream.indirect.scatter.add.f32 [tilespmem:s2], [sflag:$0xA], $0x80, s0, s7, $0xb8;
	[tilespmem:$0x1FC00] =	vst v63  }
0x471: {  	_ =	swait.ge [sflag:s21], $0x1C00  }
0x472: {  	[sflag:s21] =	ssyncset.done $0x0  }
0x473: {  	s0 =	simm.s32 $0x1500;
	[sflag:s21] =	ssyncadd.s32 $0xFFFFE400  }
0x474: {  	[spmem:s3] =	stream.indirect.scatter.add.f32 [tilespmem:s11], [sflag:$0xA], $0x80, s0, s7, $0xb8;
	[tilespmem:$0x1FC00] =	vst v63  }
0x475: {  	_ =	swait.ge [sflag:s8], $0x1C00  }
0x476: {  	[sflag:s8] =	ssyncset.done $0x0  }
0x477: {  	s0 =	simm.s32 $0x1580;
	[sflag:s8] =	ssyncadd.s32 $0xFFFFE400  }
0x478: {  	[spmem:s3] =	stream.indirect.scatter.add.f32 [tilespmem:s13], [sflag:$0xA], $0x80, s0, s7, $0xb8;
	[tilespmem:$0x1FC00] =	vst v63  }
0x479: {  	_ =	swait.ge [sflag:s6], $0x1C00  }
0x47a: {  	[sflag:s6] =	ssyncset.done $0x0  }
0x47b: {  	s0 =	simm.s32 $0x1600;
	[sflag:s6] =	ssyncadd.s32 $0xFFFFE400  }
0x47c: {  	[spmem:s3] =	stream.indirect.scatter.add.f32 [tilespmem:s15], [sflag:$0xA], $0x80, s0, s7, $0xb8;
	[tilespmem:$0x1FC00] =	vst v63  }
0x47d: {  	_ =	swait.ge [sflag:s9], $0x1C00  }
0x47e: {  	[sflag:s9] =	ssyncset.done $0x0  }
0x47f: {  	s0 =	simm.s32 $0x1680;
	[sflag:s9] =	ssyncadd.s32 $0xFFFFE400  }
0x480: {  	[spmem:s3] =	stream.indirect.scatter.add.f32 [tilespmem:s17], [sflag:$0xA], $0x80, s0, s7, $0xb8;
	[tilespmem:$0x1FC00] =	vst v63  }
0x481: {  	_ =	swait.ge [sflag:s20], $0x1C00  }
0x482: {  	[sflag:s20] =	ssyncset.done $0x0  }
0x483: {  	[sflag:s20] =	ssyncadd.s32 $0xFFFFE400  }
0x484: {  	_ =	swait.ge [sflag:s20], $0x1C00  }
0x485: {  	[sflag:s20] =	ssyncset.done $0x0  }
0x486: {  	[sflag:s20] =	ssyncadd.s32 $0xFFFFE400  }
0x487: {  	_ =	swait.ge [sflag:s20], $0x1C00  }
0x488: {  	[sflag:s20] =	ssyncset.done $0x0  }
0x489: {  	[sflag:s20] =	ssyncadd.s32 $0xFFFFE400  }
0x48a: {  	_ =	swait.ge [sflag:s20], $0x1C00  }
0x48b: {  	[sflag:s20] =	ssyncset.done $0x0  }
0x48c: {  	[sflag:s20] =	ssyncadd.s32 $0xFFFFE400  }
.Ltmp6:
0x48d: {  	_ =	swait.ge [sflag:s20], $0x1C00;
	(pc) =	sbr.rel @p1 .LBB2_8-.Ltmp6, $4  }
0x48e: {  	[sflag:s20] =	ssyncset.done $0x0  }
0x48f: {  	[sflag:s20] =	ssyncadd.s32 $0xFFFFE400  }
0x490: {  	_ =	swait.ge [sflag:s20], $0x1C00  }
0x491: {  	s22 =	sadd.s32 $0x180, s22;
	[sflag:s20] =	ssyncset.done $0x0  }
.Ltmp7:
0x492: {  	_ = 	snop;
	(pc) =	sbr.rel .LBB2_9-.Ltmp7, $1  }
0x493: {  	_ =	sdelay $0x3  }
.LBB2_11:
0x494: {  	_ =	sfence.sel $0x180000  }
0x495: {  	[bflag:$0x0] =	sbarrier.arrive $0xFFFF  }
0x496: {  	_ =	strace $0x90000047  }
0x497: {  	s0 =	stileid.u32;
	[bflag:$0x2] =	sbarrier.arrive $0xFFFF  }
0x498: {  	p0 =	sne.s32 s0, $0x0;
	s0 =	rddreg [dreg:$0x3]  }
0x499: {  	s0 =	sadd.s32 @!p0 $0x100000, s0  }
0x49a: {  	[sflag:s0] =	ssyncadd.tile.s32 @!p0 $0x1;
	_ =	shalt  }
.Lfunc_end2:
_tile_overlayer_lowered:
.L_overlay_start_2:
0x49b: {  	(tag) =	ssettag $0x2  }
0x49c: {  	s0 =	rddreg [dreg:$0x0];
	s2 =	stileid.u32  }
0x49d: {  	s1 =	rddreg [dreg:$0x1];
	p0 =	sne.s32 s2, $0x0  }
0x49e: {  	s3 =	rddreg [dreg:$0x2];
	[bflag:$0x3] =	sbarrier.arrive $0xFFFF;
	s2 =	simm.s32 @!p0 $0x1C0B  }
0x49f: {  	[timem:s3], [sflag:s2] =	dma.local @!p0 [hbm:s0], s1  }
0x4a0: {  	s0 =	simm.s32 @!p0 $0xB  }
0x4a1: {  	_ =	swait.ge @!p0 [sflag:s0], s1  }
0x4a2: {  	s1 =	ssub.s32 @!p0 $0x0, s1;
	[sflag:s0] =	ssyncset.done @!p0 $0x0  }
0x4a3: {  	[sflag:s0] =	ssyncadd.s32 @!p0 s1  }
0x4a4: {  	[bflag:$0x3] =	sbarrier.arrive $0xFFFF  }
0x4a5: {  	_ =	shalt  }

</sc_bundles>
